<compile_context>
chip_gen: v7x
topology: tpu7x:2x2x1
jax: 0.10.2.dev20260603
libtpu: 0.0.44.dev20260713+nightly
codegen_flags: <defaults>
</compile_context>

<pallas_src>
import jax
import jax.numpy as jnp
from jax import lax
from jax.experimental import pallas as pl
from jax.experimental.pallas import tpu as pltpu
from jax.experimental.pallas import tpu_sc as plsc

B = 16384
D = 32
N_CORES = 2
N_SUBCORES = 16
BPT = B // N_SUBCORES
HALF_D = D // N_CORES
NG = BPT // 16
DEPTH = 3


def _body(user_hbm, arm_hbm, ut_hbm, aw_hbm, out_hbm,
          idx_u, idx_a, div_a, win, armw, out_v,
          su0, su1, su2, sa0, sa1, sa2):
    cid = lax.axis_index("c")
    sid = lax.axis_index("s")
    base = sid * BPT
    dbase = pl.multiple_of(cid * HALF_D, HALF_D)
    sus = (su0, su1, su2)
    sas = (sa0, sa1, sa2)

    pltpu.sync_copy(user_hbm.at[pl.ds(base, BPT)], idx_u)
    pltpu.sync_copy(arm_hbm.at[pl.ds(base, BPT)], idx_a)

    def mkdiv(i, carry):
        s = pl.ds(i * 16, 16)
        div_a[s] = lax.shift_right_logical(idx_a[s], 2)
        return carry
    lax.fori_loop(0, BPT // 16, mkdiv, jnp.int32(0))

    lanes = lax.iota(jnp.int32, 16)

    def issue(g, b):
        vu = idx_u[pl.ds(g * 16, 16)]
        colv = lax.bitwise_and(vu, ~127)
        for k in range(16):
            c0 = pl.multiple_of(colv[k], 128)
            pltpu.async_copy(
                ut_hbm.at[pl.ds(dbase, HALF_D), pl.ds(c0, 128)],
                win.at[pl.ds(b * 256 + k * 16, HALF_D), :], sus[b])
        pltpu.async_copy(aw_hbm.at[div_a.at[pl.ds(g * 16, 16)]],
                         armw.at[pl.ds(b * 16, 16), :], sas[b])

    for b in range(DEPTH):
        issue(jnp.int32(b), b)

    def group_body(g, b):
        for k in range(16):
            pltpu.make_async_copy(
                ut_hbm.at[pl.ds(dbase, HALF_D), pl.ds(0, 128)],
                win.at[pl.ds(b * 256 + k * 16, HALF_D), :], sus[b]).wait()
        pltpu.make_async_copy(aw_hbm.at[div_a.at[pl.ds(g * 16, 16)]],
                              armw.at[pl.ds(b * 16, 16), :], sas[b]).wait()
        vu = idx_u[pl.ds(g * 16, 16)]
        va = idx_a[pl.ds(g * 16, 16)]
        cols = lax.bitwise_and(vu, 127)
        cb = lax.shift_left(lax.bitwise_and(va, 3), 5) + dbase
        rows0 = b * 256 + lanes * 16
        arows = b * 16 + lanes
        acc = jnp.zeros((16,), jnp.float32)
        for dl in range(HALF_D):
            u = plsc.load_gather(win, [rows0 + dl, cols])
            a = plsc.load_gather(armw, [arows, cb + dl])
            acc = acc + u * a
        out_v[pl.ds(g * 16, 16)] = acc

        @pl.when(g + DEPTH < NG)
        def _():
            issue(g + DEPTH, b)

    def loop(g, carry):
        m = lax.rem(g, DEPTH)
        for b in range(DEPTH):
            @pl.when(m == b)
            def _(b=b):
                group_body(g, b)
        return carry
    lax.fori_loop(0, NG, loop, jnp.int32(0))

    pltpu.sync_copy(out_v, out_hbm.at[pl.ds(cid * B + base, BPT)])


@jax.jit
def kernel(user, arm, user_table, arm_table):
    ut_t = user_table.T
    aw = arm_table.reshape(-1, 128)
    mesh = plsc.VectorSubcoreMesh(core_axis_name="c", subcore_axis_name="s",
                                  num_cores=N_CORES, num_subcores=N_SUBCORES)
    f = pl.kernel(
        _body,
        out_type=jax.ShapeDtypeStruct((2 * B,), jnp.float32),
        mesh=mesh,
        scratch_types=[
            pltpu.VMEM((BPT,), jnp.int32),
            pltpu.VMEM((BPT,), jnp.int32),
            pltpu.VMEM((BPT,), jnp.int32),
            pltpu.VMEM((DEPTH * 256, 128), jnp.float32),
            pltpu.VMEM((DEPTH * 16, 128), jnp.float32),
            pltpu.VMEM((BPT,), jnp.float32),
            pltpu.SemaphoreType.DMA,
            pltpu.SemaphoreType.DMA,
            pltpu.SemaphoreType.DMA,
            pltpu.SemaphoreType.DMA,
            pltpu.SemaphoreType.DMA,
            pltpu.SemaphoreType.DMA,
        ],
        compiler_params=pltpu.CompilerParams(needs_layout_passes=False),
    )
    parts = f(user.astype(jnp.int32), arm.astype(jnp.int32), ut_t, aw)
    return parts[:B] + parts[B:]

# --- scband reference (transcript-rebuilt; emitter-appended) ---
"""Pipeline reference for scband-mf-27204322853640 (READ-ONLY COPY).

The authoritative reference and input builder live on the scoring server;
editing this copy changes nothing except your own understanding.
"""

import jax, jax.numpy as jnp
import numpy as np

N_USERS = 1000000
N_ARMS = 100000
CONTEXT_DIM = 32
BATCH = 16384

def setup_inputs(seed: int = 0) -> dict:
    key = jax.random.key(seed)
    k_user, k_arm, k_ut, k_at = jax.random.split(key, 4)
    user = jax.random.randint(k_user, (BATCH,), 0, N_USERS, dtype=jnp.int64 if jax.config.jax_enable_x64 else jnp.int32)
    arm = jax.random.randint(k_arm, (BATCH,), 0, N_ARMS, dtype=jnp.int64 if jax.config.jax_enable_x64 else jnp.int32)
    user_table = jax.random.normal(k_ut, (N_USERS, CONTEXT_DIM), dtype=jnp.float32)
    arm_table = jax.random.normal(k_at, (N_ARMS, CONTEXT_DIM), dtype=jnp.float32)
    return {"user": user, "arm": arm, "user_table": user_table, "arm_table": arm_table}

def reference(user, arm, user_table, arm_table):
    # MF.forward: sum(user_embeddings(user) * arm_embeddings(arm), dim=1)
    u = jnp.take(user_table, user, axis=0)  # [B, D]
    a = jnp.take(arm_table, arm, axis=0)    # [B, D]
    return jnp.sum(u * a, axis=1)           # [B]

if __name__ == "__main__":
    import jax
    _d = setup_inputs()
    print(jax.jit(kernel)(*tuple(_d.values())))

</pallas_src>

<mosaic_0001>
#map = affine_map<(d0, d1) -> (0)>
#map1 = affine_map<(d0, d1) -> (0, 0)>
module attributes {stable_mosaic.version = 14 : i64} {
  func.func @_body(%arg0: i32, %arg1: i32, %arg2: memref<16384xi32, #tpu.memory_space<hbm>>, %arg3: memref<16384xi32, #tpu.memory_space<hbm>>, %arg4: memref<32x1000000xf32, #tpu.memory_space<hbm>>, %arg5: memref<25000x128xf32, #tpu.memory_space<hbm>>, %arg6: memref<32768xf32, #tpu.memory_space<hbm>>, %arg7: memref<1024xi32, #tpu.memory_space<vmem>>, %arg8: memref<1024xi32, #tpu.memory_space<vmem>>, %arg9: memref<1024xi32, #tpu.memory_space<vmem>>, %arg10: memref<768x128xf32, #tpu.memory_space<vmem>>, %arg11: memref<48x128xf32, #tpu.memory_space<vmem>>, %arg12: memref<1024xf32, #tpu.memory_space<vmem>>, %arg13: memref<!tpu.dma_semaphore, #tpu.memory_space<semaphore_mem>>, %arg14: memref<!tpu.dma_semaphore, #tpu.memory_space<semaphore_mem>>, %arg15: memref<!tpu.dma_semaphore, #tpu.memory_space<semaphore_mem>>, %arg16: memref<!tpu.dma_semaphore, #tpu.memory_space<semaphore_mem>>, %arg17: memref<!tpu.dma_semaphore, #tpu.memory_space<semaphore_mem>>, %arg18: memref<!tpu.dma_semaphore, #tpu.memory_space<semaphore_mem>>) attributes {dimension_semantics = [#tpu.dimension_semantics<core_parallel>, #tpu.dimension_semantics<subcore_parallel>], iteration_bounds = array<i64: 2, 16>, scalar_prefetch = 0 : i64, scratch_operands = 12 : i64, tpu.core_type = #tpu.core_type<sc_vector_subcore>, window_params = [{transform_indices = #map}, {transform_indices = #map}, {transform_indices = #map1}, {transform_indices = #map1}, {transform_indices = #map}]} {
    %mul3A = arith.constant 1024 : i32
    %mul3A_0 = arith.muli %arg1, %mul3A : i32
    %mul3A_1 = arith.constant 16 : i32
    %mul3A_2 = arith.muli %arg0, %mul3A_1 : i32
    %multiple_of3A = tpu.assume_multiple %mul3A_2, 16 : i32
    "tpu.region"() ({
      %run_scoped3A = tpu.sem_alloc : memref<!tpu.dma_semaphore, #tpu.memory_space<semaphore_mem>>
      %dma_start3A_593 = tpu.memref_slice %arg2[%mul3A_0] : memref<16384xi32, #tpu.memory_space<hbm>> -> memref<1024xi32, #tpu.memory_space<hbm>>
      %dma_start3A_594 = tpu.memref_slice %arg2[%mul3A_0] : memref<16384xi32, #tpu.memory_space<hbm>> -> memref<1024xi32, #tpu.memory_space<hbm>>
      tpu.enqueue_dma source(%dma_start3A_594 : memref<1024xi32, #tpu.memory_space<hbm>>) target(%arg7 : memref<1024xi32, #tpu.memory_space<vmem>>) target_semaphore(%run_scoped3A : memref<!tpu.dma_semaphore, #tpu.memory_space<semaphore_mem>>)
      %dma_wait3A = tpu.memref_slice %arg2[%mul3A_0] : memref<16384xi32, #tpu.memory_space<hbm>> -> memref<1024xi32, #tpu.memory_space<hbm>>
      %dma_wait3A_595 = tpu.memref_slice %arg2[%mul3A_0] : memref<16384xi32, #tpu.memory_space<hbm>> -> memref<1024xi32, #tpu.memory_space<hbm>>
      tpu.wait_dma2 semaphore(%run_scoped3A : memref<!tpu.dma_semaphore, #tpu.memory_space<semaphore_mem>>) src(%dma_wait3A_595 : memref<1024xi32, #tpu.memory_space<hbm>>) dst(%arg7 : memref<1024xi32, #tpu.memory_space<vmem>>)
      tpu.yield
    }) : () -> ()
    "tpu.region"() ({
      %run_scoped3A = tpu.sem_alloc : memref<!tpu.dma_semaphore, #tpu.memory_space<semaphore_mem>>
      %dma_start3A_593 = tpu.memref_slice %arg3[%mul3A_0] : memref<16384xi32, #tpu.memory_space<hbm>> -> memref<1024xi32, #tpu.memory_space<hbm>>
      %dma_start3A_594 = tpu.memref_slice %arg3[%mul3A_0] : memref<16384xi32, #tpu.memory_space<hbm>> -> memref<1024xi32, #tpu.memory_space<hbm>>
      tpu.enqueue_dma source(%dma_start3A_594 : memref<1024xi32, #tpu.memory_space<hbm>>) target(%arg8 : memref<1024xi32, #tpu.memory_space<vmem>>) target_semaphore(%run_scoped3A : memref<!tpu.dma_semaphore, #tpu.memory_space<semaphore_mem>>)
      %dma_wait3A = tpu.memref_slice %arg3[%mul3A_0] : memref<16384xi32, #tpu.memory_space<hbm>> -> memref<1024xi32, #tpu.memory_space<hbm>>
      %dma_wait3A_595 = tpu.memref_slice %arg3[%mul3A_0] : memref<16384xi32, #tpu.memory_space<hbm>> -> memref<1024xi32, #tpu.memory_space<hbm>>
      tpu.wait_dma2 semaphore(%run_scoped3A : memref<!tpu.dma_semaphore, #tpu.memory_space<semaphore_mem>>) src(%dma_wait3A_595 : memref<1024xi32, #tpu.memory_space<hbm>>) dst(%arg8 : memref<1024xi32, #tpu.memory_space<vmem>>)
      tpu.yield
    }) : () -> ()
    %scan3A = arith.constant 0 : i32
    %scan3A_3 = arith.constant 0 : i32
    %scan3A_4 = arith.constant 64 : i32
    %scan3A_5 = arith.addi %scan3A_3, %scan3A_4 : i32
    %scan3A_6 = arith.constant 1 : i32
    scf.for %scan3A_593 = %scan3A_3 to %scan3A_5 step %scan3A_6  : i32 {
      %mul3A_594 = arith.constant 16 : i32
      %mul3A_595 = arith.muli %scan3A_593, %mul3A_594 : i32
      %get3A_596 = arith.index_cast %mul3A_595 : i32 to index
      %get3A_597 = tpu.vector_load %arg8[%get3A_596] {strides = array<i32>} : memref<1024xi32, #tpu.memory_space<vmem>>, vector<16xi32>,
      %shift_right_logical3A = arith.constant 2 : i32
      %shift_right_logical3A_598 = vector.broadcast %shift_right_logical3A : i32 to vector<16xi32>
      %shift_right_logical3A_599 = arith.shrui %get3A_597, %shift_right_logical3A_598 : vector<16xi32>
      %swap3A = arith.index_cast %mul3A_595 : i32 to index
      %swap3A_600 = tpu.vector_load %arg9[%swap3A] {strides = array<i32>} : memref<1024xi32, #tpu.memory_space<vmem>>, vector<16xi32>,
      tpu.vector_store %arg9[%swap3A], %shift_right_logical3A_599 {strides = array<i32>} : memref<1024xi32, #tpu.memory_space<vmem>>, vector<16xi32>,
    }
    %scan3A_7 = arith.constant 64 : i32
    %iota3A = tpu.iota {dimensions = array<i32: 0>} : vector<16xi32>
    %mul3A_8 = arith.constant 0 : i32
    %mul3A_9 = arith.constant 16 : i32
    %mul3A_10 = arith.muli %mul3A_8, %mul3A_9 : i32
    %get3A = arith.index_cast %mul3A_10 : i32 to index
    %get3A_11 = tpu.vector_load %arg7[%get3A] {strides = array<i32>} : memref<1024xi32, #tpu.memory_space<vmem>>, vector<16xi32>,
    %and3A = arith.constant -128 : i32
    %and3A_12 = vector.broadcast %and3A : i32 to vector<16xi32>
    %and3A_13 = arith.andi %get3A_11, %and3A_12 : vector<16xi32>
    %slice3A = vector.extract_strided_slice %and3A_13 {offsets = [0], sizes = [1], strides = [1]} : vector<16xi32> to vector<1xi32>
    %squeeze3A = vector.extract %slice3A[0] : i32 from vector<1xi32>
    %multiple_of3A_14 = tpu.assume_multiple %squeeze3A, 128 : i32
    %dma_start3A = arith.constant 0 : i32
    %dma_start3A_15 = arith.constant 0 : i32
    %dma_start3A_16 = tpu.memref_slice %arg10[%dma_start3A, %dma_start3A_15] : memref<768x128xf32, #tpu.memory_space<vmem>> -> memref<16x128xf32, #tpu.memory_space<vmem>>
    %dma_start3A_17 = tpu.memref_slice %arg4[%multiple_of3A, %multiple_of3A_14] : memref<32x1000000xf32, #tpu.memory_space<hbm>> -> memref<16x128xf32, #tpu.memory_space<hbm>>
    %dma_start3A_18 = arith.constant 0 : i32
    %dma_start3A_19 = arith.constant 0 : i32
    %dma_start3A_20 = tpu.memref_slice %arg10[%dma_start3A_18, %dma_start3A_19] : memref<768x128xf32, #tpu.memory_space<vmem>> -> memref<16x128xf32, #tpu.memory_space<vmem>>
    %dma_start3A_21 = tpu.memref_slice %arg4[%multiple_of3A, %multiple_of3A_14] : memref<32x1000000xf32, #tpu.memory_space<hbm>> -> memref<16x128xf32, #tpu.memory_space<hbm>>
    tpu.enqueue_dma source(%dma_start3A_21 : memref<16x128xf32, #tpu.memory_space<hbm>>) target(%dma_start3A_20 : memref<16x128xf32, #tpu.memory_space<vmem>>) target_semaphore(%arg13 : memref<!tpu.dma_semaphore, #tpu.memory_space<semaphore_mem>>)
    %slice3A_22 = vector.extract_strided_slice %and3A_13 {offsets = [1], sizes = [1], strides = [1]} : vector<16xi32> to vector<1xi32>
    %squeeze3A_23 = vector.extract %slice3A_22[0] : i32 from vector<1xi32>
    %multiple_of3A_24 = tpu.assume_multiple %squeeze3A_23, 128 : i32
    %dma_start3A_25 = arith.constant 16 : i32
    %dma_start3A_26 = arith.constant 0 : i32
    %dma_start3A_27 = tpu.memref_slice %arg10[%dma_start3A_25, %dma_start3A_26] : memref<768x128xf32, #tpu.memory_space<vmem>> -> memref<16x128xf32, #tpu.memory_space<vmem>>
    %dma_start3A_28 = tpu.memref_slice %arg4[%multiple_of3A, %multiple_of3A_24] : memref<32x1000000xf32, #tpu.memory_space<hbm>> -> memref<16x128xf32, #tpu.memory_space<hbm>>
    %dma_start3A_29 = arith.constant 16 : i32
    %dma_start3A_30 = arith.constant 0 : i32
    %dma_start3A_31 = tpu.memref_slice %arg10[%dma_start3A_29, %dma_start3A_30] : memref<768x128xf32, #tpu.memory_space<vmem>> -> memref<16x128xf32, #tpu.memory_space<vmem>>
    %dma_start3A_32 = tpu.memref_slice %arg4[%multiple_of3A, %multiple_of3A_24] : memref<32x1000000xf32, #tpu.memory_space<hbm>> -> memref<16x128xf32, #tpu.memory_space<hbm>>
    tpu.enqueue_dma source(%dma_start3A_32 : memref<16x128xf32, #tpu.memory_space<hbm>>) target(%dma_start3A_31 : memref<16x128xf32, #tpu.memory_space<vmem>>) target_semaphore(%arg13 : memref<!tpu.dma_semaphore, #tpu.memory_space<semaphore_mem>>)
    %slice3A_33 = vector.extract_strided_slice %and3A_13 {offsets = [2], sizes = [1], strides = [1]} : vector<16xi32> to vector<1xi32>
    %squeeze3A_34 = vector.extract %slice3A_33[0] : i32 from vector<1xi32>
    %multiple_of3A_35 = tpu.assume_multiple %squeeze3A_34, 128 : i32
    %dma_start3A_36 = arith.constant 32 : i32
    %dma_start3A_37 = arith.constant 0 : i32
    %dma_start3A_38 = tpu.memref_slice %arg10[%dma_start3A_36, %dma_start3A_37] : memref<768x128xf32, #tpu.memory_space<vmem>> -> memref<16x128xf32, #tpu.memory_space<vmem>>
    %dma_start3A_39 = tpu.memref_slice %arg4[%multiple_of3A, %multiple_of3A_35] : memref<32x1000000xf32, #tpu.memory_space<hbm>> -> memref<16x128xf32, #tpu.memory_space<hbm>>
    %dma_start3A_40 = arith.constant 32 : i32
    %dma_start3A_41 = arith.constant 0 : i32
    %dma_start3A_42 = tpu.memref_slice %arg10[%dma_start3A_40, %dma_start3A_41] : memref<768x128xf32, #tpu.memory_space<vmem>> -> memref<16x128xf32, #tpu.memory_space<vmem>>
    %dma_start3A_43 = tpu.memref_slice %arg4[%multiple_of3A, %multiple_of3A_35] : memref<32x1000000xf32, #tpu.memory_space<hbm>> -> memref<16x128xf32, #tpu.memory_space<hbm>>
    tpu.enqueue_dma source(%dma_start3A_43 : memref<16x128xf32, #tpu.memory_space<hbm>>) target(%dma_start3A_42 : memref<16x128xf32, #tpu.memory_space<vmem>>) target_semaphore(%arg13 : memref<!tpu.dma_semaphore, #tpu.memory_space<semaphore_mem>>)
    %slice3A_44 = vector.extract_strided_slice %and3A_13 {offsets = [3], sizes = [1], strides = [1]} : vector<16xi32> to vector<1xi32>
    %squeeze3A_45 = vector.extract %slice3A_44[0] : i32 from vector<1xi32>
    %multiple_of3A_46 = tpu.assume_multiple %squeeze3A_45, 128 : i32
    %dma_start3A_47 = arith.constant 48 : i32
    %dma_start3A_48 = arith.constant 0 : i32
    %dma_start3A_49 = tpu.memref_slice %arg10[%dma_start3A_47, %dma_start3A_48] : memref<768x128xf32, #tpu.memory_space<vmem>> -> memref<16x128xf32, #tpu.memory_space<vmem>>
    %dma_start3A_50 = tpu.memref_slice %arg4[%multiple_of3A, %multiple_of3A_46] : memref<32x1000000xf32, #tpu.memory_space<hbm>> -> memref<16x128xf32, #tpu.memory_space<hbm>>
    %dma_start3A_51 = arith.constant 48 : i32
    %dma_start3A_52 = arith.constant 0 : i32
    %dma_start3A_53 = tpu.memref_slice %arg10[%dma_start3A_51, %dma_start3A_52] : memref<768x128xf32, #tpu.memory_space<vmem>> -> memref<16x128xf32, #tpu.memory_space<vmem>>
    %dma_start3A_54 = tpu.memref_slice %arg4[%multiple_of3A, %multiple_of3A_46] : memref<32x1000000xf32, #tpu.memory_space<hbm>> -> memref<16x128xf32, #tpu.memory_space<hbm>>
    tpu.enqueue_dma source(%dma_start3A_54 : memref<16x128xf32, #tpu.memory_space<hbm>>) target(%dma_start3A_53 : memref<16x128xf32, #tpu.memory_space<vmem>>) target_semaphore(%arg13 : memref<!tpu.dma_semaphore, #tpu.memory_space<semaphore_mem>>)
    %slice3A_55 = vector.extract_strided_slice %and3A_13 {offsets = [4], sizes = [1], strides = [1]} : vector<16xi32> to vector<1xi32>
    %squeeze3A_56 = vector.extract %slice3A_55[0] : i32 from vector<1xi32>
    %multiple_of3A_57 = tpu.assume_multiple %squeeze3A_56, 128 : i32
    %dma_start3A_58 = arith.constant 64 : i32
    %dma_start3A_59 = arith.constant 0 : i32
    %dma_start3A_60 = tpu.memref_slice %arg10[%dma_start3A_58, %dma_start3A_59] : memref<768x128xf32, #tpu.memory_space<vmem>> -> memref<16x128xf32, #tpu.memory_space<vmem>>
    %dma_start3A_61 = tpu.memref_slice %arg4[%multiple_of3A, %multiple_of3A_57] : memref<32x1000000xf32, #tpu.memory_space<hbm>> -> memref<16x128xf32, #tpu.memory_space<hbm>>
    %dma_start3A_62 = arith.constant 64 : i32
    %dma_start3A_63 = arith.constant 0 : i32
    %dma_start3A_64 = tpu.memref_slice %arg10[%dma_start3A_62, %dma_start3A_63] : memref<768x128xf32, #tpu.memory_space<vmem>> -> memref<16x128xf32, #tpu.memory_space<vmem>>
    %dma_start3A_65 = tpu.memref_slice %arg4[%multiple_of3A, %multiple_of3A_57] : memref<32x1000000xf32, #tpu.memory_space<hbm>> -> memref<16x128xf32, #tpu.memory_space<hbm>>
    tpu.enqueue_dma source(%dma_start3A_65 : memref<16x128xf32, #tpu.memory_space<hbm>>) target(%dma_start3A_64 : memref<16x128xf32, #tpu.memory_space<vmem>>) target_semaphore(%arg13 : memref<!tpu.dma_semaphore, #tpu.memory_space<semaphore_mem>>)
    %slice3A_66 = vector.extract_strided_slice %and3A_13 {offsets = [5], sizes = [1], strides = [1]} : vector<16xi32> to vector<1xi32>
    %squeeze3A_67 = vector.extract %slice3A_66[0] : i32 from vector<1xi32>
    %multiple_of3A_68 = tpu.assume_multiple %squeeze3A_67, 128 : i32
    %dma_start3A_69 = arith.constant 80 : i32
    %dma_start3A_70 = arith.constant 0 : i32
    %dma_start3A_71 = tpu.memref_slice %arg10[%dma_start3A_69, %dma_start3A_70] : memref<768x128xf32, #tpu.memory_space<vmem>> -> memref<16x128xf32, #tpu.memory_space<vmem>>
    %dma_start3A_72 = tpu.memref_slice %arg4[%multiple_of3A, %multiple_of3A_68] : memref<32x1000000xf32, #tpu.memory_space<hbm>> -> memref<16x128xf32, #tpu.memory_space<hbm>>
    %dma_start3A_73 = arith.constant 80 : i32
    %dma_start3A_74 = arith.constant 0 : i32
    %dma_start3A_75 = tpu.memref_slice %arg10[%dma_start3A_73, %dma_start3A_74] : memref<768x128xf32, #tpu.memory_space<vmem>> -> memref<16x128xf32, #tpu.memory_space<vmem>>
    %dma_start3A_76 = tpu.memref_slice %arg4[%multiple_of3A, %multiple_of3A_68] : memref<32x1000000xf32, #tpu.memory_space<hbm>> -> memref<16x128xf32, #tpu.memory_space<hbm>>
    tpu.enqueue_dma source(%dma_start3A_76 : memref<16x128xf32, #tpu.memory_space<hbm>>) target(%dma_start3A_75 : memref<16x128xf32, #tpu.memory_space<vmem>>) target_semaphore(%arg13 : memref<!tpu.dma_semaphore, #tpu.memory_space<semaphore_mem>>)
    %slice3A_77 = vector.extract_strided_slice %and3A_13 {offsets = [6], sizes = [1], strides = [1]} : vector<16xi32> to vector<1xi32>
    %squeeze3A_78 = vector.extract %slice3A_77[0] : i32 from vector<1xi32>
    %multiple_of3A_79 = tpu.assume_multiple %squeeze3A_78, 128 : i32
    %dma_start3A_80 = arith.constant 96 : i32
    %dma_start3A_81 = arith.constant 0 : i32
    %dma_start3A_82 = tpu.memref_slice %arg10[%dma_start3A_80, %dma_start3A_81] : memref<768x128xf32, #tpu.memory_space<vmem>> -> memref<16x128xf32, #tpu.memory_space<vmem>>
    %dma_start3A_83 = tpu.memref_slice %arg4[%multiple_of3A, %multiple_of3A_79] : memref<32x1000000xf32, #tpu.memory_space<hbm>> -> memref<16x128xf32, #tpu.memory_space<hbm>>
    %dma_start3A_84 = arith.constant 96 : i32
    %dma_start3A_85 = arith.constant 0 : i32
    %dma_start3A_86 = tpu.memref_slice %arg10[%dma_start3A_84, %dma_start3A_85] : memref<768x128xf32, #tpu.memory_space<vmem>> -> memref<16x128xf32, #tpu.memory_space<vmem>>
    %dma_start3A_87 = tpu.memref_slice %arg4[%multiple_of3A, %multiple_of3A_79] : memref<32x1000000xf32, #tpu.memory_space<hbm>> -> memref<16x128xf32, #tpu.memory_space<hbm>>
    tpu.enqueue_dma source(%dma_start3A_87 : memref<16x128xf32, #tpu.memory_space<hbm>>) target(%dma_start3A_86 : memref<16x128xf32, #tpu.memory_space<vmem>>) target_semaphore(%arg13 : memref<!tpu.dma_semaphore, #tpu.memory_space<semaphore_mem>>)
    %slice3A_88 = vector.extract_strided_slice %and3A_13 {offsets = [7], sizes = [1], strides = [1]} : vector<16xi32> to vector<1xi32>
    %squeeze3A_89 = vector.extract %slice3A_88[0] : i32 from vector<1xi32>
    %multiple_of3A_90 = tpu.assume_multiple %squeeze3A_89, 128 : i32
    %dma_start3A_91 = arith.constant 112 : i32
    %dma_start3A_92 = arith.constant 0 : i32
    %dma_start3A_93 = tpu.memref_slice %arg10[%dma_start3A_91, %dma_start3A_92] : memref<768x128xf32, #tpu.memory_space<vmem>> -> memref<16x128xf32, #tpu.memory_space<vmem>>
    %dma_start3A_94 = tpu.memref_slice %arg4[%multiple_of3A, %multiple_of3A_90] : memref<32x1000000xf32, #tpu.memory_space<hbm>> -> memref<16x128xf32, #tpu.memory_space<hbm>>
    %dma_start3A_95 = arith.constant 112 : i32
    %dma_start3A_96 = arith.constant 0 : i32
    %dma_start3A_97 = tpu.memref_slice %arg10[%dma_start3A_95, %dma_start3A_96] : memref<768x128xf32, #tpu.memory_space<vmem>> -> memref<16x128xf32, #tpu.memory_space<vmem>>
    %dma_start3A_98 = tpu.memref_slice %arg4[%multiple_of3A, %multiple_of3A_90] : memref<32x1000000xf32, #tpu.memory_space<hbm>> -> memref<16x128xf32, #tpu.memory_space<hbm>>
    tpu.enqueue_dma source(%dma_start3A_98 : memref<16x128xf32, #tpu.memory_space<hbm>>) target(%dma_start3A_97 : memref<16x128xf32, #tpu.memory_space<vmem>>) target_semaphore(%arg13 : memref<!tpu.dma_semaphore, #tpu.memory_space<semaphore_mem>>)
    %slice3A_99 = vector.extract_strided_slice %and3A_13 {offsets = [8], sizes = [1], strides = [1]} : vector<16xi32> to vector<1xi32>
    %squeeze3A_100 = vector.extract %slice3A_99[0] : i32 from vector<1xi32>
    %multiple_of3A_101 = tpu.assume_multiple %squeeze3A_100, 128 : i32
    %dma_start3A_102 = arith.constant 128 : i32
    %dma_start3A_103 = arith.constant 0 : i32
    %dma_start3A_104 = tpu.memref_slice %arg10[%dma_start3A_102, %dma_start3A_103] : memref<768x128xf32, #tpu.memory_space<vmem>> -> memref<16x128xf32, #tpu.memory_space<vmem>>
    %dma_start3A_105 = tpu.memref_slice %arg4[%multiple_of3A, %multiple_of3A_101] : memref<32x1000000xf32, #tpu.memory_space<hbm>> -> memref<16x128xf32, #tpu.memory_space<hbm>>
    %dma_start3A_106 = arith.constant 128 : i32
    %dma_start3A_107 = arith.constant 0 : i32
    %dma_start3A_108 = tpu.memref_slice %arg10[%dma_start3A_106, %dma_start3A_107] : memref<768x128xf32, #tpu.memory_space<vmem>> -> memref<16x128xf32, #tpu.memory_space<vmem>>
    %dma_start3A_109 = tpu.memref_slice %arg4[%multiple_of3A, %multiple_of3A_101] : memref<32x1000000xf32, #tpu.memory_space<hbm>> -> memref<16x128xf32, #tpu.memory_space<hbm>>
    tpu.enqueue_dma source(%dma_start3A_109 : memref<16x128xf32, #tpu.memory_space<hbm>>) target(%dma_start3A_108 : memref<16x128xf32, #tpu.memory_space<vmem>>) target_semaphore(%arg13 : memref<!tpu.dma_semaphore, #tpu.memory_space<semaphore_mem>>)
    %slice3A_110 = vector.extract_strided_slice %and3A_13 {offsets = [9], sizes = [1], strides = [1]} : vector<16xi32> to vector<1xi32>
    %squeeze3A_111 = vector.extract %slice3A_110[0] : i32 from vector<1xi32>
    %multiple_of3A_112 = tpu.assume_multiple %squeeze3A_111, 128 : i32
    %dma_start3A_113 = arith.constant 144 : i32
    %dma_start3A_114 = arith.constant 0 : i32
    %dma_start3A_115 = tpu.memref_slice %arg10[%dma_start3A_113, %dma_start3A_114] : memref<768x128xf32, #tpu.memory_space<vmem>> -> memref<16x128xf32, #tpu.memory_space<vmem>>
    %dma_start3A_116 = tpu.memref_slice %arg4[%multiple_of3A, %multiple_of3A_112] : memref<32x1000000xf32, #tpu.memory_space<hbm>> -> memref<16x128xf32, #tpu.memory_space<hbm>>
    %dma_start3A_117 = arith.constant 144 : i32
    %dma_start3A_118 = arith.constant 0 : i32
    %dma_start3A_119 = tpu.memref_slice %arg10[%dma_start3A_117, %dma_start3A_118] : memref<768x128xf32, #tpu.memory_space<vmem>> -> memref<16x128xf32, #tpu.memory_space<vmem>>
    %dma_start3A_120 = tpu.memref_slice %arg4[%multiple_of3A, %multiple_of3A_112] : memref<32x1000000xf32, #tpu.memory_space<hbm>> -> memref<16x128xf32, #tpu.memory_space<hbm>>
    tpu.enqueue_dma source(%dma_start3A_120 : memref<16x128xf32, #tpu.memory_space<hbm>>) target(%dma_start3A_119 : memref<16x128xf32, #tpu.memory_space<vmem>>) target_semaphore(%arg13 : memref<!tpu.dma_semaphore, #tpu.memory_space<semaphore_mem>>)
    %slice3A_121 = vector.extract_strided_slice %and3A_13 {offsets = [10], sizes = [1], strides = [1]} : vector<16xi32> to vector<1xi32>
    %squeeze3A_122 = vector.extract %slice3A_121[0] : i32 from vector<1xi32>
    %multiple_of3A_123 = tpu.assume_multiple %squeeze3A_122, 128 : i32
    %dma_start3A_124 = arith.constant 160 : i32
    %dma_start3A_125 = arith.constant 0 : i32
    %dma_start3A_126 = tpu.memref_slice %arg10[%dma_start3A_124, %dma_start3A_125] : memref<768x128xf32, #tpu.memory_space<vmem>> -> memref<16x128xf32, #tpu.memory_space<vmem>>
    %dma_start3A_127 = tpu.memref_slice %arg4[%multiple_of3A, %multiple_of3A_123] : memref<32x1000000xf32, #tpu.memory_space<hbm>> -> memref<16x128xf32, #tpu.memory_space<hbm>>
    %dma_start3A_128 = arith.constant 160 : i32
    %dma_start3A_129 = arith.constant 0 : i32
    %dma_start3A_130 = tpu.memref_slice %arg10[%dma_start3A_128, %dma_start3A_129] : memref<768x128xf32, #tpu.memory_space<vmem>> -> memref<16x128xf32, #tpu.memory_space<vmem>>
    %dma_start3A_131 = tpu.memref_slice %arg4[%multiple_of3A, %multiple_of3A_123] : memref<32x1000000xf32, #tpu.memory_space<hbm>> -> memref<16x128xf32, #tpu.memory_space<hbm>>
    tpu.enqueue_dma source(%dma_start3A_131 : memref<16x128xf32, #tpu.memory_space<hbm>>) target(%dma_start3A_130 : memref<16x128xf32, #tpu.memory_space<vmem>>) target_semaphore(%arg13 : memref<!tpu.dma_semaphore, #tpu.memory_space<semaphore_mem>>)
    %slice3A_132 = vector.extract_strided_slice %and3A_13 {offsets = [11], sizes = [1], strides = [1]} : vector<16xi32> to vector<1xi32>
    %squeeze3A_133 = vector.extract %slice3A_132[0] : i32 from vector<1xi32>
    %multiple_of3A_134 = tpu.assume_multiple %squeeze3A_133, 128 : i32
    %dma_start3A_135 = arith.constant 176 : i32
    %dma_start3A_136 = arith.constant 0 : i32
    %dma_start3A_137 = tpu.memref_slice %arg10[%dma_start3A_135, %dma_start3A_136] : memref<768x128xf32, #tpu.memory_space<vmem>> -> memref<16x128xf32, #tpu.memory_space<vmem>>
    %dma_start3A_138 = tpu.memref_slice %arg4[%multiple_of3A, %multiple_of3A_134] : memref<32x1000000xf32, #tpu.memory_space<hbm>> -> memref<16x128xf32, #tpu.memory_space<hbm>>
    %dma_start3A_139 = arith.constant 176 : i32
    %dma_start3A_140 = arith.constant 0 : i32
    %dma_start3A_141 = tpu.memref_slice %arg10[%dma_start3A_139, %dma_start3A_140] : memref<768x128xf32, #tpu.memory_space<vmem>> -> memref<16x128xf32, #tpu.memory_space<vmem>>
    %dma_start3A_142 = tpu.memref_slice %arg4[%multiple_of3A, %multiple_of3A_134] : memref<32x1000000xf32, #tpu.memory_space<hbm>> -> memref<16x128xf32, #tpu.memory_space<hbm>>
    tpu.enqueue_dma source(%dma_start3A_142 : memref<16x128xf32, #tpu.memory_space<hbm>>) target(%dma_start3A_141 : memref<16x128xf32, #tpu.memory_space<vmem>>) target_semaphore(%arg13 : memref<!tpu.dma_semaphore, #tpu.memory_space<semaphore_mem>>)
    %slice3A_143 = vector.extract_strided_slice %and3A_13 {offsets = [12], sizes = [1], strides = [1]} : vector<16xi32> to vector<1xi32>
    %squeeze3A_144 = vector.extract %slice3A_143[0] : i32 from vector<1xi32>
    %multiple_of3A_145 = tpu.assume_multiple %squeeze3A_144, 128 : i32
    %dma_start3A_146 = arith.constant 192 : i32
    %dma_start3A_147 = arith.constant 0 : i32
    %dma_start3A_148 = tpu.memref_slice %arg10[%dma_start3A_146, %dma_start3A_147] : memref<768x128xf32, #tpu.memory_space<vmem>> -> memref<16x128xf32, #tpu.memory_space<vmem>>
    %dma_start3A_149 = tpu.memref_slice %arg4[%multiple_of3A, %multiple_of3A_145] : memref<32x1000000xf32, #tpu.memory_space<hbm>> -> memref<16x128xf32, #tpu.memory_space<hbm>>
    %dma_start3A_150 = arith.constant 192 : i32
    %dma_start3A_151 = arith.constant 0 : i32
    %dma_start3A_152 = tpu.memref_slice %arg10[%dma_start3A_150, %dma_start3A_151] : memref<768x128xf32, #tpu.memory_space<vmem>> -> memref<16x128xf32, #tpu.memory_space<vmem>>
    %dma_start3A_153 = tpu.memref_slice %arg4[%multiple_of3A, %multiple_of3A_145] : memref<32x1000000xf32, #tpu.memory_space<hbm>> -> memref<16x128xf32, #tpu.memory_space<hbm>>
    tpu.enqueue_dma source(%dma_start3A_153 : memref<16x128xf32, #tpu.memory_space<hbm>>) target(%dma_start3A_152 : memref<16x128xf32, #tpu.memory_space<vmem>>) target_semaphore(%arg13 : memref<!tpu.dma_semaphore, #tpu.memory_space<semaphore_mem>>)
    %slice3A_154 = vector.extract_strided_slice %and3A_13 {offsets = [13], sizes = [1], strides = [1]} : vector<16xi32> to vector<1xi32>
    %squeeze3A_155 = vector.extract %slice3A_154[0] : i32 from vector<1xi32>
    %multiple_of3A_156 = tpu.assume_multiple %squeeze3A_155, 128 : i32
    %dma_start3A_157 = arith.constant 208 : i32
    %dma_start3A_158 = arith.constant 0 : i32
    %dma_start3A_159 = tpu.memref_slice %arg10[%dma_start3A_157, %dma_start3A_158] : memref<768x128xf32, #tpu.memory_space<vmem>> -> memref<16x128xf32, #tpu.memory_space<vmem>>
    %dma_start3A_160 = tpu.memref_slice %arg4[%multiple_of3A, %multiple_of3A_156] : memref<32x1000000xf32, #tpu.memory_space<hbm>> -> memref<16x128xf32, #tpu.memory_space<hbm>>
    %dma_start3A_161 = arith.constant 208 : i32
    %dma_start3A_162 = arith.constant 0 : i32
    %dma_start3A_163 = tpu.memref_slice %arg10[%dma_start3A_161, %dma_start3A_162] : memref<768x128xf32, #tpu.memory_space<vmem>> -> memref<16x128xf32, #tpu.memory_space<vmem>>
    %dma_start3A_164 = tpu.memref_slice %arg4[%multiple_of3A, %multiple_of3A_156] : memref<32x1000000xf32, #tpu.memory_space<hbm>> -> memref<16x128xf32, #tpu.memory_space<hbm>>
    tpu.enqueue_dma source(%dma_start3A_164 : memref<16x128xf32, #tpu.memory_space<hbm>>) target(%dma_start3A_163 : memref<16x128xf32, #tpu.memory_space<vmem>>) target_semaphore(%arg13 : memref<!tpu.dma_semaphore, #tpu.memory_space<semaphore_mem>>)
    %slice3A_165 = vector.extract_strided_slice %and3A_13 {offsets = [14], sizes = [1], strides = [1]} : vector<16xi32> to vector<1xi32>
    %squeeze3A_166 = vector.extract %slice3A_165[0] : i32 from vector<1xi32>
    %multiple_of3A_167 = tpu.assume_multiple %squeeze3A_166, 128 : i32
    %dma_start3A_168 = arith.constant 224 : i32
    %dma_start3A_169 = arith.constant 0 : i32
    %dma_start3A_170 = tpu.memref_slice %arg10[%dma_start3A_168, %dma_start3A_169] : memref<768x128xf32, #tpu.memory_space<vmem>> -> memref<16x128xf32, #tpu.memory_space<vmem>>
    %dma_start3A_171 = tpu.memref_slice %arg4[%multiple_of3A, %multiple_of3A_167] : memref<32x1000000xf32, #tpu.memory_space<hbm>> -> memref<16x128xf32, #tpu.memory_space<hbm>>
    %dma_start3A_172 = arith.constant 224 : i32
    %dma_start3A_173 = arith.constant 0 : i32
    %dma_start3A_174 = tpu.memref_slice %arg10[%dma_start3A_172, %dma_start3A_173] : memref<768x128xf32, #tpu.memory_space<vmem>> -> memref<16x128xf32, #tpu.memory_space<vmem>>
    %dma_start3A_175 = tpu.memref_slice %arg4[%multiple_of3A, %multiple_of3A_167] : memref<32x1000000xf32, #tpu.memory_space<hbm>> -> memref<16x128xf32, #tpu.memory_space<hbm>>
    tpu.enqueue_dma source(%dma_start3A_175 : memref<16x128xf32, #tpu.memory_space<hbm>>) target(%dma_start3A_174 : memref<16x128xf32, #tpu.memory_space<vmem>>) target_semaphore(%arg13 : memref<!tpu.dma_semaphore, #tpu.memory_space<semaphore_mem>>)
    %slice3A_176 = vector.extract_strided_slice %and3A_13 {offsets = [15], sizes = [1], strides = [1]} : vector<16xi32> to vector<1xi32>
    %squeeze3A_177 = vector.extract %slice3A_176[0] : i32 from vector<1xi32>
    %multiple_of3A_178 = tpu.assume_multiple %squeeze3A_177, 128 : i32
    %dma_start3A_179 = arith.constant 240 : i32
    %dma_start3A_180 = arith.constant 0 : i32
    %dma_start3A_181 = tpu.memref_slice %arg10[%dma_start3A_179, %dma_start3A_180] : memref<768x128xf32, #tpu.memory_space<vmem>> -> memref<16x128xf32, #tpu.memory_space<vmem>>
    %dma_start3A_182 = tpu.memref_slice %arg4[%multiple_of3A, %multiple_of3A_178] : memref<32x1000000xf32, #tpu.memory_space<hbm>> -> memref<16x128xf32, #tpu.memory_space<hbm>>
    %dma_start3A_183 = arith.constant 240 : i32
    %dma_start3A_184 = arith.constant 0 : i32
    %dma_start3A_185 = tpu.memref_slice %arg10[%dma_start3A_183, %dma_start3A_184] : memref<768x128xf32, #tpu.memory_space<vmem>> -> memref<16x128xf32, #tpu.memory_space<vmem>>
    %dma_start3A_186 = tpu.memref_slice %arg4[%multiple_of3A, %multiple_of3A_178] : memref<32x1000000xf32, #tpu.memory_space<hbm>> -> memref<16x128xf32, #tpu.memory_space<hbm>>
    tpu.enqueue_dma source(%dma_start3A_186 : memref<16x128xf32, #tpu.memory_space<hbm>>) target(%dma_start3A_185 : memref<16x128xf32, #tpu.memory_space<vmem>>) target_semaphore(%arg13 : memref<!tpu.dma_semaphore, #tpu.memory_space<semaphore_mem>>)
    %mul3A_187 = arith.constant 0 : i32
    %mul3A_188 = arith.constant 16 : i32
    %mul3A_189 = arith.muli %mul3A_187, %mul3A_188 : i32
    %dma_start3A_190 = arith.constant 0 : i32
    %dma_start3A_191 = arith.constant 0 : i32
    %dma_start3A_192 = tpu.memref_slice %arg11[%dma_start3A_190, %dma_start3A_191] : memref<48x128xf32, #tpu.memory_space<vmem>> -> memref<16x128xf32, #tpu.memory_space<vmem>>
    %dma_start3A_193 = tpu.memref_slice %arg9[%mul3A_189] : memref<1024xi32, #tpu.memory_space<vmem>> -> memref<16xi32, #tpu.memory_space<vmem>>
    %dma_start3A_194 = arith.constant 0 : i32
    %dma_start3A_195 = arith.constant 0 : i32
    %dma_start3A_196 = tpu.memref_slice %arg5[%dma_start3A_194, %dma_start3A_195] : memref<25000x128xf32, #tpu.memory_space<hbm>> -> memref<25000x128xf32, #tpu.memory_space<hbm>>
    tpu.enqueue_indirect_dma source(%dma_start3A_196 : memref<25000x128xf32, #tpu.memory_space<hbm>>) target(%dma_start3A_192 : memref<16x128xf32, #tpu.memory_space<vmem>>) offsets(%dma_start3A_193 : memref<16xi32, #tpu.memory_space<vmem>>) semaphore(%arg16 : memref<!tpu.dma_semaphore, #tpu.memory_space<semaphore_mem>>)
    %mul3A_197 = arith.constant 1 : i32
    %mul3A_198 = arith.constant 16 : i32
    %mul3A_199 = arith.muli %mul3A_197, %mul3A_198 : i32
    %get3A_200 = arith.index_cast %mul3A_199 : i32 to index
    %get3A_201 = tpu.vector_load %arg7[%get3A_200] {strides = array<i32>} : memref<1024xi32, #tpu.memory_space<vmem>>, vector<16xi32>,
    %and3A_202 = arith.constant -128 : i32
    %and3A_203 = vector.broadcast %and3A_202 : i32 to vector<16xi32>
    %and3A_204 = arith.andi %get3A_201, %and3A_203 : vector<16xi32>
    %slice3A_205 = vector.extract_strided_slice %and3A_204 {offsets = [0], sizes = [1], strides = [1]} : vector<16xi32> to vector<1xi32>
    %squeeze3A_206 = vector.extract %slice3A_205[0] : i32 from vector<1xi32>
    %multiple_of3A_207 = tpu.assume_multiple %squeeze3A_206, 128 : i32
    %dma_start3A_208 = arith.constant 256 : i32
    %dma_start3A_209 = arith.constant 0 : i32
    %dma_start3A_210 = tpu.memref_slice %arg10[%dma_start3A_208, %dma_start3A_209] : memref<768x128xf32, #tpu.memory_space<vmem>> -> memref<16x128xf32, #tpu.memory_space<vmem>>
    %dma_start3A_211 = tpu.memref_slice %arg4[%multiple_of3A, %multiple_of3A_207] : memref<32x1000000xf32, #tpu.memory_space<hbm>> -> memref<16x128xf32, #tpu.memory_space<hbm>>
    %dma_start3A_212 = arith.constant 256 : i32
    %dma_start3A_213 = arith.constant 0 : i32
    %dma_start3A_214 = tpu.memref_slice %arg10[%dma_start3A_212, %dma_start3A_213] : memref<768x128xf32, #tpu.memory_space<vmem>> -> memref<16x128xf32, #tpu.memory_space<vmem>>
    %dma_start3A_215 = tpu.memref_slice %arg4[%multiple_of3A, %multiple_of3A_207] : memref<32x1000000xf32, #tpu.memory_space<hbm>> -> memref<16x128xf32, #tpu.memory_space<hbm>>
    tpu.enqueue_dma source(%dma_start3A_215 : memref<16x128xf32, #tpu.memory_space<hbm>>) target(%dma_start3A_214 : memref<16x128xf32, #tpu.memory_space<vmem>>) target_semaphore(%arg14 : memref<!tpu.dma_semaphore, #tpu.memory_space<semaphore_mem>>)
    %slice3A_216 = vector.extract_strided_slice %and3A_204 {offsets = [1], sizes = [1], strides = [1]} : vector<16xi32> to vector<1xi32>
    %squeeze3A_217 = vector.extract %slice3A_216[0] : i32 from vector<1xi32>
    %multiple_of3A_218 = tpu.assume_multiple %squeeze3A_217, 128 : i32
    %dma_start3A_219 = arith.constant 272 : i32
    %dma_start3A_220 = arith.constant 0 : i32
    %dma_start3A_221 = tpu.memref_slice %arg10[%dma_start3A_219, %dma_start3A_220] : memref<768x128xf32, #tpu.memory_space<vmem>> -> memref<16x128xf32, #tpu.memory_space<vmem>>
    %dma_start3A_222 = tpu.memref_slice %arg4[%multiple_of3A, %multiple_of3A_218] : memref<32x1000000xf32, #tpu.memory_space<hbm>> -> memref<16x128xf32, #tpu.memory_space<hbm>>
    %dma_start3A_223 = arith.constant 272 : i32
    %dma_start3A_224 = arith.constant 0 : i32
    %dma_start3A_225 = tpu.memref_slice %arg10[%dma_start3A_223, %dma_start3A_224] : memref<768x128xf32, #tpu.memory_space<vmem>> -> memref<16x128xf32, #tpu.memory_space<vmem>>
    %dma_start3A_226 = tpu.memref_slice %arg4[%multiple_of3A, %multiple_of3A_218] : memref<32x1000000xf32, #tpu.memory_space<hbm>> -> memref<16x128xf32, #tpu.memory_space<hbm>>
    tpu.enqueue_dma source(%dma_start3A_226 : memref<16x128xf32, #tpu.memory_space<hbm>>) target(%dma_start3A_225 : memref<16x128xf32, #tpu.memory_space<vmem>>) target_semaphore(%arg14 : memref<!tpu.dma_semaphore, #tpu.memory_space<semaphore_mem>>)
    %slice3A_227 = vector.extract_strided_slice %and3A_204 {offsets = [2], sizes = [1], strides = [1]} : vector<16xi32> to vector<1xi32>
    %squeeze3A_228 = vector.extract %slice3A_227[0] : i32 from vector<1xi32>
    %multiple_of3A_229 = tpu.assume_multiple %squeeze3A_228, 128 : i32
    %dma_start3A_230 = arith.constant 288 : i32
    %dma_start3A_231 = arith.constant 0 : i32
    %dma_start3A_232 = tpu.memref_slice %arg10[%dma_start3A_230, %dma_start3A_231] : memref<768x128xf32, #tpu.memory_space<vmem>> -> memref<16x128xf32, #tpu.memory_space<vmem>>
    %dma_start3A_233 = tpu.memref_slice %arg4[%multiple_of3A, %multiple_of3A_229] : memref<32x1000000xf32, #tpu.memory_space<hbm>> -> memref<16x128xf32, #tpu.memory_space<hbm>>
    %dma_start3A_234 = arith.constant 288 : i32
    %dma_start3A_235 = arith.constant 0 : i32
    %dma_start3A_236 = tpu.memref_slice %arg10[%dma_start3A_234, %dma_start3A_235] : memref<768x128xf32, #tpu.memory_space<vmem>> -> memref<16x128xf32, #tpu.memory_space<vmem>>
    %dma_start3A_237 = tpu.memref_slice %arg4[%multiple_of3A, %multiple_of3A_229] : memref<32x1000000xf32, #tpu.memory_space<hbm>> -> memref<16x128xf32, #tpu.memory_space<hbm>>
    tpu.enqueue_dma source(%dma_start3A_237 : memref<16x128xf32, #tpu.memory_space<hbm>>) target(%dma_start3A_236 : memref<16x128xf32, #tpu.memory_space<vmem>>) target_semaphore(%arg14 : memref<!tpu.dma_semaphore, #tpu.memory_space<semaphore_mem>>)
    %slice3A_238 = vector.extract_strided_slice %and3A_204 {offsets = [3], sizes = [1], strides = [1]} : vector<16xi32> to vector<1xi32>
    %squeeze3A_239 = vector.extract %slice3A_238[0] : i32 from vector<1xi32>
    %multiple_of3A_240 = tpu.assume_multiple %squeeze3A_239, 128 : i32
    %dma_start3A_241 = arith.constant 304 : i32
    %dma_start3A_242 = arith.constant 0 : i32
    %dma_start3A_243 = tpu.memref_slice %arg10[%dma_start3A_241, %dma_start3A_242] : memref<768x128xf32, #tpu.memory_space<vmem>> -> memref<16x128xf32, #tpu.memory_space<vmem>>
    %dma_start3A_244 = tpu.memref_slice %arg4[%multiple_of3A, %multiple_of3A_240] : memref<32x1000000xf32, #tpu.memory_space<hbm>> -> memref<16x128xf32, #tpu.memory_space<hbm>>
    %dma_start3A_245 = arith.constant 304 : i32
    %dma_start3A_246 = arith.constant 0 : i32
    %dma_start3A_247 = tpu.memref_slice %arg10[%dma_start3A_245, %dma_start3A_246] : memref<768x128xf32, #tpu.memory_space<vmem>> -> memref<16x128xf32, #tpu.memory_space<vmem>>
    %dma_start3A_248 = tpu.memref_slice %arg4[%multiple_of3A, %multiple_of3A_240] : memref<32x1000000xf32, #tpu.memory_space<hbm>> -> memref<16x128xf32, #tpu.memory_space<hbm>>
    tpu.enqueue_dma source(%dma_start3A_248 : memref<16x128xf32, #tpu.memory_space<hbm>>) target(%dma_start3A_247 : memref<16x128xf32, #tpu.memory_space<vmem>>) target_semaphore(%arg14 : memref<!tpu.dma_semaphore, #tpu.memory_space<semaphore_mem>>)
    %slice3A_249 = vector.extract_strided_slice %and3A_204 {offsets = [4], sizes = [1], strides = [1]} : vector<16xi32> to vector<1xi32>
    %squeeze3A_250 = vector.extract %slice3A_249[0] : i32 from vector<1xi32>
    %multiple_of3A_251 = tpu.assume_multiple %squeeze3A_250, 128 : i32
    %dma_start3A_252 = arith.constant 320 : i32
    %dma_start3A_253 = arith.constant 0 : i32
    %dma_start3A_254 = tpu.memref_slice %arg10[%dma_start3A_252, %dma_start3A_253] : memref<768x128xf32, #tpu.memory_space<vmem>> -> memref<16x128xf32, #tpu.memory_space<vmem>>
    %dma_start3A_255 = tpu.memref_slice %arg4[%multiple_of3A, %multiple_of3A_251] : memref<32x1000000xf32, #tpu.memory_space<hbm>> -> memref<16x128xf32, #tpu.memory_space<hbm>>
    %dma_start3A_256 = arith.constant 320 : i32
    %dma_start3A_257 = arith.constant 0 : i32
    %dma_start3A_258 = tpu.memref_slice %arg10[%dma_start3A_256, %dma_start3A_257] : memref<768x128xf32, #tpu.memory_space<vmem>> -> memref<16x128xf32, #tpu.memory_space<vmem>>
    %dma_start3A_259 = tpu.memref_slice %arg4[%multiple_of3A, %multiple_of3A_251] : memref<32x1000000xf32, #tpu.memory_space<hbm>> -> memref<16x128xf32, #tpu.memory_space<hbm>>
    tpu.enqueue_dma source(%dma_start3A_259 : memref<16x128xf32, #tpu.memory_space<hbm>>) target(%dma_start3A_258 : memref<16x128xf32, #tpu.memory_space<vmem>>) target_semaphore(%arg14 : memref<!tpu.dma_semaphore, #tpu.memory_space<semaphore_mem>>)
    %slice3A_260 = vector.extract_strided_slice %and3A_204 {offsets = [5], sizes = [1], strides = [1]} : vector<16xi32> to vector<1xi32>
    %squeeze3A_261 = vector.extract %slice3A_260[0] : i32 from vector<1xi32>
    %multiple_of3A_262 = tpu.assume_multiple %squeeze3A_261, 128 : i32
    %dma_start3A_263 = arith.constant 336 : i32
    %dma_start3A_264 = arith.constant 0 : i32
    %dma_start3A_265 = tpu.memref_slice %arg10[%dma_start3A_263, %dma_start3A_264] : memref<768x128xf32, #tpu.memory_space<vmem>> -> memref<16x128xf32, #tpu.memory_space<vmem>>
    %dma_start3A_266 = tpu.memref_slice %arg4[%multiple_of3A, %multiple_of3A_262] : memref<32x1000000xf32, #tpu.memory_space<hbm>> -> memref<16x128xf32, #tpu.memory_space<hbm>>
    %dma_start3A_267 = arith.constant 336 : i32
    %dma_start3A_268 = arith.constant 0 : i32
    %dma_start3A_269 = tpu.memref_slice %arg10[%dma_start3A_267, %dma_start3A_268] : memref<768x128xf32, #tpu.memory_space<vmem>> -> memref<16x128xf32, #tpu.memory_space<vmem>>
    %dma_start3A_270 = tpu.memref_slice %arg4[%multiple_of3A, %multiple_of3A_262] : memref<32x1000000xf32, #tpu.memory_space<hbm>> -> memref<16x128xf32, #tpu.memory_space<hbm>>
    tpu.enqueue_dma source(%dma_start3A_270 : memref<16x128xf32, #tpu.memory_space<hbm>>) target(%dma_start3A_269 : memref<16x128xf32, #tpu.memory_space<vmem>>) target_semaphore(%arg14 : memref<!tpu.dma_semaphore, #tpu.memory_space<semaphore_mem>>)
    %slice3A_271 = vector.extract_strided_slice %and3A_204 {offsets = [6], sizes = [1], strides = [1]} : vector<16xi32> to vector<1xi32>
    %squeeze3A_272 = vector.extract %slice3A_271[0] : i32 from vector<1xi32>
    %multiple_of3A_273 = tpu.assume_multiple %squeeze3A_272, 128 : i32
    %dma_start3A_274 = arith.constant 352 : i32
    %dma_start3A_275 = arith.constant 0 : i32
    %dma_start3A_276 = tpu.memref_slice %arg10[%dma_start3A_274, %dma_start3A_275] : memref<768x128xf32, #tpu.memory_space<vmem>> -> memref<16x128xf32, #tpu.memory_space<vmem>>
    %dma_start3A_277 = tpu.memref_slice %arg4[%multiple_of3A, %multiple_of3A_273] : memref<32x1000000xf32, #tpu.memory_space<hbm>> -> memref<16x128xf32, #tpu.memory_space<hbm>>
    %dma_start3A_278 = arith.constant 352 : i32
    %dma_start3A_279 = arith.constant 0 : i32
    %dma_start3A_280 = tpu.memref_slice %arg10[%dma_start3A_278, %dma_start3A_279] : memref<768x128xf32, #tpu.memory_space<vmem>> -> memref<16x128xf32, #tpu.memory_space<vmem>>
    %dma_start3A_281 = tpu.memref_slice %arg4[%multiple_of3A, %multiple_of3A_273] : memref<32x1000000xf32, #tpu.memory_space<hbm>> -> memref<16x128xf32, #tpu.memory_space<hbm>>
    tpu.enqueue_dma source(%dma_start3A_281 : memref<16x128xf32, #tpu.memory_space<hbm>>) target(%dma_start3A_280 : memref<16x128xf32, #tpu.memory_space<vmem>>) target_semaphore(%arg14 : memref<!tpu.dma_semaphore, #tpu.memory_space<semaphore_mem>>)
    %slice3A_282 = vector.extract_strided_slice %and3A_204 {offsets = [7], sizes = [1], strides = [1]} : vector<16xi32> to vector<1xi32>
    %squeeze3A_283 = vector.extract %slice3A_282[0] : i32 from vector<1xi32>
    %multiple_of3A_284 = tpu.assume_multiple %squeeze3A_283, 128 : i32
    %dma_start3A_285 = arith.constant 368 : i32
    %dma_start3A_286 = arith.constant 0 : i32
    %dma_start3A_287 = tpu.memref_slice %arg10[%dma_start3A_285, %dma_start3A_286] : memref<768x128xf32, #tpu.memory_space<vmem>> -> memref<16x128xf32, #tpu.memory_space<vmem>>
    %dma_start3A_288 = tpu.memref_slice %arg4[%multiple_of3A, %multiple_of3A_284] : memref<32x1000000xf32, #tpu.memory_space<hbm>> -> memref<16x128xf32, #tpu.memory_space<hbm>>
    %dma_start3A_289 = arith.constant 368 : i32
    %dma_start3A_290 = arith.constant 0 : i32
    %dma_start3A_291 = tpu.memref_slice %arg10[%dma_start3A_289, %dma_start3A_290] : memref<768x128xf32, #tpu.memory_space<vmem>> -> memref<16x128xf32, #tpu.memory_space<vmem>>
    %dma_start3A_292 = tpu.memref_slice %arg4[%multiple_of3A, %multiple_of3A_284] : memref<32x1000000xf32, #tpu.memory_space<hbm>> -> memref<16x128xf32, #tpu.memory_space<hbm>>
    tpu.enqueue_dma source(%dma_start3A_292 : memref<16x128xf32, #tpu.memory_space<hbm>>) target(%dma_start3A_291 : memref<16x128xf32, #tpu.memory_space<vmem>>) target_semaphore(%arg14 : memref<!tpu.dma_semaphore, #tpu.memory_space<semaphore_mem>>)
    %slice3A_293 = vector.extract_strided_slice %and3A_204 {offsets = [8], sizes = [1], strides = [1]} : vector<16xi32> to vector<1xi32>
    %squeeze3A_294 = vector.extract %slice3A_293[0] : i32 from vector<1xi32>
    %multiple_of3A_295 = tpu.assume_multiple %squeeze3A_294, 128 : i32
    %dma_start3A_296 = arith.constant 384 : i32
    %dma_start3A_297 = arith.constant 0 : i32
    %dma_start3A_298 = tpu.memref_slice %arg10[%dma_start3A_296, %dma_start3A_297] : memref<768x128xf32, #tpu.memory_space<vmem>> -> memref<16x128xf32, #tpu.memory_space<vmem>>
    %dma_start3A_299 = tpu.memref_slice %arg4[%multiple_of3A, %multiple_of3A_295] : memref<32x1000000xf32, #tpu.memory_space<hbm>> -> memref<16x128xf32, #tpu.memory_space<hbm>>
    %dma_start3A_300 = arith.constant 384 : i32
    %dma_start3A_301 = arith.constant 0 : i32
    %dma_start3A_302 = tpu.memref_slice %arg10[%dma_start3A_300, %dma_start3A_301] : memref<768x128xf32, #tpu.memory_space<vmem>> -> memref<16x128xf32, #tpu.memory_space<vmem>>
    %dma_start3A_303 = tpu.memref_slice %arg4[%multiple_of3A, %multiple_of3A_295] : memref<32x1000000xf32, #tpu.memory_space<hbm>> -> memref<16x128xf32, #tpu.memory_space<hbm>>
    tpu.enqueue_dma source(%dma_start3A_303 : memref<16x128xf32, #tpu.memory_space<hbm>>) target(%dma_start3A_302 : memref<16x128xf32, #tpu.memory_space<vmem>>) target_semaphore(%arg14 : memref<!tpu.dma_semaphore, #tpu.memory_space<semaphore_mem>>)
    %slice3A_304 = vector.extract_strided_slice %and3A_204 {offsets = [9], sizes = [1], strides = [1]} : vector<16xi32> to vector<1xi32>
    %squeeze3A_305 = vector.extract %slice3A_304[0] : i32 from vector<1xi32>
    %multiple_of3A_306 = tpu.assume_multiple %squeeze3A_305, 128 : i32
    %dma_start3A_307 = arith.constant 400 : i32
    %dma_start3A_308 = arith.constant 0 : i32
    %dma_start3A_309 = tpu.memref_slice %arg10[%dma_start3A_307, %dma_start3A_308] : memref<768x128xf32, #tpu.memory_space<vmem>> -> memref<16x128xf32, #tpu.memory_space<vmem>>
    %dma_start3A_310 = tpu.memref_slice %arg4[%multiple_of3A, %multiple_of3A_306] : memref<32x1000000xf32, #tpu.memory_space<hbm>> -> memref<16x128xf32, #tpu.memory_space<hbm>>
    %dma_start3A_311 = arith.constant 400 : i32
    %dma_start3A_312 = arith.constant 0 : i32
    %dma_start3A_313 = tpu.memref_slice %arg10[%dma_start3A_311, %dma_start3A_312] : memref<768x128xf32, #tpu.memory_space<vmem>> -> memref<16x128xf32, #tpu.memory_space<vmem>>
    %dma_start3A_314 = tpu.memref_slice %arg4[%multiple_of3A, %multiple_of3A_306] : memref<32x1000000xf32, #tpu.memory_space<hbm>> -> memref<16x128xf32, #tpu.memory_space<hbm>>
    tpu.enqueue_dma source(%dma_start3A_314 : memref<16x128xf32, #tpu.memory_space<hbm>>) target(%dma_start3A_313 : memref<16x128xf32, #tpu.memory_space<vmem>>) target_semaphore(%arg14 : memref<!tpu.dma_semaphore, #tpu.memory_space<semaphore_mem>>)
    %slice3A_315 = vector.extract_strided_slice %and3A_204 {offsets = [10], sizes = [1], strides = [1]} : vector<16xi32> to vector<1xi32>
    %squeeze3A_316 = vector.extract %slice3A_315[0] : i32 from vector<1xi32>
    %multiple_of3A_317 = tpu.assume_multiple %squeeze3A_316, 128 : i32
    %dma_start3A_318 = arith.constant 416 : i32
    %dma_start3A_319 = arith.constant 0 : i32
    %dma_start3A_320 = tpu.memref_slice %arg10[%dma_start3A_318, %dma_start3A_319] : memref<768x128xf32, #tpu.memory_space<vmem>> -> memref<16x128xf32, #tpu.memory_space<vmem>>
    %dma_start3A_321 = tpu.memref_slice %arg4[%multiple_of3A, %multiple_of3A_317] : memref<32x1000000xf32, #tpu.memory_space<hbm>> -> memref<16x128xf32, #tpu.memory_space<hbm>>
    %dma_start3A_322 = arith.constant 416 : i32
    %dma_start3A_323 = arith.constant 0 : i32
    %dma_start3A_324 = tpu.memref_slice %arg10[%dma_start3A_322, %dma_start3A_323] : memref<768x128xf32, #tpu.memory_space<vmem>> -> memref<16x128xf32, #tpu.memory_space<vmem>>
    %dma_start3A_325 = tpu.memref_slice %arg4[%multiple_of3A, %multiple_of3A_317] : memref<32x1000000xf32, #tpu.memory_space<hbm>> -> memref<16x128xf32, #tpu.memory_space<hbm>>
    tpu.enqueue_dma source(%dma_start3A_325 : memref<16x128xf32, #tpu.memory_space<hbm>>) target(%dma_start3A_324 : memref<16x128xf32, #tpu.memory_space<vmem>>) target_semaphore(%arg14 : memref<!tpu.dma_semaphore, #tpu.memory_space<semaphore_mem>>)
    %slice3A_326 = vector.extract_strided_slice %and3A_204 {offsets = [11], sizes = [1], strides = [1]} : vector<16xi32> to vector<1xi32>
    %squeeze3A_327 = vector.extract %slice3A_326[0] : i32 from vector<1xi32>
    %multiple_of3A_328 = tpu.assume_multiple %squeeze3A_327, 128 : i32
    %dma_start3A_329 = arith.constant 432 : i32
    %dma_start3A_330 = arith.constant 0 : i32
    %dma_start3A_331 = tpu.memref_slice %arg10[%dma_start3A_329, %dma_start3A_330] : memref<768x128xf32, #tpu.memory_space<vmem>> -> memref<16x128xf32, #tpu.memory_space<vmem>>
    %dma_start3A_332 = tpu.memref_slice %arg4[%multiple_of3A, %multiple_of3A_328] : memref<32x1000000xf32, #tpu.memory_space<hbm>> -> memref<16x128xf32, #tpu.memory_space<hbm>>
    %dma_start3A_333 = arith.constant 432 : i32
    %dma_start3A_334 = arith.constant 0 : i32
    %dma_start3A_335 = tpu.memref_slice %arg10[%dma_start3A_333, %dma_start3A_334] : memref<768x128xf32, #tpu.memory_space<vmem>> -> memref<16x128xf32, #tpu.memory_space<vmem>>
    %dma_start3A_336 = tpu.memref_slice %arg4[%multiple_of3A, %multiple_of3A_328] : memref<32x1000000xf32, #tpu.memory_space<hbm>> -> memref<16x128xf32, #tpu.memory_space<hbm>>
    tpu.enqueue_dma source(%dma_start3A_336 : memref<16x128xf32, #tpu.memory_space<hbm>>) target(%dma_start3A_335 : memref<16x128xf32, #tpu.memory_space<vmem>>) target_semaphore(%arg14 : memref<!tpu.dma_semaphore, #tpu.memory_space<semaphore_mem>>)
    %slice3A_337 = vector.extract_strided_slice %and3A_204 {offsets = [12], sizes = [1], strides = [1]} : vector<16xi32> to vector<1xi32>
    %squeeze3A_338 = vector.extract %slice3A_337[0] : i32 from vector<1xi32>
    %multiple_of3A_339 = tpu.assume_multiple %squeeze3A_338, 128 : i32
    %dma_start3A_340 = arith.constant 448 : i32
    %dma_start3A_341 = arith.constant 0 : i32
    %dma_start3A_342 = tpu.memref_slice %arg10[%dma_start3A_340, %dma_start3A_341] : memref<768x128xf32, #tpu.memory_space<vmem>> -> memref<16x128xf32, #tpu.memory_space<vmem>>
    %dma_start3A_343 = tpu.memref_slice %arg4[%multiple_of3A, %multiple_of3A_339] : memref<32x1000000xf32, #tpu.memory_space<hbm>> -> memref<16x128xf32, #tpu.memory_space<hbm>>
    %dma_start3A_344 = arith.constant 448 : i32
    %dma_start3A_345 = arith.constant 0 : i32
    %dma_start3A_346 = tpu.memref_slice %arg10[%dma_start3A_344, %dma_start3A_345] : memref<768x128xf32, #tpu.memory_space<vmem>> -> memref<16x128xf32, #tpu.memory_space<vmem>>
    %dma_start3A_347 = tpu.memref_slice %arg4[%multiple_of3A, %multiple_of3A_339] : memref<32x1000000xf32, #tpu.memory_space<hbm>> -> memref<16x128xf32, #tpu.memory_space<hbm>>
    tpu.enqueue_dma source(%dma_start3A_347 : memref<16x128xf32, #tpu.memory_space<hbm>>) target(%dma_start3A_346 : memref<16x128xf32, #tpu.memory_space<vmem>>) target_semaphore(%arg14 : memref<!tpu.dma_semaphore, #tpu.memory_space<semaphore_mem>>)
    %slice3A_348 = vector.extract_strided_slice %and3A_204 {offsets = [13], sizes = [1], strides = [1]} : vector<16xi32> to vector<1xi32>
    %squeeze3A_349 = vector.extract %slice3A_348[0] : i32 from vector<1xi32>
    %multiple_of3A_350 = tpu.assume_multiple %squeeze3A_349, 128 : i32
    %dma_start3A_351 = arith.constant 464 : i32
    %dma_start3A_352 = arith.constant 0 : i32
    %dma_start3A_353 = tpu.memref_slice %arg10[%dma_start3A_351, %dma_start3A_352] : memref<768x128xf32, #tpu.memory_space<vmem>> -> memref<16x128xf32, #tpu.memory_space<vmem>>
    %dma_start3A_354 = tpu.memref_slice %arg4[%multiple_of3A, %multiple_of3A_350] : memref<32x1000000xf32, #tpu.memory_space<hbm>> -> memref<16x128xf32, #tpu.memory_space<hbm>>
    %dma_start3A_355 = arith.constant 464 : i32
    %dma_start3A_356 = arith.constant 0 : i32
    %dma_start3A_357 = tpu.memref_slice %arg10[%dma_start3A_355, %dma_start3A_356] : memref<768x128xf32, #tpu.memory_space<vmem>> -> memref<16x128xf32, #tpu.memory_space<vmem>>
    %dma_start3A_358 = tpu.memref_slice %arg4[%multiple_of3A, %multiple_of3A_350] : memref<32x1000000xf32, #tpu.memory_space<hbm>> -> memref<16x128xf32, #tpu.memory_space<hbm>>
    tpu.enqueue_dma source(%dma_start3A_358 : memref<16x128xf32, #tpu.memory_space<hbm>>) target(%dma_start3A_357 : memref<16x128xf32, #tpu.memory_space<vmem>>) target_semaphore(%arg14 : memref<!tpu.dma_semaphore, #tpu.memory_space<semaphore_mem>>)
    %slice3A_359 = vector.extract_strided_slice %and3A_204 {offsets = [14], sizes = [1], strides = [1]} : vector<16xi32> to vector<1xi32>
    %squeeze3A_360 = vector.extract %slice3A_359[0] : i32 from vector<1xi32>
    %multiple_of3A_361 = tpu.assume_multiple %squeeze3A_360, 128 : i32
    %dma_start3A_362 = arith.constant 480 : i32
    %dma_start3A_363 = arith.constant 0 : i32
    %dma_start3A_364 = tpu.memref_slice %arg10[%dma_start3A_362, %dma_start3A_363] : memref<768x128xf32, #tpu.memory_space<vmem>> -> memref<16x128xf32, #tpu.memory_space<vmem>>
    %dma_start3A_365 = tpu.memref_slice %arg4[%multiple_of3A, %multiple_of3A_361] : memref<32x1000000xf32, #tpu.memory_space<hbm>> -> memref<16x128xf32, #tpu.memory_space<hbm>>
    %dma_start3A_366 = arith.constant 480 : i32
    %dma_start3A_367 = arith.constant 0 : i32
    %dma_start3A_368 = tpu.memref_slice %arg10[%dma_start3A_366, %dma_start3A_367] : memref<768x128xf32, #tpu.memory_space<vmem>> -> memref<16x128xf32, #tpu.memory_space<vmem>>
    %dma_start3A_369 = tpu.memref_slice %arg4[%multiple_of3A, %multiple_of3A_361] : memref<32x1000000xf32, #tpu.memory_space<hbm>> -> memref<16x128xf32, #tpu.memory_space<hbm>>
    tpu.enqueue_dma source(%dma_start3A_369 : memref<16x128xf32, #tpu.memory_space<hbm>>) target(%dma_start3A_368 : memref<16x128xf32, #tpu.memory_space<vmem>>) target_semaphore(%arg14 : memref<!tpu.dma_semaphore, #tpu.memory_space<semaphore_mem>>)
    %slice3A_370 = vector.extract_strided_slice %and3A_204 {offsets = [15], sizes = [1], strides = [1]} : vector<16xi32> to vector<1xi32>
    %squeeze3A_371 = vector.extract %slice3A_370[0] : i32 from vector<1xi32>
    %multiple_of3A_372 = tpu.assume_multiple %squeeze3A_371, 128 : i32
    %dma_start3A_373 = arith.constant 496 : i32
    %dma_start3A_374 = arith.constant 0 : i32
    %dma_start3A_375 = tpu.memref_slice %arg10[%dma_start3A_373, %dma_start3A_374] : memref<768x128xf32, #tpu.memory_space<vmem>> -> memref<16x128xf32, #tpu.memory_space<vmem>>
    %dma_start3A_376 = tpu.memref_slice %arg4[%multiple_of3A, %multiple_of3A_372] : memref<32x1000000xf32, #tpu.memory_space<hbm>> -> memref<16x128xf32, #tpu.memory_space<hbm>>
    %dma_start3A_377 = arith.constant 496 : i32
    %dma_start3A_378 = arith.constant 0 : i32
    %dma_start3A_379 = tpu.memref_slice %arg10[%dma_start3A_377, %dma_start3A_378] : memref<768x128xf32, #tpu.memory_space<vmem>> -> memref<16x128xf32, #tpu.memory_space<vmem>>
    %dma_start3A_380 = tpu.memref_slice %arg4[%multiple_of3A, %multiple_of3A_372] : memref<32x1000000xf32, #tpu.memory_space<hbm>> -> memref<16x128xf32, #tpu.memory_space<hbm>>
    tpu.enqueue_dma source(%dma_start3A_380 : memref<16x128xf32, #tpu.memory_space<hbm>>) target(%dma_start3A_379 : memref<16x128xf32, #tpu.memory_space<vmem>>) target_semaphore(%arg14 : memref<!tpu.dma_semaphore, #tpu.memory_space<semaphore_mem>>)
    %mul3A_381 = arith.constant 1 : i32
    %mul3A_382 = arith.constant 16 : i32
    %mul3A_383 = arith.muli %mul3A_381, %mul3A_382 : i32
    %dma_start3A_384 = arith.constant 16 : i32
    %dma_start3A_385 = arith.constant 0 : i32
    %dma_start3A_386 = tpu.memref_slice %arg11[%dma_start3A_384, %dma_start3A_385] : memref<48x128xf32, #tpu.memory_space<vmem>> -> memref<16x128xf32, #tpu.memory_space<vmem>>
    %dma_start3A_387 = tpu.memref_slice %arg9[%mul3A_383] : memref<1024xi32, #tpu.memory_space<vmem>> -> memref<16xi32, #tpu.memory_space<vmem>>
    %dma_start3A_388 = arith.constant 0 : i32
    %dma_start3A_389 = arith.constant 0 : i32
    %dma_start3A_390 = tpu.memref_slice %arg5[%dma_start3A_388, %dma_start3A_389] : memref<25000x128xf32, #tpu.memory_space<hbm>> -> memref<25000x128xf32, #tpu.memory_space<hbm>>
    tpu.enqueue_indirect_dma source(%dma_start3A_390 : memref<25000x128xf32, #tpu.memory_space<hbm>>) target(%dma_start3A_386 : memref<16x128xf32, #tpu.memory_space<vmem>>) offsets(%dma_start3A_387 : memref<16xi32, #tpu.memory_space<vmem>>) semaphore(%arg17 : memref<!tpu.dma_semaphore, #tpu.memory_space<semaphore_mem>>)
    %mul3A_391 = arith.constant 2 : i32
    %mul3A_392 = arith.constant 16 : i32
    %mul3A_393 = arith.muli %mul3A_391, %mul3A_392 : i32
    %get3A_394 = arith.index_cast %mul3A_393 : i32 to index
    %get3A_395 = tpu.vector_load %arg7[%get3A_394] {strides = array<i32>} : memref<1024xi32, #tpu.memory_space<vmem>>, vector<16xi32>,
    %and3A_396 = arith.constant -128 : i32
    %and3A_397 = vector.broadcast %and3A_396 : i32 to vector<16xi32>
    %and3A_398 = arith.andi %get3A_395, %and3A_397 : vector<16xi32>
    %slice3A_399 = vector.extract_strided_slice %and3A_398 {offsets = [0], sizes = [1], strides = [1]} : vector<16xi32> to vector<1xi32>
    %squeeze3A_400 = vector.extract %slice3A_399[0] : i32 from vector<1xi32>
    %multiple_of3A_401 = tpu.assume_multiple %squeeze3A_400, 128 : i32
    %dma_start3A_402 = arith.constant 512 : i32
    %dma_start3A_403 = arith.constant 0 : i32
    %dma_start3A_404 = tpu.memref_slice %arg10[%dma_start3A_402, %dma_start3A_403] : memref<768x128xf32, #tpu.memory_space<vmem>> -> memref<16x128xf32, #tpu.memory_space<vmem>>
    %dma_start3A_405 = tpu.memref_slice %arg4[%multiple_of3A, %multiple_of3A_401] : memref<32x1000000xf32, #tpu.memory_space<hbm>> -> memref<16x128xf32, #tpu.memory_space<hbm>>
    %dma_start3A_406 = arith.constant 512 : i32
    %dma_start3A_407 = arith.constant 0 : i32
    %dma_start3A_408 = tpu.memref_slice %arg10[%dma_start3A_406, %dma_start3A_407] : memref<768x128xf32, #tpu.memory_space<vmem>> -> memref<16x128xf32, #tpu.memory_space<vmem>>
    %dma_start3A_409 = tpu.memref_slice %arg4[%multiple_of3A, %multiple_of3A_401] : memref<32x1000000xf32, #tpu.memory_space<hbm>> -> memref<16x128xf32, #tpu.memory_space<hbm>>
    tpu.enqueue_dma source(%dma_start3A_409 : memref<16x128xf32, #tpu.memory_space<hbm>>) target(%dma_start3A_408 : memref<16x128xf32, #tpu.memory_space<vmem>>) target_semaphore(%arg15 : memref<!tpu.dma_semaphore, #tpu.memory_space<semaphore_mem>>)
    %slice3A_410 = vector.extract_strided_slice %and3A_398 {offsets = [1], sizes = [1], strides = [1]} : vector<16xi32> to vector<1xi32>
    %squeeze3A_411 = vector.extract %slice3A_410[0] : i32 from vector<1xi32>
    %multiple_of3A_412 = tpu.assume_multiple %squeeze3A_411, 128 : i32
    %dma_start3A_413 = arith.constant 528 : i32
    %dma_start3A_414 = arith.constant 0 : i32
    %dma_start3A_415 = tpu.memref_slice %arg10[%dma_start3A_413, %dma_start3A_414] : memref<768x128xf32, #tpu.memory_space<vmem>> -> memref<16x128xf32, #tpu.memory_space<vmem>>
    %dma_start3A_416 = tpu.memref_slice %arg4[%multiple_of3A, %multiple_of3A_412] : memref<32x1000000xf32, #tpu.memory_space<hbm>> -> memref<16x128xf32, #tpu.memory_space<hbm>>
    %dma_start3A_417 = arith.constant 528 : i32
    %dma_start3A_418 = arith.constant 0 : i32
    %dma_start3A_419 = tpu.memref_slice %arg10[%dma_start3A_417, %dma_start3A_418] : memref<768x128xf32, #tpu.memory_space<vmem>> -> memref<16x128xf32, #tpu.memory_space<vmem>>
    %dma_start3A_420 = tpu.memref_slice %arg4[%multiple_of3A, %multiple_of3A_412] : memref<32x1000000xf32, #tpu.memory_space<hbm>> -> memref<16x128xf32, #tpu.memory_space<hbm>>
    tpu.enqueue_dma source(%dma_start3A_420 : memref<16x128xf32, #tpu.memory_space<hbm>>) target(%dma_start3A_419 : memref<16x128xf32, #tpu.memory_space<vmem>>) target_semaphore(%arg15 : memref<!tpu.dma_semaphore, #tpu.memory_space<semaphore_mem>>)
    %slice3A_421 = vector.extract_strided_slice %and3A_398 {offsets = [2], sizes = [1], strides = [1]} : vector<16xi32> to vector<1xi32>
    %squeeze3A_422 = vector.extract %slice3A_421[0] : i32 from vector<1xi32>
    %multiple_of3A_423 = tpu.assume_multiple %squeeze3A_422, 128 : i32
    %dma_start3A_424 = arith.constant 544 : i32
    %dma_start3A_425 = arith.constant 0 : i32
    %dma_start3A_426 = tpu.memref_slice %arg10[%dma_start3A_424, %dma_start3A_425] : memref<768x128xf32, #tpu.memory_space<vmem>> -> memref<16x128xf32, #tpu.memory_space<vmem>>
    %dma_start3A_427 = tpu.memref_slice %arg4[%multiple_of3A, %multiple_of3A_423] : memref<32x1000000xf32, #tpu.memory_space<hbm>> -> memref<16x128xf32, #tpu.memory_space<hbm>>
    %dma_start3A_428 = arith.constant 544 : i32
    %dma_start3A_429 = arith.constant 0 : i32
    %dma_start3A_430 = tpu.memref_slice %arg10[%dma_start3A_428, %dma_start3A_429] : memref<768x128xf32, #tpu.memory_space<vmem>> -> memref<16x128xf32, #tpu.memory_space<vmem>>
    %dma_start3A_431 = tpu.memref_slice %arg4[%multiple_of3A, %multiple_of3A_423] : memref<32x1000000xf32, #tpu.memory_space<hbm>> -> memref<16x128xf32, #tpu.memory_space<hbm>>
    tpu.enqueue_dma source(%dma_start3A_431 : memref<16x128xf32, #tpu.memory_space<hbm>>) target(%dma_start3A_430 : memref<16x128xf32, #tpu.memory_space<vmem>>) target_semaphore(%arg15 : memref<!tpu.dma_semaphore, #tpu.memory_space<semaphore_mem>>)
    %slice3A_432 = vector.extract_strided_slice %and3A_398 {offsets = [3], sizes = [1], strides = [1]} : vector<16xi32> to vector<1xi32>
    %squeeze3A_433 = vector.extract %slice3A_432[0] : i32 from vector<1xi32>
    %multiple_of3A_434 = tpu.assume_multiple %squeeze3A_433, 128 : i32
    %dma_start3A_435 = arith.constant 560 : i32
    %dma_start3A_436 = arith.constant 0 : i32
    %dma_start3A_437 = tpu.memref_slice %arg10[%dma_start3A_435, %dma_start3A_436] : memref<768x128xf32, #tpu.memory_space<vmem>> -> memref<16x128xf32, #tpu.memory_space<vmem>>
    %dma_start3A_438 = tpu.memref_slice %arg4[%multiple_of3A, %multiple_of3A_434] : memref<32x1000000xf32, #tpu.memory_space<hbm>> -> memref<16x128xf32, #tpu.memory_space<hbm>>
    %dma_start3A_439 = arith.constant 560 : i32
    %dma_start3A_440 = arith.constant 0 : i32
    %dma_start3A_441 = tpu.memref_slice %arg10[%dma_start3A_439, %dma_start3A_440] : memref<768x128xf32, #tpu.memory_space<vmem>> -> memref<16x128xf32, #tpu.memory_space<vmem>>
    %dma_start3A_442 = tpu.memref_slice %arg4[%multiple_of3A, %multiple_of3A_434] : memref<32x1000000xf32, #tpu.memory_space<hbm>> -> memref<16x128xf32, #tpu.memory_space<hbm>>
    tpu.enqueue_dma source(%dma_start3A_442 : memref<16x128xf32, #tpu.memory_space<hbm>>) target(%dma_start3A_441 : memref<16x128xf32, #tpu.memory_space<vmem>>) target_semaphore(%arg15 : memref<!tpu.dma_semaphore, #tpu.memory_space<semaphore_mem>>)
    %slice3A_443 = vector.extract_strided_slice %and3A_398 {offsets = [4], sizes = [1], strides = [1]} : vector<16xi32> to vector<1xi32>
    %squeeze3A_444 = vector.extract %slice3A_443[0] : i32 from vector<1xi32>
    %multiple_of3A_445 = tpu.assume_multiple %squeeze3A_444, 128 : i32
    %dma_start3A_446 = arith.constant 576 : i32
    %dma_start3A_447 = arith.constant 0 : i32
    %dma_start3A_448 = tpu.memref_slice %arg10[%dma_start3A_446, %dma_start3A_447] : memref<768x128xf32, #tpu.memory_space<vmem>> -> memref<16x128xf32, #tpu.memory_space<vmem>>
    %dma_start3A_449 = tpu.memref_slice %arg4[%multiple_of3A, %multiple_of3A_445] : memref<32x1000000xf32, #tpu.memory_space<hbm>> -> memref<16x128xf32, #tpu.memory_space<hbm>>
    %dma_start3A_450 = arith.constant 576 : i32
    %dma_start3A_451 = arith.constant 0 : i32
    %dma_start3A_452 = tpu.memref_slice %arg10[%dma_start3A_450, %dma_start3A_451] : memref<768x128xf32, #tpu.memory_space<vmem>> -> memref<16x128xf32, #tpu.memory_space<vmem>>
    %dma_start3A_453 = tpu.memref_slice %arg4[%multiple_of3A, %multiple_of3A_445] : memref<32x1000000xf32, #tpu.memory_space<hbm>> -> memref<16x128xf32, #tpu.memory_space<hbm>>
    tpu.enqueue_dma source(%dma_start3A_453 : memref<16x128xf32, #tpu.memory_space<hbm>>) target(%dma_start3A_452 : memref<16x128xf32, #tpu.memory_space<vmem>>) target_semaphore(%arg15 : memref<!tpu.dma_semaphore, #tpu.memory_space<semaphore_mem>>)
    %slice3A_454 = vector.extract_strided_slice %and3A_398 {offsets = [5], sizes = [1], strides = [1]} : vector<16xi32> to vector<1xi32>
    %squeeze3A_455 = vector.extract %slice3A_454[0] : i32 from vector<1xi32>
    %multiple_of3A_456 = tpu.assume_multiple %squeeze3A_455, 128 : i32
    %dma_start3A_457 = arith.constant 592 : i32
    %dma_start3A_458 = arith.constant 0 : i32
    %dma_start3A_459 = tpu.memref_slice %arg10[%dma_start3A_457, %dma_start3A_458] : memref<768x128xf32, #tpu.memory_space<vmem>> -> memref<16x128xf32, #tpu.memory_space<vmem>>
    %dma_start3A_460 = tpu.memref_slice %arg4[%multiple_of3A, %multiple_of3A_456] : memref<32x1000000xf32, #tpu.memory_space<hbm>> -> memref<16x128xf32, #tpu.memory_space<hbm>>
    %dma_start3A_461 = arith.constant 592 : i32
    %dma_start3A_462 = arith.constant 0 : i32
    %dma_start3A_463 = tpu.memref_slice %arg10[%dma_start3A_461, %dma_start3A_462] : memref<768x128xf32, #tpu.memory_space<vmem>> -> memref<16x128xf32, #tpu.memory_space<vmem>>
    %dma_start3A_464 = tpu.memref_slice %arg4[%multiple_of3A, %multiple_of3A_456] : memref<32x1000000xf32, #tpu.memory_space<hbm>> -> memref<16x128xf32, #tpu.memory_space<hbm>>
    tpu.enqueue_dma source(%dma_start3A_464 : memref<16x128xf32, #tpu.memory_space<hbm>>) target(%dma_start3A_463 : memref<16x128xf32, #tpu.memory_space<vmem>>) target_semaphore(%arg15 : memref<!tpu.dma_semaphore, #tpu.memory_space<semaphore_mem>>)
    %slice3A_465 = vector.extract_strided_slice %and3A_398 {offsets = [6], sizes = [1], strides = [1]} : vector<16xi32> to vector<1xi32>
    %squeeze3A_466 = vector.extract %slice3A_465[0] : i32 from vector<1xi32>
    %multiple_of3A_467 = tpu.assume_multiple %squeeze3A_466, 128 : i32
    %dma_start3A_468 = arith.constant 608 : i32
    %dma_start3A_469 = arith.constant 0 : i32
    %dma_start3A_470 = tpu.memref_slice %arg10[%dma_start3A_468, %dma_start3A_469] : memref<768x128xf32, #tpu.memory_space<vmem>> -> memref<16x128xf32, #tpu.memory_space<vmem>>
    %dma_start3A_471 = tpu.memref_slice %arg4[%multiple_of3A, %multiple_of3A_467] : memref<32x1000000xf32, #tpu.memory_space<hbm>> -> memref<16x128xf32, #tpu.memory_space<hbm>>
    %dma_start3A_472 = arith.constant 608 : i32
    %dma_start3A_473 = arith.constant 0 : i32
    %dma_start3A_474 = tpu.memref_slice %arg10[%dma_start3A_472, %dma_start3A_473] : memref<768x128xf32, #tpu.memory_space<vmem>> -> memref<16x128xf32, #tpu.memory_space<vmem>>
    %dma_start3A_475 = tpu.memref_slice %arg4[%multiple_of3A, %multiple_of3A_467] : memref<32x1000000xf32, #tpu.memory_space<hbm>> -> memref<16x128xf32, #tpu.memory_space<hbm>>
    tpu.enqueue_dma source(%dma_start3A_475 : memref<16x128xf32, #tpu.memory_space<hbm>>) target(%dma_start3A_474 : memref<16x128xf32, #tpu.memory_space<vmem>>) target_semaphore(%arg15 : memref<!tpu.dma_semaphore, #tpu.memory_space<semaphore_mem>>)
    %slice3A_476 = vector.extract_strided_slice %and3A_398 {offsets = [7], sizes = [1], strides = [1]} : vector<16xi32> to vector<1xi32>
    %squeeze3A_477 = vector.extract %slice3A_476[0] : i32 from vector<1xi32>
    %multiple_of3A_478 = tpu.assume_multiple %squeeze3A_477, 128 : i32
    %dma_start3A_479 = arith.constant 624 : i32
    %dma_start3A_480 = arith.constant 0 : i32
    %dma_start3A_481 = tpu.memref_slice %arg10[%dma_start3A_479, %dma_start3A_480] : memref<768x128xf32, #tpu.memory_space<vmem>> -> memref<16x128xf32, #tpu.memory_space<vmem>>
    %dma_start3A_482 = tpu.memref_slice %arg4[%multiple_of3A, %multiple_of3A_478] : memref<32x1000000xf32, #tpu.memory_space<hbm>> -> memref<16x128xf32, #tpu.memory_space<hbm>>
    %dma_start3A_483 = arith.constant 624 : i32
    %dma_start3A_484 = arith.constant 0 : i32
    %dma_start3A_485 = tpu.memref_slice %arg10[%dma_start3A_483, %dma_start3A_484] : memref<768x128xf32, #tpu.memory_space<vmem>> -> memref<16x128xf32, #tpu.memory_space<vmem>>
    %dma_start3A_486 = tpu.memref_slice %arg4[%multiple_of3A, %multiple_of3A_478] : memref<32x1000000xf32, #tpu.memory_space<hbm>> -> memref<16x128xf32, #tpu.memory_space<hbm>>
    tpu.enqueue_dma source(%dma_start3A_486 : memref<16x128xf32, #tpu.memory_space<hbm>>) target(%dma_start3A_485 : memref<16x128xf32, #tpu.memory_space<vmem>>) target_semaphore(%arg15 : memref<!tpu.dma_semaphore, #tpu.memory_space<semaphore_mem>>)
    %slice3A_487 = vector.extract_strided_slice %and3A_398 {offsets = [8], sizes = [1], strides = [1]} : vector<16xi32> to vector<1xi32>
    %squeeze3A_488 = vector.extract %slice3A_487[0] : i32 from vector<1xi32>
    %multiple_of3A_489 = tpu.assume_multiple %squeeze3A_488, 128 : i32
    %dma_start3A_490 = arith.constant 640 : i32
    %dma_start3A_491 = arith.constant 0 : i32
    %dma_start3A_492 = tpu.memref_slice %arg10[%dma_start3A_490, %dma_start3A_491] : memref<768x128xf32, #tpu.memory_space<vmem>> -> memref<16x128xf32, #tpu.memory_space<vmem>>
    %dma_start3A_493 = tpu.memref_slice %arg4[%multiple_of3A, %multiple_of3A_489] : memref<32x1000000xf32, #tpu.memory_space<hbm>> -> memref<16x128xf32, #tpu.memory_space<hbm>>
    %dma_start3A_494 = arith.constant 640 : i32
    %dma_start3A_495 = arith.constant 0 : i32
    %dma_start3A_496 = tpu.memref_slice %arg10[%dma_start3A_494, %dma_start3A_495] : memref<768x128xf32, #tpu.memory_space<vmem>> -> memref<16x128xf32, #tpu.memory_space<vmem>>
    %dma_start3A_497 = tpu.memref_slice %arg4[%multiple_of3A, %multiple_of3A_489] : memref<32x1000000xf32, #tpu.memory_space<hbm>> -> memref<16x128xf32, #tpu.memory_space<hbm>>
    tpu.enqueue_dma source(%dma_start3A_497 : memref<16x128xf32, #tpu.memory_space<hbm>>) target(%dma_start3A_496 : memref<16x128xf32, #tpu.memory_space<vmem>>) target_semaphore(%arg15 : memref<!tpu.dma_semaphore, #tpu.memory_space<semaphore_mem>>)
    %slice3A_498 = vector.extract_strided_slice %and3A_398 {offsets = [9], sizes = [1], strides = [1]} : vector<16xi32> to vector<1xi32>
    %squeeze3A_499 = vector.extract %slice3A_498[0] : i32 from vector<1xi32>
    %multiple_of3A_500 = tpu.assume_multiple %squeeze3A_499, 128 : i32
    %dma_start3A_501 = arith.constant 656 : i32
    %dma_start3A_502 = arith.constant 0 : i32
    %dma_start3A_503 = tpu.memref_slice %arg10[%dma_start3A_501, %dma_start3A_502] : memref<768x128xf32, #tpu.memory_space<vmem>> -> memref<16x128xf32, #tpu.memory_space<vmem>>
    %dma_start3A_504 = tpu.memref_slice %arg4[%multiple_of3A, %multiple_of3A_500] : memref<32x1000000xf32, #tpu.memory_space<hbm>> -> memref<16x128xf32, #tpu.memory_space<hbm>>
    %dma_start3A_505 = arith.constant 656 : i32
    %dma_start3A_506 = arith.constant 0 : i32
    %dma_start3A_507 = tpu.memref_slice %arg10[%dma_start3A_505, %dma_start3A_506] : memref<768x128xf32, #tpu.memory_space<vmem>> -> memref<16x128xf32, #tpu.memory_space<vmem>>
    %dma_start3A_508 = tpu.memref_slice %arg4[%multiple_of3A, %multiple_of3A_500] : memref<32x1000000xf32, #tpu.memory_space<hbm>> -> memref<16x128xf32, #tpu.memory_space<hbm>>
    tpu.enqueue_dma source(%dma_start3A_508 : memref<16x128xf32, #tpu.memory_space<hbm>>) target(%dma_start3A_507 : memref<16x128xf32, #tpu.memory_space<vmem>>) target_semaphore(%arg15 : memref<!tpu.dma_semaphore, #tpu.memory_space<semaphore_mem>>)
    %slice3A_509 = vector.extract_strided_slice %and3A_398 {offsets = [10], sizes = [1], strides = [1]} : vector<16xi32> to vector<1xi32>
    %squeeze3A_510 = vector.extract %slice3A_509[0] : i32 from vector<1xi32>
    %multiple_of3A_511 = tpu.assume_multiple %squeeze3A_510, 128 : i32
    %dma_start3A_512 = arith.constant 672 : i32
    %dma_start3A_513 = arith.constant 0 : i32
    %dma_start3A_514 = tpu.memref_slice %arg10[%dma_start3A_512, %dma_start3A_513] : memref<768x128xf32, #tpu.memory_space<vmem>> -> memref<16x128xf32, #tpu.memory_space<vmem>>
    %dma_start3A_515 = tpu.memref_slice %arg4[%multiple_of3A, %multiple_of3A_511] : memref<32x1000000xf32, #tpu.memory_space<hbm>> -> memref<16x128xf32, #tpu.memory_space<hbm>>
    %dma_start3A_516 = arith.constant 672 : i32
    %dma_start3A_517 = arith.constant 0 : i32
    %dma_start3A_518 = tpu.memref_slice %arg10[%dma_start3A_516, %dma_start3A_517] : memref<768x128xf32, #tpu.memory_space<vmem>> -> memref<16x128xf32, #tpu.memory_space<vmem>>
    %dma_start3A_519 = tpu.memref_slice %arg4[%multiple_of3A, %multiple_of3A_511] : memref<32x1000000xf32, #tpu.memory_space<hbm>> -> memref<16x128xf32, #tpu.memory_space<hbm>>
    tpu.enqueue_dma source(%dma_start3A_519 : memref<16x128xf32, #tpu.memory_space<hbm>>) target(%dma_start3A_518 : memref<16x128xf32, #tpu.memory_space<vmem>>) target_semaphore(%arg15 : memref<!tpu.dma_semaphore, #tpu.memory_space<semaphore_mem>>)
    %slice3A_520 = vector.extract_strided_slice %and3A_398 {offsets = [11], sizes = [1], strides = [1]} : vector<16xi32> to vector<1xi32>
    %squeeze3A_521 = vector.extract %slice3A_520[0] : i32 from vector<1xi32>
    %multiple_of3A_522 = tpu.assume_multiple %squeeze3A_521, 128 : i32
    %dma_start3A_523 = arith.constant 688 : i32
    %dma_start3A_524 = arith.constant 0 : i32
    %dma_start3A_525 = tpu.memref_slice %arg10[%dma_start3A_523, %dma_start3A_524] : memref<768x128xf32, #tpu.memory_space<vmem>> -> memref<16x128xf32, #tpu.memory_space<vmem>>
    %dma_start3A_526 = tpu.memref_slice %arg4[%multiple_of3A, %multiple_of3A_522] : memref<32x1000000xf32, #tpu.memory_space<hbm>> -> memref<16x128xf32, #tpu.memory_space<hbm>>
    %dma_start3A_527 = arith.constant 688 : i32
    %dma_start3A_528 = arith.constant 0 : i32
    %dma_start3A_529 = tpu.memref_slice %arg10[%dma_start3A_527, %dma_start3A_528] : memref<768x128xf32, #tpu.memory_space<vmem>> -> memref<16x128xf32, #tpu.memory_space<vmem>>
    %dma_start3A_530 = tpu.memref_slice %arg4[%multiple_of3A, %multiple_of3A_522] : memref<32x1000000xf32, #tpu.memory_space<hbm>> -> memref<16x128xf32, #tpu.memory_space<hbm>>
    tpu.enqueue_dma source(%dma_start3A_530 : memref<16x128xf32, #tpu.memory_space<hbm>>) target(%dma_start3A_529 : memref<16x128xf32, #tpu.memory_space<vmem>>) target_semaphore(%arg15 : memref<!tpu.dma_semaphore, #tpu.memory_space<semaphore_mem>>)
    %slice3A_531 = vector.extract_strided_slice %and3A_398 {offsets = [12], sizes = [1], strides = [1]} : vector<16xi32> to vector<1xi32>
    %squeeze3A_532 = vector.extract %slice3A_531[0] : i32 from vector<1xi32>
    %multiple_of3A_533 = tpu.assume_multiple %squeeze3A_532, 128 : i32
    %dma_start3A_534 = arith.constant 704 : i32
    %dma_start3A_535 = arith.constant 0 : i32
    %dma_start3A_536 = tpu.memref_slice %arg10[%dma_start3A_534, %dma_start3A_535] : memref<768x128xf32, #tpu.memory_space<vmem>> -> memref<16x128xf32, #tpu.memory_space<vmem>>
    %dma_start3A_537 = tpu.memref_slice %arg4[%multiple_of3A, %multiple_of3A_533] : memref<32x1000000xf32, #tpu.memory_space<hbm>> -> memref<16x128xf32, #tpu.memory_space<hbm>>
    %dma_start3A_538 = arith.constant 704 : i32
    %dma_start3A_539 = arith.constant 0 : i32
    %dma_start3A_540 = tpu.memref_slice %arg10[%dma_start3A_538, %dma_start3A_539] : memref<768x128xf32, #tpu.memory_space<vmem>> -> memref<16x128xf32, #tpu.memory_space<vmem>>
    %dma_start3A_541 = tpu.memref_slice %arg4[%multiple_of3A, %multiple_of3A_533] : memref<32x1000000xf32, #tpu.memory_space<hbm>> -> memref<16x128xf32, #tpu.memory_space<hbm>>
    tpu.enqueue_dma source(%dma_start3A_541 : memref<16x128xf32, #tpu.memory_space<hbm>>) target(%dma_start3A_540 : memref<16x128xf32, #tpu.memory_space<vmem>>) target_semaphore(%arg15 : memref<!tpu.dma_semaphore, #tpu.memory_space<semaphore_mem>>)
    %slice3A_542 = vector.extract_strided_slice %and3A_398 {offsets = [13], sizes = [1], strides = [1]} : vector<16xi32> to vector<1xi32>
    %squeeze3A_543 = vector.extract %slice3A_542[0] : i32 from vector<1xi32>
    %multiple_of3A_544 = tpu.assume_multiple %squeeze3A_543, 128 : i32
    %dma_start3A_545 = arith.constant 720 : i32
    %dma_start3A_546 = arith.constant 0 : i32
    %dma_start3A_547 = tpu.memref_slice %arg10[%dma_start3A_545, %dma_start3A_546] : memref<768x128xf32, #tpu.memory_space<vmem>> -> memref<16x128xf32, #tpu.memory_space<vmem>>
    %dma_start3A_548 = tpu.memref_slice %arg4[%multiple_of3A, %multiple_of3A_544] : memref<32x1000000xf32, #tpu.memory_space<hbm>> -> memref<16x128xf32, #tpu.memory_space<hbm>>
    %dma_start3A_549 = arith.constant 720 : i32
    %dma_start3A_550 = arith.constant 0 : i32
    %dma_start3A_551 = tpu.memref_slice %arg10[%dma_start3A_549, %dma_start3A_550] : memref<768x128xf32, #tpu.memory_space<vmem>> -> memref<16x128xf32, #tpu.memory_space<vmem>>
    %dma_start3A_552 = tpu.memref_slice %arg4[%multiple_of3A, %multiple_of3A_544] : memref<32x1000000xf32, #tpu.memory_space<hbm>> -> memref<16x128xf32, #tpu.memory_space<hbm>>
    tpu.enqueue_dma source(%dma_start3A_552 : memref<16x128xf32, #tpu.memory_space<hbm>>) target(%dma_start3A_551 : memref<16x128xf32, #tpu.memory_space<vmem>>) target_semaphore(%arg15 : memref<!tpu.dma_semaphore, #tpu.memory_space<semaphore_mem>>)
    %slice3A_553 = vector.extract_strided_slice %and3A_398 {offsets = [14], sizes = [1], strides = [1]} : vector<16xi32> to vector<1xi32>
    %squeeze3A_554 = vector.extract %slice3A_553[0] : i32 from vector<1xi32>
    %multiple_of3A_555 = tpu.assume_multiple %squeeze3A_554, 128 : i32
    %dma_start3A_556 = arith.constant 736 : i32
    %dma_start3A_557 = arith.constant 0 : i32
    %dma_start3A_558 = tpu.memref_slice %arg10[%dma_start3A_556, %dma_start3A_557] : memref<768x128xf32, #tpu.memory_space<vmem>> -> memref<16x128xf32, #tpu.memory_space<vmem>>
    %dma_start3A_559 = tpu.memref_slice %arg4[%multiple_of3A, %multiple_of3A_555] : memref<32x1000000xf32, #tpu.memory_space<hbm>> -> memref<16x128xf32, #tpu.memory_space<hbm>>
    %dma_start3A_560 = arith.constant 736 : i32
    %dma_start3A_561 = arith.constant 0 : i32
    %dma_start3A_562 = tpu.memref_slice %arg10[%dma_start3A_560, %dma_start3A_561] : memref<768x128xf32, #tpu.memory_space<vmem>> -> memref<16x128xf32, #tpu.memory_space<vmem>>
    %dma_start3A_563 = tpu.memref_slice %arg4[%multiple_of3A, %multiple_of3A_555] : memref<32x1000000xf32, #tpu.memory_space<hbm>> -> memref<16x128xf32, #tpu.memory_space<hbm>>
    tpu.enqueue_dma source(%dma_start3A_563 : memref<16x128xf32, #tpu.memory_space<hbm>>) target(%dma_start3A_562 : memref<16x128xf32, #tpu.memory_space<vmem>>) target_semaphore(%arg15 : memref<!tpu.dma_semaphore, #tpu.memory_space<semaphore_mem>>)
    %slice3A_564 = vector.extract_strided_slice %and3A_398 {offsets = [15], sizes = [1], strides = [1]} : vector<16xi32> to vector<1xi32>
    %squeeze3A_565 = vector.extract %slice3A_564[0] : i32 from vector<1xi32>
    %multiple_of3A_566 = tpu.assume_multiple %squeeze3A_565, 128 : i32
    %dma_start3A_567 = arith.constant 752 : i32
    %dma_start3A_568 = arith.constant 0 : i32
    %dma_start3A_569 = tpu.memref_slice %arg10[%dma_start3A_567, %dma_start3A_568] : memref<768x128xf32, #tpu.memory_space<vmem>> -> memref<16x128xf32, #tpu.memory_space<vmem>>
    %dma_start3A_570 = tpu.memref_slice %arg4[%multiple_of3A, %multiple_of3A_566] : memref<32x1000000xf32, #tpu.memory_space<hbm>> -> memref<16x128xf32, #tpu.memory_space<hbm>>
    %dma_start3A_571 = arith.constant 752 : i32
    %dma_start3A_572 = arith.constant 0 : i32
    %dma_start3A_573 = tpu.memref_slice %arg10[%dma_start3A_571, %dma_start3A_572] : memref<768x128xf32, #tpu.memory_space<vmem>> -> memref<16x128xf32, #tpu.memory_space<vmem>>
    %dma_start3A_574 = tpu.memref_slice %arg4[%multiple_of3A, %multiple_of3A_566] : memref<32x1000000xf32, #tpu.memory_space<hbm>> -> memref<16x128xf32, #tpu.memory_space<hbm>>
    tpu.enqueue_dma source(%dma_start3A_574 : memref<16x128xf32, #tpu.memory_space<hbm>>) target(%dma_start3A_573 : memref<16x128xf32, #tpu.memory_space<vmem>>) target_semaphore(%arg15 : memref<!tpu.dma_semaphore, #tpu.memory_space<semaphore_mem>>)
    %mul3A_575 = arith.constant 2 : i32
    %mul3A_576 = arith.constant 16 : i32
    %mul3A_577 = arith.muli %mul3A_575, %mul3A_576 : i32
    %dma_start3A_578 = arith.constant 32 : i32
    %dma_start3A_579 = arith.constant 0 : i32
    %dma_start3A_580 = tpu.memref_slice %arg11[%dma_start3A_578, %dma_start3A_579] : memref<48x128xf32, #tpu.memory_space<vmem>> -> memref<16x128xf32, #tpu.memory_space<vmem>>
    %dma_start3A_581 = tpu.memref_slice %arg9[%mul3A_577] : memref<1024xi32, #tpu.memory_space<vmem>> -> memref<16xi32, #tpu.memory_space<vmem>>
    %dma_start3A_582 = arith.constant 0 : i32
    %dma_start3A_583 = arith.constant 0 : i32
    %dma_start3A_584 = tpu.memref_slice %arg5[%dma_start3A_582, %dma_start3A_583] : memref<25000x128xf32, #tpu.memory_space<hbm>> -> memref<25000x128xf32, #tpu.memory_space<hbm>>
    tpu.enqueue_indirect_dma source(%dma_start3A_584 : memref<25000x128xf32, #tpu.memory_space<hbm>>) target(%dma_start3A_580 : memref<16x128xf32, #tpu.memory_space<vmem>>) offsets(%dma_start3A_581 : memref<16xi32, #tpu.memory_space<vmem>>) semaphore(%arg18 : memref<!tpu.dma_semaphore, #tpu.memory_space<semaphore_mem>>)
    %scan3A_585 = arith.constant 0 : i32
    %scan3A_586 = arith.constant 0 : i32
    %scan3A_587 = arith.constant 64 : i32
    %scan3A_588 = arith.addi %scan3A_586, %scan3A_587 : i32
    %scan3A_589 = arith.constant 1 : i32
    scf.for %scan3A_593 = %scan3A_586 to %scan3A_588 step %scan3A_589  : i32 {
      %rem3A = arith.constant 3 : i32
      %rem3A_594 = arith.remsi %scan3A_593, %rem3A : i32
      %eq3A = arith.constant 0 : i32
      %eq3A_595 = arith.cmpi eq, %rem3A_594, %eq3A : i32
      %convert_element_type3A = arith.extui %eq3A_595 : i1 to i32
      %cond3A = arith.constant 0 : i32
      %cond3A_596 = arith.cmpi ne, %convert_element_type3A, %cond3A : i32
      scf.if %cond3A_596 {
        %dma_wait3A = arith.constant 0 : i32
        %dma_wait3A_607 = arith.constant 0 : i32
        %dma_wait3A_608 = tpu.memref_slice %arg10[%dma_wait3A, %dma_wait3A_607] : memref<768x128xf32, #tpu.memory_space<vmem>> -> memref<16x128xf32, #tpu.memory_space<vmem>>
        %dma_wait3A_609 = arith.constant 0 : i32
        %dma_wait3A_610 = tpu.memref_slice %arg4[%multiple_of3A, %dma_wait3A_609] : memref<32x1000000xf32, #tpu.memory_space<hbm>> -> memref<16x128xf32, #tpu.memory_space<hbm>>
        %dma_wait3A_611 = arith.constant 0 : i32
        %dma_wait3A_612 = arith.constant 0 : i32
        %dma_wait3A_613 = tpu.memref_slice %arg10[%dma_wait3A_611, %dma_wait3A_612] : memref<768x128xf32, #tpu.memory_space<vmem>> -> memref<16x128xf32, #tpu.memory_space<vmem>>
        %dma_wait3A_614 = arith.constant 0 : i32
        %dma_wait3A_615 = tpu.memref_slice %arg4[%multiple_of3A, %dma_wait3A_614] : memref<32x1000000xf32, #tpu.memory_space<hbm>> -> memref<16x128xf32, #tpu.memory_space<hbm>>
        tpu.wait_dma2 semaphore(%arg13 : memref<!tpu.dma_semaphore, #tpu.memory_space<semaphore_mem>>) src(%dma_wait3A_615 : memref<16x128xf32, #tpu.memory_space<hbm>>) dst(%dma_wait3A_613 : memref<16x128xf32, #tpu.memory_space<vmem>>)
        %dma_wait3A_616 = arith.constant 16 : i32
        %dma_wait3A_617 = arith.constant 0 : i32
        %dma_wait3A_618 = tpu.memref_slice %arg10[%dma_wait3A_616, %dma_wait3A_617] : memref<768x128xf32, #tpu.memory_space<vmem>> -> memref<16x128xf32, #tpu.memory_space<vmem>>
        %dma_wait3A_619 = arith.constant 0 : i32
        %dma_wait3A_620 = tpu.memref_slice %arg4[%multiple_of3A, %dma_wait3A_619] : memref<32x1000000xf32, #tpu.memory_space<hbm>> -> memref<16x128xf32, #tpu.memory_space<hbm>>
        %dma_wait3A_621 = arith.constant 16 : i32
        %dma_wait3A_622 = arith.constant 0 : i32
        %dma_wait3A_623 = tpu.memref_slice %arg10[%dma_wait3A_621, %dma_wait3A_622] : memref<768x128xf32, #tpu.memory_space<vmem>> -> memref<16x128xf32, #tpu.memory_space<vmem>>
        %dma_wait3A_624 = arith.constant 0 : i32
        %dma_wait3A_625 = tpu.memref_slice %arg4[%multiple_of3A, %dma_wait3A_624] : memref<32x1000000xf32, #tpu.memory_space<hbm>> -> memref<16x128xf32, #tpu.memory_space<hbm>>
        tpu.wait_dma2 semaphore(%arg13 : memref<!tpu.dma_semaphore, #tpu.memory_space<semaphore_mem>>) src(%dma_wait3A_625 : memref<16x128xf32, #tpu.memory_space<hbm>>) dst(%dma_wait3A_623 : memref<16x128xf32, #tpu.memory_space<vmem>>)
        %dma_wait3A_626 = arith.constant 32 : i32
        %dma_wait3A_627 = arith.constant 0 : i32
        %dma_wait3A_628 = tpu.memref_slice %arg10[%dma_wait3A_626, %dma_wait3A_627] : memref<768x128xf32, #tpu.memory_space<vmem>> -> memref<16x128xf32, #tpu.memory_space<vmem>>
        %dma_wait3A_629 = arith.constant 0 : i32
        %dma_wait3A_630 = tpu.memref_slice %arg4[%multiple_of3A, %dma_wait3A_629] : memref<32x1000000xf32, #tpu.memory_space<hbm>> -> memref<16x128xf32, #tpu.memory_space<hbm>>
        %dma_wait3A_631 = arith.constant 32 : i32
        %dma_wait3A_632 = arith.constant 0 : i32
        %dma_wait3A_633 = tpu.memref_slice %arg10[%dma_wait3A_631, %dma_wait3A_632] : memref<768x128xf32, #tpu.memory_space<vmem>> -> memref<16x128xf32, #tpu.memory_space<vmem>>
        %dma_wait3A_634 = arith.constant 0 : i32
        %dma_wait3A_635 = tpu.memref_slice %arg4[%multiple_of3A, %dma_wait3A_634] : memref<32x1000000xf32, #tpu.memory_space<hbm>> -> memref<16x128xf32, #tpu.memory_space<hbm>>
        tpu.wait_dma2 semaphore(%arg13 : memref<!tpu.dma_semaphore, #tpu.memory_space<semaphore_mem>>) src(%dma_wait3A_635 : memref<16x128xf32, #tpu.memory_space<hbm>>) dst(%dma_wait3A_633 : memref<16x128xf32, #tpu.memory_space<vmem>>)
        %dma_wait3A_636 = arith.constant 48 : i32
        %dma_wait3A_637 = arith.constant 0 : i32
        %dma_wait3A_638 = tpu.memref_slice %arg10[%dma_wait3A_636, %dma_wait3A_637] : memref<768x128xf32, #tpu.memory_space<vmem>> -> memref<16x128xf32, #tpu.memory_space<vmem>>
        %dma_wait3A_639 = arith.constant 0 : i32
        %dma_wait3A_640 = tpu.memref_slice %arg4[%multiple_of3A, %dma_wait3A_639] : memref<32x1000000xf32, #tpu.memory_space<hbm>> -> memref<16x128xf32, #tpu.memory_space<hbm>>
        %dma_wait3A_641 = arith.constant 48 : i32
        %dma_wait3A_642 = arith.constant 0 : i32
        %dma_wait3A_643 = tpu.memref_slice %arg10[%dma_wait3A_641, %dma_wait3A_642] : memref<768x128xf32, #tpu.memory_space<vmem>> -> memref<16x128xf32, #tpu.memory_space<vmem>>
        %dma_wait3A_644 = arith.constant 0 : i32
        %dma_wait3A_645 = tpu.memref_slice %arg4[%multiple_of3A, %dma_wait3A_644] : memref<32x1000000xf32, #tpu.memory_space<hbm>> -> memref<16x128xf32, #tpu.memory_space<hbm>>
        tpu.wait_dma2 semaphore(%arg13 : memref<!tpu.dma_semaphore, #tpu.memory_space<semaphore_mem>>) src(%dma_wait3A_645 : memref<16x128xf32, #tpu.memory_space<hbm>>) dst(%dma_wait3A_643 : memref<16x128xf32, #tpu.memory_space<vmem>>)
        %dma_wait3A_646 = arith.constant 64 : i32
        %dma_wait3A_647 = arith.constant 0 : i32
        %dma_wait3A_648 = tpu.memref_slice %arg10[%dma_wait3A_646, %dma_wait3A_647] : memref<768x128xf32, #tpu.memory_space<vmem>> -> memref<16x128xf32, #tpu.memory_space<vmem>>
        %dma_wait3A_649 = arith.constant 0 : i32
        %dma_wait3A_650 = tpu.memref_slice %arg4[%multiple_of3A, %dma_wait3A_649] : memref<32x1000000xf32, #tpu.memory_space<hbm>> -> memref<16x128xf32, #tpu.memory_space<hbm>>
        %dma_wait3A_651 = arith.constant 64 : i32
        %dma_wait3A_652 = arith.constant 0 : i32
        %dma_wait3A_653 = tpu.memref_slice %arg10[%dma_wait3A_651, %dma_wait3A_652] : memref<768x128xf32, #tpu.memory_space<vmem>> -> memref<16x128xf32, #tpu.memory_space<vmem>>
        %dma_wait3A_654 = arith.constant 0 : i32
        %dma_wait3A_655 = tpu.memref_slice %arg4[%multiple_of3A, %dma_wait3A_654] : memref<32x1000000xf32, #tpu.memory_space<hbm>> -> memref<16x128xf32, #tpu.memory_space<hbm>>
        tpu.wait_dma2 semaphore(%arg13 : memref<!tpu.dma_semaphore, #tpu.memory_space<semaphore_mem>>) src(%dma_wait3A_655 : memref<16x128xf32, #tpu.memory_space<hbm>>) dst(%dma_wait3A_653 : memref<16x128xf32, #tpu.memory_space<vmem>>)
        %dma_wait3A_656 = arith.constant 80 : i32
        %dma_wait3A_657 = arith.constant 0 : i32
        %dma_wait3A_658 = tpu.memref_slice %arg10[%dma_wait3A_656, %dma_wait3A_657] : memref<768x128xf32, #tpu.memory_space<vmem>> -> memref<16x128xf32, #tpu.memory_space<vmem>>
        %dma_wait3A_659 = arith.constant 0 : i32
        %dma_wait3A_660 = tpu.memref_slice %arg4[%multiple_of3A, %dma_wait3A_659] : memref<32x1000000xf32, #tpu.memory_space<hbm>> -> memref<16x128xf32, #tpu.memory_space<hbm>>
        %dma_wait3A_661 = arith.constant 80 : i32
        %dma_wait3A_662 = arith.constant 0 : i32
        %dma_wait3A_663 = tpu.memref_slice %arg10[%dma_wait3A_661, %dma_wait3A_662] : memref<768x128xf32, #tpu.memory_space<vmem>> -> memref<16x128xf32, #tpu.memory_space<vmem>>
        %dma_wait3A_664 = arith.constant 0 : i32
        %dma_wait3A_665 = tpu.memref_slice %arg4[%multiple_of3A, %dma_wait3A_664] : memref<32x1000000xf32, #tpu.memory_space<hbm>> -> memref<16x128xf32, #tpu.memory_space<hbm>>
        tpu.wait_dma2 semaphore(%arg13 : memref<!tpu.dma_semaphore, #tpu.memory_space<semaphore_mem>>) src(%dma_wait3A_665 : memref<16x128xf32, #tpu.memory_space<hbm>>) dst(%dma_wait3A_663 : memref<16x128xf32, #tpu.memory_space<vmem>>)
        %dma_wait3A_666 = arith.constant 96 : i32
        %dma_wait3A_667 = arith.constant 0 : i32
        %dma_wait3A_668 = tpu.memref_slice %arg10[%dma_wait3A_666, %dma_wait3A_667] : memref<768x128xf32, #tpu.memory_space<vmem>> -> memref<16x128xf32, #tpu.memory_space<vmem>>
        %dma_wait3A_669 = arith.constant 0 : i32
        %dma_wait3A_670 = tpu.memref_slice %arg4[%multiple_of3A, %dma_wait3A_669] : memref<32x1000000xf32, #tpu.memory_space<hbm>> -> memref<16x128xf32, #tpu.memory_space<hbm>>
        %dma_wait3A_671 = arith.constant 96 : i32
        %dma_wait3A_672 = arith.constant 0 : i32
        %dma_wait3A_673 = tpu.memref_slice %arg10[%dma_wait3A_671, %dma_wait3A_672] : memref<768x128xf32, #tpu.memory_space<vmem>> -> memref<16x128xf32, #tpu.memory_space<vmem>>
        %dma_wait3A_674 = arith.constant 0 : i32
        %dma_wait3A_675 = tpu.memref_slice %arg4[%multiple_of3A, %dma_wait3A_674] : memref<32x1000000xf32, #tpu.memory_space<hbm>> -> memref<16x128xf32, #tpu.memory_space<hbm>>
        tpu.wait_dma2 semaphore(%arg13 : memref<!tpu.dma_semaphore, #tpu.memory_space<semaphore_mem>>) src(%dma_wait3A_675 : memref<16x128xf32, #tpu.memory_space<hbm>>) dst(%dma_wait3A_673 : memref<16x128xf32, #tpu.memory_space<vmem>>)
        %dma_wait3A_676 = arith.constant 112 : i32
        %dma_wait3A_677 = arith.constant 0 : i32
        %dma_wait3A_678 = tpu.memref_slice %arg10[%dma_wait3A_676, %dma_wait3A_677] : memref<768x128xf32, #tpu.memory_space<vmem>> -> memref<16x128xf32, #tpu.memory_space<vmem>>
        %dma_wait3A_679 = arith.constant 0 : i32
        %dma_wait3A_680 = tpu.memref_slice %arg4[%multiple_of3A, %dma_wait3A_679] : memref<32x1000000xf32, #tpu.memory_space<hbm>> -> memref<16x128xf32, #tpu.memory_space<hbm>>
        %dma_wait3A_681 = arith.constant 112 : i32
        %dma_wait3A_682 = arith.constant 0 : i32
        %dma_wait3A_683 = tpu.memref_slice %arg10[%dma_wait3A_681, %dma_wait3A_682] : memref<768x128xf32, #tpu.memory_space<vmem>> -> memref<16x128xf32, #tpu.memory_space<vmem>>
        %dma_wait3A_684 = arith.constant 0 : i32
        %dma_wait3A_685 = tpu.memref_slice %arg4[%multiple_of3A, %dma_wait3A_684] : memref<32x1000000xf32, #tpu.memory_space<hbm>> -> memref<16x128xf32, #tpu.memory_space<hbm>>
        tpu.wait_dma2 semaphore(%arg13 : memref<!tpu.dma_semaphore, #tpu.memory_space<semaphore_mem>>) src(%dma_wait3A_685 : memref<16x128xf32, #tpu.memory_space<hbm>>) dst(%dma_wait3A_683 : memref<16x128xf32, #tpu.memory_space<vmem>>)
        %dma_wait3A_686 = arith.constant 128 : i32
        %dma_wait3A_687 = arith.constant 0 : i32
        %dma_wait3A_688 = tpu.memref_slice %arg10[%dma_wait3A_686, %dma_wait3A_687] : memref<768x128xf32, #tpu.memory_space<vmem>> -> memref<16x128xf32, #tpu.memory_space<vmem>>
        %dma_wait3A_689 = arith.constant 0 : i32
        %dma_wait3A_690 = tpu.memref_slice %arg4[%multiple_of3A, %dma_wait3A_689] : memref<32x1000000xf32, #tpu.memory_space<hbm>> -> memref<16x128xf32, #tpu.memory_space<hbm>>
        %dma_wait3A_691 = arith.constant 128 : i32
        %dma_wait3A_692 = arith.constant 0 : i32
        %dma_wait3A_693 = tpu.memref_slice %arg10[%dma_wait3A_691, %dma_wait3A_692] : memref<768x128xf32, #tpu.memory_space<vmem>> -> memref<16x128xf32, #tpu.memory_space<vmem>>
        %dma_wait3A_694 = arith.constant 0 : i32
        %dma_wait3A_695 = tpu.memref_slice %arg4[%multiple_of3A, %dma_wait3A_694] : memref<32x1000000xf32, #tpu.memory_space<hbm>> -> memref<16x128xf32, #tpu.memory_space<hbm>>
        tpu.wait_dma2 semaphore(%arg13 : memref<!tpu.dma_semaphore, #tpu.memory_space<semaphore_mem>>) src(%dma_wait3A_695 : memref<16x128xf32, #tpu.memory_space<hbm>>) dst(%dma_wait3A_693 : memref<16x128xf32, #tpu.memory_space<vmem>>)
        %dma_wait3A_696 = arith.constant 144 : i32
        %dma_wait3A_697 = arith.constant 0 : i32
        %dma_wait3A_698 = tpu.memref_slice %arg10[%dma_wait3A_696, %dma_wait3A_697] : memref<768x128xf32, #tpu.memory_space<vmem>> -> memref<16x128xf32, #tpu.memory_space<vmem>>
        %dma_wait3A_699 = arith.constant 0 : i32
        %dma_wait3A_700 = tpu.memref_slice %arg4[%multiple_of3A, %dma_wait3A_699] : memref<32x1000000xf32, #tpu.memory_space<hbm>> -> memref<16x128xf32, #tpu.memory_space<hbm>>
        %dma_wait3A_701 = arith.constant 144 : i32
        %dma_wait3A_702 = arith.constant 0 : i32
        %dma_wait3A_703 = tpu.memref_slice %arg10[%dma_wait3A_701, %dma_wait3A_702] : memref<768x128xf32, #tpu.memory_space<vmem>> -> memref<16x128xf32, #tpu.memory_space<vmem>>
        %dma_wait3A_704 = arith.constant 0 : i32
        %dma_wait3A_705 = tpu.memref_slice %arg4[%multiple_of3A, %dma_wait3A_704] : memref<32x1000000xf32, #tpu.memory_space<hbm>> -> memref<16x128xf32, #tpu.memory_space<hbm>>
        tpu.wait_dma2 semaphore(%arg13 : memref<!tpu.dma_semaphore, #tpu.memory_space<semaphore_mem>>) src(%dma_wait3A_705 : memref<16x128xf32, #tpu.memory_space<hbm>>) dst(%dma_wait3A_703 : memref<16x128xf32, #tpu.memory_space<vmem>>)
        %dma_wait3A_706 = arith.constant 160 : i32
        %dma_wait3A_707 = arith.constant 0 : i32
        %dma_wait3A_708 = tpu.memref_slice %arg10[%dma_wait3A_706, %dma_wait3A_707] : memref<768x128xf32, #tpu.memory_space<vmem>> -> memref<16x128xf32, #tpu.memory_space<vmem>>
        %dma_wait3A_709 = arith.constant 0 : i32
        %dma_wait3A_710 = tpu.memref_slice %arg4[%multiple_of3A, %dma_wait3A_709] : memref<32x1000000xf32, #tpu.memory_space<hbm>> -> memref<16x128xf32, #tpu.memory_space<hbm>>
        %dma_wait3A_711 = arith.constant 160 : i32
        %dma_wait3A_712 = arith.constant 0 : i32
        %dma_wait3A_713 = tpu.memref_slice %arg10[%dma_wait3A_711, %dma_wait3A_712] : memref<768x128xf32, #tpu.memory_space<vmem>> -> memref<16x128xf32, #tpu.memory_space<vmem>>
        %dma_wait3A_714 = arith.constant 0 : i32
        %dma_wait3A_715 = tpu.memref_slice %arg4[%multiple_of3A, %dma_wait3A_714] : memref<32x1000000xf32, #tpu.memory_space<hbm>> -> memref<16x128xf32, #tpu.memory_space<hbm>>
        tpu.wait_dma2 semaphore(%arg13 : memref<!tpu.dma_semaphore, #tpu.memory_space<semaphore_mem>>) src(%dma_wait3A_715 : memref<16x128xf32, #tpu.memory_space<hbm>>) dst(%dma_wait3A_713 : memref<16x128xf32, #tpu.memory_space<vmem>>)
        %dma_wait3A_716 = arith.constant 176 : i32
        %dma_wait3A_717 = arith.constant 0 : i32
        %dma_wait3A_718 = tpu.memref_slice %arg10[%dma_wait3A_716, %dma_wait3A_717] : memref<768x128xf32, #tpu.memory_space<vmem>> -> memref<16x128xf32, #tpu.memory_space<vmem>>
        %dma_wait3A_719 = arith.constant 0 : i32
        %dma_wait3A_720 = tpu.memref_slice %arg4[%multiple_of3A, %dma_wait3A_719] : memref<32x1000000xf32, #tpu.memory_space<hbm>> -> memref<16x128xf32, #tpu.memory_space<hbm>>
        %dma_wait3A_721 = arith.constant 176 : i32
        %dma_wait3A_722 = arith.constant 0 : i32
        %dma_wait3A_723 = tpu.memref_slice %arg10[%dma_wait3A_721, %dma_wait3A_722] : memref<768x128xf32, #tpu.memory_space<vmem>> -> memref<16x128xf32, #tpu.memory_space<vmem>>
        %dma_wait3A_724 = arith.constant 0 : i32
        %dma_wait3A_725 = tpu.memref_slice %arg4[%multiple_of3A, %dma_wait3A_724] : memref<32x1000000xf32, #tpu.memory_space<hbm>> -> memref<16x128xf32, #tpu.memory_space<hbm>>
        tpu.wait_dma2 semaphore(%arg13 : memref<!tpu.dma_semaphore, #tpu.memory_space<semaphore_mem>>) src(%dma_wait3A_725 : memref<16x128xf32, #tpu.memory_space<hbm>>) dst(%dma_wait3A_723 : memref<16x128xf32, #tpu.memory_space<vmem>>)
        %dma_wait3A_726 = arith.constant 192 : i32
        %dma_wait3A_727 = arith.constant 0 : i32
        %dma_wait3A_728 = tpu.memref_slice %arg10[%dma_wait3A_726, %dma_wait3A_727] : memref<768x128xf32, #tpu.memory_space<vmem>> -> memref<16x128xf32, #tpu.memory_space<vmem>>
        %dma_wait3A_729 = arith.constant 0 : i32
        %dma_wait3A_730 = tpu.memref_slice %arg4[%multiple_of3A, %dma_wait3A_729] : memref<32x1000000xf32, #tpu.memory_space<hbm>> -> memref<16x128xf32, #tpu.memory_space<hbm>>
        %dma_wait3A_731 = arith.constant 192 : i32
        %dma_wait3A_732 = arith.constant 0 : i32
        %dma_wait3A_733 = tpu.memref_slice %arg10[%dma_wait3A_731, %dma_wait3A_732] : memref<768x128xf32, #tpu.memory_space<vmem>> -> memref<16x128xf32, #tpu.memory_space<vmem>>
        %dma_wait3A_734 = arith.constant 0 : i32
        %dma_wait3A_735 = tpu.memref_slice %arg4[%multiple_of3A, %dma_wait3A_734] : memref<32x1000000xf32, #tpu.memory_space<hbm>> -> memref<16x128xf32, #tpu.memory_space<hbm>>
        tpu.wait_dma2 semaphore(%arg13 : memref<!tpu.dma_semaphore, #tpu.memory_space<semaphore_mem>>) src(%dma_wait3A_735 : memref<16x128xf32, #tpu.memory_space<hbm>>) dst(%dma_wait3A_733 : memref<16x128xf32, #tpu.memory_space<vmem>>)
        %dma_wait3A_736 = arith.constant 208 : i32
        %dma_wait3A_737 = arith.constant 0 : i32
        %dma_wait3A_738 = tpu.memref_slice %arg10[%dma_wait3A_736, %dma_wait3A_737] : memref<768x128xf32, #tpu.memory_space<vmem>> -> memref<16x128xf32, #tpu.memory_space<vmem>>
        %dma_wait3A_739 = arith.constant 0 : i32
        %dma_wait3A_740 = tpu.memref_slice %arg4[%multiple_of3A, %dma_wait3A_739] : memref<32x1000000xf32, #tpu.memory_space<hbm>> -> memref<16x128xf32, #tpu.memory_space<hbm>>
        %dma_wait3A_741 = arith.constant 208 : i32
        %dma_wait3A_742 = arith.constant 0 : i32
        %dma_wait3A_743 = tpu.memref_slice %arg10[%dma_wait3A_741, %dma_wait3A_742] : memref<768x128xf32, #tpu.memory_space<vmem>> -> memref<16x128xf32, #tpu.memory_space<vmem>>
        %dma_wait3A_744 = arith.constant 0 : i32
        %dma_wait3A_745 = tpu.memref_slice %arg4[%multiple_of3A, %dma_wait3A_744] : memref<32x1000000xf32, #tpu.memory_space<hbm>> -> memref<16x128xf32, #tpu.memory_space<hbm>>
        tpu.wait_dma2 semaphore(%arg13 : memref<!tpu.dma_semaphore, #tpu.memory_space<semaphore_mem>>) src(%dma_wait3A_745 : memref<16x128xf32, #tpu.memory_space<hbm>>) dst(%dma_wait3A_743 : memref<16x128xf32, #tpu.memory_space<vmem>>)
        %dma_wait3A_746 = arith.constant 224 : i32
        %dma_wait3A_747 = arith.constant 0 : i32
        %dma_wait3A_748 = tpu.memref_slice %arg10[%dma_wait3A_746, %dma_wait3A_747] : memref<768x128xf32, #tpu.memory_space<vmem>> -> memref<16x128xf32, #tpu.memory_space<vmem>>
        %dma_wait3A_749 = arith.constant 0 : i32
        %dma_wait3A_750 = tpu.memref_slice %arg4[%multiple_of3A, %dma_wait3A_749] : memref<32x1000000xf32, #tpu.memory_space<hbm>> -> memref<16x128xf32, #tpu.memory_space<hbm>>
        %dma_wait3A_751 = arith.constant 224 : i32
        %dma_wait3A_752 = arith.constant 0 : i32
        %dma_wait3A_753 = tpu.memref_slice %arg10[%dma_wait3A_751, %dma_wait3A_752] : memref<768x128xf32, #tpu.memory_space<vmem>> -> memref<16x128xf32, #tpu.memory_space<vmem>>
        %dma_wait3A_754 = arith.constant 0 : i32
        %dma_wait3A_755 = tpu.memref_slice %arg4[%multiple_of3A, %dma_wait3A_754] : memref<32x1000000xf32, #tpu.memory_space<hbm>> -> memref<16x128xf32, #tpu.memory_space<hbm>>
        tpu.wait_dma2 semaphore(%arg13 : memref<!tpu.dma_semaphore, #tpu.memory_space<semaphore_mem>>) src(%dma_wait3A_755 : memref<16x128xf32, #tpu.memory_space<hbm>>) dst(%dma_wait3A_753 : memref<16x128xf32, #tpu.memory_space<vmem>>)
        %dma_wait3A_756 = arith.constant 240 : i32
        %dma_wait3A_757 = arith.constant 0 : i32
        %dma_wait3A_758 = tpu.memref_slice %arg10[%dma_wait3A_756, %dma_wait3A_757] : memref<768x128xf32, #tpu.memory_space<vmem>> -> memref<16x128xf32, #tpu.memory_space<vmem>>
        %dma_wait3A_759 = arith.constant 0 : i32
        %dma_wait3A_760 = tpu.memref_slice %arg4[%multiple_of3A, %dma_wait3A_759] : memref<32x1000000xf32, #tpu.memory_space<hbm>> -> memref<16x128xf32, #tpu.memory_space<hbm>>
        %dma_wait3A_761 = arith.constant 240 : i32
        %dma_wait3A_762 = arith.constant 0 : i32
        %dma_wait3A_763 = tpu.memref_slice %arg10[%dma_wait3A_761, %dma_wait3A_762] : memref<768x128xf32, #tpu.memory_space<vmem>> -> memref<16x128xf32, #tpu.memory_space<vmem>>
        %dma_wait3A_764 = arith.constant 0 : i32
        %dma_wait3A_765 = tpu.memref_slice %arg4[%multiple_of3A, %dma_wait3A_764] : memref<32x1000000xf32, #tpu.memory_space<hbm>> -> memref<16x128xf32, #tpu.memory_space<hbm>>
        tpu.wait_dma2 semaphore(%arg13 : memref<!tpu.dma_semaphore, #tpu.memory_space<semaphore_mem>>) src(%dma_wait3A_765 : memref<16x128xf32, #tpu.memory_space<hbm>>) dst(%dma_wait3A_763 : memref<16x128xf32, #tpu.memory_space<vmem>>)
        %mul3A_766 = arith.constant 16 : i32
        %mul3A_767 = arith.muli %scan3A_593, %mul3A_766 : i32
        %dma_wait3A_768 = arith.constant 0 : i32
        %dma_wait3A_769 = arith.constant 0 : i32
        %dma_wait3A_770 = tpu.memref_slice %arg11[%dma_wait3A_768, %dma_wait3A_769] : memref<48x128xf32, #tpu.memory_space<vmem>> -> memref<16x128xf32, #tpu.memory_space<vmem>>
        %dma_wait3A_771 = tpu.memref_slice %arg9[%mul3A_767] : memref<1024xi32, #tpu.memory_space<vmem>> -> memref<16xi32, #tpu.memory_space<vmem>>
        %dma_wait3A_772 = arith.constant 0 : i32
        %dma_wait3A_773 = arith.constant 0 : i32
        %dma_wait3A_774 = tpu.memref_slice %arg5[%dma_wait3A_772, %dma_wait3A_773] : memref<25000x128xf32, #tpu.memory_space<hbm>> -> memref<25000x128xf32, #tpu.memory_space<hbm>>
        tpu.wait_indirect_dma semaphore(%arg16 : memref<!tpu.dma_semaphore, #tpu.memory_space<semaphore_mem>>) src(%dma_wait3A_774 : memref<25000x128xf32, #tpu.memory_space<hbm>>) dst(%dma_wait3A_770 : memref<16x128xf32, #tpu.memory_space<vmem>>)
        %mul3A_775 = arith.constant 16 : i32
        %mul3A_776 = arith.muli %scan3A_593, %mul3A_775 : i32
        %get3A_777 = arith.index_cast %mul3A_776 : i32 to index
        %get3A_778 = tpu.vector_load %arg7[%get3A_777] {strides = array<i32>} : memref<1024xi32, #tpu.memory_space<vmem>>, vector<16xi32>,
        %mul3A_779 = arith.constant 16 : i32
        %mul3A_780 = arith.muli %scan3A_593, %mul3A_779 : i32
        %get3A_781 = arith.index_cast %mul3A_780 : i32 to index
        %get3A_782 = tpu.vector_load %arg8[%get3A_781] {strides = array<i32>} : memref<1024xi32, #tpu.memory_space<vmem>>, vector<16xi32>,
        %and3A_783 = arith.constant 127 : i32
        %and3A_784 = vector.broadcast %and3A_783 : i32 to vector<16xi32>
        %and3A_785 = arith.andi %get3A_778, %and3A_784 : vector<16xi32>
        %and3A_786 = arith.constant 3 : i32
        %and3A_787 = vector.broadcast %and3A_786 : i32 to vector<16xi32>
        %and3A_788 = arith.andi %get3A_782, %and3A_787 : vector<16xi32>
        %shift_left3A = arith.constant 5 : i32
        %shift_left3A_789 = vector.broadcast %shift_left3A : i32 to vector<16xi32>
        %shift_left3A_790 = arith.shli %and3A_788, %shift_left3A_789 : vector<16xi32>
        %add3A_791 = vector.broadcast %multiple_of3A : i32 to vector<16xi32>
        %add3A_792 = arith.addi %shift_left3A_790, %add3A_791 : vector<16xi32>
        %mul3A_793 = arith.constant 16 : i32
        %mul3A_794 = vector.broadcast %mul3A_793 : i32 to vector<16xi32>
        %mul3A_795 = arith.muli %iota3A, %mul3A_794 : vector<16xi32>
        %add3A_796 = arith.constant 0 : i32
        %add3A_797 = vector.broadcast %add3A_796 : i32 to vector<16xi32>
        %add3A_798 = arith.addi %add3A_797, %mul3A_795 : vector<16xi32>
        %add3A_799 = arith.constant 0 : i32
        %add3A_800 = vector.broadcast %add3A_799 : i32 to vector<16xi32>
        %add3A_801 = arith.addi %add3A_800, %iota3A : vector<16xi32>
        %broadcast_in_dim3A = arith.constant 0.000000e+00 : f32
        %broadcast_in_dim3A_802 = vector.broadcast %broadcast_in_dim3A : f32 to vector<16xf32>
        %add3A_803 = arith.constant 0 : i32
        %add3A_804 = vector.broadcast %add3A_803 : i32 to vector<16xi32>
        %add3A_805 = arith.addi %add3A_798, %add3A_804 : vector<16xi32>
        %gather3A = tpu.vector_load_idx %arg10[%add3A_805, %and3A_785] : memref<768x128xf32, #tpu.memory_space<vmem>>[vector<16xi32>, vector<16xi32>], vector<16xf32>,
        %add3A_806 = arith.constant 0 : i32
        %add3A_807 = vector.broadcast %add3A_806 : i32 to vector<16xi32>
        %add3A_808 = arith.addi %add3A_792, %add3A_807 : vector<16xi32>
        %gather3A_809 = tpu.vector_load_idx %arg11[%add3A_801, %add3A_808] : memref<48x128xf32, #tpu.memory_space<vmem>>[vector<16xi32>, vector<16xi32>], vector<16xf32>,
        %mul3A_810 = arith.mulf %gather3A, %gather3A_809 : vector<16xf32>
        %add3A_811 = arith.addf %broadcast_in_dim3A_802, %mul3A_810 : vector<16xf32>
        %add3A_812 = arith.constant 1 : i32
        %add3A_813 = vector.broadcast %add3A_812 : i32 to vector<16xi32>
        %add3A_814 = arith.addi %add3A_798, %add3A_813 : vector<16xi32>
        %gather3A_815 = tpu.vector_load_idx %arg10[%add3A_814, %and3A_785] : memref<768x128xf32, #tpu.memory_space<vmem>>[vector<16xi32>, vector<16xi32>], vector<16xf32>,
        %add3A_816 = arith.constant 1 : i32
        %add3A_817 = vector.broadcast %add3A_816 : i32 to vector<16xi32>
        %add3A_818 = arith.addi %add3A_792, %add3A_817 : vector<16xi32>
        %gather3A_819 = tpu.vector_load_idx %arg11[%add3A_801, %add3A_818] : memref<48x128xf32, #tpu.memory_space<vmem>>[vector<16xi32>, vector<16xi32>], vector<16xf32>,
        %mul3A_820 = arith.mulf %gather3A_815, %gather3A_819 : vector<16xf32>
        %add3A_821 = arith.addf %add3A_811, %mul3A_820 : vector<16xf32>
        %add3A_822 = arith.constant 2 : i32
        %add3A_823 = vector.broadcast %add3A_822 : i32 to vector<16xi32>
        %add3A_824 = arith.addi %add3A_798, %add3A_823 : vector<16xi32>
        %gather3A_825 = tpu.vector_load_idx %arg10[%add3A_824, %and3A_785] : memref<768x128xf32, #tpu.memory_space<vmem>>[vector<16xi32>, vector<16xi32>], vector<16xf32>,
        %add3A_826 = arith.constant 2 : i32
        %add3A_827 = vector.broadcast %add3A_826 : i32 to vector<16xi32>
        %add3A_828 = arith.addi %add3A_792, %add3A_827 : vector<16xi32>
        %gather3A_829 = tpu.vector_load_idx %arg11[%add3A_801, %add3A_828] : memref<48x128xf32, #tpu.memory_space<vmem>>[vector<16xi32>, vector<16xi32>], vector<16xf32>,
        %mul3A_830 = arith.mulf %gather3A_825, %gather3A_829 : vector<16xf32>
        %add3A_831 = arith.addf %add3A_821, %mul3A_830 : vector<16xf32>
        %add3A_832 = arith.constant 3 : i32
        %add3A_833 = vector.broadcast %add3A_832 : i32 to vector<16xi32>
        %add3A_834 = arith.addi %add3A_798, %add3A_833 : vector<16xi32>
        %gather3A_835 = tpu.vector_load_idx %arg10[%add3A_834, %and3A_785] : memref<768x128xf32, #tpu.memory_space<vmem>>[vector<16xi32>, vector<16xi32>], vector<16xf32>,
        %add3A_836 = arith.constant 3 : i32
        %add3A_837 = vector.broadcast %add3A_836 : i32 to vector<16xi32>
        %add3A_838 = arith.addi %add3A_792, %add3A_837 : vector<16xi32>
        %gather3A_839 = tpu.vector_load_idx %arg11[%add3A_801, %add3A_838] : memref<48x128xf32, #tpu.memory_space<vmem>>[vector<16xi32>, vector<16xi32>], vector<16xf32>,
        %mul3A_840 = arith.mulf %gather3A_835, %gather3A_839 : vector<16xf32>
        %add3A_841 = arith.addf %add3A_831, %mul3A_840 : vector<16xf32>
        %add3A_842 = arith.constant 4 : i32
        %add3A_843 = vector.broadcast %add3A_842 : i32 to vector<16xi32>
        %add3A_844 = arith.addi %add3A_798, %add3A_843 : vector<16xi32>
        %gather3A_845 = tpu.vector_load_idx %arg10[%add3A_844, %and3A_785] : memref<768x128xf32, #tpu.memory_space<vmem>>[vector<16xi32>, vector<16xi32>], vector<16xf32>,
        %add3A_846 = arith.constant 4 : i32
        %add3A_847 = vector.broadcast %add3A_846 : i32 to vector<16xi32>
        %add3A_848 = arith.addi %add3A_792, %add3A_847 : vector<16xi32>
        %gather3A_849 = tpu.vector_load_idx %arg11[%add3A_801, %add3A_848] : memref<48x128xf32, #tpu.memory_space<vmem>>[vector<16xi32>, vector<16xi32>], vector<16xf32>,
        %mul3A_850 = arith.mulf %gather3A_845, %gather3A_849 : vector<16xf32>
        %add3A_851 = arith.addf %add3A_841, %mul3A_850 : vector<16xf32>
        %add3A_852 = arith.constant 5 : i32
        %add3A_853 = vector.broadcast %add3A_852 : i32 to vector<16xi32>
        %add3A_854 = arith.addi %add3A_798, %add3A_853 : vector<16xi32>
        %gather3A_855 = tpu.vector_load_idx %arg10[%add3A_854, %and3A_785] : memref<768x128xf32, #tpu.memory_space<vmem>>[vector<16xi32>, vector<16xi32>], vector<16xf32>,
        %add3A_856 = arith.constant 5 : i32
        %add3A_857 = vector.broadcast %add3A_856 : i32 to vector<16xi32>
        %add3A_858 = arith.addi %add3A_792, %add3A_857 : vector<16xi32>
        %gather3A_859 = tpu.vector_load_idx %arg11[%add3A_801, %add3A_858] : memref<48x128xf32, #tpu.memory_space<vmem>>[vector<16xi32>, vector<16xi32>], vector<16xf32>,
        %mul3A_860 = arith.mulf %gather3A_855, %gather3A_859 : vector<16xf32>
        %add3A_861 = arith.addf %add3A_851, %mul3A_860 : vector<16xf32>
        %add3A_862 = arith.constant 6 : i32
        %add3A_863 = vector.broadcast %add3A_862 : i32 to vector<16xi32>
        %add3A_864 = arith.addi %add3A_798, %add3A_863 : vector<16xi32>
        %gather3A_865 = tpu.vector_load_idx %arg10[%add3A_864, %and3A_785] : memref<768x128xf32, #tpu.memory_space<vmem>>[vector<16xi32>, vector<16xi32>], vector<16xf32>,
        %add3A_866 = arith.constant 6 : i32
        %add3A_867 = vector.broadcast %add3A_866 : i32 to vector<16xi32>
        %add3A_868 = arith.addi %add3A_792, %add3A_867 : vector<16xi32>
        %gather3A_869 = tpu.vector_load_idx %arg11[%add3A_801, %add3A_868] : memref<48x128xf32, #tpu.memory_space<vmem>>[vector<16xi32>, vector<16xi32>], vector<16xf32>,
        %mul3A_870 = arith.mulf %gather3A_865, %gather3A_869 : vector<16xf32>
        %add3A_871 = arith.addf %add3A_861, %mul3A_870 : vector<16xf32>
        %add3A_872 = arith.constant 7 : i32
        %add3A_873 = vector.broadcast %add3A_872 : i32 to vector<16xi32>
        %add3A_874 = arith.addi %add3A_798, %add3A_873 : vector<16xi32>
        %gather3A_875 = tpu.vector_load_idx %arg10[%add3A_874, %and3A_785] : memref<768x128xf32, #tpu.memory_space<vmem>>[vector<16xi32>, vector<16xi32>], vector<16xf32>,
        %add3A_876 = arith.constant 7 : i32
        %add3A_877 = vector.broadcast %add3A_876 : i32 to vector<16xi32>
        %add3A_878 = arith.addi %add3A_792, %add3A_877 : vector<16xi32>
        %gather3A_879 = tpu.vector_load_idx %arg11[%add3A_801, %add3A_878] : memref<48x128xf32, #tpu.memory_space<vmem>>[vector<16xi32>, vector<16xi32>], vector<16xf32>,
        %mul3A_880 = arith.mulf %gather3A_875, %gather3A_879 : vector<16xf32>
        %add3A_881 = arith.addf %add3A_871, %mul3A_880 : vector<16xf32>
        %add3A_882 = arith.constant 8 : i32
        %add3A_883 = vector.broadcast %add3A_882 : i32 to vector<16xi32>
        %add3A_884 = arith.addi %add3A_798, %add3A_883 : vector<16xi32>
        %gather3A_885 = tpu.vector_load_idx %arg10[%add3A_884, %and3A_785] : memref<768x128xf32, #tpu.memory_space<vmem>>[vector<16xi32>, vector<16xi32>], vector<16xf32>,
        %add3A_886 = arith.constant 8 : i32
        %add3A_887 = vector.broadcast %add3A_886 : i32 to vector<16xi32>
        %add3A_888 = arith.addi %add3A_792, %add3A_887 : vector<16xi32>
        %gather3A_889 = tpu.vector_load_idx %arg11[%add3A_801, %add3A_888] : memref<48x128xf32, #tpu.memory_space<vmem>>[vector<16xi32>, vector<16xi32>], vector<16xf32>,
        %mul3A_890 = arith.mulf %gather3A_885, %gather3A_889 : vector<16xf32>
        %add3A_891 = arith.addf %add3A_881, %mul3A_890 : vector<16xf32>
        %add3A_892 = arith.constant 9 : i32
        %add3A_893 = vector.broadcast %add3A_892 : i32 to vector<16xi32>
        %add3A_894 = arith.addi %add3A_798, %add3A_893 : vector<16xi32>
        %gather3A_895 = tpu.vector_load_idx %arg10[%add3A_894, %and3A_785] : memref<768x128xf32, #tpu.memory_space<vmem>>[vector<16xi32>, vector<16xi32>], vector<16xf32>,
        %add3A_896 = arith.constant 9 : i32
        %add3A_897 = vector.broadcast %add3A_896 : i32 to vector<16xi32>
        %add3A_898 = arith.addi %add3A_792, %add3A_897 : vector<16xi32>
        %gather3A_899 = tpu.vector_load_idx %arg11[%add3A_801, %add3A_898] : memref<48x128xf32, #tpu.memory_space<vmem>>[vector<16xi32>, vector<16xi32>], vector<16xf32>,
        %mul3A_900 = arith.mulf %gather3A_895, %gather3A_899 : vector<16xf32>
        %add3A_901 = arith.addf %add3A_891, %mul3A_900 : vector<16xf32>
        %add3A_902 = arith.constant 10 : i32
        %add3A_903 = vector.broadcast %add3A_902 : i32 to vector<16xi32>
        %add3A_904 = arith.addi %add3A_798, %add3A_903 : vector<16xi32>
        %gather3A_905 = tpu.vector_load_idx %arg10[%add3A_904, %and3A_785] : memref<768x128xf32, #tpu.memory_space<vmem>>[vector<16xi32>, vector<16xi32>], vector<16xf32>,
        %add3A_906 = arith.constant 10 : i32
        %add3A_907 = vector.broadcast %add3A_906 : i32 to vector<16xi32>
        %add3A_908 = arith.addi %add3A_792, %add3A_907 : vector<16xi32>
        %gather3A_909 = tpu.vector_load_idx %arg11[%add3A_801, %add3A_908] : memref<48x128xf32, #tpu.memory_space<vmem>>[vector<16xi32>, vector<16xi32>], vector<16xf32>,
        %mul3A_910 = arith.mulf %gather3A_905, %gather3A_909 : vector<16xf32>
        %add3A_911 = arith.addf %add3A_901, %mul3A_910 : vector<16xf32>
        %add3A_912 = arith.constant 11 : i32
        %add3A_913 = vector.broadcast %add3A_912 : i32 to vector<16xi32>
        %add3A_914 = arith.addi %add3A_798, %add3A_913 : vector<16xi32>
        %gather3A_915 = tpu.vector_load_idx %arg10[%add3A_914, %and3A_785] : memref<768x128xf32, #tpu.memory_space<vmem>>[vector<16xi32>, vector<16xi32>], vector<16xf32>,
        %add3A_916 = arith.constant 11 : i32
        %add3A_917 = vector.broadcast %add3A_916 : i32 to vector<16xi32>
        %add3A_918 = arith.addi %add3A_792, %add3A_917 : vector<16xi32>
        %gather3A_919 = tpu.vector_load_idx %arg11[%add3A_801, %add3A_918] : memref<48x128xf32, #tpu.memory_space<vmem>>[vector<16xi32>, vector<16xi32>], vector<16xf32>,
        %mul3A_920 = arith.mulf %gather3A_915, %gather3A_919 : vector<16xf32>
        %add3A_921 = arith.addf %add3A_911, %mul3A_920 : vector<16xf32>
        %add3A_922 = arith.constant 12 : i32
        %add3A_923 = vector.broadcast %add3A_922 : i32 to vector<16xi32>
        %add3A_924 = arith.addi %add3A_798, %add3A_923 : vector<16xi32>
        %gather3A_925 = tpu.vector_load_idx %arg10[%add3A_924, %and3A_785] : memref<768x128xf32, #tpu.memory_space<vmem>>[vector<16xi32>, vector<16xi32>], vector<16xf32>,
        %add3A_926 = arith.constant 12 : i32
        %add3A_927 = vector.broadcast %add3A_926 : i32 to vector<16xi32>
        %add3A_928 = arith.addi %add3A_792, %add3A_927 : vector<16xi32>
        %gather3A_929 = tpu.vector_load_idx %arg11[%add3A_801, %add3A_928] : memref<48x128xf32, #tpu.memory_space<vmem>>[vector<16xi32>, vector<16xi32>], vector<16xf32>,
        %mul3A_930 = arith.mulf %gather3A_925, %gather3A_929 : vector<16xf32>
        %add3A_931 = arith.addf %add3A_921, %mul3A_930 : vector<16xf32>
        %add3A_932 = arith.constant 13 : i32
        %add3A_933 = vector.broadcast %add3A_932 : i32 to vector<16xi32>
        %add3A_934 = arith.addi %add3A_798, %add3A_933 : vector<16xi32>
        %gather3A_935 = tpu.vector_load_idx %arg10[%add3A_934, %and3A_785] : memref<768x128xf32, #tpu.memory_space<vmem>>[vector<16xi32>, vector<16xi32>], vector<16xf32>,
        %add3A_936 = arith.constant 13 : i32
        %add3A_937 = vector.broadcast %add3A_936 : i32 to vector<16xi32>
        %add3A_938 = arith.addi %add3A_792, %add3A_937 : vector<16xi32>
        %gather3A_939 = tpu.vector_load_idx %arg11[%add3A_801, %add3A_938] : memref<48x128xf32, #tpu.memory_space<vmem>>[vector<16xi32>, vector<16xi32>], vector<16xf32>,
        %mul3A_940 = arith.mulf %gather3A_935, %gather3A_939 : vector<16xf32>
        %add3A_941 = arith.addf %add3A_931, %mul3A_940 : vector<16xf32>
        %add3A_942 = arith.constant 14 : i32
        %add3A_943 = vector.broadcast %add3A_942 : i32 to vector<16xi32>
        %add3A_944 = arith.addi %add3A_798, %add3A_943 : vector<16xi32>
        %gather3A_945 = tpu.vector_load_idx %arg10[%add3A_944, %and3A_785] : memref<768x128xf32, #tpu.memory_space<vmem>>[vector<16xi32>, vector<16xi32>], vector<16xf32>,
        %add3A_946 = arith.constant 14 : i32
        %add3A_947 = vector.broadcast %add3A_946 : i32 to vector<16xi32>
        %add3A_948 = arith.addi %add3A_792, %add3A_947 : vector<16xi32>
        %gather3A_949 = tpu.vector_load_idx %arg11[%add3A_801, %add3A_948] : memref<48x128xf32, #tpu.memory_space<vmem>>[vector<16xi32>, vector<16xi32>], vector<16xf32>,
        %mul3A_950 = arith.mulf %gather3A_945, %gather3A_949 : vector<16xf32>
        %add3A_951 = arith.addf %add3A_941, %mul3A_950 : vector<16xf32>
        %add3A_952 = arith.constant 15 : i32
        %add3A_953 = vector.broadcast %add3A_952 : i32 to vector<16xi32>
        %add3A_954 = arith.addi %add3A_798, %add3A_953 : vector<16xi32>
        %gather3A_955 = tpu.vector_load_idx %arg10[%add3A_954, %and3A_785] : memref<768x128xf32, #tpu.memory_space<vmem>>[vector<16xi32>, vector<16xi32>], vector<16xf32>,
        %add3A_956 = arith.constant 15 : i32
        %add3A_957 = vector.broadcast %add3A_956 : i32 to vector<16xi32>
        %add3A_958 = arith.addi %add3A_792, %add3A_957 : vector<16xi32>
        %gather3A_959 = tpu.vector_load_idx %arg11[%add3A_801, %add3A_958] : memref<48x128xf32, #tpu.memory_space<vmem>>[vector<16xi32>, vector<16xi32>], vector<16xf32>,
        %mul3A_960 = arith.mulf %gather3A_955, %gather3A_959 : vector<16xf32>
        %add3A_961 = arith.addf %add3A_951, %mul3A_960 : vector<16xf32>
        %mul3A_962 = arith.constant 16 : i32
        %mul3A_963 = arith.muli %scan3A_593, %mul3A_962 : i32
        %swap3A = arith.index_cast %mul3A_963 : i32 to index
        %swap3A_964 = tpu.vector_load %arg12[%swap3A] {strides = array<i32>} : memref<1024xf32, #tpu.memory_space<vmem>>, vector<16xf32>,
        tpu.vector_store %arg12[%swap3A], %add3A_961 {strides = array<i32>} : memref<1024xf32, #tpu.memory_space<vmem>>, vector<16xf32>,
        %add3A_965 = arith.constant 3 : i32
        %add3A_966 = arith.addi %scan3A_593, %add3A_965 : i32
        %lt3A = arith.constant 64 : i32
        %lt3A_967 = arith.cmpi slt, %add3A_966, %lt3A : i32
        %convert_element_type3A_968 = arith.extui %lt3A_967 : i1 to i32
        %cond3A_969 = arith.constant 0 : i32
        %cond3A_970 = arith.cmpi ne, %convert_element_type3A_968, %cond3A_969 : i32
        scf.if %cond3A_970 {
          %add3A_971 = arith.constant 3 : i32
          %add3A_972 = arith.addi %scan3A_593, %add3A_971 : i32
          %mul3A_973 = arith.constant 16 : i32
          %mul3A_974 = arith.muli %add3A_972, %mul3A_973 : i32
          %get3A_975 = arith.index_cast %mul3A_974 : i32 to index
          %get3A_976 = tpu.vector_load %arg7[%get3A_975] {strides = array<i32>} : memref<1024xi32, #tpu.memory_space<vmem>>, vector<16xi32>,
          %and3A_977 = arith.constant -128 : i32
          %and3A_978 = vector.broadcast %and3A_977 : i32 to vector<16xi32>
          %and3A_979 = arith.andi %get3A_976, %and3A_978 : vector<16xi32>
          %slice3A_980 = vector.extract_strided_slice %and3A_979 {offsets = [0], sizes = [1], strides = [1]} : vector<16xi32> to vector<1xi32>
          %squeeze3A_981 = vector.extract %slice3A_980[0] : i32 from vector<1xi32>
          %multiple_of3A_982 = tpu.assume_multiple %squeeze3A_981, 128 : i32
          %dma_start3A_983 = arith.constant 0 : i32
          %dma_start3A_984 = arith.constant 0 : i32
          %dma_start3A_985 = tpu.memref_slice %arg10[%dma_start3A_983, %dma_start3A_984] : memref<768x128xf32, #tpu.memory_space<vmem>> -> memref<16x128xf32, #tpu.memory_space<vmem>>
          %dma_start3A_986 = tpu.memref_slice %arg4[%multiple_of3A, %multiple_of3A_982] : memref<32x1000000xf32, #tpu.memory_space<hbm>> -> memref<16x128xf32, #tpu.memory_space<hbm>>
          %dma_start3A_987 = arith.constant 0 : i32
          %dma_start3A_988 = arith.constant 0 : i32
          %dma_start3A_989 = tpu.memref_slice %arg10[%dma_start3A_987, %dma_start3A_988] : memref<768x128xf32, #tpu.memory_space<vmem>> -> memref<16x128xf32, #tpu.memory_space<vmem>>
          %dma_start3A_990 = tpu.memref_slice %arg4[%multiple_of3A, %multiple_of3A_982] : memref<32x1000000xf32, #tpu.memory_space<hbm>> -> memref<16x128xf32, #tpu.memory_space<hbm>>
          tpu.enqueue_dma source(%dma_start3A_990 : memref<16x128xf32, #tpu.memory_space<hbm>>) target(%dma_start3A_989 : memref<16x128xf32, #tpu.memory_space<vmem>>) target_semaphore(%arg13 : memref<!tpu.dma_semaphore, #tpu.memory_space<semaphore_mem>>)
          %slice3A_991 = vector.extract_strided_slice %and3A_979 {offsets = [1], sizes = [1], strides = [1]} : vector<16xi32> to vector<1xi32>
          %squeeze3A_992 = vector.extract %slice3A_991[0] : i32 from vector<1xi32>
          %multiple_of3A_993 = tpu.assume_multiple %squeeze3A_992, 128 : i32
          %dma_start3A_994 = arith.constant 16 : i32
          %dma_start3A_995 = arith.constant 0 : i32
          %dma_start3A_996 = tpu.memref_slice %arg10[%dma_start3A_994, %dma_start3A_995] : memref<768x128xf32, #tpu.memory_space<vmem>> -> memref<16x128xf32, #tpu.memory_space<vmem>>
          %dma_start3A_997 = tpu.memref_slice %arg4[%multiple_of3A, %multiple_of3A_993] : memref<32x1000000xf32, #tpu.memory_space<hbm>> -> memref<16x128xf32, #tpu.memory_space<hbm>>
          %dma_start3A_998 = arith.constant 16 : i32
          %dma_start3A_999 = arith.constant 0 : i32
          %dma_start3A_1000 = tpu.memref_slice %arg10[%dma_start3A_998, %dma_start3A_999] : memref<768x128xf32, #tpu.memory_space<vmem>> -> memref<16x128xf32, #tpu.memory_space<vmem>>
          %dma_start3A_1001 = tpu.memref_slice %arg4[%multiple_of3A, %multiple_of3A_993] : memref<32x1000000xf32, #tpu.memory_space<hbm>> -> memref<16x128xf32, #tpu.memory_space<hbm>>
          tpu.enqueue_dma source(%dma_start3A_1001 : memref<16x128xf32, #tpu.memory_space<hbm>>) target(%dma_start3A_1000 : memref<16x128xf32, #tpu.memory_space<vmem>>) target_semaphore(%arg13 : memref<!tpu.dma_semaphore, #tpu.memory_space<semaphore_mem>>)
          %slice3A_1002 = vector.extract_strided_slice %and3A_979 {offsets = [2], sizes = [1], strides = [1]} : vector<16xi32> to vector<1xi32>
          %squeeze3A_1003 = vector.extract %slice3A_1002[0] : i32 from vector<1xi32>
          %multiple_of3A_1004 = tpu.assume_multiple %squeeze3A_1003, 128 : i32
          %dma_start3A_1005 = arith.constant 32 : i32
          %dma_start3A_1006 = arith.constant 0 : i32
          %dma_start3A_1007 = tpu.memref_slice %arg10[%dma_start3A_1005, %dma_start3A_1006] : memref<768x128xf32, #tpu.memory_space<vmem>> -> memref<16x128xf32, #tpu.memory_space<vmem>>
          %dma_start3A_1008 = tpu.memref_slice %arg4[%multiple_of3A, %multiple_of3A_1004] : memref<32x1000000xf32, #tpu.memory_space<hbm>> -> memref<16x128xf32, #tpu.memory_space<hbm>>
          %dma_start3A_1009 = arith.constant 32 : i32
          %dma_start3A_1010 = arith.constant 0 : i32
          %dma_start3A_1011 = tpu.memref_slice %arg10[%dma_start3A_1009, %dma_start3A_1010] : memref<768x128xf32, #tpu.memory_space<vmem>> -> memref<16x128xf32, #tpu.memory_space<vmem>>
          %dma_start3A_1012 = tpu.memref_slice %arg4[%multiple_of3A, %multiple_of3A_1004] : memref<32x1000000xf32, #tpu.memory_space<hbm>> -> memref<16x128xf32, #tpu.memory_space<hbm>>
          tpu.enqueue_dma source(%dma_start3A_1012 : memref<16x128xf32, #tpu.memory_space<hbm>>) target(%dma_start3A_1011 : memref<16x128xf32, #tpu.memory_space<vmem>>) target_semaphore(%arg13 : memref<!tpu.dma_semaphore, #tpu.memory_space<semaphore_mem>>)
          %slice3A_1013 = vector.extract_strided_slice %and3A_979 {offsets = [3], sizes = [1], strides = [1]} : vector<16xi32> to vector<1xi32>
          %squeeze3A_1014 = vector.extract %slice3A_1013[0] : i32 from vector<1xi32>
          %multiple_of3A_1015 = tpu.assume_multiple %squeeze3A_1014, 128 : i32
          %dma_start3A_1016 = arith.constant 48 : i32
          %dma_start3A_1017 = arith.constant 0 : i32
          %dma_start3A_1018 = tpu.memref_slice %arg10[%dma_start3A_1016, %dma_start3A_1017] : memref<768x128xf32, #tpu.memory_space<vmem>> -> memref<16x128xf32, #tpu.memory_space<vmem>>
          %dma_start3A_1019 = tpu.memref_slice %arg4[%multiple_of3A, %multiple_of3A_1015] : memref<32x1000000xf32, #tpu.memory_space<hbm>> -> memref<16x128xf32, #tpu.memory_space<hbm>>
          %dma_start3A_1020 = arith.constant 48 : i32
          %dma_start3A_1021 = arith.constant 0 : i32
          %dma_start3A_1022 = tpu.memref_slice %arg10[%dma_start3A_1020, %dma_start3A_1021] : memref<768x128xf32, #tpu.memory_space<vmem>> -> memref<16x128xf32, #tpu.memory_space<vmem>>
          %dma_start3A_1023 = tpu.memref_slice %arg4[%multiple_of3A, %multiple_of3A_1015] : memref<32x1000000xf32, #tpu.memory_space<hbm>> -> memref<16x128xf32, #tpu.memory_space<hbm>>
          tpu.enqueue_dma source(%dma_start3A_1023 : memref<16x128xf32, #tpu.memory_space<hbm>>) target(%dma_start3A_1022 : memref<16x128xf32, #tpu.memory_space<vmem>>) target_semaphore(%arg13 : memref<!tpu.dma_semaphore, #tpu.memory_space<semaphore_mem>>)
          %slice3A_1024 = vector.extract_strided_slice %and3A_979 {offsets = [4], sizes = [1], strides = [1]} : vector<16xi32> to vector<1xi32>
          %squeeze3A_1025 = vector.extract %slice3A_1024[0] : i32 from vector<1xi32>
          %multiple_of3A_1026 = tpu.assume_multiple %squeeze3A_1025, 128 : i32
          %dma_start3A_1027 = arith.constant 64 : i32
          %dma_start3A_1028 = arith.constant 0 : i32
          %dma_start3A_1029 = tpu.memref_slice %arg10[%dma_start3A_1027, %dma_start3A_1028] : memref<768x128xf32, #tpu.memory_space<vmem>> -> memref<16x128xf32, #tpu.memory_space<vmem>>
          %dma_start3A_1030 = tpu.memref_slice %arg4[%multiple_of3A, %multiple_of3A_1026] : memref<32x1000000xf32, #tpu.memory_space<hbm>> -> memref<16x128xf32, #tpu.memory_space<hbm>>
          %dma_start3A_1031 = arith.constant 64 : i32
          %dma_start3A_1032 = arith.constant 0 : i32
          %dma_start3A_1033 = tpu.memref_slice %arg10[%dma_start3A_1031, %dma_start3A_1032] : memref<768x128xf32, #tpu.memory_space<vmem>> -> memref<16x128xf32, #tpu.memory_space<vmem>>
          %dma_start3A_1034 = tpu.memref_slice %arg4[%multiple_of3A, %multiple_of3A_1026] : memref<32x1000000xf32, #tpu.memory_space<hbm>> -> memref<16x128xf32, #tpu.memory_space<hbm>>
          tpu.enqueue_dma source(%dma_start3A_1034 : memref<16x128xf32, #tpu.memory_space<hbm>>) target(%dma_start3A_1033 : memref<16x128xf32, #tpu.memory_space<vmem>>) target_semaphore(%arg13 : memref<!tpu.dma_semaphore, #tpu.memory_space<semaphore_mem>>)
          %slice3A_1035 = vector.extract_strided_slice %and3A_979 {offsets = [5], sizes = [1], strides = [1]} : vector<16xi32> to vector<1xi32>
          %squeeze3A_1036 = vector.extract %slice3A_1035[0] : i32 from vector<1xi32>
          %multiple_of3A_1037 = tpu.assume_multiple %squeeze3A_1036, 128 : i32
          %dma_start3A_1038 = arith.constant 80 : i32
          %dma_start3A_1039 = arith.constant 0 : i32
          %dma_start3A_1040 = tpu.memref_slice %arg10[%dma_start3A_1038, %dma_start3A_1039] : memref<768x128xf32, #tpu.memory_space<vmem>> -> memref<16x128xf32, #tpu.memory_space<vmem>>
          %dma_start3A_1041 = tpu.memref_slice %arg4[%multiple_of3A, %multiple_of3A_1037] : memref<32x1000000xf32, #tpu.memory_space<hbm>> -> memref<16x128xf32, #tpu.memory_space<hbm>>
          %dma_start3A_1042 = arith.constant 80 : i32
          %dma_start3A_1043 = arith.constant 0 : i32
          %dma_start3A_1044 = tpu.memref_slice %arg10[%dma_start3A_1042, %dma_start3A_1043] : memref<768x128xf32, #tpu.memory_space<vmem>> -> memref<16x128xf32, #tpu.memory_space<vmem>>
          %dma_start3A_1045 = tpu.memref_slice %arg4[%multiple_of3A, %multiple_of3A_1037] : memref<32x1000000xf32, #tpu.memory_space<hbm>> -> memref<16x128xf32, #tpu.memory_space<hbm>>
          tpu.enqueue_dma source(%dma_start3A_1045 : memref<16x128xf32, #tpu.memory_space<hbm>>) target(%dma_start3A_1044 : memref<16x128xf32, #tpu.memory_space<vmem>>) target_semaphore(%arg13 : memref<!tpu.dma_semaphore, #tpu.memory_space<semaphore_mem>>)
          %slice3A_1046 = vector.extract_strided_slice %and3A_979 {offsets = [6], sizes = [1], strides = [1]} : vector<16xi32> to vector<1xi32>
          %squeeze3A_1047 = vector.extract %slice3A_1046[0] : i32 from vector<1xi32>
          %multiple_of3A_1048 = tpu.assume_multiple %squeeze3A_1047, 128 : i32
          %dma_start3A_1049 = arith.constant 96 : i32
          %dma_start3A_1050 = arith.constant 0 : i32
          %dma_start3A_1051 = tpu.memref_slice %arg10[%dma_start3A_1049, %dma_start3A_1050] : memref<768x128xf32, #tpu.memory_space<vmem>> -> memref<16x128xf32, #tpu.memory_space<vmem>>
          %dma_start3A_1052 = tpu.memref_slice %arg4[%multiple_of3A, %multiple_of3A_1048] : memref<32x1000000xf32, #tpu.memory_space<hbm>> -> memref<16x128xf32, #tpu.memory_space<hbm>>
          %dma_start3A_1053 = arith.constant 96 : i32
          %dma_start3A_1054 = arith.constant 0 : i32
          %dma_start3A_1055 = tpu.memref_slice %arg10[%dma_start3A_1053, %dma_start3A_1054] : memref<768x128xf32, #tpu.memory_space<vmem>> -> memref<16x128xf32, #tpu.memory_space<vmem>>
          %dma_start3A_1056 = tpu.memref_slice %arg4[%multiple_of3A, %multiple_of3A_1048] : memref<32x1000000xf32, #tpu.memory_space<hbm>> -> memref<16x128xf32, #tpu.memory_space<hbm>>
          tpu.enqueue_dma source(%dma_start3A_1056 : memref<16x128xf32, #tpu.memory_space<hbm>>) target(%dma_start3A_1055 : memref<16x128xf32, #tpu.memory_space<vmem>>) target_semaphore(%arg13 : memref<!tpu.dma_semaphore, #tpu.memory_space<semaphore_mem>>)
          %slice3A_1057 = vector.extract_strided_slice %and3A_979 {offsets = [7], sizes = [1], strides = [1]} : vector<16xi32> to vector<1xi32>
          %squeeze3A_1058 = vector.extract %slice3A_1057[0] : i32 from vector<1xi32>
          %multiple_of3A_1059 = tpu.assume_multiple %squeeze3A_1058, 128 : i32
          %dma_start3A_1060 = arith.constant 112 : i32
          %dma_start3A_1061 = arith.constant 0 : i32
          %dma_start3A_1062 = tpu.memref_slice %arg10[%dma_start3A_1060, %dma_start3A_1061] : memref<768x128xf32, #tpu.memory_space<vmem>> -> memref<16x128xf32, #tpu.memory_space<vmem>>
          %dma_start3A_1063 = tpu.memref_slice %arg4[%multiple_of3A, %multiple_of3A_1059] : memref<32x1000000xf32, #tpu.memory_space<hbm>> -> memref<16x128xf32, #tpu.memory_space<hbm>>
          %dma_start3A_1064 = arith.constant 112 : i32
          %dma_start3A_1065 = arith.constant 0 : i32
          %dma_start3A_1066 = tpu.memref_slice %arg10[%dma_start3A_1064, %dma_start3A_1065] : memref<768x128xf32, #tpu.memory_space<vmem>> -> memref<16x128xf32, #tpu.memory_space<vmem>>
          %dma_start3A_1067 = tpu.memref_slice %arg4[%multiple_of3A, %multiple_of3A_1059] : memref<32x1000000xf32, #tpu.memory_space<hbm>> -> memref<16x128xf32, #tpu.memory_space<hbm>>
          tpu.enqueue_dma source(%dma_start3A_1067 : memref<16x128xf32, #tpu.memory_space<hbm>>) target(%dma_start3A_1066 : memref<16x128xf32, #tpu.memory_space<vmem>>) target_semaphore(%arg13 : memref<!tpu.dma_semaphore, #tpu.memory_space<semaphore_mem>>)
          %slice3A_1068 = vector.extract_strided_slice %and3A_979 {offsets = [8], sizes = [1], strides = [1]} : vector<16xi32> to vector<1xi32>
          %squeeze3A_1069 = vector.extract %slice3A_1068[0] : i32 from vector<1xi32>
          %multiple_of3A_1070 = tpu.assume_multiple %squeeze3A_1069, 128 : i32
          %dma_start3A_1071 = arith.constant 128 : i32
          %dma_start3A_1072 = arith.constant 0 : i32
          %dma_start3A_1073 = tpu.memref_slice %arg10[%dma_start3A_1071, %dma_start3A_1072] : memref<768x128xf32, #tpu.memory_space<vmem>> -> memref<16x128xf32, #tpu.memory_space<vmem>>
          %dma_start3A_1074 = tpu.memref_slice %arg4[%multiple_of3A, %multiple_of3A_1070] : memref<32x1000000xf32, #tpu.memory_space<hbm>> -> memref<16x128xf32, #tpu.memory_space<hbm>>
          %dma_start3A_1075 = arith.constant 128 : i32
          %dma_start3A_1076 = arith.constant 0 : i32
          %dma_start3A_1077 = tpu.memref_slice %arg10[%dma_start3A_1075, %dma_start3A_1076] : memref<768x128xf32, #tpu.memory_space<vmem>> -> memref<16x128xf32, #tpu.memory_space<vmem>>
          %dma_start3A_1078 = tpu.memref_slice %arg4[%multiple_of3A, %multiple_of3A_1070] : memref<32x1000000xf32, #tpu.memory_space<hbm>> -> memref<16x128xf32, #tpu.memory_space<hbm>>
          tpu.enqueue_dma source(%dma_start3A_1078 : memref<16x128xf32, #tpu.memory_space<hbm>>) target(%dma_start3A_1077 : memref<16x128xf32, #tpu.memory_space<vmem>>) target_semaphore(%arg13 : memref<!tpu.dma_semaphore, #tpu.memory_space<semaphore_mem>>)
          %slice3A_1079 = vector.extract_strided_slice %and3A_979 {offsets = [9], sizes = [1], strides = [1]} : vector<16xi32> to vector<1xi32>
          %squeeze3A_1080 = vector.extract %slice3A_1079[0] : i32 from vector<1xi32>
          %multiple_of3A_1081 = tpu.assume_multiple %squeeze3A_1080, 128 : i32
          %dma_start3A_1082 = arith.constant 144 : i32
          %dma_start3A_1083 = arith.constant 0 : i32
          %dma_start3A_1084 = tpu.memref_slice %arg10[%dma_start3A_1082, %dma_start3A_1083] : memref<768x128xf32, #tpu.memory_space<vmem>> -> memref<16x128xf32, #tpu.memory_space<vmem>>
          %dma_start3A_1085 = tpu.memref_slice %arg4[%multiple_of3A, %multiple_of3A_1081] : memref<32x1000000xf32, #tpu.memory_space<hbm>> -> memref<16x128xf32, #tpu.memory_space<hbm>>
          %dma_start3A_1086 = arith.constant 144 : i32
          %dma_start3A_1087 = arith.constant 0 : i32
          %dma_start3A_1088 = tpu.memref_slice %arg10[%dma_start3A_1086, %dma_start3A_1087] : memref<768x128xf32, #tpu.memory_space<vmem>> -> memref<16x128xf32, #tpu.memory_space<vmem>>
          %dma_start3A_1089 = tpu.memref_slice %arg4[%multiple_of3A, %multiple_of3A_1081] : memref<32x1000000xf32, #tpu.memory_space<hbm>> -> memref<16x128xf32, #tpu.memory_space<hbm>>
          tpu.enqueue_dma source(%dma_start3A_1089 : memref<16x128xf32, #tpu.memory_space<hbm>>) target(%dma_start3A_1088 : memref<16x128xf32, #tpu.memory_space<vmem>>) target_semaphore(%arg13 : memref<!tpu.dma_semaphore, #tpu.memory_space<semaphore_mem>>)
          %slice3A_1090 = vector.extract_strided_slice %and3A_979 {offsets = [10], sizes = [1], strides = [1]} : vector<16xi32> to vector<1xi32>
          %squeeze3A_1091 = vector.extract %slice3A_1090[0] : i32 from vector<1xi32>
          %multiple_of3A_1092 = tpu.assume_multiple %squeeze3A_1091, 128 : i32
          %dma_start3A_1093 = arith.constant 160 : i32
          %dma_start3A_1094 = arith.constant 0 : i32
          %dma_start3A_1095 = tpu.memref_slice %arg10[%dma_start3A_1093, %dma_start3A_1094] : memref<768x128xf32, #tpu.memory_space<vmem>> -> memref<16x128xf32, #tpu.memory_space<vmem>>
          %dma_start3A_1096 = tpu.memref_slice %arg4[%multiple_of3A, %multiple_of3A_1092] : memref<32x1000000xf32, #tpu.memory_space<hbm>> -> memref<16x128xf32, #tpu.memory_space<hbm>>
          %dma_start3A_1097 = arith.constant 160 : i32
          %dma_start3A_1098 = arith.constant 0 : i32
          %dma_start3A_1099 = tpu.memref_slice %arg10[%dma_start3A_1097, %dma_start3A_1098] : memref<768x128xf32, #tpu.memory_space<vmem>> -> memref<16x128xf32, #tpu.memory_space<vmem>>
          %dma_start3A_1100 = tpu.memref_slice %arg4[%multiple_of3A, %multiple_of3A_1092] : memref<32x1000000xf32, #tpu.memory_space<hbm>> -> memref<16x128xf32, #tpu.memory_space<hbm>>
          tpu.enqueue_dma source(%dma_start3A_1100 : memref<16x128xf32, #tpu.memory_space<hbm>>) target(%dma_start3A_1099 : memref<16x128xf32, #tpu.memory_space<vmem>>) target_semaphore(%arg13 : memref<!tpu.dma_semaphore, #tpu.memory_space<semaphore_mem>>)
          %slice3A_1101 = vector.extract_strided_slice %and3A_979 {offsets = [11], sizes = [1], strides = [1]} : vector<16xi32> to vector<1xi32>
          %squeeze3A_1102 = vector.extract %slice3A_1101[0] : i32 from vector<1xi32>
          %multiple_of3A_1103 = tpu.assume_multiple %squeeze3A_1102, 128 : i32
          %dma_start3A_1104 = arith.constant 176 : i32
          %dma_start3A_1105 = arith.constant 0 : i32
          %dma_start3A_1106 = tpu.memref_slice %arg10[%dma_start3A_1104, %dma_start3A_1105] : memref<768x128xf32, #tpu.memory_space<vmem>> -> memref<16x128xf32, #tpu.memory_space<vmem>>
          %dma_start3A_1107 = tpu.memref_slice %arg4[%multiple_of3A, %multiple_of3A_1103] : memref<32x1000000xf32, #tpu.memory_space<hbm>> -> memref<16x128xf32, #tpu.memory_space<hbm>>
          %dma_start3A_1108 = arith.constant 176 : i32
          %dma_start3A_1109 = arith.constant 0 : i32
          %dma_start3A_1110 = tpu.memref_slice %arg10[%dma_start3A_1108, %dma_start3A_1109] : memref<768x128xf32, #tpu.memory_space<vmem>> -> memref<16x128xf32, #tpu.memory_space<vmem>>
          %dma_start3A_1111 = tpu.memref_slice %arg4[%multiple_of3A, %multiple_of3A_1103] : memref<32x1000000xf32, #tpu.memory_space<hbm>> -> memref<16x128xf32, #tpu.memory_space<hbm>>
          tpu.enqueue_dma source(%dma_start3A_1111 : memref<16x128xf32, #tpu.memory_space<hbm>>) target(%dma_start3A_1110 : memref<16x128xf32, #tpu.memory_space<vmem>>) target_semaphore(%arg13 : memref<!tpu.dma_semaphore, #tpu.memory_space<semaphore_mem>>)
          %slice3A_1112 = vector.extract_strided_slice %and3A_979 {offsets = [12], sizes = [1], strides = [1]} : vector<16xi32> to vector<1xi32>
          %squeeze3A_1113 = vector.extract %slice3A_1112[0] : i32 from vector<1xi32>
          %multiple_of3A_1114 = tpu.assume_multiple %squeeze3A_1113, 128 : i32
          %dma_start3A_1115 = arith.constant 192 : i32
          %dma_start3A_1116 = arith.constant 0 : i32
          %dma_start3A_1117 = tpu.memref_slice %arg10[%dma_start3A_1115, %dma_start3A_1116] : memref<768x128xf32, #tpu.memory_space<vmem>> -> memref<16x128xf32, #tpu.memory_space<vmem>>
          %dma_start3A_1118 = tpu.memref_slice %arg4[%multiple_of3A, %multiple_of3A_1114] : memref<32x1000000xf32, #tpu.memory_space<hbm>> -> memref<16x128xf32, #tpu.memory_space<hbm>>
          %dma_start3A_1119 = arith.constant 192 : i32
          %dma_start3A_1120 = arith.constant 0 : i32
          %dma_start3A_1121 = tpu.memref_slice %arg10[%dma_start3A_1119, %dma_start3A_1120] : memref<768x128xf32, #tpu.memory_space<vmem>> -> memref<16x128xf32, #tpu.memory_space<vmem>>
          %dma_start3A_1122 = tpu.memref_slice %arg4[%multiple_of3A, %multiple_of3A_1114] : memref<32x1000000xf32, #tpu.memory_space<hbm>> -> memref<16x128xf32, #tpu.memory_space<hbm>>
          tpu.enqueue_dma source(%dma_start3A_1122 : memref<16x128xf32, #tpu.memory_space<hbm>>) target(%dma_start3A_1121 : memref<16x128xf32, #tpu.memory_space<vmem>>) target_semaphore(%arg13 : memref<!tpu.dma_semaphore, #tpu.memory_space<semaphore_mem>>)
          %slice3A_1123 = vector.extract_strided_slice %and3A_979 {offsets = [13], sizes = [1], strides = [1]} : vector<16xi32> to vector<1xi32>
          %squeeze3A_1124 = vector.extract %slice3A_1123[0] : i32 from vector<1xi32>
          %multiple_of3A_1125 = tpu.assume_multiple %squeeze3A_1124, 128 : i32
          %dma_start3A_1126 = arith.constant 208 : i32
          %dma_start3A_1127 = arith.constant 0 : i32
          %dma_start3A_1128 = tpu.memref_slice %arg10[%dma_start3A_1126, %dma_start3A_1127] : memref<768x128xf32, #tpu.memory_space<vmem>> -> memref<16x128xf32, #tpu.memory_space<vmem>>
          %dma_start3A_1129 = tpu.memref_slice %arg4[%multiple_of3A, %multiple_of3A_1125] : memref<32x1000000xf32, #tpu.memory_space<hbm>> -> memref<16x128xf32, #tpu.memory_space<hbm>>
          %dma_start3A_1130 = arith.constant 208 : i32
          %dma_start3A_1131 = arith.constant 0 : i32
          %dma_start3A_1132 = tpu.memref_slice %arg10[%dma_start3A_1130, %dma_start3A_1131] : memref<768x128xf32, #tpu.memory_space<vmem>> -> memref<16x128xf32, #tpu.memory_space<vmem>>
          %dma_start3A_1133 = tpu.memref_slice %arg4[%multiple_of3A, %multiple_of3A_1125] : memref<32x1000000xf32, #tpu.memory_space<hbm>> -> memref<16x128xf32, #tpu.memory_space<hbm>>
          tpu.enqueue_dma source(%dma_start3A_1133 : memref<16x128xf32, #tpu.memory_space<hbm>>) target(%dma_start3A_1132 : memref<16x128xf32, #tpu.memory_space<vmem>>) target_semaphore(%arg13 : memref<!tpu.dma_semaphore, #tpu.memory_space<semaphore_mem>>)
          %slice3A_1134 = vector.extract_strided_slice %and3A_979 {offsets = [14], sizes = [1], strides = [1]} : vector<16xi32> to vector<1xi32>
          %squeeze3A_1135 = vector.extract %slice3A_1134[0] : i32 from vector<1xi32>
          %multiple_of3A_1136 = tpu.assume_multiple %squeeze3A_1135, 128 : i32
          %dma_start3A_1137 = arith.constant 224 : i32
          %dma_start3A_1138 = arith.constant 0 : i32
          %dma_start3A_1139 = tpu.memref_slice %arg10[%dma_start3A_1137, %dma_start3A_1138] : memref<768x128xf32, #tpu.memory_space<vmem>> -> memref<16x128xf32, #tpu.memory_space<vmem>>
          %dma_start3A_1140 = tpu.memref_slice %arg4[%multiple_of3A, %multiple_of3A_1136] : memref<32x1000000xf32, #tpu.memory_space<hbm>> -> memref<16x128xf32, #tpu.memory_space<hbm>>
          %dma_start3A_1141 = arith.constant 224 : i32
          %dma_start3A_1142 = arith.constant 0 : i32
          %dma_start3A_1143 = tpu.memref_slice %arg10[%dma_start3A_1141, %dma_start3A_1142] : memref<768x128xf32, #tpu.memory_space<vmem>> -> memref<16x128xf32, #tpu.memory_space<vmem>>
          %dma_start3A_1144 = tpu.memref_slice %arg4[%multiple_of3A, %multiple_of3A_1136] : memref<32x1000000xf32, #tpu.memory_space<hbm>> -> memref<16x128xf32, #tpu.memory_space<hbm>>
          tpu.enqueue_dma source(%dma_start3A_1144 : memref<16x128xf32, #tpu.memory_space<hbm>>) target(%dma_start3A_1143 : memref<16x128xf32, #tpu.memory_space<vmem>>) target_semaphore(%arg13 : memref<!tpu.dma_semaphore, #tpu.memory_space<semaphore_mem>>)
          %slice3A_1145 = vector.extract_strided_slice %and3A_979 {offsets = [15], sizes = [1], strides = [1]} : vector<16xi32> to vector<1xi32>
          %squeeze3A_1146 = vector.extract %slice3A_1145[0] : i32 from vector<1xi32>
          %multiple_of3A_1147 = tpu.assume_multiple %squeeze3A_1146, 128 : i32
          %dma_start3A_1148 = arith.constant 240 : i32
          %dma_start3A_1149 = arith.constant 0 : i32
          %dma_start3A_1150 = tpu.memref_slice %arg10[%dma_start3A_1148, %dma_start3A_1149] : memref<768x128xf32, #tpu.memory_space<vmem>> -> memref<16x128xf32, #tpu.memory_space<vmem>>
          %dma_start3A_1151 = tpu.memref_slice %arg4[%multiple_of3A, %multiple_of3A_1147] : memref<32x1000000xf32, #tpu.memory_space<hbm>> -> memref<16x128xf32, #tpu.memory_space<hbm>>
          %dma_start3A_1152 = arith.constant 240 : i32
          %dma_start3A_1153 = arith.constant 0 : i32
          %dma_start3A_1154 = tpu.memref_slice %arg10[%dma_start3A_1152, %dma_start3A_1153] : memref<768x128xf32, #tpu.memory_space<vmem>> -> memref<16x128xf32, #tpu.memory_space<vmem>>
          %dma_start3A_1155 = tpu.memref_slice %arg4[%multiple_of3A, %multiple_of3A_1147] : memref<32x1000000xf32, #tpu.memory_space<hbm>> -> memref<16x128xf32, #tpu.memory_space<hbm>>
          tpu.enqueue_dma source(%dma_start3A_1155 : memref<16x128xf32, #tpu.memory_space<hbm>>) target(%dma_start3A_1154 : memref<16x128xf32, #tpu.memory_space<vmem>>) target_semaphore(%arg13 : memref<!tpu.dma_semaphore, #tpu.memory_space<semaphore_mem>>)
          %mul3A_1156 = arith.constant 16 : i32
          %mul3A_1157 = arith.muli %add3A_972, %mul3A_1156 : i32
          %dma_start3A_1158 = arith.constant 0 : i32
          %dma_start3A_1159 = arith.constant 0 : i32
          %dma_start3A_1160 = tpu.memref_slice %arg11[%dma_start3A_1158, %dma_start3A_1159] : memref<48x128xf32, #tpu.memory_space<vmem>> -> memref<16x128xf32, #tpu.memory_space<vmem>>
          %dma_start3A_1161 = tpu.memref_slice %arg9[%mul3A_1157] : memref<1024xi32, #tpu.memory_space<vmem>> -> memref<16xi32, #tpu.memory_space<vmem>>
          %dma_start3A_1162 = arith.constant 0 : i32
          %dma_start3A_1163 = arith.constant 0 : i32
          %dma_start3A_1164 = tpu.memref_slice %arg5[%dma_start3A_1162, %dma_start3A_1163] : memref<25000x128xf32, #tpu.memory_space<hbm>> -> memref<25000x128xf32, #tpu.memory_space<hbm>>
          tpu.enqueue_indirect_dma source(%dma_start3A_1164 : memref<25000x128xf32, #tpu.memory_space<hbm>>) target(%dma_start3A_1160 : memref<16x128xf32, #tpu.memory_space<vmem>>) offsets(%dma_start3A_1161 : memref<16xi32, #tpu.memory_space<vmem>>) semaphore(%arg16 : memref<!tpu.dma_semaphore, #tpu.memory_space<semaphore_mem>>)
        } else {
        }
      } else {
      }
      %eq3A_597 = arith.constant 1 : i32
      %eq3A_598 = arith.cmpi eq, %rem3A_594, %eq3A_597 : i32
      %convert_element_type3A_599 = arith.extui %eq3A_598 : i1 to i32
      %cond3A_600 = arith.constant 0 : i32
      %cond3A_601 = arith.cmpi ne, %convert_element_type3A_599, %cond3A_600 : i32
      scf.if %cond3A_601 {
        %dma_wait3A = arith.constant 256 : i32
        %dma_wait3A_607 = arith.constant 0 : i32
        %dma_wait3A_608 = tpu.memref_slice %arg10[%dma_wait3A, %dma_wait3A_607] : memref<768x128xf32, #tpu.memory_space<vmem>> -> memref<16x128xf32, #tpu.memory_space<vmem>>
        %dma_wait3A_609 = arith.constant 0 : i32
        %dma_wait3A_610 = tpu.memref_slice %arg4[%multiple_of3A, %dma_wait3A_609] : memref<32x1000000xf32, #tpu.memory_space<hbm>> -> memref<16x128xf32, #tpu.memory_space<hbm>>
        %dma_wait3A_611 = arith.constant 256 : i32
        %dma_wait3A_612 = arith.constant 0 : i32
        %dma_wait3A_613 = tpu.memref_slice %arg10[%dma_wait3A_611, %dma_wait3A_612] : memref<768x128xf32, #tpu.memory_space<vmem>> -> memref<16x128xf32, #tpu.memory_space<vmem>>
        %dma_wait3A_614 = arith.constant 0 : i32
        %dma_wait3A_615 = tpu.memref_slice %arg4[%multiple_of3A, %dma_wait3A_614] : memref<32x1000000xf32, #tpu.memory_space<hbm>> -> memref<16x128xf32, #tpu.memory_space<hbm>>
        tpu.wait_dma2 semaphore(%arg14 : memref<!tpu.dma_semaphore, #tpu.memory_space<semaphore_mem>>) src(%dma_wait3A_615 : memref<16x128xf32, #tpu.memory_space<hbm>>) dst(%dma_wait3A_613 : memref<16x128xf32, #tpu.memory_space<vmem>>)
        %dma_wait3A_616 = arith.constant 272 : i32
        %dma_wait3A_617 = arith.constant 0 : i32
        %dma_wait3A_618 = tpu.memref_slice %arg10[%dma_wait3A_616, %dma_wait3A_617] : memref<768x128xf32, #tpu.memory_space<vmem>> -> memref<16x128xf32, #tpu.memory_space<vmem>>
        %dma_wait3A_619 = arith.constant 0 : i32
        %dma_wait3A_620 = tpu.memref_slice %arg4[%multiple_of3A, %dma_wait3A_619] : memref<32x1000000xf32, #tpu.memory_space<hbm>> -> memref<16x128xf32, #tpu.memory_space<hbm>>
        %dma_wait3A_621 = arith.constant 272 : i32
        %dma_wait3A_622 = arith.constant 0 : i32
        %dma_wait3A_623 = tpu.memref_slice %arg10[%dma_wait3A_621, %dma_wait3A_622] : memref<768x128xf32, #tpu.memory_space<vmem>> -> memref<16x128xf32, #tpu.memory_space<vmem>>
        %dma_wait3A_624 = arith.constant 0 : i32
        %dma_wait3A_625 = tpu.memref_slice %arg4[%multiple_of3A, %dma_wait3A_624] : memref<32x1000000xf32, #tpu.memory_space<hbm>> -> memref<16x128xf32, #tpu.memory_space<hbm>>
        tpu.wait_dma2 semaphore(%arg14 : memref<!tpu.dma_semaphore, #tpu.memory_space<semaphore_mem>>) src(%dma_wait3A_625 : memref<16x128xf32, #tpu.memory_space<hbm>>) dst(%dma_wait3A_623 : memref<16x128xf32, #tpu.memory_space<vmem>>)
        %dma_wait3A_626 = arith.constant 288 : i32
        %dma_wait3A_627 = arith.constant 0 : i32
        %dma_wait3A_628 = tpu.memref_slice %arg10[%dma_wait3A_626, %dma_wait3A_627] : memref<768x128xf32, #tpu.memory_space<vmem>> -> memref<16x128xf32, #tpu.memory_space<vmem>>
        %dma_wait3A_629 = arith.constant 0 : i32
        %dma_wait3A_630 = tpu.memref_slice %arg4[%multiple_of3A, %dma_wait3A_629] : memref<32x1000000xf32, #tpu.memory_space<hbm>> -> memref<16x128xf32, #tpu.memory_space<hbm>>
        %dma_wait3A_631 = arith.constant 288 : i32
        %dma_wait3A_632 = arith.constant 0 : i32
        %dma_wait3A_633 = tpu.memref_slice %arg10[%dma_wait3A_631, %dma_wait3A_632] : memref<768x128xf32, #tpu.memory_space<vmem>> -> memref<16x128xf32, #tpu.memory_space<vmem>>
        %dma_wait3A_634 = arith.constant 0 : i32
        %dma_wait3A_635 = tpu.memref_slice %arg4[%multiple_of3A, %dma_wait3A_634] : memref<32x1000000xf32, #tpu.memory_space<hbm>> -> memref<16x128xf32, #tpu.memory_space<hbm>>
        tpu.wait_dma2 semaphore(%arg14 : memref<!tpu.dma_semaphore, #tpu.memory_space<semaphore_mem>>) src(%dma_wait3A_635 : memref<16x128xf32, #tpu.memory_space<hbm>>) dst(%dma_wait3A_633 : memref<16x128xf32, #tpu.memory_space<vmem>>)
        %dma_wait3A_636 = arith.constant 304 : i32
        %dma_wait3A_637 = arith.constant 0 : i32
        %dma_wait3A_638 = tpu.memref_slice %arg10[%dma_wait3A_636, %dma_wait3A_637] : memref<768x128xf32, #tpu.memory_space<vmem>> -> memref<16x128xf32, #tpu.memory_space<vmem>>
        %dma_wait3A_639 = arith.constant 0 : i32
        %dma_wait3A_640 = tpu.memref_slice %arg4[%multiple_of3A, %dma_wait3A_639] : memref<32x1000000xf32, #tpu.memory_space<hbm>> -> memref<16x128xf32, #tpu.memory_space<hbm>>
        %dma_wait3A_641 = arith.constant 304 : i32
        %dma_wait3A_642 = arith.constant 0 : i32
        %dma_wait3A_643 = tpu.memref_slice %arg10[%dma_wait3A_641, %dma_wait3A_642] : memref<768x128xf32, #tpu.memory_space<vmem>> -> memref<16x128xf32, #tpu.memory_space<vmem>>
        %dma_wait3A_644 = arith.constant 0 : i32
        %dma_wait3A_645 = tpu.memref_slice %arg4[%multiple_of3A, %dma_wait3A_644] : memref<32x1000000xf32, #tpu.memory_space<hbm>> -> memref<16x128xf32, #tpu.memory_space<hbm>>
        tpu.wait_dma2 semaphore(%arg14 : memref<!tpu.dma_semaphore, #tpu.memory_space<semaphore_mem>>) src(%dma_wait3A_645 : memref<16x128xf32, #tpu.memory_space<hbm>>) dst(%dma_wait3A_643 : memref<16x128xf32, #tpu.memory_space<vmem>>)
        %dma_wait3A_646 = arith.constant 320 : i32
        %dma_wait3A_647 = arith.constant 0 : i32
        %dma_wait3A_648 = tpu.memref_slice %arg10[%dma_wait3A_646, %dma_wait3A_647] : memref<768x128xf32, #tpu.memory_space<vmem>> -> memref<16x128xf32, #tpu.memory_space<vmem>>
        %dma_wait3A_649 = arith.constant 0 : i32
        %dma_wait3A_650 = tpu.memref_slice %arg4[%multiple_of3A, %dma_wait3A_649] : memref<32x1000000xf32, #tpu.memory_space<hbm>> -> memref<16x128xf32, #tpu.memory_space<hbm>>
        %dma_wait3A_651 = arith.constant 320 : i32
        %dma_wait3A_652 = arith.constant 0 : i32
        %dma_wait3A_653 = tpu.memref_slice %arg10[%dma_wait3A_651, %dma_wait3A_652] : memref<768x128xf32, #tpu.memory_space<vmem>> -> memref<16x128xf32, #tpu.memory_space<vmem>>
        %dma_wait3A_654 = arith.constant 0 : i32
        %dma_wait3A_655 = tpu.memref_slice %arg4[%multiple_of3A, %dma_wait3A_654] : memref<32x1000000xf32, #tpu.memory_space<hbm>> -> memref<16x128xf32, #tpu.memory_space<hbm>>
        tpu.wait_dma2 semaphore(%arg14 : memref<!tpu.dma_semaphore, #tpu.memory_space<semaphore_mem>>) src(%dma_wait3A_655 : memref<16x128xf32, #tpu.memory_space<hbm>>) dst(%dma_wait3A_653 : memref<16x128xf32, #tpu.memory_space<vmem>>)
        %dma_wait3A_656 = arith.constant 336 : i32
        %dma_wait3A_657 = arith.constant 0 : i32
        %dma_wait3A_658 = tpu.memref_slice %arg10[%dma_wait3A_656, %dma_wait3A_657] : memref<768x128xf32, #tpu.memory_space<vmem>> -> memref<16x128xf32, #tpu.memory_space<vmem>>
        %dma_wait3A_659 = arith.constant 0 : i32
        %dma_wait3A_660 = tpu.memref_slice %arg4[%multiple_of3A, %dma_wait3A_659] : memref<32x1000000xf32, #tpu.memory_space<hbm>> -> memref<16x128xf32, #tpu.memory_space<hbm>>
        %dma_wait3A_661 = arith.constant 336 : i32
        %dma_wait3A_662 = arith.constant 0 : i32
        %dma_wait3A_663 = tpu.memref_slice %arg10[%dma_wait3A_661, %dma_wait3A_662] : memref<768x128xf32, #tpu.memory_space<vmem>> -> memref<16x128xf32, #tpu.memory_space<vmem>>
        %dma_wait3A_664 = arith.constant 0 : i32
        %dma_wait3A_665 = tpu.memref_slice %arg4[%multiple_of3A, %dma_wait3A_664] : memref<32x1000000xf32, #tpu.memory_space<hbm>> -> memref<16x128xf32, #tpu.memory_space<hbm>>
        tpu.wait_dma2 semaphore(%arg14 : memref<!tpu.dma_semaphore, #tpu.memory_space<semaphore_mem>>) src(%dma_wait3A_665 : memref<16x128xf32, #tpu.memory_space<hbm>>) dst(%dma_wait3A_663 : memref<16x128xf32, #tpu.memory_space<vmem>>)
        %dma_wait3A_666 = arith.constant 352 : i32
        %dma_wait3A_667 = arith.constant 0 : i32
        %dma_wait3A_668 = tpu.memref_slice %arg10[%dma_wait3A_666, %dma_wait3A_667] : memref<768x128xf32, #tpu.memory_space<vmem>> -> memref<16x128xf32, #tpu.memory_space<vmem>>
        %dma_wait3A_669 = arith.constant 0 : i32
        %dma_wait3A_670 = tpu.memref_slice %arg4[%multiple_of3A, %dma_wait3A_669] : memref<32x1000000xf32, #tpu.memory_space<hbm>> -> memref<16x128xf32, #tpu.memory_space<hbm>>
        %dma_wait3A_671 = arith.constant 352 : i32
        %dma_wait3A_672 = arith.constant 0 : i32
        %dma_wait3A_673 = tpu.memref_slice %arg10[%dma_wait3A_671, %dma_wait3A_672] : memref<768x128xf32, #tpu.memory_space<vmem>> -> memref<16x128xf32, #tpu.memory_space<vmem>>
        %dma_wait3A_674 = arith.constant 0 : i32
        %dma_wait3A_675 = tpu.memref_slice %arg4[%multiple_of3A, %dma_wait3A_674] : memref<32x1000000xf32, #tpu.memory_space<hbm>> -> memref<16x128xf32, #tpu.memory_space<hbm>>
        tpu.wait_dma2 semaphore(%arg14 : memref<!tpu.dma_semaphore, #tpu.memory_space<semaphore_mem>>) src(%dma_wait3A_675 : memref<16x128xf32, #tpu.memory_space<hbm>>) dst(%dma_wait3A_673 : memref<16x128xf32, #tpu.memory_space<vmem>>)
        %dma_wait3A_676 = arith.constant 368 : i32
        %dma_wait3A_677 = arith.constant 0 : i32
        %dma_wait3A_678 = tpu.memref_slice %arg10[%dma_wait3A_676, %dma_wait3A_677] : memref<768x128xf32, #tpu.memory_space<vmem>> -> memref<16x128xf32, #tpu.memory_space<vmem>>
        %dma_wait3A_679 = arith.constant 0 : i32
        %dma_wait3A_680 = tpu.memref_slice %arg4[%multiple_of3A, %dma_wait3A_679] : memref<32x1000000xf32, #tpu.memory_space<hbm>> -> memref<16x128xf32, #tpu.memory_space<hbm>>
        %dma_wait3A_681 = arith.constant 368 : i32
        %dma_wait3A_682 = arith.constant 0 : i32
        %dma_wait3A_683 = tpu.memref_slice %arg10[%dma_wait3A_681, %dma_wait3A_682] : memref<768x128xf32, #tpu.memory_space<vmem>> -> memref<16x128xf32, #tpu.memory_space<vmem>>
        %dma_wait3A_684 = arith.constant 0 : i32
        %dma_wait3A_685 = tpu.memref_slice %arg4[%multiple_of3A, %dma_wait3A_684] : memref<32x1000000xf32, #tpu.memory_space<hbm>> -> memref<16x128xf32, #tpu.memory_space<hbm>>
        tpu.wait_dma2 semaphore(%arg14 : memref<!tpu.dma_semaphore, #tpu.memory_space<semaphore_mem>>) src(%dma_wait3A_685 : memref<16x128xf32, #tpu.memory_space<hbm>>) dst(%dma_wait3A_683 : memref<16x128xf32, #tpu.memory_space<vmem>>)
        %dma_wait3A_686 = arith.constant 384 : i32
        %dma_wait3A_687 = arith.constant 0 : i32
        %dma_wait3A_688 = tpu.memref_slice %arg10[%dma_wait3A_686, %dma_wait3A_687] : memref<768x128xf32, #tpu.memory_space<vmem>> -> memref<16x128xf32, #tpu.memory_space<vmem>>
        %dma_wait3A_689 = arith.constant 0 : i32
        %dma_wait3A_690 = tpu.memref_slice %arg4[%multiple_of3A, %dma_wait3A_689] : memref<32x1000000xf32, #tpu.memory_space<hbm>> -> memref<16x128xf32, #tpu.memory_space<hbm>>
        %dma_wait3A_691 = arith.constant 384 : i32
        %dma_wait3A_692 = arith.constant 0 : i32
        %dma_wait3A_693 = tpu.memref_slice %arg10[%dma_wait3A_691, %dma_wait3A_692] : memref<768x128xf32, #tpu.memory_space<vmem>> -> memref<16x128xf32, #tpu.memory_space<vmem>>
        %dma_wait3A_694 = arith.constant 0 : i32
        %dma_wait3A_695 = tpu.memref_slice %arg4[%multiple_of3A, %dma_wait3A_694] : memref<32x1000000xf32, #tpu.memory_space<hbm>> -> memref<16x128xf32, #tpu.memory_space<hbm>>
        tpu.wait_dma2 semaphore(%arg14 : memref<!tpu.dma_semaphore, #tpu.memory_space<semaphore_mem>>) src(%dma_wait3A_695 : memref<16x128xf32, #tpu.memory_space<hbm>>) dst(%dma_wait3A_693 : memref<16x128xf32, #tpu.memory_space<vmem>>)
        %dma_wait3A_696 = arith.constant 400 : i32
        %dma_wait3A_697 = arith.constant 0 : i32
        %dma_wait3A_698 = tpu.memref_slice %arg10[%dma_wait3A_696, %dma_wait3A_697] : memref<768x128xf32, #tpu.memory_space<vmem>> -> memref<16x128xf32, #tpu.memory_space<vmem>>
        %dma_wait3A_699 = arith.constant 0 : i32
        %dma_wait3A_700 = tpu.memref_slice %arg4[%multiple_of3A, %dma_wait3A_699] : memref<32x1000000xf32, #tpu.memory_space<hbm>> -> memref<16x128xf32, #tpu.memory_space<hbm>>
        %dma_wait3A_701 = arith.constant 400 : i32
        %dma_wait3A_702 = arith.constant 0 : i32
        %dma_wait3A_703 = tpu.memref_slice %arg10[%dma_wait3A_701, %dma_wait3A_702] : memref<768x128xf32, #tpu.memory_space<vmem>> -> memref<16x128xf32, #tpu.memory_space<vmem>>
        %dma_wait3A_704 = arith.constant 0 : i32
        %dma_wait3A_705 = tpu.memref_slice %arg4[%multiple_of3A, %dma_wait3A_704] : memref<32x1000000xf32, #tpu.memory_space<hbm>> -> memref<16x128xf32, #tpu.memory_space<hbm>>
        tpu.wait_dma2 semaphore(%arg14 : memref<!tpu.dma_semaphore, #tpu.memory_space<semaphore_mem>>) src(%dma_wait3A_705 : memref<16x128xf32, #tpu.memory_space<hbm>>) dst(%dma_wait3A_703 : memref<16x128xf32, #tpu.memory_space<vmem>>)
        %dma_wait3A_706 = arith.constant 416 : i32
        %dma_wait3A_707 = arith.constant 0 : i32
        %dma_wait3A_708 = tpu.memref_slice %arg10[%dma_wait3A_706, %dma_wait3A_707] : memref<768x128xf32, #tpu.memory_space<vmem>> -> memref<16x128xf32, #tpu.memory_space<vmem>>
        %dma_wait3A_709 = arith.constant 0 : i32
        %dma_wait3A_710 = tpu.memref_slice %arg4[%multiple_of3A, %dma_wait3A_709] : memref<32x1000000xf32, #tpu.memory_space<hbm>> -> memref<16x128xf32, #tpu.memory_space<hbm>>
        %dma_wait3A_711 = arith.constant 416 : i32
        %dma_wait3A_712 = arith.constant 0 : i32
        %dma_wait3A_713 = tpu.memref_slice %arg10[%dma_wait3A_711, %dma_wait3A_712] : memref<768x128xf32, #tpu.memory_space<vmem>> -> memref<16x128xf32, #tpu.memory_space<vmem>>
        %dma_wait3A_714 = arith.constant 0 : i32
        %dma_wait3A_715 = tpu.memref_slice %arg4[%multiple_of3A, %dma_wait3A_714] : memref<32x1000000xf32, #tpu.memory_space<hbm>> -> memref<16x128xf32, #tpu.memory_space<hbm>>
        tpu.wait_dma2 semaphore(%arg14 : memref<!tpu.dma_semaphore, #tpu.memory_space<semaphore_mem>>) src(%dma_wait3A_715 : memref<16x128xf32, #tpu.memory_space<hbm>>) dst(%dma_wait3A_713 : memref<16x128xf32, #tpu.memory_space<vmem>>)
        %dma_wait3A_716 = arith.constant 432 : i32
        %dma_wait3A_717 = arith.constant 0 : i32
        %dma_wait3A_718 = tpu.memref_slice %arg10[%dma_wait3A_716, %dma_wait3A_717] : memref<768x128xf32, #tpu.memory_space<vmem>> -> memref<16x128xf32, #tpu.memory_space<vmem>>
        %dma_wait3A_719 = arith.constant 0 : i32
        %dma_wait3A_720 = tpu.memref_slice %arg4[%multiple_of3A, %dma_wait3A_719] : memref<32x1000000xf32, #tpu.memory_space<hbm>> -> memref<16x128xf32, #tpu.memory_space<hbm>>
        %dma_wait3A_721 = arith.constant 432 : i32
        %dma_wait3A_722 = arith.constant 0 : i32
        %dma_wait3A_723 = tpu.memref_slice %arg10[%dma_wait3A_721, %dma_wait3A_722] : memref<768x128xf32, #tpu.memory_space<vmem>> -> memref<16x128xf32, #tpu.memory_space<vmem>>
        %dma_wait3A_724 = arith.constant 0 : i32
        %dma_wait3A_725 = tpu.memref_slice %arg4[%multiple_of3A, %dma_wait3A_724] : memref<32x1000000xf32, #tpu.memory_space<hbm>> -> memref<16x128xf32, #tpu.memory_space<hbm>>
        tpu.wait_dma2 semaphore(%arg14 : memref<!tpu.dma_semaphore, #tpu.memory_space<semaphore_mem>>) src(%dma_wait3A_725 : memref<16x128xf32, #tpu.memory_space<hbm>>) dst(%dma_wait3A_723 : memref<16x128xf32, #tpu.memory_space<vmem>>)
        %dma_wait3A_726 = arith.constant 448 : i32
        %dma_wait3A_727 = arith.constant 0 : i32
        %dma_wait3A_728 = tpu.memref_slice %arg10[%dma_wait3A_726, %dma_wait3A_727] : memref<768x128xf32, #tpu.memory_space<vmem>> -> memref<16x128xf32, #tpu.memory_space<vmem>>
        %dma_wait3A_729 = arith.constant 0 : i32
        %dma_wait3A_730 = tpu.memref_slice %arg4[%multiple_of3A, %dma_wait3A_729] : memref<32x1000000xf32, #tpu.memory_space<hbm>> -> memref<16x128xf32, #tpu.memory_space<hbm>>
        %dma_wait3A_731 = arith.constant 448 : i32
        %dma_wait3A_732 = arith.constant 0 : i32
        %dma_wait3A_733 = tpu.memref_slice %arg10[%dma_wait3A_731, %dma_wait3A_732] : memref<768x128xf32, #tpu.memory_space<vmem>> -> memref<16x128xf32, #tpu.memory_space<vmem>>
        %dma_wait3A_734 = arith.constant 0 : i32
        %dma_wait3A_735 = tpu.memref_slice %arg4[%multiple_of3A, %dma_wait3A_734] : memref<32x1000000xf32, #tpu.memory_space<hbm>> -> memref<16x128xf32, #tpu.memory_space<hbm>>
        tpu.wait_dma2 semaphore(%arg14 : memref<!tpu.dma_semaphore, #tpu.memory_space<semaphore_mem>>) src(%dma_wait3A_735 : memref<16x128xf32, #tpu.memory_space<hbm>>) dst(%dma_wait3A_733 : memref<16x128xf32, #tpu.memory_space<vmem>>)
        %dma_wait3A_736 = arith.constant 464 : i32
        %dma_wait3A_737 = arith.constant 0 : i32
        %dma_wait3A_738 = tpu.memref_slice %arg10[%dma_wait3A_736, %dma_wait3A_737] : memref<768x128xf32, #tpu.memory_space<vmem>> -> memref<16x128xf32, #tpu.memory_space<vmem>>
        %dma_wait3A_739 = arith.constant 0 : i32
        %dma_wait3A_740 = tpu.memref_slice %arg4[%multiple_of3A, %dma_wait3A_739] : memref<32x1000000xf32, #tpu.memory_space<hbm>> -> memref<16x128xf32, #tpu.memory_space<hbm>>
        %dma_wait3A_741 = arith.constant 464 : i32
        %dma_wait3A_742 = arith.constant 0 : i32
        %dma_wait3A_743 = tpu.memref_slice %arg10[%dma_wait3A_741, %dma_wait3A_742] : memref<768x128xf32, #tpu.memory_space<vmem>> -> memref<16x128xf32, #tpu.memory_space<vmem>>
        %dma_wait3A_744 = arith.constant 0 : i32
        %dma_wait3A_745 = tpu.memref_slice %arg4[%multiple_of3A, %dma_wait3A_744] : memref<32x1000000xf32, #tpu.memory_space<hbm>> -> memref<16x128xf32, #tpu.memory_space<hbm>>
        tpu.wait_dma2 semaphore(%arg14 : memref<!tpu.dma_semaphore, #tpu.memory_space<semaphore_mem>>) src(%dma_wait3A_745 : memref<16x128xf32, #tpu.memory_space<hbm>>) dst(%dma_wait3A_743 : memref<16x128xf32, #tpu.memory_space<vmem>>)
        %dma_wait3A_746 = arith.constant 480 : i32
        %dma_wait3A_747 = arith.constant 0 : i32
        %dma_wait3A_748 = tpu.memref_slice %arg10[%dma_wait3A_746, %dma_wait3A_747] : memref<768x128xf32, #tpu.memory_space<vmem>> -> memref<16x128xf32, #tpu.memory_space<vmem>>
        %dma_wait3A_749 = arith.constant 0 : i32
        %dma_wait3A_750 = tpu.memref_slice %arg4[%multiple_of3A, %dma_wait3A_749] : memref<32x1000000xf32, #tpu.memory_space<hbm>> -> memref<16x128xf32, #tpu.memory_space<hbm>>
        %dma_wait3A_751 = arith.constant 480 : i32
        %dma_wait3A_752 = arith.constant 0 : i32
        %dma_wait3A_753 = tpu.memref_slice %arg10[%dma_wait3A_751, %dma_wait3A_752] : memref<768x128xf32, #tpu.memory_space<vmem>> -> memref<16x128xf32, #tpu.memory_space<vmem>>
        %dma_wait3A_754 = arith.constant 0 : i32
        %dma_wait3A_755 = tpu.memref_slice %arg4[%multiple_of3A, %dma_wait3A_754] : memref<32x1000000xf32, #tpu.memory_space<hbm>> -> memref<16x128xf32, #tpu.memory_space<hbm>>
        tpu.wait_dma2 semaphore(%arg14 : memref<!tpu.dma_semaphore, #tpu.memory_space<semaphore_mem>>) src(%dma_wait3A_755 : memref<16x128xf32, #tpu.memory_space<hbm>>) dst(%dma_wait3A_753 : memref<16x128xf32, #tpu.memory_space<vmem>>)
        %dma_wait3A_756 = arith.constant 496 : i32
        %dma_wait3A_757 = arith.constant 0 : i32
        %dma_wait3A_758 = tpu.memref_slice %arg10[%dma_wait3A_756, %dma_wait3A_757] : memref<768x128xf32, #tpu.memory_space<vmem>> -> memref<16x128xf32, #tpu.memory_space<vmem>>
        %dma_wait3A_759 = arith.constant 0 : i32
        %dma_wait3A_760 = tpu.memref_slice %arg4[%multiple_of3A, %dma_wait3A_759] : memref<32x1000000xf32, #tpu.memory_space<hbm>> -> memref<16x128xf32, #tpu.memory_space<hbm>>
        %dma_wait3A_761 = arith.constant 496 : i32
        %dma_wait3A_762 = arith.constant 0 : i32
        %dma_wait3A_763 = tpu.memref_slice %arg10[%dma_wait3A_761, %dma_wait3A_762] : memref<768x128xf32, #tpu.memory_space<vmem>> -> memref<16x128xf32, #tpu.memory_space<vmem>>
        %dma_wait3A_764 = arith.constant 0 : i32
        %dma_wait3A_765 = tpu.memref_slice %arg4[%multiple_of3A, %dma_wait3A_764] : memref<32x1000000xf32, #tpu.memory_space<hbm>> -> memref<16x128xf32, #tpu.memory_space<hbm>>
        tpu.wait_dma2 semaphore(%arg14 : memref<!tpu.dma_semaphore, #tpu.memory_space<semaphore_mem>>) src(%dma_wait3A_765 : memref<16x128xf32, #tpu.memory_space<hbm>>) dst(%dma_wait3A_763 : memref<16x128xf32, #tpu.memory_space<vmem>>)
        %mul3A_766 = arith.constant 16 : i32
        %mul3A_767 = arith.muli %scan3A_593, %mul3A_766 : i32
        %dma_wait3A_768 = arith.constant 16 : i32
        %dma_wait3A_769 = arith.constant 0 : i32
        %dma_wait3A_770 = tpu.memref_slice %arg11[%dma_wait3A_768, %dma_wait3A_769] : memref<48x128xf32, #tpu.memory_space<vmem>> -> memref<16x128xf32, #tpu.memory_space<vmem>>
        %dma_wait3A_771 = tpu.memref_slice %arg9[%mul3A_767] : memref<1024xi32, #tpu.memory_space<vmem>> -> memref<16xi32, #tpu.memory_space<vmem>>
        %dma_wait3A_772 = arith.constant 0 : i32
        %dma_wait3A_773 = arith.constant 0 : i32
        %dma_wait3A_774 = tpu.memref_slice %arg5[%dma_wait3A_772, %dma_wait3A_773] : memref<25000x128xf32, #tpu.memory_space<hbm>> -> memref<25000x128xf32, #tpu.memory_space<hbm>>
        tpu.wait_indirect_dma semaphore(%arg17 : memref<!tpu.dma_semaphore, #tpu.memory_space<semaphore_mem>>) src(%dma_wait3A_774 : memref<25000x128xf32, #tpu.memory_space<hbm>>) dst(%dma_wait3A_770 : memref<16x128xf32, #tpu.memory_space<vmem>>)
        %mul3A_775 = arith.constant 16 : i32
        %mul3A_776 = arith.muli %scan3A_593, %mul3A_775 : i32
        %get3A_777 = arith.index_cast %mul3A_776 : i32 to index
        %get3A_778 = tpu.vector_load %arg7[%get3A_777] {strides = array<i32>} : memref<1024xi32, #tpu.memory_space<vmem>>, vector<16xi32>,
        %mul3A_779 = arith.constant 16 : i32
        %mul3A_780 = arith.muli %scan3A_593, %mul3A_779 : i32
        %get3A_781 = arith.index_cast %mul3A_780 : i32 to index
        %get3A_782 = tpu.vector_load %arg8[%get3A_781] {strides = array<i32>} : memref<1024xi32, #tpu.memory_space<vmem>>, vector<16xi32>,
        %and3A_783 = arith.constant 127 : i32
        %and3A_784 = vector.broadcast %and3A_783 : i32 to vector<16xi32>
        %and3A_785 = arith.andi %get3A_778, %and3A_784 : vector<16xi32>
        %and3A_786 = arith.constant 3 : i32
        %and3A_787 = vector.broadcast %and3A_786 : i32 to vector<16xi32>
        %and3A_788 = arith.andi %get3A_782, %and3A_787 : vector<16xi32>
        %shift_left3A = arith.constant 5 : i32
        %shift_left3A_789 = vector.broadcast %shift_left3A : i32 to vector<16xi32>
        %shift_left3A_790 = arith.shli %and3A_788, %shift_left3A_789 : vector<16xi32>
        %add3A_791 = vector.broadcast %multiple_of3A : i32 to vector<16xi32>
        %add3A_792 = arith.addi %shift_left3A_790, %add3A_791 : vector<16xi32>
        %mul3A_793 = arith.constant 16 : i32
        %mul3A_794 = vector.broadcast %mul3A_793 : i32 to vector<16xi32>
        %mul3A_795 = arith.muli %iota3A, %mul3A_794 : vector<16xi32>
        %add3A_796 = arith.constant 256 : i32
        %add3A_797 = vector.broadcast %add3A_796 : i32 to vector<16xi32>
        %add3A_798 = arith.addi %add3A_797, %mul3A_795 : vector<16xi32>
        %add3A_799 = arith.constant 16 : i32
        %add3A_800 = vector.broadcast %add3A_799 : i32 to vector<16xi32>
        %add3A_801 = arith.addi %add3A_800, %iota3A : vector<16xi32>
        %broadcast_in_dim3A = arith.constant 0.000000e+00 : f32
        %broadcast_in_dim3A_802 = vector.broadcast %broadcast_in_dim3A : f32 to vector<16xf32>
        %add3A_803 = arith.constant 0 : i32
        %add3A_804 = vector.broadcast %add3A_803 : i32 to vector<16xi32>
        %add3A_805 = arith.addi %add3A_798, %add3A_804 : vector<16xi32>
        %gather3A = tpu.vector_load_idx %arg10[%add3A_805, %and3A_785] : memref<768x128xf32, #tpu.memory_space<vmem>>[vector<16xi32>, vector<16xi32>], vector<16xf32>,
        %add3A_806 = arith.constant 0 : i32
        %add3A_807 = vector.broadcast %add3A_806 : i32 to vector<16xi32>
        %add3A_808 = arith.addi %add3A_792, %add3A_807 : vector<16xi32>
        %gather3A_809 = tpu.vector_load_idx %arg11[%add3A_801, %add3A_808] : memref<48x128xf32, #tpu.memory_space<vmem>>[vector<16xi32>, vector<16xi32>], vector<16xf32>,
        %mul3A_810 = arith.mulf %gather3A, %gather3A_809 : vector<16xf32>
        %add3A_811 = arith.addf %broadcast_in_dim3A_802, %mul3A_810 : vector<16xf32>
        %add3A_812 = arith.constant 1 : i32
        %add3A_813 = vector.broadcast %add3A_812 : i32 to vector<16xi32>
        %add3A_814 = arith.addi %add3A_798, %add3A_813 : vector<16xi32>
        %gather3A_815 = tpu.vector_load_idx %arg10[%add3A_814, %and3A_785] : memref<768x128xf32, #tpu.memory_space<vmem>>[vector<16xi32>, vector<16xi32>], vector<16xf32>,
        %add3A_816 = arith.constant 1 : i32
        %add3A_817 = vector.broadcast %add3A_816 : i32 to vector<16xi32>
        %add3A_818 = arith.addi %add3A_792, %add3A_817 : vector<16xi32>
        %gather3A_819 = tpu.vector_load_idx %arg11[%add3A_801, %add3A_818] : memref<48x128xf32, #tpu.memory_space<vmem>>[vector<16xi32>, vector<16xi32>], vector<16xf32>,
        %mul3A_820 = arith.mulf %gather3A_815, %gather3A_819 : vector<16xf32>
        %add3A_821 = arith.addf %add3A_811, %mul3A_820 : vector<16xf32>
        %add3A_822 = arith.constant 2 : i32
        %add3A_823 = vector.broadcast %add3A_822 : i32 to vector<16xi32>
        %add3A_824 = arith.addi %add3A_798, %add3A_823 : vector<16xi32>
        %gather3A_825 = tpu.vector_load_idx %arg10[%add3A_824, %and3A_785] : memref<768x128xf32, #tpu.memory_space<vmem>>[vector<16xi32>, vector<16xi32>], vector<16xf32>,
        %add3A_826 = arith.constant 2 : i32
        %add3A_827 = vector.broadcast %add3A_826 : i32 to vector<16xi32>
        %add3A_828 = arith.addi %add3A_792, %add3A_827 : vector<16xi32>
        %gather3A_829 = tpu.vector_load_idx %arg11[%add3A_801, %add3A_828] : memref<48x128xf32, #tpu.memory_space<vmem>>[vector<16xi32>, vector<16xi32>], vector<16xf32>,
        %mul3A_830 = arith.mulf %gather3A_825, %gather3A_829 : vector<16xf32>
        %add3A_831 = arith.addf %add3A_821, %mul3A_830 : vector<16xf32>
        %add3A_832 = arith.constant 3 : i32
        %add3A_833 = vector.broadcast %add3A_832 : i32 to vector<16xi32>
        %add3A_834 = arith.addi %add3A_798, %add3A_833 : vector<16xi32>
        %gather3A_835 = tpu.vector_load_idx %arg10[%add3A_834, %and3A_785] : memref<768x128xf32, #tpu.memory_space<vmem>>[vector<16xi32>, vector<16xi32>], vector<16xf32>,
        %add3A_836 = arith.constant 3 : i32
        %add3A_837 = vector.broadcast %add3A_836 : i32 to vector<16xi32>
        %add3A_838 = arith.addi %add3A_792, %add3A_837 : vector<16xi32>
        %gather3A_839 = tpu.vector_load_idx %arg11[%add3A_801, %add3A_838] : memref<48x128xf32, #tpu.memory_space<vmem>>[vector<16xi32>, vector<16xi32>], vector<16xf32>,
        %mul3A_840 = arith.mulf %gather3A_835, %gather3A_839 : vector<16xf32>
        %add3A_841 = arith.addf %add3A_831, %mul3A_840 : vector<16xf32>
        %add3A_842 = arith.constant 4 : i32
        %add3A_843 = vector.broadcast %add3A_842 : i32 to vector<16xi32>
        %add3A_844 = arith.addi %add3A_798, %add3A_843 : vector<16xi32>
        %gather3A_845 = tpu.vector_load_idx %arg10[%add3A_844, %and3A_785] : memref<768x128xf32, #tpu.memory_space<vmem>>[vector<16xi32>, vector<16xi32>], vector<16xf32>,
        %add3A_846 = arith.constant 4 : i32
        %add3A_847 = vector.broadcast %add3A_846 : i32 to vector<16xi32>
        %add3A_848 = arith.addi %add3A_792, %add3A_847 : vector<16xi32>
        %gather3A_849 = tpu.vector_load_idx %arg11[%add3A_801, %add3A_848] : memref<48x128xf32, #tpu.memory_space<vmem>>[vector<16xi32>, vector<16xi32>], vector<16xf32>,
        %mul3A_850 = arith.mulf %gather3A_845, %gather3A_849 : vector<16xf32>
        %add3A_851 = arith.addf %add3A_841, %mul3A_850 : vector<16xf32>
        %add3A_852 = arith.constant 5 : i32
        %add3A_853 = vector.broadcast %add3A_852 : i32 to vector<16xi32>
        %add3A_854 = arith.addi %add3A_798, %add3A_853 : vector<16xi32>
        %gather3A_855 = tpu.vector_load_idx %arg10[%add3A_854, %and3A_785] : memref<768x128xf32, #tpu.memory_space<vmem>>[vector<16xi32>, vector<16xi32>], vector<16xf32>,
        %add3A_856 = arith.constant 5 : i32
        %add3A_857 = vector.broadcast %add3A_856 : i32 to vector<16xi32>
        %add3A_858 = arith.addi %add3A_792, %add3A_857 : vector<16xi32>
        %gather3A_859 = tpu.vector_load_idx %arg11[%add3A_801, %add3A_858] : memref<48x128xf32, #tpu.memory_space<vmem>>[vector<16xi32>, vector<16xi32>], vector<16xf32>,
        %mul3A_860 = arith.mulf %gather3A_855, %gather3A_859 : vector<16xf32>
        %add3A_861 = arith.addf %add3A_851, %mul3A_860 : vector<16xf32>
        %add3A_862 = arith.constant 6 : i32
        %add3A_863 = vector.broadcast %add3A_862 : i32 to vector<16xi32>
        %add3A_864 = arith.addi %add3A_798, %add3A_863 : vector<16xi32>
        %gather3A_865 = tpu.vector_load_idx %arg10[%add3A_864, %and3A_785] : memref<768x128xf32, #tpu.memory_space<vmem>>[vector<16xi32>, vector<16xi32>], vector<16xf32>,
        %add3A_866 = arith.constant 6 : i32
        %add3A_867 = vector.broadcast %add3A_866 : i32 to vector<16xi32>
        %add3A_868 = arith.addi %add3A_792, %add3A_867 : vector<16xi32>
        %gather3A_869 = tpu.vector_load_idx %arg11[%add3A_801, %add3A_868] : memref<48x128xf32, #tpu.memory_space<vmem>>[vector<16xi32>, vector<16xi32>], vector<16xf32>,
        %mul3A_870 = arith.mulf %gather3A_865, %gather3A_869 : vector<16xf32>
        %add3A_871 = arith.addf %add3A_861, %mul3A_870 : vector<16xf32>
        %add3A_872 = arith.constant 7 : i32
        %add3A_873 = vector.broadcast %add3A_872 : i32 to vector<16xi32>
        %add3A_874 = arith.addi %add3A_798, %add3A_873 : vector<16xi32>
        %gather3A_875 = tpu.vector_load_idx %arg10[%add3A_874, %and3A_785] : memref<768x128xf32, #tpu.memory_space<vmem>>[vector<16xi32>, vector<16xi32>], vector<16xf32>,
        %add3A_876 = arith.constant 7 : i32
        %add3A_877 = vector.broadcast %add3A_876 : i32 to vector<16xi32>
        %add3A_878 = arith.addi %add3A_792, %add3A_877 : vector<16xi32>
        %gather3A_879 = tpu.vector_load_idx %arg11[%add3A_801, %add3A_878] : memref<48x128xf32, #tpu.memory_space<vmem>>[vector<16xi32>, vector<16xi32>], vector<16xf32>,
        %mul3A_880 = arith.mulf %gather3A_875, %gather3A_879 : vector<16xf32>
        %add3A_881 = arith.addf %add3A_871, %mul3A_880 : vector<16xf32>
        %add3A_882 = arith.constant 8 : i32
        %add3A_883 = vector.broadcast %add3A_882 : i32 to vector<16xi32>
        %add3A_884 = arith.addi %add3A_798, %add3A_883 : vector<16xi32>
        %gather3A_885 = tpu.vector_load_idx %arg10[%add3A_884, %and3A_785] : memref<768x128xf32, #tpu.memory_space<vmem>>[vector<16xi32>, vector<16xi32>], vector<16xf32>,
        %add3A_886 = arith.constant 8 : i32
        %add3A_887 = vector.broadcast %add3A_886 : i32 to vector<16xi32>
        %add3A_888 = arith.addi %add3A_792, %add3A_887 : vector<16xi32>
        %gather3A_889 = tpu.vector_load_idx %arg11[%add3A_801, %add3A_888] : memref<48x128xf32, #tpu.memory_space<vmem>>[vector<16xi32>, vector<16xi32>], vector<16xf32>,
        %mul3A_890 = arith.mulf %gather3A_885, %gather3A_889 : vector<16xf32>
        %add3A_891 = arith.addf %add3A_881, %mul3A_890 : vector<16xf32>
        %add3A_892 = arith.constant 9 : i32
        %add3A_893 = vector.broadcast %add3A_892 : i32 to vector<16xi32>
        %add3A_894 = arith.addi %add3A_798, %add3A_893 : vector<16xi32>
        %gather3A_895 = tpu.vector_load_idx %arg10[%add3A_894, %and3A_785] : memref<768x128xf32, #tpu.memory_space<vmem>>[vector<16xi32>, vector<16xi32>], vector<16xf32>,
        %add3A_896 = arith.constant 9 : i32
        %add3A_897 = vector.broadcast %add3A_896 : i32 to vector<16xi32>
        %add3A_898 = arith.addi %add3A_792, %add3A_897 : vector<16xi32>
        %gather3A_899 = tpu.vector_load_idx %arg11[%add3A_801, %add3A_898] : memref<48x128xf32, #tpu.memory_space<vmem>>[vector<16xi32>, vector<16xi32>], vector<16xf32>,
        %mul3A_900 = arith.mulf %gather3A_895, %gather3A_899 : vector<16xf32>
        %add3A_901 = arith.addf %add3A_891, %mul3A_900 : vector<16xf32>
        %add3A_902 = arith.constant 10 : i32
        %add3A_903 = vector.broadcast %add3A_902 : i32 to vector<16xi32>
        %add3A_904 = arith.addi %add3A_798, %add3A_903 : vector<16xi32>
        %gather3A_905 = tpu.vector_load_idx %arg10[%add3A_904, %and3A_785] : memref<768x128xf32, #tpu.memory_space<vmem>>[vector<16xi32>, vector<16xi32>], vector<16xf32>,
        %add3A_906 = arith.constant 10 : i32
        %add3A_907 = vector.broadcast %add3A_906 : i32 to vector<16xi32>
        %add3A_908 = arith.addi %add3A_792, %add3A_907 : vector<16xi32>
        %gather3A_909 = tpu.vector_load_idx %arg11[%add3A_801, %add3A_908] : memref<48x128xf32, #tpu.memory_space<vmem>>[vector<16xi32>, vector<16xi32>], vector<16xf32>,
        %mul3A_910 = arith.mulf %gather3A_905, %gather3A_909 : vector<16xf32>
        %add3A_911 = arith.addf %add3A_901, %mul3A_910 : vector<16xf32>
        %add3A_912 = arith.constant 11 : i32
        %add3A_913 = vector.broadcast %add3A_912 : i32 to vector<16xi32>
        %add3A_914 = arith.addi %add3A_798, %add3A_913 : vector<16xi32>
        %gather3A_915 = tpu.vector_load_idx %arg10[%add3A_914, %and3A_785] : memref<768x128xf32, #tpu.memory_space<vmem>>[vector<16xi32>, vector<16xi32>], vector<16xf32>,
        %add3A_916 = arith.constant 11 : i32
        %add3A_917 = vector.broadcast %add3A_916 : i32 to vector<16xi32>
        %add3A_918 = arith.addi %add3A_792, %add3A_917 : vector<16xi32>
        %gather3A_919 = tpu.vector_load_idx %arg11[%add3A_801, %add3A_918] : memref<48x128xf32, #tpu.memory_space<vmem>>[vector<16xi32>, vector<16xi32>], vector<16xf32>,
        %mul3A_920 = arith.mulf %gather3A_915, %gather3A_919 : vector<16xf32>
        %add3A_921 = arith.addf %add3A_911, %mul3A_920 : vector<16xf32>
        %add3A_922 = arith.constant 12 : i32
        %add3A_923 = vector.broadcast %add3A_922 : i32 to vector<16xi32>
        %add3A_924 = arith.addi %add3A_798, %add3A_923 : vector<16xi32>
        %gather3A_925 = tpu.vector_load_idx %arg10[%add3A_924, %and3A_785] : memref<768x128xf32, #tpu.memory_space<vmem>>[vector<16xi32>, vector<16xi32>], vector<16xf32>,
        %add3A_926 = arith.constant 12 : i32
        %add3A_927 = vector.broadcast %add3A_926 : i32 to vector<16xi32>
        %add3A_928 = arith.addi %add3A_792, %add3A_927 : vector<16xi32>
        %gather3A_929 = tpu.vector_load_idx %arg11[%add3A_801, %add3A_928] : memref<48x128xf32, #tpu.memory_space<vmem>>[vector<16xi32>, vector<16xi32>], vector<16xf32>,
        %mul3A_930 = arith.mulf %gather3A_925, %gather3A_929 : vector<16xf32>
        %add3A_931 = arith.addf %add3A_921, %mul3A_930 : vector<16xf32>
        %add3A_932 = arith.constant 13 : i32
        %add3A_933 = vector.broadcast %add3A_932 : i32 to vector<16xi32>
        %add3A_934 = arith.addi %add3A_798, %add3A_933 : vector<16xi32>
        %gather3A_935 = tpu.vector_load_idx %arg10[%add3A_934, %and3A_785] : memref<768x128xf32, #tpu.memory_space<vmem>>[vector<16xi32>, vector<16xi32>], vector<16xf32>,
        %add3A_936 = arith.constant 13 : i32
        %add3A_937 = vector.broadcast %add3A_936 : i32 to vector<16xi32>
        %add3A_938 = arith.addi %add3A_792, %add3A_937 : vector<16xi32>
        %gather3A_939 = tpu.vector_load_idx %arg11[%add3A_801, %add3A_938] : memref<48x128xf32, #tpu.memory_space<vmem>>[vector<16xi32>, vector<16xi32>], vector<16xf32>,
        %mul3A_940 = arith.mulf %gather3A_935, %gather3A_939 : vector<16xf32>
        %add3A_941 = arith.addf %add3A_931, %mul3A_940 : vector<16xf32>
        %add3A_942 = arith.constant 14 : i32
        %add3A_943 = vector.broadcast %add3A_942 : i32 to vector<16xi32>
        %add3A_944 = arith.addi %add3A_798, %add3A_943 : vector<16xi32>
        %gather3A_945 = tpu.vector_load_idx %arg10[%add3A_944, %and3A_785] : memref<768x128xf32, #tpu.memory_space<vmem>>[vector<16xi32>, vector<16xi32>], vector<16xf32>,
        %add3A_946 = arith.constant 14 : i32
        %add3A_947 = vector.broadcast %add3A_946 : i32 to vector<16xi32>
        %add3A_948 = arith.addi %add3A_792, %add3A_947 : vector<16xi32>
        %gather3A_949 = tpu.vector_load_idx %arg11[%add3A_801, %add3A_948] : memref<48x128xf32, #tpu.memory_space<vmem>>[vector<16xi32>, vector<16xi32>], vector<16xf32>,
        %mul3A_950 = arith.mulf %gather3A_945, %gather3A_949 : vector<16xf32>
        %add3A_951 = arith.addf %add3A_941, %mul3A_950 : vector<16xf32>
        %add3A_952 = arith.constant 15 : i32
        %add3A_953 = vector.broadcast %add3A_952 : i32 to vector<16xi32>
        %add3A_954 = arith.addi %add3A_798, %add3A_953 : vector<16xi32>
        %gather3A_955 = tpu.vector_load_idx %arg10[%add3A_954, %and3A_785] : memref<768x128xf32, #tpu.memory_space<vmem>>[vector<16xi32>, vector<16xi32>], vector<16xf32>,
        %add3A_956 = arith.constant 15 : i32
        %add3A_957 = vector.broadcast %add3A_956 : i32 to vector<16xi32>
        %add3A_958 = arith.addi %add3A_792, %add3A_957 : vector<16xi32>
        %gather3A_959 = tpu.vector_load_idx %arg11[%add3A_801, %add3A_958] : memref<48x128xf32, #tpu.memory_space<vmem>>[vector<16xi32>, vector<16xi32>], vector<16xf32>,
        %mul3A_960 = arith.mulf %gather3A_955, %gather3A_959 : vector<16xf32>
        %add3A_961 = arith.addf %add3A_951, %mul3A_960 : vector<16xf32>
        %mul3A_962 = arith.constant 16 : i32
        %mul3A_963 = arith.muli %scan3A_593, %mul3A_962 : i32
        %swap3A = arith.index_cast %mul3A_963 : i32 to index
        %swap3A_964 = tpu.vector_load %arg12[%swap3A] {strides = array<i32>} : memref<1024xf32, #tpu.memory_space<vmem>>, vector<16xf32>,
        tpu.vector_store %arg12[%swap3A], %add3A_961 {strides = array<i32>} : memref<1024xf32, #tpu.memory_space<vmem>>, vector<16xf32>,
        %add3A_965 = arith.constant 3 : i32
        %add3A_966 = arith.addi %scan3A_593, %add3A_965 : i32
        %lt3A = arith.constant 64 : i32
        %lt3A_967 = arith.cmpi slt, %add3A_966, %lt3A : i32
        %convert_element_type3A_968 = arith.extui %lt3A_967 : i1 to i32
        %cond3A_969 = arith.constant 0 : i32
        %cond3A_970 = arith.cmpi ne, %convert_element_type3A_968, %cond3A_969 : i32
        scf.if %cond3A_970 {
          %add3A_971 = arith.constant 3 : i32
          %add3A_972 = arith.addi %scan3A_593, %add3A_971 : i32
          %mul3A_973 = arith.constant 16 : i32
          %mul3A_974 = arith.muli %add3A_972, %mul3A_973 : i32
          %get3A_975 = arith.index_cast %mul3A_974 : i32 to index
          %get3A_976 = tpu.vector_load %arg7[%get3A_975] {strides = array<i32>} : memref<1024xi32, #tpu.memory_space<vmem>>, vector<16xi32>,
          %and3A_977 = arith.constant -128 : i32
          %and3A_978 = vector.broadcast %and3A_977 : i32 to vector<16xi32>
          %and3A_979 = arith.andi %get3A_976, %and3A_978 : vector<16xi32>
          %slice3A_980 = vector.extract_strided_slice %and3A_979 {offsets = [0], sizes = [1], strides = [1]} : vector<16xi32> to vector<1xi32>
          %squeeze3A_981 = vector.extract %slice3A_980[0] : i32 from vector<1xi32>
          %multiple_of3A_982 = tpu.assume_multiple %squeeze3A_981, 128 : i32
          %dma_start3A_983 = arith.constant 256 : i32
          %dma_start3A_984 = arith.constant 0 : i32
          %dma_start3A_985 = tpu.memref_slice %arg10[%dma_start3A_983, %dma_start3A_984] : memref<768x128xf32, #tpu.memory_space<vmem>> -> memref<16x128xf32, #tpu.memory_space<vmem>>
          %dma_start3A_986 = tpu.memref_slice %arg4[%multiple_of3A, %multiple_of3A_982] : memref<32x1000000xf32, #tpu.memory_space<hbm>> -> memref<16x128xf32, #tpu.memory_space<hbm>>
          %dma_start3A_987 = arith.constant 256 : i32
          %dma_start3A_988 = arith.constant 0 : i32
          %dma_start3A_989 = tpu.memref_slice %arg10[%dma_start3A_987, %dma_start3A_988] : memref<768x128xf32, #tpu.memory_space<vmem>> -> memref<16x128xf32, #tpu.memory_space<vmem>>
          %dma_start3A_990 = tpu.memref_slice %arg4[%multiple_of3A, %multiple_of3A_982] : memref<32x1000000xf32, #tpu.memory_space<hbm>> -> memref<16x128xf32, #tpu.memory_space<hbm>>
          tpu.enqueue_dma source(%dma_start3A_990 : memref<16x128xf32, #tpu.memory_space<hbm>>) target(%dma_start3A_989 : memref<16x128xf32, #tpu.memory_space<vmem>>) target_semaphore(%arg14 : memref<!tpu.dma_semaphore, #tpu.memory_space<semaphore_mem>>)
          %slice3A_991 = vector.extract_strided_slice %and3A_979 {offsets = [1], sizes = [1], strides = [1]} : vector<16xi32> to vector<1xi32>
          %squeeze3A_992 = vector.extract %slice3A_991[0] : i32 from vector<1xi32>
          %multiple_of3A_993 = tpu.assume_multiple %squeeze3A_992, 128 : i32
          %dma_start3A_994 = arith.constant 272 : i32
          %dma_start3A_995 = arith.constant 0 : i32
          %dma_start3A_996 = tpu.memref_slice %arg10[%dma_start3A_994, %dma_start3A_995] : memref<768x128xf32, #tpu.memory_space<vmem>> -> memref<16x128xf32, #tpu.memory_space<vmem>>
          %dma_start3A_997 = tpu.memref_slice %arg4[%multiple_of3A, %multiple_of3A_993] : memref<32x1000000xf32, #tpu.memory_space<hbm>> -> memref<16x128xf32, #tpu.memory_space<hbm>>
          %dma_start3A_998 = arith.constant 272 : i32
          %dma_start3A_999 = arith.constant 0 : i32
          %dma_start3A_1000 = tpu.memref_slice %arg10[%dma_start3A_998, %dma_start3A_999] : memref<768x128xf32, #tpu.memory_space<vmem>> -> memref<16x128xf32, #tpu.memory_space<vmem>>
          %dma_start3A_1001 = tpu.memref_slice %arg4[%multiple_of3A, %multiple_of3A_993] : memref<32x1000000xf32, #tpu.memory_space<hbm>> -> memref<16x128xf32, #tpu.memory_space<hbm>>
          tpu.enqueue_dma source(%dma_start3A_1001 : memref<16x128xf32, #tpu.memory_space<hbm>>) target(%dma_start3A_1000 : memref<16x128xf32, #tpu.memory_space<vmem>>) target_semaphore(%arg14 : memref<!tpu.dma_semaphore, #tpu.memory_space<semaphore_mem>>)
          %slice3A_1002 = vector.extract_strided_slice %and3A_979 {offsets = [2], sizes = [1], strides = [1]} : vector<16xi32> to vector<1xi32>
          %squeeze3A_1003 = vector.extract %slice3A_1002[0] : i32 from vector<1xi32>
          %multiple_of3A_1004 = tpu.assume_multiple %squeeze3A_1003, 128 : i32
          %dma_start3A_1005 = arith.constant 288 : i32
          %dma_start3A_1006 = arith.constant 0 : i32
          %dma_start3A_1007 = tpu.memref_slice %arg10[%dma_start3A_1005, %dma_start3A_1006] : memref<768x128xf32, #tpu.memory_space<vmem>> -> memref<16x128xf32, #tpu.memory_space<vmem>>
          %dma_start3A_1008 = tpu.memref_slice %arg4[%multiple_of3A, %multiple_of3A_1004] : memref<32x1000000xf32, #tpu.memory_space<hbm>> -> memref<16x128xf32, #tpu.memory_space<hbm>>
          %dma_start3A_1009 = arith.constant 288 : i32
          %dma_start3A_1010 = arith.constant 0 : i32
          %dma_start3A_1011 = tpu.memref_slice %arg10[%dma_start3A_1009, %dma_start3A_1010] : memref<768x128xf32, #tpu.memory_space<vmem>> -> memref<16x128xf32, #tpu.memory_space<vmem>>
          %dma_start3A_1012 = tpu.memref_slice %arg4[%multiple_of3A, %multiple_of3A_1004] : memref<32x1000000xf32, #tpu.memory_space<hbm>> -> memref<16x128xf32, #tpu.memory_space<hbm>>
          tpu.enqueue_dma source(%dma_start3A_1012 : memref<16x128xf32, #tpu.memory_space<hbm>>) target(%dma_start3A_1011 : memref<16x128xf32, #tpu.memory_space<vmem>>) target_semaphore(%arg14 : memref<!tpu.dma_semaphore, #tpu.memory_space<semaphore_mem>>)
          %slice3A_1013 = vector.extract_strided_slice %and3A_979 {offsets = [3], sizes = [1], strides = [1]} : vector<16xi32> to vector<1xi32>
          %squeeze3A_1014 = vector.extract %slice3A_1013[0] : i32 from vector<1xi32>
          %multiple_of3A_1015 = tpu.assume_multiple %squeeze3A_1014, 128 : i32
          %dma_start3A_1016 = arith.constant 304 : i32
          %dma_start3A_1017 = arith.constant 0 : i32
          %dma_start3A_1018 = tpu.memref_slice %arg10[%dma_start3A_1016, %dma_start3A_1017] : memref<768x128xf32, #tpu.memory_space<vmem>> -> memref<16x128xf32, #tpu.memory_space<vmem>>
          %dma_start3A_1019 = tpu.memref_slice %arg4[%multiple_of3A, %multiple_of3A_1015] : memref<32x1000000xf32, #tpu.memory_space<hbm>> -> memref<16x128xf32, #tpu.memory_space<hbm>>
          %dma_start3A_1020 = arith.constant 304 : i32
          %dma_start3A_1021 = arith.constant 0 : i32
          %dma_start3A_1022 = tpu.memref_slice %arg10[%dma_start3A_1020, %dma_start3A_1021] : memref<768x128xf32, #tpu.memory_space<vmem>> -> memref<16x128xf32, #tpu.memory_space<vmem>>
          %dma_start3A_1023 = tpu.memref_slice %arg4[%multiple_of3A, %multiple_of3A_1015] : memref<32x1000000xf32, #tpu.memory_space<hbm>> -> memref<16x128xf32, #tpu.memory_space<hbm>>
          tpu.enqueue_dma source(%dma_start3A_1023 : memref<16x128xf32, #tpu.memory_space<hbm>>) target(%dma_start3A_1022 : memref<16x128xf32, #tpu.memory_space<vmem>>) target_semaphore(%arg14 : memref<!tpu.dma_semaphore, #tpu.memory_space<semaphore_mem>>)
          %slice3A_1024 = vector.extract_strided_slice %and3A_979 {offsets = [4], sizes = [1], strides = [1]} : vector<16xi32> to vector<1xi32>
          %squeeze3A_1025 = vector.extract %slice3A_1024[0] : i32 from vector<1xi32>
          %multiple_of3A_1026 = tpu.assume_multiple %squeeze3A_1025, 128 : i32
          %dma_start3A_1027 = arith.constant 320 : i32
          %dma_start3A_1028 = arith.constant 0 : i32
          %dma_start3A_1029 = tpu.memref_slice %arg10[%dma_start3A_1027, %dma_start3A_1028] : memref<768x128xf32, #tpu.memory_space<vmem>> -> memref<16x128xf32, #tpu.memory_space<vmem>>
          %dma_start3A_1030 = tpu.memref_slice %arg4[%multiple_of3A, %multiple_of3A_1026] : memref<32x1000000xf32, #tpu.memory_space<hbm>> -> memref<16x128xf32, #tpu.memory_space<hbm>>
          %dma_start3A_1031 = arith.constant 320 : i32
          %dma_start3A_1032 = arith.constant 0 : i32
          %dma_start3A_1033 = tpu.memref_slice %arg10[%dma_start3A_1031, %dma_start3A_1032] : memref<768x128xf32, #tpu.memory_space<vmem>> -> memref<16x128xf32, #tpu.memory_space<vmem>>
          %dma_start3A_1034 = tpu.memref_slice %arg4[%multiple_of3A, %multiple_of3A_1026] : memref<32x1000000xf32, #tpu.memory_space<hbm>> -> memref<16x128xf32, #tpu.memory_space<hbm>>
          tpu.enqueue_dma source(%dma_start3A_1034 : memref<16x128xf32, #tpu.memory_space<hbm>>) target(%dma_start3A_1033 : memref<16x128xf32, #tpu.memory_space<vmem>>) target_semaphore(%arg14 : memref<!tpu.dma_semaphore, #tpu.memory_space<semaphore_mem>>)
          %slice3A_1035 = vector.extract_strided_slice %and3A_979 {offsets = [5], sizes = [1], strides = [1]} : vector<16xi32> to vector<1xi32>
          %squeeze3A_1036 = vector.extract %slice3A_1035[0] : i32 from vector<1xi32>
          %multiple_of3A_1037 = tpu.assume_multiple %squeeze3A_1036, 128 : i32
          %dma_start3A_1038 = arith.constant 336 : i32
          %dma_start3A_1039 = arith.constant 0 : i32
          %dma_start3A_1040 = tpu.memref_slice %arg10[%dma_start3A_1038, %dma_start3A_1039] : memref<768x128xf32, #tpu.memory_space<vmem>> -> memref<16x128xf32, #tpu.memory_space<vmem>>
          %dma_start3A_1041 = tpu.memref_slice %arg4[%multiple_of3A, %multiple_of3A_1037] : memref<32x1000000xf32, #tpu.memory_space<hbm>> -> memref<16x128xf32, #tpu.memory_space<hbm>>
          %dma_start3A_1042 = arith.constant 336 : i32
          %dma_start3A_1043 = arith.constant 0 : i32
          %dma_start3A_1044 = tpu.memref_slice %arg10[%dma_start3A_1042, %dma_start3A_1043] : memref<768x128xf32, #tpu.memory_space<vmem>> -> memref<16x128xf32, #tpu.memory_space<vmem>>
          %dma_start3A_1045 = tpu.memref_slice %arg4[%multiple_of3A, %multiple_of3A_1037] : memref<32x1000000xf32, #tpu.memory_space<hbm>> -> memref<16x128xf32, #tpu.memory_space<hbm>>
          tpu.enqueue_dma source(%dma_start3A_1045 : memref<16x128xf32, #tpu.memory_space<hbm>>) target(%dma_start3A_1044 : memref<16x128xf32, #tpu.memory_space<vmem>>) target_semaphore(%arg14 : memref<!tpu.dma_semaphore, #tpu.memory_space<semaphore_mem>>)
          %slice3A_1046 = vector.extract_strided_slice %and3A_979 {offsets = [6], sizes = [1], strides = [1]} : vector<16xi32> to vector<1xi32>
          %squeeze3A_1047 = vector.extract %slice3A_1046[0] : i32 from vector<1xi32>
          %multiple_of3A_1048 = tpu.assume_multiple %squeeze3A_1047, 128 : i32
          %dma_start3A_1049 = arith.constant 352 : i32
          %dma_start3A_1050 = arith.constant 0 : i32
          %dma_start3A_1051 = tpu.memref_slice %arg10[%dma_start3A_1049, %dma_start3A_1050] : memref<768x128xf32, #tpu.memory_space<vmem>> -> memref<16x128xf32, #tpu.memory_space<vmem>>
          %dma_start3A_1052 = tpu.memref_slice %arg4[%multiple_of3A, %multiple_of3A_1048] : memref<32x1000000xf32, #tpu.memory_space<hbm>> -> memref<16x128xf32, #tpu.memory_space<hbm>>
          %dma_start3A_1053 = arith.constant 352 : i32
          %dma_start3A_1054 = arith.constant 0 : i32
          %dma_start3A_1055 = tpu.memref_slice %arg10[%dma_start3A_1053, %dma_start3A_1054] : memref<768x128xf32, #tpu.memory_space<vmem>> -> memref<16x128xf32, #tpu.memory_space<vmem>>
          %dma_start3A_1056 = tpu.memref_slice %arg4[%multiple_of3A, %multiple_of3A_1048] : memref<32x1000000xf32, #tpu.memory_space<hbm>> -> memref<16x128xf32, #tpu.memory_space<hbm>>
          tpu.enqueue_dma source(%dma_start3A_1056 : memref<16x128xf32, #tpu.memory_space<hbm>>) target(%dma_start3A_1055 : memref<16x128xf32, #tpu.memory_space<vmem>>) target_semaphore(%arg14 : memref<!tpu.dma_semaphore, #tpu.memory_space<semaphore_mem>>)
          %slice3A_1057 = vector.extract_strided_slice %and3A_979 {offsets = [7], sizes = [1], strides = [1]} : vector<16xi32> to vector<1xi32>
          %squeeze3A_1058 = vector.extract %slice3A_1057[0] : i32 from vector<1xi32>
          %multiple_of3A_1059 = tpu.assume_multiple %squeeze3A_1058, 128 : i32
          %dma_start3A_1060 = arith.constant 368 : i32
          %dma_start3A_1061 = arith.constant 0 : i32
          %dma_start3A_1062 = tpu.memref_slice %arg10[%dma_start3A_1060, %dma_start3A_1061] : memref<768x128xf32, #tpu.memory_space<vmem>> -> memref<16x128xf32, #tpu.memory_space<vmem>>
          %dma_start3A_1063 = tpu.memref_slice %arg4[%multiple_of3A, %multiple_of3A_1059] : memref<32x1000000xf32, #tpu.memory_space<hbm>> -> memref<16x128xf32, #tpu.memory_space<hbm>>
          %dma_start3A_1064 = arith.constant 368 : i32
          %dma_start3A_1065 = arith.constant 0 : i32
          %dma_start3A_1066 = tpu.memref_slice %arg10[%dma_start3A_1064, %dma_start3A_1065] : memref<768x128xf32, #tpu.memory_space<vmem>> -> memref<16x128xf32, #tpu.memory_space<vmem>>
          %dma_start3A_1067 = tpu.memref_slice %arg4[%multiple_of3A, %multiple_of3A_1059] : memref<32x1000000xf32, #tpu.memory_space<hbm>> -> memref<16x128xf32, #tpu.memory_space<hbm>>
          tpu.enqueue_dma source(%dma_start3A_1067 : memref<16x128xf32, #tpu.memory_space<hbm>>) target(%dma_start3A_1066 : memref<16x128xf32, #tpu.memory_space<vmem>>) target_semaphore(%arg14 : memref<!tpu.dma_semaphore, #tpu.memory_space<semaphore_mem>>)
          %slice3A_1068 = vector.extract_strided_slice %and3A_979 {offsets = [8], sizes = [1], strides = [1]} : vector<16xi32> to vector<1xi32>
          %squeeze3A_1069 = vector.extract %slice3A_1068[0] : i32 from vector<1xi32>
          %multiple_of3A_1070 = tpu.assume_multiple %squeeze3A_1069, 128 : i32
          %dma_start3A_1071 = arith.constant 384 : i32
          %dma_start3A_1072 = arith.constant 0 : i32
          %dma_start3A_1073 = tpu.memref_slice %arg10[%dma_start3A_1071, %dma_start3A_1072] : memref<768x128xf32, #tpu.memory_space<vmem>> -> memref<16x128xf32, #tpu.memory_space<vmem>>
          %dma_start3A_1074 = tpu.memref_slice %arg4[%multiple_of3A, %multiple_of3A_1070] : memref<32x1000000xf32, #tpu.memory_space<hbm>> -> memref<16x128xf32, #tpu.memory_space<hbm>>
          %dma_start3A_1075 = arith.constant 384 : i32
          %dma_start3A_1076 = arith.constant 0 : i32
          %dma_start3A_1077 = tpu.memref_slice %arg10[%dma_start3A_1075, %dma_start3A_1076] : memref<768x128xf32, #tpu.memory_space<vmem>> -> memref<16x128xf32, #tpu.memory_space<vmem>>
          %dma_start3A_1078 = tpu.memref_slice %arg4[%multiple_of3A, %multiple_of3A_1070] : memref<32x1000000xf32, #tpu.memory_space<hbm>> -> memref<16x128xf32, #tpu.memory_space<hbm>>
          tpu.enqueue_dma source(%dma_start3A_1078 : memref<16x128xf32, #tpu.memory_space<hbm>>) target(%dma_start3A_1077 : memref<16x128xf32, #tpu.memory_space<vmem>>) target_semaphore(%arg14 : memref<!tpu.dma_semaphore, #tpu.memory_space<semaphore_mem>>)
          %slice3A_1079 = vector.extract_strided_slice %and3A_979 {offsets = [9], sizes = [1], strides = [1]} : vector<16xi32> to vector<1xi32>
          %squeeze3A_1080 = vector.extract %slice3A_1079[0] : i32 from vector<1xi32>
          %multiple_of3A_1081 = tpu.assume_multiple %squeeze3A_1080, 128 : i32
          %dma_start3A_1082 = arith.constant 400 : i32
          %dma_start3A_1083 = arith.constant 0 : i32
          %dma_start3A_1084 = tpu.memref_slice %arg10[%dma_start3A_1082, %dma_start3A_1083] : memref<768x128xf32, #tpu.memory_space<vmem>> -> memref<16x128xf32, #tpu.memory_space<vmem>>
          %dma_start3A_1085 = tpu.memref_slice %arg4[%multiple_of3A, %multiple_of3A_1081] : memref<32x1000000xf32, #tpu.memory_space<hbm>> -> memref<16x128xf32, #tpu.memory_space<hbm>>
          %dma_start3A_1086 = arith.constant 400 : i32
          %dma_start3A_1087 = arith.constant 0 : i32
          %dma_start3A_1088 = tpu.memref_slice %arg10[%dma_start3A_1086, %dma_start3A_1087] : memref<768x128xf32, #tpu.memory_space<vmem>> -> memref<16x128xf32, #tpu.memory_space<vmem>>
          %dma_start3A_1089 = tpu.memref_slice %arg4[%multiple_of3A, %multiple_of3A_1081] : memref<32x1000000xf32, #tpu.memory_space<hbm>> -> memref<16x128xf32, #tpu.memory_space<hbm>>
          tpu.enqueue_dma source(%dma_start3A_1089 : memref<16x128xf32, #tpu.memory_space<hbm>>) target(%dma_start3A_1088 : memref<16x128xf32, #tpu.memory_space<vmem>>) target_semaphore(%arg14 : memref<!tpu.dma_semaphore, #tpu.memory_space<semaphore_mem>>)
          %slice3A_1090 = vector.extract_strided_slice %and3A_979 {offsets = [10], sizes = [1], strides = [1]} : vector<16xi32> to vector<1xi32>
          %squeeze3A_1091 = vector.extract %slice3A_1090[0] : i32 from vector<1xi32>
          %multiple_of3A_1092 = tpu.assume_multiple %squeeze3A_1091, 128 : i32
          %dma_start3A_1093 = arith.constant 416 : i32
          %dma_start3A_1094 = arith.constant 0 : i32
          %dma_start3A_1095 = tpu.memref_slice %arg10[%dma_start3A_1093, %dma_start3A_1094] : memref<768x128xf32, #tpu.memory_space<vmem>> -> memref<16x128xf32, #tpu.memory_space<vmem>>
          %dma_start3A_1096 = tpu.memref_slice %arg4[%multiple_of3A, %multiple_of3A_1092] : memref<32x1000000xf32, #tpu.memory_space<hbm>> -> memref<16x128xf32, #tpu.memory_space<hbm>>
          %dma_start3A_1097 = arith.constant 416 : i32
          %dma_start3A_1098 = arith.constant 0 : i32
          %dma_start3A_1099 = tpu.memref_slice %arg10[%dma_start3A_1097, %dma_start3A_1098] : memref<768x128xf32, #tpu.memory_space<vmem>> -> memref<16x128xf32, #tpu.memory_space<vmem>>
          %dma_start3A_1100 = tpu.memref_slice %arg4[%multiple_of3A, %multiple_of3A_1092] : memref<32x1000000xf32, #tpu.memory_space<hbm>> -> memref<16x128xf32, #tpu.memory_space<hbm>>
          tpu.enqueue_dma source(%dma_start3A_1100 : memref<16x128xf32, #tpu.memory_space<hbm>>) target(%dma_start3A_1099 : memref<16x128xf32, #tpu.memory_space<vmem>>) target_semaphore(%arg14 : memref<!tpu.dma_semaphore, #tpu.memory_space<semaphore_mem>>)
          %slice3A_1101 = vector.extract_strided_slice %and3A_979 {offsets = [11], sizes = [1], strides = [1]} : vector<16xi32> to vector<1xi32>
          %squeeze3A_1102 = vector.extract %slice3A_1101[0] : i32 from vector<1xi32>
          %multiple_of3A_1103 = tpu.assume_multiple %squeeze3A_1102, 128 : i32
          %dma_start3A_1104 = arith.constant 432 : i32
          %dma_start3A_1105 = arith.constant 0 : i32
          %dma_start3A_1106 = tpu.memref_slice %arg10[%dma_start3A_1104, %dma_start3A_1105] : memref<768x128xf32, #tpu.memory_space<vmem>> -> memref<16x128xf32, #tpu.memory_space<vmem>>
          %dma_start3A_1107 = tpu.memref_slice %arg4[%multiple_of3A, %multiple_of3A_1103] : memref<32x1000000xf32, #tpu.memory_space<hbm>> -> memref<16x128xf32, #tpu.memory_space<hbm>>
          %dma_start3A_1108 = arith.constant 432 : i32
          %dma_start3A_1109 = arith.constant 0 : i32
          %dma_start3A_1110 = tpu.memref_slice %arg10[%dma_start3A_1108, %dma_start3A_1109] : memref<768x128xf32, #tpu.memory_space<vmem>> -> memref<16x128xf32, #tpu.memory_space<vmem>>
          %dma_start3A_1111 = tpu.memref_slice %arg4[%multiple_of3A, %multiple_of3A_1103] : memref<32x1000000xf32, #tpu.memory_space<hbm>> -> memref<16x128xf32, #tpu.memory_space<hbm>>
          tpu.enqueue_dma source(%dma_start3A_1111 : memref<16x128xf32, #tpu.memory_space<hbm>>) target(%dma_start3A_1110 : memref<16x128xf32, #tpu.memory_space<vmem>>) target_semaphore(%arg14 : memref<!tpu.dma_semaphore, #tpu.memory_space<semaphore_mem>>)
          %slice3A_1112 = vector.extract_strided_slice %and3A_979 {offsets = [12], sizes = [1], strides = [1]} : vector<16xi32> to vector<1xi32>
          %squeeze3A_1113 = vector.extract %slice3A_1112[0] : i32 from vector<1xi32>
          %multiple_of3A_1114 = tpu.assume_multiple %squeeze3A_1113, 128 : i32
          %dma_start3A_1115 = arith.constant 448 : i32
          %dma_start3A_1116 = arith.constant 0 : i32
          %dma_start3A_1117 = tpu.memref_slice %arg10[%dma_start3A_1115, %dma_start3A_1116] : memref<768x128xf32, #tpu.memory_space<vmem>> -> memref<16x128xf32, #tpu.memory_space<vmem>>
          %dma_start3A_1118 = tpu.memref_slice %arg4[%multiple_of3A, %multiple_of3A_1114] : memref<32x1000000xf32, #tpu.memory_space<hbm>> -> memref<16x128xf32, #tpu.memory_space<hbm>>
          %dma_start3A_1119 = arith.constant 448 : i32
          %dma_start3A_1120 = arith.constant 0 : i32
          %dma_start3A_1121 = tpu.memref_slice %arg10[%dma_start3A_1119, %dma_start3A_1120] : memref<768x128xf32, #tpu.memory_space<vmem>> -> memref<16x128xf32, #tpu.memory_space<vmem>>
          %dma_start3A_1122 = tpu.memref_slice %arg4[%multiple_of3A, %multiple_of3A_1114] : memref<32x1000000xf32, #tpu.memory_space<hbm>> -> memref<16x128xf32, #tpu.memory_space<hbm>>
          tpu.enqueue_dma source(%dma_start3A_1122 : memref<16x128xf32, #tpu.memory_space<hbm>>) target(%dma_start3A_1121 : memref<16x128xf32, #tpu.memory_space<vmem>>) target_semaphore(%arg14 : memref<!tpu.dma_semaphore, #tpu.memory_space<semaphore_mem>>)
          %slice3A_1123 = vector.extract_strided_slice %and3A_979 {offsets = [13], sizes = [1], strides = [1]} : vector<16xi32> to vector<1xi32>
          %squeeze3A_1124 = vector.extract %slice3A_1123[0] : i32 from vector<1xi32>
          %multiple_of3A_1125 = tpu.assume_multiple %squeeze3A_1124, 128 : i32
          %dma_start3A_1126 = arith.constant 464 : i32
          %dma_start3A_1127 = arith.constant 0 : i32
          %dma_start3A_1128 = tpu.memref_slice %arg10[%dma_start3A_1126, %dma_start3A_1127] : memref<768x128xf32, #tpu.memory_space<vmem>> -> memref<16x128xf32, #tpu.memory_space<vmem>>
          %dma_start3A_1129 = tpu.memref_slice %arg4[%multiple_of3A, %multiple_of3A_1125] : memref<32x1000000xf32, #tpu.memory_space<hbm>> -> memref<16x128xf32, #tpu.memory_space<hbm>>
          %dma_start3A_1130 = arith.constant 464 : i32
          %dma_start3A_1131 = arith.constant 0 : i32
          %dma_start3A_1132 = tpu.memref_slice %arg10[%dma_start3A_1130, %dma_start3A_1131] : memref<768x128xf32, #tpu.memory_space<vmem>> -> memref<16x128xf32, #tpu.memory_space<vmem>>
          %dma_start3A_1133 = tpu.memref_slice %arg4[%multiple_of3A, %multiple_of3A_1125] : memref<32x1000000xf32, #tpu.memory_space<hbm>> -> memref<16x128xf32, #tpu.memory_space<hbm>>
          tpu.enqueue_dma source(%dma_start3A_1133 : memref<16x128xf32, #tpu.memory_space<hbm>>) target(%dma_start3A_1132 : memref<16x128xf32, #tpu.memory_space<vmem>>) target_semaphore(%arg14 : memref<!tpu.dma_semaphore, #tpu.memory_space<semaphore_mem>>)
          %slice3A_1134 = vector.extract_strided_slice %and3A_979 {offsets = [14], sizes = [1], strides = [1]} : vector<16xi32> to vector<1xi32>
          %squeeze3A_1135 = vector.extract %slice3A_1134[0] : i32 from vector<1xi32>
          %multiple_of3A_1136 = tpu.assume_multiple %squeeze3A_1135, 128 : i32
          %dma_start3A_1137 = arith.constant 480 : i32
          %dma_start3A_1138 = arith.constant 0 : i32
          %dma_start3A_1139 = tpu.memref_slice %arg10[%dma_start3A_1137, %dma_start3A_1138] : memref<768x128xf32, #tpu.memory_space<vmem>> -> memref<16x128xf32, #tpu.memory_space<vmem>>
          %dma_start3A_1140 = tpu.memref_slice %arg4[%multiple_of3A, %multiple_of3A_1136] : memref<32x1000000xf32, #tpu.memory_space<hbm>> -> memref<16x128xf32, #tpu.memory_space<hbm>>
          %dma_start3A_1141 = arith.constant 480 : i32
          %dma_start3A_1142 = arith.constant 0 : i32
          %dma_start3A_1143 = tpu.memref_slice %arg10[%dma_start3A_1141, %dma_start3A_1142] : memref<768x128xf32, #tpu.memory_space<vmem>> -> memref<16x128xf32, #tpu.memory_space<vmem>>
          %dma_start3A_1144 = tpu.memref_slice %arg4[%multiple_of3A, %multiple_of3A_1136] : memref<32x1000000xf32, #tpu.memory_space<hbm>> -> memref<16x128xf32, #tpu.memory_space<hbm>>
          tpu.enqueue_dma source(%dma_start3A_1144 : memref<16x128xf32, #tpu.memory_space<hbm>>) target(%dma_start3A_1143 : memref<16x128xf32, #tpu.memory_space<vmem>>) target_semaphore(%arg14 : memref<!tpu.dma_semaphore, #tpu.memory_space<semaphore_mem>>)
          %slice3A_1145 = vector.extract_strided_slice %and3A_979 {offsets = [15], sizes = [1], strides = [1]} : vector<16xi32> to vector<1xi32>
          %squeeze3A_1146 = vector.extract %slice3A_1145[0] : i32 from vector<1xi32>
          %multiple_of3A_1147 = tpu.assume_multiple %squeeze3A_1146, 128 : i32
          %dma_start3A_1148 = arith.constant 496 : i32
          %dma_start3A_1149 = arith.constant 0 : i32
          %dma_start3A_1150 = tpu.memref_slice %arg10[%dma_start3A_1148, %dma_start3A_1149] : memref<768x128xf32, #tpu.memory_space<vmem>> -> memref<16x128xf32, #tpu.memory_space<vmem>>
          %dma_start3A_1151 = tpu.memref_slice %arg4[%multiple_of3A, %multiple_of3A_1147] : memref<32x1000000xf32, #tpu.memory_space<hbm>> -> memref<16x128xf32, #tpu.memory_space<hbm>>
          %dma_start3A_1152 = arith.constant 496 : i32
          %dma_start3A_1153 = arith.constant 0 : i32
          %dma_start3A_1154 = tpu.memref_slice %arg10[%dma_start3A_1152, %dma_start3A_1153] : memref<768x128xf32, #tpu.memory_space<vmem>> -> memref<16x128xf32, #tpu.memory_space<vmem>>
          %dma_start3A_1155 = tpu.memref_slice %arg4[%multiple_of3A, %multiple_of3A_1147] : memref<32x1000000xf32, #tpu.memory_space<hbm>> -> memref<16x128xf32, #tpu.memory_space<hbm>>
          tpu.enqueue_dma source(%dma_start3A_1155 : memref<16x128xf32, #tpu.memory_space<hbm>>) target(%dma_start3A_1154 : memref<16x128xf32, #tpu.memory_space<vmem>>) target_semaphore(%arg14 : memref<!tpu.dma_semaphore, #tpu.memory_space<semaphore_mem>>)
          %mul3A_1156 = arith.constant 16 : i32
          %mul3A_1157 = arith.muli %add3A_972, %mul3A_1156 : i32
          %dma_start3A_1158 = arith.constant 16 : i32
          %dma_start3A_1159 = arith.constant 0 : i32
          %dma_start3A_1160 = tpu.memref_slice %arg11[%dma_start3A_1158, %dma_start3A_1159] : memref<48x128xf32, #tpu.memory_space<vmem>> -> memref<16x128xf32, #tpu.memory_space<vmem>>
          %dma_start3A_1161 = tpu.memref_slice %arg9[%mul3A_1157] : memref<1024xi32, #tpu.memory_space<vmem>> -> memref<16xi32, #tpu.memory_space<vmem>>
          %dma_start3A_1162 = arith.constant 0 : i32
          %dma_start3A_1163 = arith.constant 0 : i32
          %dma_start3A_1164 = tpu.memref_slice %arg5[%dma_start3A_1162, %dma_start3A_1163] : memref<25000x128xf32, #tpu.memory_space<hbm>> -> memref<25000x128xf32, #tpu.memory_space<hbm>>
          tpu.enqueue_indirect_dma source(%dma_start3A_1164 : memref<25000x128xf32, #tpu.memory_space<hbm>>) target(%dma_start3A_1160 : memref<16x128xf32, #tpu.memory_space<vmem>>) offsets(%dma_start3A_1161 : memref<16xi32, #tpu.memory_space<vmem>>) semaphore(%arg17 : memref<!tpu.dma_semaphore, #tpu.memory_space<semaphore_mem>>)
        } else {
        }
      } else {
      }
      %eq3A_602 = arith.constant 2 : i32
      %eq3A_603 = arith.cmpi eq, %rem3A_594, %eq3A_602 : i32
      %convert_element_type3A_604 = arith.extui %eq3A_603 : i1 to i32
      %cond3A_605 = arith.constant 0 : i32
      %cond3A_606 = arith.cmpi ne, %convert_element_type3A_604, %cond3A_605 : i32
      scf.if %cond3A_606 {
        %dma_wait3A = arith.constant 512 : i32
        %dma_wait3A_607 = arith.constant 0 : i32
        %dma_wait3A_608 = tpu.memref_slice %arg10[%dma_wait3A, %dma_wait3A_607] : memref<768x128xf32, #tpu.memory_space<vmem>> -> memref<16x128xf32, #tpu.memory_space<vmem>>
        %dma_wait3A_609 = arith.constant 0 : i32
        %dma_wait3A_610 = tpu.memref_slice %arg4[%multiple_of3A, %dma_wait3A_609] : memref<32x1000000xf32, #tpu.memory_space<hbm>> -> memref<16x128xf32, #tpu.memory_space<hbm>>
        %dma_wait3A_611 = arith.constant 512 : i32
        %dma_wait3A_612 = arith.constant 0 : i32
        %dma_wait3A_613 = tpu.memref_slice %arg10[%dma_wait3A_611, %dma_wait3A_612] : memref<768x128xf32, #tpu.memory_space<vmem>> -> memref<16x128xf32, #tpu.memory_space<vmem>>
        %dma_wait3A_614 = arith.constant 0 : i32
        %dma_wait3A_615 = tpu.memref_slice %arg4[%multiple_of3A, %dma_wait3A_614] : memref<32x1000000xf32, #tpu.memory_space<hbm>> -> memref<16x128xf32, #tpu.memory_space<hbm>>
        tpu.wait_dma2 semaphore(%arg15 : memref<!tpu.dma_semaphore, #tpu.memory_space<semaphore_mem>>) src(%dma_wait3A_615 : memref<16x128xf32, #tpu.memory_space<hbm>>) dst(%dma_wait3A_613 : memref<16x128xf32, #tpu.memory_space<vmem>>)
        %dma_wait3A_616 = arith.constant 528 : i32
        %dma_wait3A_617 = arith.constant 0 : i32
        %dma_wait3A_618 = tpu.memref_slice %arg10[%dma_wait3A_616, %dma_wait3A_617] : memref<768x128xf32, #tpu.memory_space<vmem>> -> memref<16x128xf32, #tpu.memory_space<vmem>>
        %dma_wait3A_619 = arith.constant 0 : i32
        %dma_wait3A_620 = tpu.memref_slice %arg4[%multiple_of3A, %dma_wait3A_619] : memref<32x1000000xf32, #tpu.memory_space<hbm>> -> memref<16x128xf32, #tpu.memory_space<hbm>>
        %dma_wait3A_621 = arith.constant 528 : i32
        %dma_wait3A_622 = arith.constant 0 : i32
        %dma_wait3A_623 = tpu.memref_slice %arg10[%dma_wait3A_621, %dma_wait3A_622] : memref<768x128xf32, #tpu.memory_space<vmem>> -> memref<16x128xf32, #tpu.memory_space<vmem>>
        %dma_wait3A_624 = arith.constant 0 : i32
        %dma_wait3A_625 = tpu.memref_slice %arg4[%multiple_of3A, %dma_wait3A_624] : memref<32x1000000xf32, #tpu.memory_space<hbm>> -> memref<16x128xf32, #tpu.memory_space<hbm>>
        tpu.wait_dma2 semaphore(%arg15 : memref<!tpu.dma_semaphore, #tpu.memory_space<semaphore_mem>>) src(%dma_wait3A_625 : memref<16x128xf32, #tpu.memory_space<hbm>>) dst(%dma_wait3A_623 : memref<16x128xf32, #tpu.memory_space<vmem>>)
        %dma_wait3A_626 = arith.constant 544 : i32
        %dma_wait3A_627 = arith.constant 0 : i32
        %dma_wait3A_628 = tpu.memref_slice %arg10[%dma_wait3A_626, %dma_wait3A_627] : memref<768x128xf32, #tpu.memory_space<vmem>> -> memref<16x128xf32, #tpu.memory_space<vmem>>
        %dma_wait3A_629 = arith.constant 0 : i32
        %dma_wait3A_630 = tpu.memref_slice %arg4[%multiple_of3A, %dma_wait3A_629] : memref<32x1000000xf32, #tpu.memory_space<hbm>> -> memref<16x128xf32, #tpu.memory_space<hbm>>
        %dma_wait3A_631 = arith.constant 544 : i32
        %dma_wait3A_632 = arith.constant 0 : i32
        %dma_wait3A_633 = tpu.memref_slice %arg10[%dma_wait3A_631, %dma_wait3A_632] : memref<768x128xf32, #tpu.memory_space<vmem>> -> memref<16x128xf32, #tpu.memory_space<vmem>>
        %dma_wait3A_634 = arith.constant 0 : i32
        %dma_wait3A_635 = tpu.memref_slice %arg4[%multiple_of3A, %dma_wait3A_634] : memref<32x1000000xf32, #tpu.memory_space<hbm>> -> memref<16x128xf32, #tpu.memory_space<hbm>>
        tpu.wait_dma2 semaphore(%arg15 : memref<!tpu.dma_semaphore, #tpu.memory_space<semaphore_mem>>) src(%dma_wait3A_635 : memref<16x128xf32, #tpu.memory_space<hbm>>) dst(%dma_wait3A_633 : memref<16x128xf32, #tpu.memory_space<vmem>>)
        %dma_wait3A_636 = arith.constant 560 : i32
        %dma_wait3A_637 = arith.constant 0 : i32
        %dma_wait3A_638 = tpu.memref_slice %arg10[%dma_wait3A_636, %dma_wait3A_637] : memref<768x128xf32, #tpu.memory_space<vmem>> -> memref<16x128xf32, #tpu.memory_space<vmem>>
        %dma_wait3A_639 = arith.constant 0 : i32
        %dma_wait3A_640 = tpu.memref_slice %arg4[%multiple_of3A, %dma_wait3A_639] : memref<32x1000000xf32, #tpu.memory_space<hbm>> -> memref<16x128xf32, #tpu.memory_space<hbm>>
        %dma_wait3A_641 = arith.constant 560 : i32
        %dma_wait3A_642 = arith.constant 0 : i32
        %dma_wait3A_643 = tpu.memref_slice %arg10[%dma_wait3A_641, %dma_wait3A_642] : memref<768x128xf32, #tpu.memory_space<vmem>> -> memref<16x128xf32, #tpu.memory_space<vmem>>
        %dma_wait3A_644 = arith.constant 0 : i32
        %dma_wait3A_645 = tpu.memref_slice %arg4[%multiple_of3A, %dma_wait3A_644] : memref<32x1000000xf32, #tpu.memory_space<hbm>> -> memref<16x128xf32, #tpu.memory_space<hbm>>
        tpu.wait_dma2 semaphore(%arg15 : memref<!tpu.dma_semaphore, #tpu.memory_space<semaphore_mem>>) src(%dma_wait3A_645 : memref<16x128xf32, #tpu.memory_space<hbm>>) dst(%dma_wait3A_643 : memref<16x128xf32, #tpu.memory_space<vmem>>)
        %dma_wait3A_646 = arith.constant 576 : i32
        %dma_wait3A_647 = arith.constant 0 : i32
        %dma_wait3A_648 = tpu.memref_slice %arg10[%dma_wait3A_646, %dma_wait3A_647] : memref<768x128xf32, #tpu.memory_space<vmem>> -> memref<16x128xf32, #tpu.memory_space<vmem>>
        %dma_wait3A_649 = arith.constant 0 : i32
        %dma_wait3A_650 = tpu.memref_slice %arg4[%multiple_of3A, %dma_wait3A_649] : memref<32x1000000xf32, #tpu.memory_space<hbm>> -> memref<16x128xf32, #tpu.memory_space<hbm>>
        %dma_wait3A_651 = arith.constant 576 : i32
        %dma_wait3A_652 = arith.constant 0 : i32
        %dma_wait3A_653 = tpu.memref_slice %arg10[%dma_wait3A_651, %dma_wait3A_652] : memref<768x128xf32, #tpu.memory_space<vmem>> -> memref<16x128xf32, #tpu.memory_space<vmem>>
        %dma_wait3A_654 = arith.constant 0 : i32
        %dma_wait3A_655 = tpu.memref_slice %arg4[%multiple_of3A, %dma_wait3A_654] : memref<32x1000000xf32, #tpu.memory_space<hbm>> -> memref<16x128xf32, #tpu.memory_space<hbm>>
        tpu.wait_dma2 semaphore(%arg15 : memref<!tpu.dma_semaphore, #tpu.memory_space<semaphore_mem>>) src(%dma_wait3A_655 : memref<16x128xf32, #tpu.memory_space<hbm>>) dst(%dma_wait3A_653 : memref<16x128xf32, #tpu.memory_space<vmem>>)
        %dma_wait3A_656 = arith.constant 592 : i32
        %dma_wait3A_657 = arith.constant 0 : i32
        %dma_wait3A_658 = tpu.memref_slice %arg10[%dma_wait3A_656, %dma_wait3A_657] : memref<768x128xf32, #tpu.memory_space<vmem>> -> memref<16x128xf32, #tpu.memory_space<vmem>>
        %dma_wait3A_659 = arith.constant 0 : i32
        %dma_wait3A_660 = tpu.memref_slice %arg4[%multiple_of3A, %dma_wait3A_659] : memref<32x1000000xf32, #tpu.memory_space<hbm>> -> memref<16x128xf32, #tpu.memory_space<hbm>>
        %dma_wait3A_661 = arith.constant 592 : i32
        %dma_wait3A_662 = arith.constant 0 : i32
        %dma_wait3A_663 = tpu.memref_slice %arg10[%dma_wait3A_661, %dma_wait3A_662] : memref<768x128xf32, #tpu.memory_space<vmem>> -> memref<16x128xf32, #tpu.memory_space<vmem>>
        %dma_wait3A_664 = arith.constant 0 : i32
        %dma_wait3A_665 = tpu.memref_slice %arg4[%multiple_of3A, %dma_wait3A_664] : memref<32x1000000xf32, #tpu.memory_space<hbm>> -> memref<16x128xf32, #tpu.memory_space<hbm>>
        tpu.wait_dma2 semaphore(%arg15 : memref<!tpu.dma_semaphore, #tpu.memory_space<semaphore_mem>>) src(%dma_wait3A_665 : memref<16x128xf32, #tpu.memory_space<hbm>>) dst(%dma_wait3A_663 : memref<16x128xf32, #tpu.memory_space<vmem>>)
        %dma_wait3A_666 = arith.constant 608 : i32
        %dma_wait3A_667 = arith.constant 0 : i32
        %dma_wait3A_668 = tpu.memref_slice %arg10[%dma_wait3A_666, %dma_wait3A_667] : memref<768x128xf32, #tpu.memory_space<vmem>> -> memref<16x128xf32, #tpu.memory_space<vmem>>
        %dma_wait3A_669 = arith.constant 0 : i32
        %dma_wait3A_670 = tpu.memref_slice %arg4[%multiple_of3A, %dma_wait3A_669] : memref<32x1000000xf32, #tpu.memory_space<hbm>> -> memref<16x128xf32, #tpu.memory_space<hbm>>
        %dma_wait3A_671 = arith.constant 608 : i32
        %dma_wait3A_672 = arith.constant 0 : i32
        %dma_wait3A_673 = tpu.memref_slice %arg10[%dma_wait3A_671, %dma_wait3A_672] : memref<768x128xf32, #tpu.memory_space<vmem>> -> memref<16x128xf32, #tpu.memory_space<vmem>>
        %dma_wait3A_674 = arith.constant 0 : i32
        %dma_wait3A_675 = tpu.memref_slice %arg4[%multiple_of3A, %dma_wait3A_674] : memref<32x1000000xf32, #tpu.memory_space<hbm>> -> memref<16x128xf32, #tpu.memory_space<hbm>>
        tpu.wait_dma2 semaphore(%arg15 : memref<!tpu.dma_semaphore, #tpu.memory_space<semaphore_mem>>) src(%dma_wait3A_675 : memref<16x128xf32, #tpu.memory_space<hbm>>) dst(%dma_wait3A_673 : memref<16x128xf32, #tpu.memory_space<vmem>>)
        %dma_wait3A_676 = arith.constant 624 : i32
        %dma_wait3A_677 = arith.constant 0 : i32
        %dma_wait3A_678 = tpu.memref_slice %arg10[%dma_wait3A_676, %dma_wait3A_677] : memref<768x128xf32, #tpu.memory_space<vmem>> -> memref<16x128xf32, #tpu.memory_space<vmem>>
        %dma_wait3A_679 = arith.constant 0 : i32
        %dma_wait3A_680 = tpu.memref_slice %arg4[%multiple_of3A, %dma_wait3A_679] : memref<32x1000000xf32, #tpu.memory_space<hbm>> -> memref<16x128xf32, #tpu.memory_space<hbm>>
        %dma_wait3A_681 = arith.constant 624 : i32
        %dma_wait3A_682 = arith.constant 0 : i32
        %dma_wait3A_683 = tpu.memref_slice %arg10[%dma_wait3A_681, %dma_wait3A_682] : memref<768x128xf32, #tpu.memory_space<vmem>> -> memref<16x128xf32, #tpu.memory_space<vmem>>
        %dma_wait3A_684 = arith.constant 0 : i32
        %dma_wait3A_685 = tpu.memref_slice %arg4[%multiple_of3A, %dma_wait3A_684] : memref<32x1000000xf32, #tpu.memory_space<hbm>> -> memref<16x128xf32, #tpu.memory_space<hbm>>
        tpu.wait_dma2 semaphore(%arg15 : memref<!tpu.dma_semaphore, #tpu.memory_space<semaphore_mem>>) src(%dma_wait3A_685 : memref<16x128xf32, #tpu.memory_space<hbm>>) dst(%dma_wait3A_683 : memref<16x128xf32, #tpu.memory_space<vmem>>)
        %dma_wait3A_686 = arith.constant 640 : i32
        %dma_wait3A_687 = arith.constant 0 : i32
        %dma_wait3A_688 = tpu.memref_slice %arg10[%dma_wait3A_686, %dma_wait3A_687] : memref<768x128xf32, #tpu.memory_space<vmem>> -> memref<16x128xf32, #tpu.memory_space<vmem>>
        %dma_wait3A_689 = arith.constant 0 : i32
        %dma_wait3A_690 = tpu.memref_slice %arg4[%multiple_of3A, %dma_wait3A_689] : memref<32x1000000xf32, #tpu.memory_space<hbm>> -> memref<16x128xf32, #tpu.memory_space<hbm>>
        %dma_wait3A_691 = arith.constant 640 : i32
        %dma_wait3A_692 = arith.constant 0 : i32
        %dma_wait3A_693 = tpu.memref_slice %arg10[%dma_wait3A_691, %dma_wait3A_692] : memref<768x128xf32, #tpu.memory_space<vmem>> -> memref<16x128xf32, #tpu.memory_space<vmem>>
        %dma_wait3A_694 = arith.constant 0 : i32
        %dma_wait3A_695 = tpu.memref_slice %arg4[%multiple_of3A, %dma_wait3A_694] : memref<32x1000000xf32, #tpu.memory_space<hbm>> -> memref<16x128xf32, #tpu.memory_space<hbm>>
        tpu.wait_dma2 semaphore(%arg15 : memref<!tpu.dma_semaphore, #tpu.memory_space<semaphore_mem>>) src(%dma_wait3A_695 : memref<16x128xf32, #tpu.memory_space<hbm>>) dst(%dma_wait3A_693 : memref<16x128xf32, #tpu.memory_space<vmem>>)
        %dma_wait3A_696 = arith.constant 656 : i32
        %dma_wait3A_697 = arith.constant 0 : i32
        %dma_wait3A_698 = tpu.memref_slice %arg10[%dma_wait3A_696, %dma_wait3A_697] : memref<768x128xf32, #tpu.memory_space<vmem>> -> memref<16x128xf32, #tpu.memory_space<vmem>>
        %dma_wait3A_699 = arith.constant 0 : i32
        %dma_wait3A_700 = tpu.memref_slice %arg4[%multiple_of3A, %dma_wait3A_699] : memref<32x1000000xf32, #tpu.memory_space<hbm>> -> memref<16x128xf32, #tpu.memory_space<hbm>>
        %dma_wait3A_701 = arith.constant 656 : i32
        %dma_wait3A_702 = arith.constant 0 : i32
        %dma_wait3A_703 = tpu.memref_slice %arg10[%dma_wait3A_701, %dma_wait3A_702] : memref<768x128xf32, #tpu.memory_space<vmem>> -> memref<16x128xf32, #tpu.memory_space<vmem>>
        %dma_wait3A_704 = arith.constant 0 : i32
        %dma_wait3A_705 = tpu.memref_slice %arg4[%multiple_of3A, %dma_wait3A_704] : memref<32x1000000xf32, #tpu.memory_space<hbm>> -> memref<16x128xf32, #tpu.memory_space<hbm>>
        tpu.wait_dma2 semaphore(%arg15 : memref<!tpu.dma_semaphore, #tpu.memory_space<semaphore_mem>>) src(%dma_wait3A_705 : memref<16x128xf32, #tpu.memory_space<hbm>>) dst(%dma_wait3A_703 : memref<16x128xf32, #tpu.memory_space<vmem>>)
        %dma_wait3A_706 = arith.constant 672 : i32
        %dma_wait3A_707 = arith.constant 0 : i32
        %dma_wait3A_708 = tpu.memref_slice %arg10[%dma_wait3A_706, %dma_wait3A_707] : memref<768x128xf32, #tpu.memory_space<vmem>> -> memref<16x128xf32, #tpu.memory_space<vmem>>
        %dma_wait3A_709 = arith.constant 0 : i32
        %dma_wait3A_710 = tpu.memref_slice %arg4[%multiple_of3A, %dma_wait3A_709] : memref<32x1000000xf32, #tpu.memory_space<hbm>> -> memref<16x128xf32, #tpu.memory_space<hbm>>
        %dma_wait3A_711 = arith.constant 672 : i32
        %dma_wait3A_712 = arith.constant 0 : i32
        %dma_wait3A_713 = tpu.memref_slice %arg10[%dma_wait3A_711, %dma_wait3A_712] : memref<768x128xf32, #tpu.memory_space<vmem>> -> memref<16x128xf32, #tpu.memory_space<vmem>>
        %dma_wait3A_714 = arith.constant 0 : i32
        %dma_wait3A_715 = tpu.memref_slice %arg4[%multiple_of3A, %dma_wait3A_714] : memref<32x1000000xf32, #tpu.memory_space<hbm>> -> memref<16x128xf32, #tpu.memory_space<hbm>>
        tpu.wait_dma2 semaphore(%arg15 : memref<!tpu.dma_semaphore, #tpu.memory_space<semaphore_mem>>) src(%dma_wait3A_715 : memref<16x128xf32, #tpu.memory_space<hbm>>) dst(%dma_wait3A_713 : memref<16x128xf32, #tpu.memory_space<vmem>>)
        %dma_wait3A_716 = arith.constant 688 : i32
        %dma_wait3A_717 = arith.constant 0 : i32
        %dma_wait3A_718 = tpu.memref_slice %arg10[%dma_wait3A_716, %dma_wait3A_717] : memref<768x128xf32, #tpu.memory_space<vmem>> -> memref<16x128xf32, #tpu.memory_space<vmem>>
        %dma_wait3A_719 = arith.constant 0 : i32
        %dma_wait3A_720 = tpu.memref_slice %arg4[%multiple_of3A, %dma_wait3A_719] : memref<32x1000000xf32, #tpu.memory_space<hbm>> -> memref<16x128xf32, #tpu.memory_space<hbm>>
        %dma_wait3A_721 = arith.constant 688 : i32
        %dma_wait3A_722 = arith.constant 0 : i32
        %dma_wait3A_723 = tpu.memref_slice %arg10[%dma_wait3A_721, %dma_wait3A_722] : memref<768x128xf32, #tpu.memory_space<vmem>> -> memref<16x128xf32, #tpu.memory_space<vmem>>
        %dma_wait3A_724 = arith.constant 0 : i32
        %dma_wait3A_725 = tpu.memref_slice %arg4[%multiple_of3A, %dma_wait3A_724] : memref<32x1000000xf32, #tpu.memory_space<hbm>> -> memref<16x128xf32, #tpu.memory_space<hbm>>
        tpu.wait_dma2 semaphore(%arg15 : memref<!tpu.dma_semaphore, #tpu.memory_space<semaphore_mem>>) src(%dma_wait3A_725 : memref<16x128xf32, #tpu.memory_space<hbm>>) dst(%dma_wait3A_723 : memref<16x128xf32, #tpu.memory_space<vmem>>)
        %dma_wait3A_726 = arith.constant 704 : i32
        %dma_wait3A_727 = arith.constant 0 : i32
        %dma_wait3A_728 = tpu.memref_slice %arg10[%dma_wait3A_726, %dma_wait3A_727] : memref<768x128xf32, #tpu.memory_space<vmem>> -> memref<16x128xf32, #tpu.memory_space<vmem>>
        %dma_wait3A_729 = arith.constant 0 : i32
        %dma_wait3A_730 = tpu.memref_slice %arg4[%multiple_of3A, %dma_wait3A_729] : memref<32x1000000xf32, #tpu.memory_space<hbm>> -> memref<16x128xf32, #tpu.memory_space<hbm>>
        %dma_wait3A_731 = arith.constant 704 : i32
        %dma_wait3A_732 = arith.constant 0 : i32
        %dma_wait3A_733 = tpu.memref_slice %arg10[%dma_wait3A_731, %dma_wait3A_732] : memref<768x128xf32, #tpu.memory_space<vmem>> -> memref<16x128xf32, #tpu.memory_space<vmem>>
        %dma_wait3A_734 = arith.constant 0 : i32
        %dma_wait3A_735 = tpu.memref_slice %arg4[%multiple_of3A, %dma_wait3A_734] : memref<32x1000000xf32, #tpu.memory_space<hbm>> -> memref<16x128xf32, #tpu.memory_space<hbm>>
        tpu.wait_dma2 semaphore(%arg15 : memref<!tpu.dma_semaphore, #tpu.memory_space<semaphore_mem>>) src(%dma_wait3A_735 : memref<16x128xf32, #tpu.memory_space<hbm>>) dst(%dma_wait3A_733 : memref<16x128xf32, #tpu.memory_space<vmem>>)
        %dma_wait3A_736 = arith.constant 720 : i32
        %dma_wait3A_737 = arith.constant 0 : i32
        %dma_wait3A_738 = tpu.memref_slice %arg10[%dma_wait3A_736, %dma_wait3A_737] : memref<768x128xf32, #tpu.memory_space<vmem>> -> memref<16x128xf32, #tpu.memory_space<vmem>>
        %dma_wait3A_739 = arith.constant 0 : i32
        %dma_wait3A_740 = tpu.memref_slice %arg4[%multiple_of3A, %dma_wait3A_739] : memref<32x1000000xf32, #tpu.memory_space<hbm>> -> memref<16x128xf32, #tpu.memory_space<hbm>>
        %dma_wait3A_741 = arith.constant 720 : i32
        %dma_wait3A_742 = arith.constant 0 : i32
        %dma_wait3A_743 = tpu.memref_slice %arg10[%dma_wait3A_741, %dma_wait3A_742] : memref<768x128xf32, #tpu.memory_space<vmem>> -> memref<16x128xf32, #tpu.memory_space<vmem>>
        %dma_wait3A_744 = arith.constant 0 : i32
        %dma_wait3A_745 = tpu.memref_slice %arg4[%multiple_of3A, %dma_wait3A_744] : memref<32x1000000xf32, #tpu.memory_space<hbm>> -> memref<16x128xf32, #tpu.memory_space<hbm>>
        tpu.wait_dma2 semaphore(%arg15 : memref<!tpu.dma_semaphore, #tpu.memory_space<semaphore_mem>>) src(%dma_wait3A_745 : memref<16x128xf32, #tpu.memory_space<hbm>>) dst(%dma_wait3A_743 : memref<16x128xf32, #tpu.memory_space<vmem>>)
        %dma_wait3A_746 = arith.constant 736 : i32
        %dma_wait3A_747 = arith.constant 0 : i32
        %dma_wait3A_748 = tpu.memref_slice %arg10[%dma_wait3A_746, %dma_wait3A_747] : memref<768x128xf32, #tpu.memory_space<vmem>> -> memref<16x128xf32, #tpu.memory_space<vmem>>
        %dma_wait3A_749 = arith.constant 0 : i32
        %dma_wait3A_750 = tpu.memref_slice %arg4[%multiple_of3A, %dma_wait3A_749] : memref<32x1000000xf32, #tpu.memory_space<hbm>> -> memref<16x128xf32, #tpu.memory_space<hbm>>
        %dma_wait3A_751 = arith.constant 736 : i32
        %dma_wait3A_752 = arith.constant 0 : i32
        %dma_wait3A_753 = tpu.memref_slice %arg10[%dma_wait3A_751, %dma_wait3A_752] : memref<768x128xf32, #tpu.memory_space<vmem>> -> memref<16x128xf32, #tpu.memory_space<vmem>>
        %dma_wait3A_754 = arith.constant 0 : i32
        %dma_wait3A_755 = tpu.memref_slice %arg4[%multiple_of3A, %dma_wait3A_754] : memref<32x1000000xf32, #tpu.memory_space<hbm>> -> memref<16x128xf32, #tpu.memory_space<hbm>>
        tpu.wait_dma2 semaphore(%arg15 : memref<!tpu.dma_semaphore, #tpu.memory_space<semaphore_mem>>) src(%dma_wait3A_755 : memref<16x128xf32, #tpu.memory_space<hbm>>) dst(%dma_wait3A_753 : memref<16x128xf32, #tpu.memory_space<vmem>>)
        %dma_wait3A_756 = arith.constant 752 : i32
        %dma_wait3A_757 = arith.constant 0 : i32
        %dma_wait3A_758 = tpu.memref_slice %arg10[%dma_wait3A_756, %dma_wait3A_757] : memref<768x128xf32, #tpu.memory_space<vmem>> -> memref<16x128xf32, #tpu.memory_space<vmem>>
        %dma_wait3A_759 = arith.constant 0 : i32
        %dma_wait3A_760 = tpu.memref_slice %arg4[%multiple_of3A, %dma_wait3A_759] : memref<32x1000000xf32, #tpu.memory_space<hbm>> -> memref<16x128xf32, #tpu.memory_space<hbm>>
        %dma_wait3A_761 = arith.constant 752 : i32
        %dma_wait3A_762 = arith.constant 0 : i32
        %dma_wait3A_763 = tpu.memref_slice %arg10[%dma_wait3A_761, %dma_wait3A_762] : memref<768x128xf32, #tpu.memory_space<vmem>> -> memref<16x128xf32, #tpu.memory_space<vmem>>
        %dma_wait3A_764 = arith.constant 0 : i32
        %dma_wait3A_765 = tpu.memref_slice %arg4[%multiple_of3A, %dma_wait3A_764] : memref<32x1000000xf32, #tpu.memory_space<hbm>> -> memref<16x128xf32, #tpu.memory_space<hbm>>
        tpu.wait_dma2 semaphore(%arg15 : memref<!tpu.dma_semaphore, #tpu.memory_space<semaphore_mem>>) src(%dma_wait3A_765 : memref<16x128xf32, #tpu.memory_space<hbm>>) dst(%dma_wait3A_763 : memref<16x128xf32, #tpu.memory_space<vmem>>)
        %mul3A_766 = arith.constant 16 : i32
        %mul3A_767 = arith.muli %scan3A_593, %mul3A_766 : i32
        %dma_wait3A_768 = arith.constant 32 : i32
        %dma_wait3A_769 = arith.constant 0 : i32
        %dma_wait3A_770 = tpu.memref_slice %arg11[%dma_wait3A_768, %dma_wait3A_769] : memref<48x128xf32, #tpu.memory_space<vmem>> -> memref<16x128xf32, #tpu.memory_space<vmem>>
        %dma_wait3A_771 = tpu.memref_slice %arg9[%mul3A_767] : memref<1024xi32, #tpu.memory_space<vmem>> -> memref<16xi32, #tpu.memory_space<vmem>>
        %dma_wait3A_772 = arith.constant 0 : i32
        %dma_wait3A_773 = arith.constant 0 : i32
        %dma_wait3A_774 = tpu.memref_slice %arg5[%dma_wait3A_772, %dma_wait3A_773] : memref<25000x128xf32, #tpu.memory_space<hbm>> -> memref<25000x128xf32, #tpu.memory_space<hbm>>
        tpu.wait_indirect_dma semaphore(%arg18 : memref<!tpu.dma_semaphore, #tpu.memory_space<semaphore_mem>>) src(%dma_wait3A_774 : memref<25000x128xf32, #tpu.memory_space<hbm>>) dst(%dma_wait3A_770 : memref<16x128xf32, #tpu.memory_space<vmem>>)
        %mul3A_775 = arith.constant 16 : i32
        %mul3A_776 = arith.muli %scan3A_593, %mul3A_775 : i32
        %get3A_777 = arith.index_cast %mul3A_776 : i32 to index
        %get3A_778 = tpu.vector_load %arg7[%get3A_777] {strides = array<i32>} : memref<1024xi32, #tpu.memory_space<vmem>>, vector<16xi32>,
        %mul3A_779 = arith.constant 16 : i32
        %mul3A_780 = arith.muli %scan3A_593, %mul3A_779 : i32
        %get3A_781 = arith.index_cast %mul3A_780 : i32 to index
        %get3A_782 = tpu.vector_load %arg8[%get3A_781] {strides = array<i32>} : memref<1024xi32, #tpu.memory_space<vmem>>, vector<16xi32>,
        %and3A_783 = arith.constant 127 : i32
        %and3A_784 = vector.broadcast %and3A_783 : i32 to vector<16xi32>
        %and3A_785 = arith.andi %get3A_778, %and3A_784 : vector<16xi32>
        %and3A_786 = arith.constant 3 : i32
        %and3A_787 = vector.broadcast %and3A_786 : i32 to vector<16xi32>
        %and3A_788 = arith.andi %get3A_782, %and3A_787 : vector<16xi32>
        %shift_left3A = arith.constant 5 : i32
        %shift_left3A_789 = vector.broadcast %shift_left3A : i32 to vector<16xi32>
        %shift_left3A_790 = arith.shli %and3A_788, %shift_left3A_789 : vector<16xi32>
        %add3A_791 = vector.broadcast %multiple_of3A : i32 to vector<16xi32>
        %add3A_792 = arith.addi %shift_left3A_790, %add3A_791 : vector<16xi32>
        %mul3A_793 = arith.constant 16 : i32
        %mul3A_794 = vector.broadcast %mul3A_793 : i32 to vector<16xi32>
        %mul3A_795 = arith.muli %iota3A, %mul3A_794 : vector<16xi32>
        %add3A_796 = arith.constant 512 : i32
        %add3A_797 = vector.broadcast %add3A_796 : i32 to vector<16xi32>
        %add3A_798 = arith.addi %add3A_797, %mul3A_795 : vector<16xi32>
        %add3A_799 = arith.constant 32 : i32
        %add3A_800 = vector.broadcast %add3A_799 : i32 to vector<16xi32>
        %add3A_801 = arith.addi %add3A_800, %iota3A : vector<16xi32>
        %broadcast_in_dim3A = arith.constant 0.000000e+00 : f32
        %broadcast_in_dim3A_802 = vector.broadcast %broadcast_in_dim3A : f32 to vector<16xf32>
        %add3A_803 = arith.constant 0 : i32
        %add3A_804 = vector.broadcast %add3A_803 : i32 to vector<16xi32>
        %add3A_805 = arith.addi %add3A_798, %add3A_804 : vector<16xi32>
        %gather3A = tpu.vector_load_idx %arg10[%add3A_805, %and3A_785] : memref<768x128xf32, #tpu.memory_space<vmem>>[vector<16xi32>, vector<16xi32>], vector<16xf32>,
        %add3A_806 = arith.constant 0 : i32
        %add3A_807 = vector.broadcast %add3A_806 : i32 to vector<16xi32>
        %add3A_808 = arith.addi %add3A_792, %add3A_807 : vector<16xi32>
        %gather3A_809 = tpu.vector_load_idx %arg11[%add3A_801, %add3A_808] : memref<48x128xf32, #tpu.memory_space<vmem>>[vector<16xi32>, vector<16xi32>], vector<16xf32>,
        %mul3A_810 = arith.mulf %gather3A, %gather3A_809 : vector<16xf32>
        %add3A_811 = arith.addf %broadcast_in_dim3A_802, %mul3A_810 : vector<16xf32>
        %add3A_812 = arith.constant 1 : i32
        %add3A_813 = vector.broadcast %add3A_812 : i32 to vector<16xi32>
        %add3A_814 = arith.addi %add3A_798, %add3A_813 : vector<16xi32>
        %gather3A_815 = tpu.vector_load_idx %arg10[%add3A_814, %and3A_785] : memref<768x128xf32, #tpu.memory_space<vmem>>[vector<16xi32>, vector<16xi32>], vector<16xf32>,
        %add3A_816 = arith.constant 1 : i32
        %add3A_817 = vector.broadcast %add3A_816 : i32 to vector<16xi32>
        %add3A_818 = arith.addi %add3A_792, %add3A_817 : vector<16xi32>
        %gather3A_819 = tpu.vector_load_idx %arg11[%add3A_801, %add3A_818] : memref<48x128xf32, #tpu.memory_space<vmem>>[vector<16xi32>, vector<16xi32>], vector<16xf32>,
        %mul3A_820 = arith.mulf %gather3A_815, %gather3A_819 : vector<16xf32>
        %add3A_821 = arith.addf %add3A_811, %mul3A_820 : vector<16xf32>
        %add3A_822 = arith.constant 2 : i32
        %add3A_823 = vector.broadcast %add3A_822 : i32 to vector<16xi32>
        %add3A_824 = arith.addi %add3A_798, %add3A_823 : vector<16xi32>
        %gather3A_825 = tpu.vector_load_idx %arg10[%add3A_824, %and3A_785] : memref<768x128xf32, #tpu.memory_space<vmem>>[vector<16xi32>, vector<16xi32>], vector<16xf32>,
        %add3A_826 = arith.constant 2 : i32
        %add3A_827 = vector.broadcast %add3A_826 : i32 to vector<16xi32>
        %add3A_828 = arith.addi %add3A_792, %add3A_827 : vector<16xi32>
        %gather3A_829 = tpu.vector_load_idx %arg11[%add3A_801, %add3A_828] : memref<48x128xf32, #tpu.memory_space<vmem>>[vector<16xi32>, vector<16xi32>], vector<16xf32>,
        %mul3A_830 = arith.mulf %gather3A_825, %gather3A_829 : vector<16xf32>
        %add3A_831 = arith.addf %add3A_821, %mul3A_830 : vector<16xf32>
        %add3A_832 = arith.constant 3 : i32
        %add3A_833 = vector.broadcast %add3A_832 : i32 to vector<16xi32>
        %add3A_834 = arith.addi %add3A_798, %add3A_833 : vector<16xi32>
        %gather3A_835 = tpu.vector_load_idx %arg10[%add3A_834, %and3A_785] : memref<768x128xf32, #tpu.memory_space<vmem>>[vector<16xi32>, vector<16xi32>], vector<16xf32>,
        %add3A_836 = arith.constant 3 : i32
        %add3A_837 = vector.broadcast %add3A_836 : i32 to vector<16xi32>
        %add3A_838 = arith.addi %add3A_792, %add3A_837 : vector<16xi32>
        %gather3A_839 = tpu.vector_load_idx %arg11[%add3A_801, %add3A_838] : memref<48x128xf32, #tpu.memory_space<vmem>>[vector<16xi32>, vector<16xi32>], vector<16xf32>,
        %mul3A_840 = arith.mulf %gather3A_835, %gather3A_839 : vector<16xf32>
        %add3A_841 = arith.addf %add3A_831, %mul3A_840 : vector<16xf32>
        %add3A_842 = arith.constant 4 : i32
        %add3A_843 = vector.broadcast %add3A_842 : i32 to vector<16xi32>
        %add3A_844 = arith.addi %add3A_798, %add3A_843 : vector<16xi32>
        %gather3A_845 = tpu.vector_load_idx %arg10[%add3A_844, %and3A_785] : memref<768x128xf32, #tpu.memory_space<vmem>>[vector<16xi32>, vector<16xi32>], vector<16xf32>,
        %add3A_846 = arith.constant 4 : i32
        %add3A_847 = vector.broadcast %add3A_846 : i32 to vector<16xi32>
        %add3A_848 = arith.addi %add3A_792, %add3A_847 : vector<16xi32>
        %gather3A_849 = tpu.vector_load_idx %arg11[%add3A_801, %add3A_848] : memref<48x128xf32, #tpu.memory_space<vmem>>[vector<16xi32>, vector<16xi32>], vector<16xf32>,
        %mul3A_850 = arith.mulf %gather3A_845, %gather3A_849 : vector<16xf32>
        %add3A_851 = arith.addf %add3A_841, %mul3A_850 : vector<16xf32>
        %add3A_852 = arith.constant 5 : i32
        %add3A_853 = vector.broadcast %add3A_852 : i32 to vector<16xi32>
        %add3A_854 = arith.addi %add3A_798, %add3A_853 : vector<16xi32>
        %gather3A_855 = tpu.vector_load_idx %arg10[%add3A_854, %and3A_785] : memref<768x128xf32, #tpu.memory_space<vmem>>[vector<16xi32>, vector<16xi32>], vector<16xf32>,
        %add3A_856 = arith.constant 5 : i32
        %add3A_857 = vector.broadcast %add3A_856 : i32 to vector<16xi32>
        %add3A_858 = arith.addi %add3A_792, %add3A_857 : vector<16xi32>
        %gather3A_859 = tpu.vector_load_idx %arg11[%add3A_801, %add3A_858] : memref<48x128xf32, #tpu.memory_space<vmem>>[vector<16xi32>, vector<16xi32>], vector<16xf32>,
        %mul3A_860 = arith.mulf %gather3A_855, %gather3A_859 : vector<16xf32>
        %add3A_861 = arith.addf %add3A_851, %mul3A_860 : vector<16xf32>
        %add3A_862 = arith.constant 6 : i32
        %add3A_863 = vector.broadcast %add3A_862 : i32 to vector<16xi32>
        %add3A_864 = arith.addi %add3A_798, %add3A_863 : vector<16xi32>
        %gather3A_865 = tpu.vector_load_idx %arg10[%add3A_864, %and3A_785] : memref<768x128xf32, #tpu.memory_space<vmem>>[vector<16xi32>, vector<16xi32>], vector<16xf32>,
        %add3A_866 = arith.constant 6 : i32
        %add3A_867 = vector.broadcast %add3A_866 : i32 to vector<16xi32>
        %add3A_868 = arith.addi %add3A_792, %add3A_867 : vector<16xi32>
        %gather3A_869 = tpu.vector_load_idx %arg11[%add3A_801, %add3A_868] : memref<48x128xf32, #tpu.memory_space<vmem>>[vector<16xi32>, vector<16xi32>], vector<16xf32>,
        %mul3A_870 = arith.mulf %gather3A_865, %gather3A_869 : vector<16xf32>
        %add3A_871 = arith.addf %add3A_861, %mul3A_870 : vector<16xf32>
        %add3A_872 = arith.constant 7 : i32
        %add3A_873 = vector.broadcast %add3A_872 : i32 to vector<16xi32>
        %add3A_874 = arith.addi %add3A_798, %add3A_873 : vector<16xi32>
        %gather3A_875 = tpu.vector_load_idx %arg10[%add3A_874, %and3A_785] : memref<768x128xf32, #tpu.memory_space<vmem>>[vector<16xi32>, vector<16xi32>], vector<16xf32>,
        %add3A_876 = arith.constant 7 : i32
        %add3A_877 = vector.broadcast %add3A_876 : i32 to vector<16xi32>
        %add3A_878 = arith.addi %add3A_792, %add3A_877 : vector<16xi32>
        %gather3A_879 = tpu.vector_load_idx %arg11[%add3A_801, %add3A_878] : memref<48x128xf32, #tpu.memory_space<vmem>>[vector<16xi32>, vector<16xi32>], vector<16xf32>,
        %mul3A_880 = arith.mulf %gather3A_875, %gather3A_879 : vector<16xf32>
        %add3A_881 = arith.addf %add3A_871, %mul3A_880 : vector<16xf32>
        %add3A_882 = arith.constant 8 : i32
        %add3A_883 = vector.broadcast %add3A_882 : i32 to vector<16xi32>
        %add3A_884 = arith.addi %add3A_798, %add3A_883 : vector<16xi32>
        %gather3A_885 = tpu.vector_load_idx %arg10[%add3A_884, %and3A_785] : memref<768x128xf32, #tpu.memory_space<vmem>>[vector<16xi32>, vector<16xi32>], vector<16xf32>,
        %add3A_886 = arith.constant 8 : i32
        %add3A_887 = vector.broadcast %add3A_886 : i32 to vector<16xi32>
        %add3A_888 = arith.addi %add3A_792, %add3A_887 : vector<16xi32>
        %gather3A_889 = tpu.vector_load_idx %arg11[%add3A_801, %add3A_888] : memref<48x128xf32, #tpu.memory_space<vmem>>[vector<16xi32>, vector<16xi32>], vector<16xf32>,
        %mul3A_890 = arith.mulf %gather3A_885, %gather3A_889 : vector<16xf32>
        %add3A_891 = arith.addf %add3A_881, %mul3A_890 : vector<16xf32>
        %add3A_892 = arith.constant 9 : i32
        %add3A_893 = vector.broadcast %add3A_892 : i32 to vector<16xi32>
        %add3A_894 = arith.addi %add3A_798, %add3A_893 : vector<16xi32>
        %gather3A_895 = tpu.vector_load_idx %arg10[%add3A_894, %and3A_785] : memref<768x128xf32, #tpu.memory_space<vmem>>[vector<16xi32>, vector<16xi32>], vector<16xf32>,
        %add3A_896 = arith.constant 9 : i32
        %add3A_897 = vector.broadcast %add3A_896 : i32 to vector<16xi32>
        %add3A_898 = arith.addi %add3A_792, %add3A_897 : vector<16xi32>
        %gather3A_899 = tpu.vector_load_idx %arg11[%add3A_801, %add3A_898] : memref<48x128xf32, #tpu.memory_space<vmem>>[vector<16xi32>, vector<16xi32>], vector<16xf32>,
        %mul3A_900 = arith.mulf %gather3A_895, %gather3A_899 : vector<16xf32>
        %add3A_901 = arith.addf %add3A_891, %mul3A_900 : vector<16xf32>
        %add3A_902 = arith.constant 10 : i32
        %add3A_903 = vector.broadcast %add3A_902 : i32 to vector<16xi32>
        %add3A_904 = arith.addi %add3A_798, %add3A_903 : vector<16xi32>
        %gather3A_905 = tpu.vector_load_idx %arg10[%add3A_904, %and3A_785] : memref<768x128xf32, #tpu.memory_space<vmem>>[vector<16xi32>, vector<16xi32>], vector<16xf32>,
        %add3A_906 = arith.constant 10 : i32
        %add3A_907 = vector.broadcast %add3A_906 : i32 to vector<16xi32>
        %add3A_908 = arith.addi %add3A_792, %add3A_907 : vector<16xi32>
        %gather3A_909 = tpu.vector_load_idx %arg11[%add3A_801, %add3A_908] : memref<48x128xf32, #tpu.memory_space<vmem>>[vector<16xi32>, vector<16xi32>], vector<16xf32>,
        %mul3A_910 = arith.mulf %gather3A_905, %gather3A_909 : vector<16xf32>
        %add3A_911 = arith.addf %add3A_901, %mul3A_910 : vector<16xf32>
        %add3A_912 = arith.constant 11 : i32
        %add3A_913 = vector.broadcast %add3A_912 : i32 to vector<16xi32>
        %add3A_914 = arith.addi %add3A_798, %add3A_913 : vector<16xi32>
        %gather3A_915 = tpu.vector_load_idx %arg10[%add3A_914, %and3A_785] : memref<768x128xf32, #tpu.memory_space<vmem>>[vector<16xi32>, vector<16xi32>], vector<16xf32>,
        %add3A_916 = arith.constant 11 : i32
        %add3A_917 = vector.broadcast %add3A_916 : i32 to vector<16xi32>
        %add3A_918 = arith.addi %add3A_792, %add3A_917 : vector<16xi32>
        %gather3A_919 = tpu.vector_load_idx %arg11[%add3A_801, %add3A_918] : memref<48x128xf32, #tpu.memory_space<vmem>>[vector<16xi32>, vector<16xi32>], vector<16xf32>,
        %mul3A_920 = arith.mulf %gather3A_915, %gather3A_919 : vector<16xf32>
        %add3A_921 = arith.addf %add3A_911, %mul3A_920 : vector<16xf32>
        %add3A_922 = arith.constant 12 : i32
        %add3A_923 = vector.broadcast %add3A_922 : i32 to vector<16xi32>
        %add3A_924 = arith.addi %add3A_798, %add3A_923 : vector<16xi32>
        %gather3A_925 = tpu.vector_load_idx %arg10[%add3A_924, %and3A_785] : memref<768x128xf32, #tpu.memory_space<vmem>>[vector<16xi32>, vector<16xi32>], vector<16xf32>,
        %add3A_926 = arith.constant 12 : i32
        %add3A_927 = vector.broadcast %add3A_926 : i32 to vector<16xi32>
        %add3A_928 = arith.addi %add3A_792, %add3A_927 : vector<16xi32>
        %gather3A_929 = tpu.vector_load_idx %arg11[%add3A_801, %add3A_928] : memref<48x128xf32, #tpu.memory_space<vmem>>[vector<16xi32>, vector<16xi32>], vector<16xf32>,
        %mul3A_930 = arith.mulf %gather3A_925, %gather3A_929 : vector<16xf32>
        %add3A_931 = arith.addf %add3A_921, %mul3A_930 : vector<16xf32>
        %add3A_932 = arith.constant 13 : i32
        %add3A_933 = vector.broadcast %add3A_932 : i32 to vector<16xi32>
        %add3A_934 = arith.addi %add3A_798, %add3A_933 : vector<16xi32>
        %gather3A_935 = tpu.vector_load_idx %arg10[%add3A_934, %and3A_785] : memref<768x128xf32, #tpu.memory_space<vmem>>[vector<16xi32>, vector<16xi32>], vector<16xf32>,
        %add3A_936 = arith.constant 13 : i32
        %add3A_937 = vector.broadcast %add3A_936 : i32 to vector<16xi32>
        %add3A_938 = arith.addi %add3A_792, %add3A_937 : vector<16xi32>
        %gather3A_939 = tpu.vector_load_idx %arg11[%add3A_801, %add3A_938] : memref<48x128xf32, #tpu.memory_space<vmem>>[vector<16xi32>, vector<16xi32>], vector<16xf32>,
        %mul3A_940 = arith.mulf %gather3A_935, %gather3A_939 : vector<16xf32>
        %add3A_941 = arith.addf %add3A_931, %mul3A_940 : vector<16xf32>
        %add3A_942 = arith.constant 14 : i32
        %add3A_943 = vector.broadcast %add3A_942 : i32 to vector<16xi32>
        %add3A_944 = arith.addi %add3A_798, %add3A_943 : vector<16xi32>
        %gather3A_945 = tpu.vector_load_idx %arg10[%add3A_944, %and3A_785] : memref<768x128xf32, #tpu.memory_space<vmem>>[vector<16xi32>, vector<16xi32>], vector<16xf32>,
        %add3A_946 = arith.constant 14 : i32
        %add3A_947 = vector.broadcast %add3A_946 : i32 to vector<16xi32>
        %add3A_948 = arith.addi %add3A_792, %add3A_947 : vector<16xi32>
        %gather3A_949 = tpu.vector_load_idx %arg11[%add3A_801, %add3A_948] : memref<48x128xf32, #tpu.memory_space<vmem>>[vector<16xi32>, vector<16xi32>], vector<16xf32>,
        %mul3A_950 = arith.mulf %gather3A_945, %gather3A_949 : vector<16xf32>
        %add3A_951 = arith.addf %add3A_941, %mul3A_950 : vector<16xf32>
        %add3A_952 = arith.constant 15 : i32
        %add3A_953 = vector.broadcast %add3A_952 : i32 to vector<16xi32>
        %add3A_954 = arith.addi %add3A_798, %add3A_953 : vector<16xi32>
        %gather3A_955 = tpu.vector_load_idx %arg10[%add3A_954, %and3A_785] : memref<768x128xf32, #tpu.memory_space<vmem>>[vector<16xi32>, vector<16xi32>], vector<16xf32>,
        %add3A_956 = arith.constant 15 : i32
        %add3A_957 = vector.broadcast %add3A_956 : i32 to vector<16xi32>
        %add3A_958 = arith.addi %add3A_792, %add3A_957 : vector<16xi32>
        %gather3A_959 = tpu.vector_load_idx %arg11[%add3A_801, %add3A_958] : memref<48x128xf32, #tpu.memory_space<vmem>>[vector<16xi32>, vector<16xi32>], vector<16xf32>,
        %mul3A_960 = arith.mulf %gather3A_955, %gather3A_959 : vector<16xf32>
        %add3A_961 = arith.addf %add3A_951, %mul3A_960 : vector<16xf32>
        %mul3A_962 = arith.constant 16 : i32
        %mul3A_963 = arith.muli %scan3A_593, %mul3A_962 : i32
        %swap3A = arith.index_cast %mul3A_963 : i32 to index
        %swap3A_964 = tpu.vector_load %arg12[%swap3A] {strides = array<i32>} : memref<1024xf32, #tpu.memory_space<vmem>>, vector<16xf32>,
        tpu.vector_store %arg12[%swap3A], %add3A_961 {strides = array<i32>} : memref<1024xf32, #tpu.memory_space<vmem>>, vector<16xf32>,
        %add3A_965 = arith.constant 3 : i32
        %add3A_966 = arith.addi %scan3A_593, %add3A_965 : i32
        %lt3A = arith.constant 64 : i32
        %lt3A_967 = arith.cmpi slt, %add3A_966, %lt3A : i32
        %convert_element_type3A_968 = arith.extui %lt3A_967 : i1 to i32
        %cond3A_969 = arith.constant 0 : i32
        %cond3A_970 = arith.cmpi ne, %convert_element_type3A_968, %cond3A_969 : i32
        scf.if %cond3A_970 {
          %add3A_971 = arith.constant 3 : i32
          %add3A_972 = arith.addi %scan3A_593, %add3A_971 : i32
          %mul3A_973 = arith.constant 16 : i32
          %mul3A_974 = arith.muli %add3A_972, %mul3A_973 : i32
          %get3A_975 = arith.index_cast %mul3A_974 : i32 to index
          %get3A_976 = tpu.vector_load %arg7[%get3A_975] {strides = array<i32>} : memref<1024xi32, #tpu.memory_space<vmem>>, vector<16xi32>,
          %and3A_977 = arith.constant -128 : i32
          %and3A_978 = vector.broadcast %and3A_977 : i32 to vector<16xi32>
          %and3A_979 = arith.andi %get3A_976, %and3A_978 : vector<16xi32>
          %slice3A_980 = vector.extract_strided_slice %and3A_979 {offsets = [0], sizes = [1], strides = [1]} : vector<16xi32> to vector<1xi32>
          %squeeze3A_981 = vector.extract %slice3A_980[0] : i32 from vector<1xi32>
          %multiple_of3A_982 = tpu.assume_multiple %squeeze3A_981, 128 : i32
          %dma_start3A_983 = arith.constant 512 : i32
          %dma_start3A_984 = arith.constant 0 : i32
          %dma_start3A_985 = tpu.memref_slice %arg10[%dma_start3A_983, %dma_start3A_984] : memref<768x128xf32, #tpu.memory_space<vmem>> -> memref<16x128xf32, #tpu.memory_space<vmem>>
          %dma_start3A_986 = tpu.memref_slice %arg4[%multiple_of3A, %multiple_of3A_982] : memref<32x1000000xf32, #tpu.memory_space<hbm>> -> memref<16x128xf32, #tpu.memory_space<hbm>>
          %dma_start3A_987 = arith.constant 512 : i32
          %dma_start3A_988 = arith.constant 0 : i32
          %dma_start3A_989 = tpu.memref_slice %arg10[%dma_start3A_987, %dma_start3A_988] : memref<768x128xf32, #tpu.memory_space<vmem>> -> memref<16x128xf32, #tpu.memory_space<vmem>>
          %dma_start3A_990 = tpu.memref_slice %arg4[%multiple_of3A, %multiple_of3A_982] : memref<32x1000000xf32, #tpu.memory_space<hbm>> -> memref<16x128xf32, #tpu.memory_space<hbm>>
          tpu.enqueue_dma source(%dma_start3A_990 : memref<16x128xf32, #tpu.memory_space<hbm>>) target(%dma_start3A_989 : memref<16x128xf32, #tpu.memory_space<vmem>>) target_semaphore(%arg15 : memref<!tpu.dma_semaphore, #tpu.memory_space<semaphore_mem>>)
          %slice3A_991 = vector.extract_strided_slice %and3A_979 {offsets = [1], sizes = [1], strides = [1]} : vector<16xi32> to vector<1xi32>
          %squeeze3A_992 = vector.extract %slice3A_991[0] : i32 from vector<1xi32>
          %multiple_of3A_993 = tpu.assume_multiple %squeeze3A_992, 128 : i32
          %dma_start3A_994 = arith.constant 528 : i32
          %dma_start3A_995 = arith.constant 0 : i32
          %dma_start3A_996 = tpu.memref_slice %arg10[%dma_start3A_994, %dma_start3A_995] : memref<768x128xf32, #tpu.memory_space<vmem>> -> memref<16x128xf32, #tpu.memory_space<vmem>>
          %dma_start3A_997 = tpu.memref_slice %arg4[%multiple_of3A, %multiple_of3A_993] : memref<32x1000000xf32, #tpu.memory_space<hbm>> -> memref<16x128xf32, #tpu.memory_space<hbm>>
          %dma_start3A_998 = arith.constant 528 : i32
          %dma_start3A_999 = arith.constant 0 : i32
          %dma_start3A_1000 = tpu.memref_slice %arg10[%dma_start3A_998, %dma_start3A_999] : memref<768x128xf32, #tpu.memory_space<vmem>> -> memref<16x128xf32, #tpu.memory_space<vmem>>
          %dma_start3A_1001 = tpu.memref_slice %arg4[%multiple_of3A, %multiple_of3A_993] : memref<32x1000000xf32, #tpu.memory_space<hbm>> -> memref<16x128xf32, #tpu.memory_space<hbm>>
          tpu.enqueue_dma source(%dma_start3A_1001 : memref<16x128xf32, #tpu.memory_space<hbm>>) target(%dma_start3A_1000 : memref<16x128xf32, #tpu.memory_space<vmem>>) target_semaphore(%arg15 : memref<!tpu.dma_semaphore, #tpu.memory_space<semaphore_mem>>)
          %slice3A_1002 = vector.extract_strided_slice %and3A_979 {offsets = [2], sizes = [1], strides = [1]} : vector<16xi32> to vector<1xi32>
          %squeeze3A_1003 = vector.extract %slice3A_1002[0] : i32 from vector<1xi32>
          %multiple_of3A_1004 = tpu.assume_multiple %squeeze3A_1003, 128 : i32
          %dma_start3A_1005 = arith.constant 544 : i32
          %dma_start3A_1006 = arith.constant 0 : i32
          %dma_start3A_1007 = tpu.memref_slice %arg10[%dma_start3A_1005, %dma_start3A_1006] : memref<768x128xf32, #tpu.memory_space<vmem>> -> memref<16x128xf32, #tpu.memory_space<vmem>>
          %dma_start3A_1008 = tpu.memref_slice %arg4[%multiple_of3A, %multiple_of3A_1004] : memref<32x1000000xf32, #tpu.memory_space<hbm>> -> memref<16x128xf32, #tpu.memory_space<hbm>>
          %dma_start3A_1009 = arith.constant 544 : i32
          %dma_start3A_1010 = arith.constant 0 : i32
          %dma_start3A_1011 = tpu.memref_slice %arg10[%dma_start3A_1009, %dma_start3A_1010] : memref<768x128xf32, #tpu.memory_space<vmem>> -> memref<16x128xf32, #tpu.memory_space<vmem>>
          %dma_start3A_1012 = tpu.memref_slice %arg4[%multiple_of3A, %multiple_of3A_1004] : memref<32x1000000xf32, #tpu.memory_space<hbm>> -> memref<16x128xf32, #tpu.memory_space<hbm>>
          tpu.enqueue_dma source(%dma_start3A_1012 : memref<16x128xf32, #tpu.memory_space<hbm>>) target(%dma_start3A_1011 : memref<16x128xf32, #tpu.memory_space<vmem>>) target_semaphore(%arg15 : memref<!tpu.dma_semaphore, #tpu.memory_space<semaphore_mem>>)
          %slice3A_1013 = vector.extract_strided_slice %and3A_979 {offsets = [3], sizes = [1], strides = [1]} : vector<16xi32> to vector<1xi32>
          %squeeze3A_1014 = vector.extract %slice3A_1013[0] : i32 from vector<1xi32>
          %multiple_of3A_1015 = tpu.assume_multiple %squeeze3A_1014, 128 : i32
          %dma_start3A_1016 = arith.constant 560 : i32
          %dma_start3A_1017 = arith.constant 0 : i32
          %dma_start3A_1018 = tpu.memref_slice %arg10[%dma_start3A_1016, %dma_start3A_1017] : memref<768x128xf32, #tpu.memory_space<vmem>> -> memref<16x128xf32, #tpu.memory_space<vmem>>
          %dma_start3A_1019 = tpu.memref_slice %arg4[%multiple_of3A, %multiple_of3A_1015] : memref<32x1000000xf32, #tpu.memory_space<hbm>> -> memref<16x128xf32, #tpu.memory_space<hbm>>
          %dma_start3A_1020 = arith.constant 560 : i32
          %dma_start3A_1021 = arith.constant 0 : i32
          %dma_start3A_1022 = tpu.memref_slice %arg10[%dma_start3A_1020, %dma_start3A_1021] : memref<768x128xf32, #tpu.memory_space<vmem>> -> memref<16x128xf32, #tpu.memory_space<vmem>>
          %dma_start3A_1023 = tpu.memref_slice %arg4[%multiple_of3A, %multiple_of3A_1015] : memref<32x1000000xf32, #tpu.memory_space<hbm>> -> memref<16x128xf32, #tpu.memory_space<hbm>>
          tpu.enqueue_dma source(%dma_start3A_1023 : memref<16x128xf32, #tpu.memory_space<hbm>>) target(%dma_start3A_1022 : memref<16x128xf32, #tpu.memory_space<vmem>>) target_semaphore(%arg15 : memref<!tpu.dma_semaphore, #tpu.memory_space<semaphore_mem>>)
          %slice3A_1024 = vector.extract_strided_slice %and3A_979 {offsets = [4], sizes = [1], strides = [1]} : vector<16xi32> to vector<1xi32>
          %squeeze3A_1025 = vector.extract %slice3A_1024[0] : i32 from vector<1xi32>
          %multiple_of3A_1026 = tpu.assume_multiple %squeeze3A_1025, 128 : i32
          %dma_start3A_1027 = arith.constant 576 : i32
          %dma_start3A_1028 = arith.constant 0 : i32
          %dma_start3A_1029 = tpu.memref_slice %arg10[%dma_start3A_1027, %dma_start3A_1028] : memref<768x128xf32, #tpu.memory_space<vmem>> -> memref<16x128xf32, #tpu.memory_space<vmem>>
          %dma_start3A_1030 = tpu.memref_slice %arg4[%multiple_of3A, %multiple_of3A_1026] : memref<32x1000000xf32, #tpu.memory_space<hbm>> -> memref<16x128xf32, #tpu.memory_space<hbm>>
          %dma_start3A_1031 = arith.constant 576 : i32
          %dma_start3A_1032 = arith.constant 0 : i32
          %dma_start3A_1033 = tpu.memref_slice %arg10[%dma_start3A_1031, %dma_start3A_1032] : memref<768x128xf32, #tpu.memory_space<vmem>> -> memref<16x128xf32, #tpu.memory_space<vmem>>
          %dma_start3A_1034 = tpu.memref_slice %arg4[%multiple_of3A, %multiple_of3A_1026] : memref<32x1000000xf32, #tpu.memory_space<hbm>> -> memref<16x128xf32, #tpu.memory_space<hbm>>
          tpu.enqueue_dma source(%dma_start3A_1034 : memref<16x128xf32, #tpu.memory_space<hbm>>) target(%dma_start3A_1033 : memref<16x128xf32, #tpu.memory_space<vmem>>) target_semaphore(%arg15 : memref<!tpu.dma_semaphore, #tpu.memory_space<semaphore_mem>>)
          %slice3A_1035 = vector.extract_strided_slice %and3A_979 {offsets = [5], sizes = [1], strides = [1]} : vector<16xi32> to vector<1xi32>
          %squeeze3A_1036 = vector.extract %slice3A_1035[0] : i32 from vector<1xi32>
          %multiple_of3A_1037 = tpu.assume_multiple %squeeze3A_1036, 128 : i32
          %dma_start3A_1038 = arith.constant 592 : i32
          %dma_start3A_1039 = arith.constant 0 : i32
          %dma_start3A_1040 = tpu.memref_slice %arg10[%dma_start3A_1038, %dma_start3A_1039] : memref<768x128xf32, #tpu.memory_space<vmem>> -> memref<16x128xf32, #tpu.memory_space<vmem>>
          %dma_start3A_1041 = tpu.memref_slice %arg4[%multiple_of3A, %multiple_of3A_1037] : memref<32x1000000xf32, #tpu.memory_space<hbm>> -> memref<16x128xf32, #tpu.memory_space<hbm>>
          %dma_start3A_1042 = arith.constant 592 : i32
          %dma_start3A_1043 = arith.constant 0 : i32
          %dma_start3A_1044 = tpu.memref_slice %arg10[%dma_start3A_1042, %dma_start3A_1043] : memref<768x128xf32, #tpu.memory_space<vmem>> -> memref<16x128xf32, #tpu.memory_space<vmem>>
          %dma_start3A_1045 = tpu.memref_slice %arg4[%multiple_of3A, %multiple_of3A_1037] : memref<32x1000000xf32, #tpu.memory_space<hbm>> -> memref<16x128xf32, #tpu.memory_space<hbm>>
          tpu.enqueue_dma source(%dma_start3A_1045 : memref<16x128xf32, #tpu.memory_space<hbm>>) target(%dma_start3A_1044 : memref<16x128xf32, #tpu.memory_space<vmem>>) target_semaphore(%arg15 : memref<!tpu.dma_semaphore, #tpu.memory_space<semaphore_mem>>)
          %slice3A_1046 = vector.extract_strided_slice %and3A_979 {offsets = [6], sizes = [1], strides = [1]} : vector<16xi32> to vector<1xi32>
          %squeeze3A_1047 = vector.extract %slice3A_1046[0] : i32 from vector<1xi32>
          %multiple_of3A_1048 = tpu.assume_multiple %squeeze3A_1047, 128 : i32
          %dma_start3A_1049 = arith.constant 608 : i32
          %dma_start3A_1050 = arith.constant 0 : i32
          %dma_start3A_1051 = tpu.memref_slice %arg10[%dma_start3A_1049, %dma_start3A_1050] : memref<768x128xf32, #tpu.memory_space<vmem>> -> memref<16x128xf32, #tpu.memory_space<vmem>>
          %dma_start3A_1052 = tpu.memref_slice %arg4[%multiple_of3A, %multiple_of3A_1048] : memref<32x1000000xf32, #tpu.memory_space<hbm>> -> memref<16x128xf32, #tpu.memory_space<hbm>>
          %dma_start3A_1053 = arith.constant 608 : i32
          %dma_start3A_1054 = arith.constant 0 : i32
          %dma_start3A_1055 = tpu.memref_slice %arg10[%dma_start3A_1053, %dma_start3A_1054] : memref<768x128xf32, #tpu.memory_space<vmem>> -> memref<16x128xf32, #tpu.memory_space<vmem>>
          %dma_start3A_1056 = tpu.memref_slice %arg4[%multiple_of3A, %multiple_of3A_1048] : memref<32x1000000xf32, #tpu.memory_space<hbm>> -> memref<16x128xf32, #tpu.memory_space<hbm>>
          tpu.enqueue_dma source(%dma_start3A_1056 : memref<16x128xf32, #tpu.memory_space<hbm>>) target(%dma_start3A_1055 : memref<16x128xf32, #tpu.memory_space<vmem>>) target_semaphore(%arg15 : memref<!tpu.dma_semaphore, #tpu.memory_space<semaphore_mem>>)
          %slice3A_1057 = vector.extract_strided_slice %and3A_979 {offsets = [7], sizes = [1], strides = [1]} : vector<16xi32> to vector<1xi32>
          %squeeze3A_1058 = vector.extract %slice3A_1057[0] : i32 from vector<1xi32>
          %multiple_of3A_1059 = tpu.assume_multiple %squeeze3A_1058, 128 : i32
          %dma_start3A_1060 = arith.constant 624 : i32
          %dma_start3A_1061 = arith.constant 0 : i32
          %dma_start3A_1062 = tpu.memref_slice %arg10[%dma_start3A_1060, %dma_start3A_1061] : memref<768x128xf32, #tpu.memory_space<vmem>> -> memref<16x128xf32, #tpu.memory_space<vmem>>
          %dma_start3A_1063 = tpu.memref_slice %arg4[%multiple_of3A, %multiple_of3A_1059] : memref<32x1000000xf32, #tpu.memory_space<hbm>> -> memref<16x128xf32, #tpu.memory_space<hbm>>
          %dma_start3A_1064 = arith.constant 624 : i32
          %dma_start3A_1065 = arith.constant 0 : i32
          %dma_start3A_1066 = tpu.memref_slice %arg10[%dma_start3A_1064, %dma_start3A_1065] : memref<768x128xf32, #tpu.memory_space<vmem>> -> memref<16x128xf32, #tpu.memory_space<vmem>>
          %dma_start3A_1067 = tpu.memref_slice %arg4[%multiple_of3A, %multiple_of3A_1059] : memref<32x1000000xf32, #tpu.memory_space<hbm>> -> memref<16x128xf32, #tpu.memory_space<hbm>>
          tpu.enqueue_dma source(%dma_start3A_1067 : memref<16x128xf32, #tpu.memory_space<hbm>>) target(%dma_start3A_1066 : memref<16x128xf32, #tpu.memory_space<vmem>>) target_semaphore(%arg15 : memref<!tpu.dma_semaphore, #tpu.memory_space<semaphore_mem>>)
          %slice3A_1068 = vector.extract_strided_slice %and3A_979 {offsets = [8], sizes = [1], strides = [1]} : vector<16xi32> to vector<1xi32>
          %squeeze3A_1069 = vector.extract %slice3A_1068[0] : i32 from vector<1xi32>
          %multiple_of3A_1070 = tpu.assume_multiple %squeeze3A_1069, 128 : i32
          %dma_start3A_1071 = arith.constant 640 : i32
          %dma_start3A_1072 = arith.constant 0 : i32
          %dma_start3A_1073 = tpu.memref_slice %arg10[%dma_start3A_1071, %dma_start3A_1072] : memref<768x128xf32, #tpu.memory_space<vmem>> -> memref<16x128xf32, #tpu.memory_space<vmem>>
          %dma_start3A_1074 = tpu.memref_slice %arg4[%multiple_of3A, %multiple_of3A_1070] : memref<32x1000000xf32, #tpu.memory_space<hbm>> -> memref<16x128xf32, #tpu.memory_space<hbm>>
          %dma_start3A_1075 = arith.constant 640 : i32
          %dma_start3A_1076 = arith.constant 0 : i32
          %dma_start3A_1077 = tpu.memref_slice %arg10[%dma_start3A_1075, %dma_start3A_1076] : memref<768x128xf32, #tpu.memory_space<vmem>> -> memref<16x128xf32, #tpu.memory_space<vmem>>
          %dma_start3A_1078 = tpu.memref_slice %arg4[%multiple_of3A, %multiple_of3A_1070] : memref<32x1000000xf32, #tpu.memory_space<hbm>> -> memref<16x128xf32, #tpu.memory_space<hbm>>
          tpu.enqueue_dma source(%dma_start3A_1078 : memref<16x128xf32, #tpu.memory_space<hbm>>) target(%dma_start3A_1077 : memref<16x128xf32, #tpu.memory_space<vmem>>) target_semaphore(%arg15 : memref<!tpu.dma_semaphore, #tpu.memory_space<semaphore_mem>>)
          %slice3A_1079 = vector.extract_strided_slice %and3A_979 {offsets = [9], sizes = [1], strides = [1]} : vector<16xi32> to vector<1xi32>
          %squeeze3A_1080 = vector.extract %slice3A_1079[0] : i32 from vector<1xi32>
          %multiple_of3A_1081 = tpu.assume_multiple %squeeze3A_1080, 128 : i32
          %dma_start3A_1082 = arith.constant 656 : i32
          %dma_start3A_1083 = arith.constant 0 : i32
          %dma_start3A_1084 = tpu.memref_slice %arg10[%dma_start3A_1082, %dma_start3A_1083] : memref<768x128xf32, #tpu.memory_space<vmem>> -> memref<16x128xf32, #tpu.memory_space<vmem>>
          %dma_start3A_1085 = tpu.memref_slice %arg4[%multiple_of3A, %multiple_of3A_1081] : memref<32x1000000xf32, #tpu.memory_space<hbm>> -> memref<16x128xf32, #tpu.memory_space<hbm>>
          %dma_start3A_1086 = arith.constant 656 : i32
          %dma_start3A_1087 = arith.constant 0 : i32
          %dma_start3A_1088 = tpu.memref_slice %arg10[%dma_start3A_1086, %dma_start3A_1087] : memref<768x128xf32, #tpu.memory_space<vmem>> -> memref<16x128xf32, #tpu.memory_space<vmem>>
          %dma_start3A_1089 = tpu.memref_slice %arg4[%multiple_of3A, %multiple_of3A_1081] : memref<32x1000000xf32, #tpu.memory_space<hbm>> -> memref<16x128xf32, #tpu.memory_space<hbm>>
          tpu.enqueue_dma source(%dma_start3A_1089 : memref<16x128xf32, #tpu.memory_space<hbm>>) target(%dma_start3A_1088 : memref<16x128xf32, #tpu.memory_space<vmem>>) target_semaphore(%arg15 : memref<!tpu.dma_semaphore, #tpu.memory_space<semaphore_mem>>)
          %slice3A_1090 = vector.extract_strided_slice %and3A_979 {offsets = [10], sizes = [1], strides = [1]} : vector<16xi32> to vector<1xi32>
          %squeeze3A_1091 = vector.extract %slice3A_1090[0] : i32 from vector<1xi32>
          %multiple_of3A_1092 = tpu.assume_multiple %squeeze3A_1091, 128 : i32
          %dma_start3A_1093 = arith.constant 672 : i32
          %dma_start3A_1094 = arith.constant 0 : i32
          %dma_start3A_1095 = tpu.memref_slice %arg10[%dma_start3A_1093, %dma_start3A_1094] : memref<768x128xf32, #tpu.memory_space<vmem>> -> memref<16x128xf32, #tpu.memory_space<vmem>>
          %dma_start3A_1096 = tpu.memref_slice %arg4[%multiple_of3A, %multiple_of3A_1092] : memref<32x1000000xf32, #tpu.memory_space<hbm>> -> memref<16x128xf32, #tpu.memory_space<hbm>>
          %dma_start3A_1097 = arith.constant 672 : i32
          %dma_start3A_1098 = arith.constant 0 : i32
          %dma_start3A_1099 = tpu.memref_slice %arg10[%dma_start3A_1097, %dma_start3A_1098] : memref<768x128xf32, #tpu.memory_space<vmem>> -> memref<16x128xf32, #tpu.memory_space<vmem>>
          %dma_start3A_1100 = tpu.memref_slice %arg4[%multiple_of3A, %multiple_of3A_1092] : memref<32x1000000xf32, #tpu.memory_space<hbm>> -> memref<16x128xf32, #tpu.memory_space<hbm>>
          tpu.enqueue_dma source(%dma_start3A_1100 : memref<16x128xf32, #tpu.memory_space<hbm>>) target(%dma_start3A_1099 : memref<16x128xf32, #tpu.memory_space<vmem>>) target_semaphore(%arg15 : memref<!tpu.dma_semaphore, #tpu.memory_space<semaphore_mem>>)
          %slice3A_1101 = vector.extract_strided_slice %and3A_979 {offsets = [11], sizes = [1], strides = [1]} : vector<16xi32> to vector<1xi32>
          %squeeze3A_1102 = vector.extract %slice3A_1101[0] : i32 from vector<1xi32>
          %multiple_of3A_1103 = tpu.assume_multiple %squeeze3A_1102, 128 : i32
          %dma_start3A_1104 = arith.constant 688 : i32
          %dma_start3A_1105 = arith.constant 0 : i32
          %dma_start3A_1106 = tpu.memref_slice %arg10[%dma_start3A_1104, %dma_start3A_1105] : memref<768x128xf32, #tpu.memory_space<vmem>> -> memref<16x128xf32, #tpu.memory_space<vmem>>
          %dma_start3A_1107 = tpu.memref_slice %arg4[%multiple_of3A, %multiple_of3A_1103] : memref<32x1000000xf32, #tpu.memory_space<hbm>> -> memref<16x128xf32, #tpu.memory_space<hbm>>
          %dma_start3A_1108 = arith.constant 688 : i32
          %dma_start3A_1109 = arith.constant 0 : i32
          %dma_start3A_1110 = tpu.memref_slice %arg10[%dma_start3A_1108, %dma_start3A_1109] : memref<768x128xf32, #tpu.memory_space<vmem>> -> memref<16x128xf32, #tpu.memory_space<vmem>>
          %dma_start3A_1111 = tpu.memref_slice %arg4[%multiple_of3A, %multiple_of3A_1103] : memref<32x1000000xf32, #tpu.memory_space<hbm>> -> memref<16x128xf32, #tpu.memory_space<hbm>>
          tpu.enqueue_dma source(%dma_start3A_1111 : memref<16x128xf32, #tpu.memory_space<hbm>>) target(%dma_start3A_1110 : memref<16x128xf32, #tpu.memory_space<vmem>>) target_semaphore(%arg15 : memref<!tpu.dma_semaphore, #tpu.memory_space<semaphore_mem>>)
          %slice3A_1112 = vector.extract_strided_slice %and3A_979 {offsets = [12], sizes = [1], strides = [1]} : vector<16xi32> to vector<1xi32>
          %squeeze3A_1113 = vector.extract %slice3A_1112[0] : i32 from vector<1xi32>
          %multiple_of3A_1114 = tpu.assume_multiple %squeeze3A_1113, 128 : i32
          %dma_start3A_1115 = arith.constant 704 : i32
          %dma_start3A_1116 = arith.constant 0 : i32
          %dma_start3A_1117 = tpu.memref_slice %arg10[%dma_start3A_1115, %dma_start3A_1116] : memref<768x128xf32, #tpu.memory_space<vmem>> -> memref<16x128xf32, #tpu.memory_space<vmem>>
          %dma_start3A_1118 = tpu.memref_slice %arg4[%multiple_of3A, %multiple_of3A_1114] : memref<32x1000000xf32, #tpu.memory_space<hbm>> -> memref<16x128xf32, #tpu.memory_space<hbm>>
          %dma_start3A_1119 = arith.constant 704 : i32
          %dma_start3A_1120 = arith.constant 0 : i32
          %dma_start3A_1121 = tpu.memref_slice %arg10[%dma_start3A_1119, %dma_start3A_1120] : memref<768x128xf32, #tpu.memory_space<vmem>> -> memref<16x128xf32, #tpu.memory_space<vmem>>
          %dma_start3A_1122 = tpu.memref_slice %arg4[%multiple_of3A, %multiple_of3A_1114] : memref<32x1000000xf32, #tpu.memory_space<hbm>> -> memref<16x128xf32, #tpu.memory_space<hbm>>
          tpu.enqueue_dma source(%dma_start3A_1122 : memref<16x128xf32, #tpu.memory_space<hbm>>) target(%dma_start3A_1121 : memref<16x128xf32, #tpu.memory_space<vmem>>) target_semaphore(%arg15 : memref<!tpu.dma_semaphore, #tpu.memory_space<semaphore_mem>>)
          %slice3A_1123 = vector.extract_strided_slice %and3A_979 {offsets = [13], sizes = [1], strides = [1]} : vector<16xi32> to vector<1xi32>
          %squeeze3A_1124 = vector.extract %slice3A_1123[0] : i32 from vector<1xi32>
          %multiple_of3A_1125 = tpu.assume_multiple %squeeze3A_1124, 128 : i32
          %dma_start3A_1126 = arith.constant 720 : i32
          %dma_start3A_1127 = arith.constant 0 : i32
          %dma_start3A_1128 = tpu.memref_slice %arg10[%dma_start3A_1126, %dma_start3A_1127] : memref<768x128xf32, #tpu.memory_space<vmem>> -> memref<16x128xf32, #tpu.memory_space<vmem>>
          %dma_start3A_1129 = tpu.memref_slice %arg4[%multiple_of3A, %multiple_of3A_1125] : memref<32x1000000xf32, #tpu.memory_space<hbm>> -> memref<16x128xf32, #tpu.memory_space<hbm>>
          %dma_start3A_1130 = arith.constant 720 : i32
          %dma_start3A_1131 = arith.constant 0 : i32
          %dma_start3A_1132 = tpu.memref_slice %arg10[%dma_start3A_1130, %dma_start3A_1131] : memref<768x128xf32, #tpu.memory_space<vmem>> -> memref<16x128xf32, #tpu.memory_space<vmem>>
          %dma_start3A_1133 = tpu.memref_slice %arg4[%multiple_of3A, %multiple_of3A_1125] : memref<32x1000000xf32, #tpu.memory_space<hbm>> -> memref<16x128xf32, #tpu.memory_space<hbm>>
          tpu.enqueue_dma source(%dma_start3A_1133 : memref<16x128xf32, #tpu.memory_space<hbm>>) target(%dma_start3A_1132 : memref<16x128xf32, #tpu.memory_space<vmem>>) target_semaphore(%arg15 : memref<!tpu.dma_semaphore, #tpu.memory_space<semaphore_mem>>)
          %slice3A_1134 = vector.extract_strided_slice %and3A_979 {offsets = [14], sizes = [1], strides = [1]} : vector<16xi32> to vector<1xi32>
          %squeeze3A_1135 = vector.extract %slice3A_1134[0] : i32 from vector<1xi32>
          %multiple_of3A_1136 = tpu.assume_multiple %squeeze3A_1135, 128 : i32
          %dma_start3A_1137 = arith.constant 736 : i32
          %dma_start3A_1138 = arith.constant 0 : i32
          %dma_start3A_1139 = tpu.memref_slice %arg10[%dma_start3A_1137, %dma_start3A_1138] : memref<768x128xf32, #tpu.memory_space<vmem>> -> memref<16x128xf32, #tpu.memory_space<vmem>>
          %dma_start3A_1140 = tpu.memref_slice %arg4[%multiple_of3A, %multiple_of3A_1136] : memref<32x1000000xf32, #tpu.memory_space<hbm>> -> memref<16x128xf32, #tpu.memory_space<hbm>>
          %dma_start3A_1141 = arith.constant 736 : i32
          %dma_start3A_1142 = arith.constant 0 : i32
          %dma_start3A_1143 = tpu.memref_slice %arg10[%dma_start3A_1141, %dma_start3A_1142] : memref<768x128xf32, #tpu.memory_space<vmem>> -> memref<16x128xf32, #tpu.memory_space<vmem>>
          %dma_start3A_1144 = tpu.memref_slice %arg4[%multiple_of3A, %multiple_of3A_1136] : memref<32x1000000xf32, #tpu.memory_space<hbm>> -> memref<16x128xf32, #tpu.memory_space<hbm>>
          tpu.enqueue_dma source(%dma_start3A_1144 : memref<16x128xf32, #tpu.memory_space<hbm>>) target(%dma_start3A_1143 : memref<16x128xf32, #tpu.memory_space<vmem>>) target_semaphore(%arg15 : memref<!tpu.dma_semaphore, #tpu.memory_space<semaphore_mem>>)
          %slice3A_1145 = vector.extract_strided_slice %and3A_979 {offsets = [15], sizes = [1], strides = [1]} : vector<16xi32> to vector<1xi32>
          %squeeze3A_1146 = vector.extract %slice3A_1145[0] : i32 from vector<1xi32>
          %multiple_of3A_1147 = tpu.assume_multiple %squeeze3A_1146, 128 : i32
          %dma_start3A_1148 = arith.constant 752 : i32
          %dma_start3A_1149 = arith.constant 0 : i32
          %dma_start3A_1150 = tpu.memref_slice %arg10[%dma_start3A_1148, %dma_start3A_1149] : memref<768x128xf32, #tpu.memory_space<vmem>> -> memref<16x128xf32, #tpu.memory_space<vmem>>
          %dma_start3A_1151 = tpu.memref_slice %arg4[%multiple_of3A, %multiple_of3A_1147] : memref<32x1000000xf32, #tpu.memory_space<hbm>> -> memref<16x128xf32, #tpu.memory_space<hbm>>
          %dma_start3A_1152 = arith.constant 752 : i32
          %dma_start3A_1153 = arith.constant 0 : i32
          %dma_start3A_1154 = tpu.memref_slice %arg10[%dma_start3A_1152, %dma_start3A_1153] : memref<768x128xf32, #tpu.memory_space<vmem>> -> memref<16x128xf32, #tpu.memory_space<vmem>>
          %dma_start3A_1155 = tpu.memref_slice %arg4[%multiple_of3A, %multiple_of3A_1147] : memref<32x1000000xf32, #tpu.memory_space<hbm>> -> memref<16x128xf32, #tpu.memory_space<hbm>>
          tpu.enqueue_dma source(%dma_start3A_1155 : memref<16x128xf32, #tpu.memory_space<hbm>>) target(%dma_start3A_1154 : memref<16x128xf32, #tpu.memory_space<vmem>>) target_semaphore(%arg15 : memref<!tpu.dma_semaphore, #tpu.memory_space<semaphore_mem>>)
          %mul3A_1156 = arith.constant 16 : i32
          %mul3A_1157 = arith.muli %add3A_972, %mul3A_1156 : i32
          %dma_start3A_1158 = arith.constant 32 : i32
          %dma_start3A_1159 = arith.constant 0 : i32
          %dma_start3A_1160 = tpu.memref_slice %arg11[%dma_start3A_1158, %dma_start3A_1159] : memref<48x128xf32, #tpu.memory_space<vmem>> -> memref<16x128xf32, #tpu.memory_space<vmem>>
          %dma_start3A_1161 = tpu.memref_slice %arg9[%mul3A_1157] : memref<1024xi32, #tpu.memory_space<vmem>> -> memref<16xi32, #tpu.memory_space<vmem>>
          %dma_start3A_1162 = arith.constant 0 : i32
          %dma_start3A_1163 = arith.constant 0 : i32
          %dma_start3A_1164 = tpu.memref_slice %arg5[%dma_start3A_1162, %dma_start3A_1163] : memref<25000x128xf32, #tpu.memory_space<hbm>> -> memref<25000x128xf32, #tpu.memory_space<hbm>>
          tpu.enqueue_indirect_dma source(%dma_start3A_1164 : memref<25000x128xf32, #tpu.memory_space<hbm>>) target(%dma_start3A_1160 : memref<16x128xf32, #tpu.memory_space<vmem>>) offsets(%dma_start3A_1161 : memref<16xi32, #tpu.memory_space<vmem>>) semaphore(%arg18 : memref<!tpu.dma_semaphore, #tpu.memory_space<semaphore_mem>>)
        } else {
        }
      } else {
      }
    }
    %scan3A_590 = arith.constant 64 : i32
    %mul3A_591 = arith.constant 16384 : i32
    %mul3A_592 = arith.muli %arg0, %mul3A_591 : i32
    %add3A = arith.addi %mul3A_592, %mul3A_0 : i32
    "tpu.region"() ({
      %run_scoped3A = tpu.sem_alloc : memref<!tpu.dma_semaphore, #tpu.memory_space<semaphore_mem>>
      %dma_start3A_593 = tpu.memref_slice %arg6[%add3A] : memref<32768xf32, #tpu.memory_space<hbm>> -> memref<1024xf32, #tpu.memory_space<hbm>>
      %dma_start3A_594 = tpu.memref_slice %arg6[%add3A] : memref<32768xf32, #tpu.memory_space<hbm>> -> memref<1024xf32, #tpu.memory_space<hbm>>
      tpu.enqueue_dma source(%arg12 : memref<1024xf32, #tpu.memory_space<vmem>>) target(%dma_start3A_594 : memref<1024xf32, #tpu.memory_space<hbm>>) target_semaphore(%run_scoped3A : memref<!tpu.dma_semaphore, #tpu.memory_space<semaphore_mem>>)
      %dma_wait3A = tpu.memref_slice %arg6[%add3A] : memref<32768xf32, #tpu.memory_space<hbm>> -> memref<1024xf32, #tpu.memory_space<hbm>>
      %dma_wait3A_595 = tpu.memref_slice %arg6[%add3A] : memref<32768xf32, #tpu.memory_space<hbm>> -> memref<1024xf32, #tpu.memory_space<hbm>>
      tpu.wait_dma2 semaphore(%run_scoped3A : memref<!tpu.dma_semaphore, #tpu.memory_space<semaphore_mem>>) src(%arg12 : memref<1024xf32, #tpu.memory_space<vmem>>) dst(%dma_wait3A_595 : memref<1024xf32, #tpu.memory_space<hbm>>)
      tpu.yield
    }) : () -> ()
    return
  }
}

</mosaic_0001>

<sc_bundles>
// kernel: kernel.3.cloned.1.call-start
scs
__scs_entry_jumppad:
0x0: {  	(pc) =	sbr.rel $0x88, $3  }
0x1: {  	(tag) =	ssettag $0x0;
	lr =	simm.s32 $0x1  }
0x2: {  	[smem:$0x3F9D] =	sst lr;
	_ =	strace $0xD0000000  }
0x3: {  	_ = 	snop  }
0x4: {  	_ = 	snop  }
0x5: {  	_ = 	snop  }
0x6: {  	_ = 	snop  }
0x7: {  	_ = 	snop  }
__scs_overlays_trampoline_lowered:
0x8: {  	[smem:$0x3FAC] =	sst s0  }
0x9: {  	[smem:$0x3FAD] =	sst s1  }
0xa: {  	[smem:$0x3FAE] =	sst s2  }
0xb: {  	[smem:$0x3FAF] =	sst s3  }
0xc: {  	[smem:$0x3FB0] =	sst s4  }
0xd: {  	[smem:$0x3FB1] =	sst s5  }
0xe: {  	[smem:$0x3FB2] =	sst s6  }
0xf: {  	[smem:$0x3FB3] =	sst s7  }
0x10: {  	[smem:$0x3FB4] =	sst s8  }
0x11: {  	[smem:$0x3FB5] =	sst s9;
	s0 =	simm.s32 @!p0 $0x0  }
0x12: {  	s1 =	sld [smem:$0x3F9B];
	s0 =	simm.s32 @p0 $0x1  }
0x13: {  	[smem:$0x3FB6] =	sst s0;
	s0 =	simm.s32 @!p1 $0x0  }
0x14: {  	s2 =	sld [smem:$0x3F9A];
	s0 =	simm.s32 @p1 $0x1  }
0x15: {  	[smem:$0x3FB7] =	sst s0;
	s0 =	simm.s32 @!p2 $0x0  }
0x16: {  	s3 =	sld [smem:$0x3FDB];
	s0 =	simm.s32 @p2 $0x1  }
0x17: {  	s4 =	simm.s32 $0x1BF5;
	[smem:$0x3FB9] =	sst s0  }
0x18: {  	s0 =	sld [smem:$0x3F9C];
	_ =	swait.ge [sflag:s4], $0x0  }
0x19: {  	s7 =	sld [smem:$0x3F9D]  }
0x1a: {  	s8 =	sadd.s32 $0xFFFFE003, lr  }
0x1b: {  	s9 =	sadd.s32 $0xFFFFFEF7, lr;
	s5 =	simm.s32 $0xFFFFFFFF;
	p2 =	slt.u32 s8, $0xFFFFF086  }
0x1c: {  	p1 =	slt.u32 s9, $0xF7A;
	s5 =	simm.s32 @!p2 $0x0  }
0x1d: {  	s5 =	simm.s32 @p1 $0x1;
	p0 =	seq.s32 s7, s2  }
0x1e: {  	s7 =	smul.u32 @!p0 $0xF7A, s2;
	p2 =	seq.s32 @!p0 s5, $0x0  }
0x1f: {  	s9 =	smul.u32 $0xF7A, s1;
	s8 =	simm.s32 @!p0 $0x1BF5;
	p2 =	por !p2, p0  }
0x20: {  	[sflag:s8] =	ssyncset.s32 @!p0 $0xFFFFF086;
	s6 =	sadd.s32 @!p0 s3, s7;
	s7 =	simm.s32 @!p0 $0x108  }
0x21: {  	s3 =	sadd.s32 s3, s9;
	s6 =	sadd.s32 @!p0 $0x88, s6;
	s7 =	simm.s32 @p2 $0x1082  }
0x22: {  	[simem:s7], [sflag:s8] =	dma.local @!p0 [hbm:s6], $0xF7A  }
0x23: {  	s9 =	sor.u32 $0xD0000000, s2;
	s6 =	simm.s32 $0x108;
	_ =	swait.ge @!p0 [sflag:s8], $0x0  }
0x24: {  	s3 =	sadd.s32 $0x88, s3;
	s6 =	simm.s32 @!p1 $0x1082;
	[sflag:s4] =	ssyncset.s32 $0xFFFFF086  }
0x25: {  	[simem:s6], [sflag:s4] =	dma.local [hbm:s3], $0xF7A  }
0x26: {  	[smem:$0x3F9D] =	sst s1;
	(tag) =	ssettag s2;
	_ =	strace s9  }
0x27: {  	s1 =	sld [smem:$0x3FAD]  }
0x28: {  	s2 =	sld [smem:$0x3FAE]  }
0x29: {  	s4 =	sld [smem:$0x3FB0]  }
0x2a: {  	p0 =	seq.s32 s5, $0x0;
	s5 =	sld [smem:$0x3FB1]  }
0x2b: {  	s6 =	sld [smem:$0x3FB2]  }
0x2c: {  	s7 =	sld [smem:$0x3FB3]  }
0x2d: {  	s3 =	simm.s32 $0x108;
	s8 =	sld [smem:$0x3FB4]  }
0x2e: {  	s3 =	simm.s32 @!p0 $0x1082;
	s9 =	sld [smem:$0x3FB5]  }
0x2f: {  	lr =	sadd.s32 s0, s3;
	s0 =	sld [smem:$0x3FAC]  }
0x30: {  	s3 =	sld [smem:$0x3FAF]  }
0x31: {  	[smem:$0x3FB8] =	sst s10  }
0x32: {  	s10 =	sld [smem:$0x3FB6];
	_ =	sdelay $0x3  }
0x33: {  	p0 =	seq.s32 s10, $0x1;
	s10 =	sld [smem:$0x3FB8];
	_ =	sdelay $0x3  }
0x34: {  	[smem:$0x3FB8] =	sst s10  }
0x35: {  	s10 =	sld [smem:$0x3FB7];
	_ =	sdelay $0x3  }
0x36: {  	p1 =	seq.s32 s10, $0x1;
	s10 =	sld [smem:$0x3FB8];
	_ =	sdelay $0x3  }
0x37: {  	[smem:$0x3FB8] =	sst s10  }
0x38: {  	s10 =	sld [smem:$0x3FB9]  }
0x39: {  	_ = 	snop;
	(pc) =	sbr.ind lr, $3  }
0x3a: {  	_ = 	snop  }
0x3b: {  	_ = 	snop  }
0x3c: {  	p2 =	seq.s32 s10, $0x1;
	s10 =	sld [smem:$0x3FB8]  }
0x3d: {  	_ =	shalt  }
0x3e: {  	_ =	shalt  }
0x3f: {  	_ =	shalt  }
0x40: {  	_ =	shalt  }
0x41: {  	_ =	shalt  }
0x42: {  	_ =	shalt  }
0x43: {  	_ =	shalt  }
0x44: {  	_ =	shalt  }
0x45: {  	_ =	shalt  }
0x46: {  	_ =	shalt  }
0x47: {  	_ =	shalt  }
0x48: {  	_ =	shalt  }
0x49: {  	_ =	shalt  }
0x4a: {  	_ =	shalt  }
0x4b: {  	_ =	shalt  }
0x4c: {  	_ =	shalt  }
0x4d: {  	_ =	shalt  }
0x4e: {  	_ =	shalt  }
0x4f: {  	_ =	shalt  }
0x50: {  	_ =	shalt  }
0x51: {  	_ =	shalt  }
0x52: {  	_ =	shalt  }
0x53: {  	_ =	shalt  }
0x54: {  	_ =	shalt  }
0x55: {  	_ =	shalt  }
0x56: {  	_ =	shalt  }
0x57: {  	_ =	shalt  }
0x58: {  	_ =	shalt  }
0x59: {  	_ =	shalt  }
0x5a: {  	_ =	shalt  }
0x5b: {  	_ =	shalt  }
0x5c: {  	_ =	shalt  }
0x5d: {  	_ =	shalt  }
0x5e: {  	_ =	shalt  }
0x5f: {  	_ =	shalt  }
0x60: {  	_ =	shalt  }
0x61: {  	_ =	shalt  }
0x62: {  	_ =	shalt  }
0x63: {  	_ =	shalt  }
0x64: {  	_ =	shalt  }
0x65: {  	_ =	shalt  }
0x66: {  	_ =	shalt  }
0x67: {  	_ =	shalt  }
0x68: {  	_ =	shalt  }
0x69: {  	_ =	shalt  }
0x6a: {  	_ =	shalt  }
0x6b: {  	_ =	shalt  }
0x6c: {  	_ =	shalt  }
0x6d: {  	_ =	shalt  }
0x6e: {  	_ =	shalt  }
0x6f: {  	_ =	shalt  }
0x70: {  	_ =	shalt  }
0x71: {  	_ =	shalt  }
0x72: {  	_ =	shalt  }
0x73: {  	_ =	shalt  }
0x74: {  	_ =	shalt  }
0x75: {  	_ =	shalt  }
0x76: {  	_ =	shalt  }
0x77: {  	_ =	shalt  }
0x78: {  	_ =	shalt  }
0x79: {  	_ =	shalt  }
0x7a: {  	_ =	shalt  }
0x7b: {  	_ =	shalt  }
0x7c: {  	_ =	shalt  }
0x7d: {  	_ =	shalt  }
0x7e: {  	_ =	shalt  }
0x7f: {  	_ =	shalt  }
0x80: {  	_ =	shalt  }
0x81: {  	_ =	shalt  }
0x82: {  	_ =	shalt  }
0x83: {  	_ =	shalt  }
0x84: {  	_ =	shalt  }
0x85: {  	_ =	shalt  }
0x86: {  	_ =	shalt  }
0x87: {  	_ =	shalt  }
.Lfunc_end0:
.L_simem_size_0:
called_computation_lowered:
.L_overlay_start_0:
0x88: {  	s2 =	sld [smem:$0x3FD9]  }
0x89: {  	s3 =	sld [smem:$0x3FFE];
	_ =	sdelay $0x1  }
0x8a: {  	s1 =	srdreg.scid  }
0x8b: {  	s0 =	sand.u32 $0x1, s1  }
0x8c: {  	s17 =	sshll.u32 s0, $0xA;
	s2 =	sadd.s32 s3, s2  }
0x8d: {  	s2 =	sadd.s32 s2, s17  }
0x8e: {  	[smem:$0x3FC4] =	sst s2  }
0x8f: {  	_ = 	snop  }
0x90: {  	s2 =	sld [smem:$0x3FC9]  }
0x91: {  	s18 =	sld [smem:$0x3FC8]  }
0x92: {  	s4 =	sld [smem:$0x3FC7];
	(tm) =	ssettm $0x1  }
0x93: {  	s5 =	sld [smem:$0x3FFB];
	_ =	sdelay $0x3  }
0x94: {  	_ =	strace s5  }
0x95: {  	s5 =	sld [smem:$0x3FFC];
	_ =	sdelay $0x3  }
0x96: {  	_ =	strace s5  }
0x97: {  	s5 =	sld [smem:$0x3FFD];
	_ =	sdelay $0x3  }
0x98: {  	_ =	strace s5  }
0x99: {  	_ =	strace $0x8FFFFFFF  }
0x9a: {  	s19 =	sld [smem:$0x3FDB];
	_ =	sdelay $0x1  }
0x9b: {  	s6 =	simm.s32 $_scs_section_size  }
0x9c: {  	s7 =	simm.s32 $_size__tile_overlayer_lowered;
	s8 =	simm.s32 $_tile_overlayer_lowered  }
0x9d: {  	s22 =	simm.s32 $0x1BFF;
	s21 =	sshll.u32 s8, $0x1;
	s5 =	sadd.s32 s6, s19  }
0x9e: {  	s9 =	simm.s32 $0x0;
	s20 =	sshll.u32 s7, $0x1;
	s7 =	sadd.s32 s21, s5  }
0x9f: {  	[timem:s9], [sflag:s22] =	dma.local [hbm:s7], s20  }
0xa0: {  	_ =	swait.ge [sflag:s22], s20  }
0xa1: {  	s6 =	ssub.s32 $0x0, s20;
	[sflag:s22] =	ssyncset.done $0x0  }
0xa2: {  	[sflag:s22] =	ssyncadd.s32 s6;
	_ =	sdelay $0x1  }
0xa3: {  	s23 =	simm.s32 $0x1B8B  }
0xa4: {  	_ =	swait.ge [sflag:s23], $0x1  }
0xa5: {  	[sflag:s23] =	ssyncset.done $0x0  }
0xa6: {  	s25 =	simm.s32 $0x1B8E;
	s24 =	sld [smem:$0x3FFE];
	[sflag:s23] =	ssyncadd.s32 $0xFFFFFFFF  }
0xa7: {  	s26 =	simm.s32 $execute0_lowered;
	[smem:$0x3FD2] =	sst s25  }
0xa8: {  	s7 =	sshll.u32 s26, $0x1;
	_ =	strace $0x80000046;
	[dreg:$0x1] =	wrdreg $0xFFFFFFFF  }
0xa9: {  	s28 =	simm.s32 $_size_execute0_lowered;
	s5 =	sadd.s32 s5, s7;
	[dreg:$0x0] =	wrdreg $0x0  }
0xaa: {  	s7 =	sshll.u32 s28, $0x1;
	[dreg:$0x2] =	wrdreg s5  }
0xab: {  	[dreg:$0x3] =	wrdreg s7  }
0xac: {  	[dreg:$0x4] =	wrdreg $0xC0  }
0xad: {  	_ =	task [dreg:s9], $0x5FFFF  }
0xae: {  	[dreg:$0x1] =	wrdreg $0xFFFFFFFF  }
0xaf: {  	[dreg:$0x0] =	wrdreg $0x60  }
0xb0: {  	[dreg:$0x2] =	wrdreg s2  }
0xb1: {  	[dreg:$0x3] =	wrdreg s18  }
0xb2: {  	[dreg:$0x4] =	wrdreg s4  }
0xb3: {  	[dreg:$0x5] =	wrdreg s24  }
0xb4: {  	[dreg:$0x6] =	wrdreg $0x9  }
0xb5: {  	_ =	task.clear_ibuf [dreg:s9], $0x7FFFF;
	_ =	strace $0x90000046  }
0xb6: {  	s29 =	simm.s32 $0x9;
	_ =	strace $0x80000048  }
0xb7: {  	_ =	swait.ge [sflag:s29], $0x1  }
0xb8: {  	[sflag:s29] =	ssyncadd.s32 $0xFFFFFFFF  }
0xb9: {  	_ =	strace $0x90000048  }
0xba: {  	_ =	sfence  }
0xbb: {  	s30 =	sld [smem:$0x0];
	_ =	sdelay $0x2  }
0xbc: {  	s31 =	sshll.u32 s1, $0xD;
	s1 =	sshrl.u32 s1, $0x2  }
0xbd: {  	s3 =	sand.u32 $0x4000, s31;
	s1 =	sadd.s32 s1, s30  }
0xbe: {  	s0 =	sor.u32 s3, s0;
	s1 =	sshll.u32 s1, $0x11  }
0xbf: {  	s0 =	sor.u32 s1, s0  }
0xc0: {  	s0 =	sadd.s32 $0x8F2B, s0  }
0xc1: {  	[sflag:s0] =	ssyncadd.remote.s32 $0x1  }
0xc2: {  	_ =	sfence.sel $0xFFFF  }
0xc3: {  	[dreg:$0x0] =	wrdreg $0xFFFFFFFF;
	(pc) =	sbr.abs _section_cstart, $3  }
0xc4: {  	[dreg:$0x1] =	wrdreg $0xFFFFFFFF  }
0xc5: {  	_ =	task.clear_ibuf [dreg:s9], $0x2FFFF;
	_ =	strace $0x9FFFFFFF  }
0xc6: {  	(tm) =	ssettm $0x7FFFFFFF  }
0xc7: {  	_ =	shalt  }
tec
execute0_lowered:
.L_overlay_start_1:
0x0: {  	(tag) =	ssettag $0x1  }
0x1: {  	s3 =	srdreg.scid  }
0x2: {  	v1 =	vlaneseq.u32;
	s5 =	sand.u32 $0x1, s3  }
0x3: {  	v0 =	vmul.u32 $0x800, v1;
	v1 =	vmul.u32 $0x80, v1;
	s13 =	sshll.u32 s5, $0x4  }
0x4: {  	v2 =	vmov s13  }
0x5: {  	s0 =	rddreg [dreg:$0x0];
	v3 =	vor.u32 $0x10000, v0;
	v14 =	vor.u32 $0x1005, v1;
	v15 =	vor.u32 $0x10300, v0  }
0x6: {  	s1 =	rddreg [dreg:$0x1];
	v16 =	vor.u32 $0x1006, v1;
	v17 =	vor.u32 $0x10380, v0;
	v18 =	vor.u32 $0x1007, v1  }
0x7: {  	s2 =	rddreg [dreg:$0x2];
	v19 =	vor.u32 $0x10400, v0;
	v20 =	vor.u32 $0x1008, v1;
	v21 =	vor.u32 $0x10480, v0  }
0x8: {  	s4 =	rddreg [dreg:$0x3];
	v22 =	vor.u32 $0x1009, v1;
	v23 =	vor.u32 $0x10500, v0;
	v24 =	vor.u32 $0x100A, v1  }
0x9: {  	s23 =	simm.s32 $0x0;
	s22 =	stileid.u32;
	s10 =	simm.s32 $0x400;
	v25 =	vor.u32 $0x10580, v0;
	v26 =	vor.u32 $0x100B, v1;
	v27 =	vor.u32 $0x10600, v0  }
0xa: {  	s9 =	simm.s32 $0x7;
	s11 =	simm.s32 $0x7A1400;
	s12 =	simm.s32 $0xC00;
	v28 =	vor.u32 $0x100C, v1;
	v29 =	vor.u32 $0x10680, v0;
	v30 =	vor.u32 $0x100D, v1  }
0xb: {  	s29 =	simm.s32 $0x10;
	s31 =	simm.s32 $0x18C00;
	s30 =	simm.s32 $0x14C00;
	v31 =	vor.u32 $0x10700, v0;
	v32 =	vor.u32 $0x100E, v1;
	v33 =	vor.u32 $0x10780, v0  }
0xc: {  	s14 =	simm.s32 $0x18400;
	s15 =	simm.s32 $0x19C00;
	[smem:$0x7FF] =	sst s23;
	v34 =	vor.u32 $0x100F, v1;
	v35 =	vor.u32 $0x8000, v0;
	v36 =	vor.u32 $0x800, v1  }
0xd: {  	s16 =	simm.s32 $0x3;
	s17 =	simm.s32 $0x6;
	_ =	strace $0x80000047;
	v37 =	vor.u32 $0x8080, v0;
	v38 =	vor.u32 $0x801, v1;
	[tilespmem:$0x1FF50] =	vst v3;
	v3 =	vor.u32 $0x1000, v1  }
0xe: {  	s18 =	simm.s32 $0x2;
	s19 =	simm.s32 $0x5;
	s20 =	simm.s32 $0x1;
	v39 =	vor.u32 $0x8100, v0;
	v40 =	vor.u32 $0x802, v1;
	[tilespmem:$0x1FF60] =	vst v3;
	v3 =	vor.u32 $0x10080, v0  }
0xf: {  	s21 =	simm.s32 $0x4;
	s7 =	sshll.u32 s22, $0x7;
	s3 =	sadd.s32 $0x186E00, s4;
	v41 =	vor.u32 $0x8180, v0;
	v42 =	vor.u32 $0x803, v1;
	[tilespmem:$0x1FF70] =	vst v3;
	v3 =	vor.u32 $0x1001, v1  }
0x10: {  	s22 =	simm.s32 $0x0;
	s6 =	ssub.s32 $0x2, s5;
	s24 =	smul.u32 $0x1E8500, s5;
	v43 =	vor.u32 $0x8200, v0;
	v44 =	vor.u32 $0x804, v1;
	[tilespmem:$0x1FF80] =	vst v3;
	v3 =	vor.u32 $0x10100, v0  }
0x11: {  	s4 =	sadd.s32 s7, s4;
	s5 =	sshll.u32 s5, $0xB;
	s0 =	sadd.s32 s0, s7;
	v45 =	vor.u32 $0x8280, v0;
	v46 =	vor.u32 $0x805, v1;
	[tilespmem:$0x1FF90] =	vst v3;
	v3 =	vor.u32 $0x1002, v1  }
0x12: {  	s25 =	sadd.s32 s1, s7;
	s7 =	simm.s32 $0x16400;
	[dreg:$0x5] =	wrdreg s0;
	v47 =	vor.u32 $0x8300, v0;
	v48 =	vor.u32 $0x806, v1;
	[tilespmem:$0x1FFA0] =	vst v3;
	v3 =	vor.u32 $0x10180, v0  }
.Ltmp0:
0x13: {  	s8 =	sshrl.u32 s6, $0x1;
	[dreg:$0x6] =	wrdreg s25;
	v49 =	vor.u32 $0x8380, v0;
	v50 =	vor.u32 $0x807, v1;
	[tilespmem:$0x1FFB0] =	vst v3;
	v3 =	vor.u32 $0x1003, v1;
	(pc) =	sbr.rel .LBB2_1-.Ltmp0, $4  }
0x14: {  	s26 =	sadd.s32 s5, s4;
	s4 =	simm.s32 $0x15400;
	s5 =	simm.s32 $0x15C00;
	v51 =	vor.u32 $0x8400, v0;
	v52 =	vor.u32 $0x808, v1;
	[tilespmem:$0x1FFC0] =	vst v3;
	v3 =	vor.u32 $0x10200, v0  }
0x15: {  	s13 =	simm.s32 $0x17C00;
	v53 =	vor.u32 $0x8480, v0;
	v54 =	vor.u32 $0x809, v1;
	s8 =	ssub.s32 s6, s8;
	s0 =	sadd.s32 $0x400, s26;
	[tilespmem:$0x1FFD0] =	vst v3;
	v3 =	vor.u32 $0x1004, v1  }
0x16: {  	v55 =	vor.u32 $0x8500, v0;
	v56 =	vor.u32 $0x80A, v1;
	s6 =	sadd.s32 s2, s24;
	[dreg:$0x7] =	wrdreg s0;
	s28 =	smax.u32 s8, $0x1;
	[tilespmem:$0x1FFE0] =	vst v3;
	v3 =	vor.u32 $0x10280, v0  }
0x17: {  	v57 =	vor.u32 $0x8580, v0;
	v58 =	vor.u32 $0x80B, v1;
	v59 =	vor.u32 $0x8600, v0;
	s2 =	simm.s32 $0x17400;
	s8 =	simm.s32 $0x16C00;
	[dreg:$0x8] =	wrdreg s28;
	[tilespmem:$0x1FFF0] =	vst v3  }
.LBB2_13:
0x18: {  	s23 =	simm.s32 $0x0;
	s0 =	rddreg [dreg:$0x7];
	s1 =	simm.s32 $0x1A400  }
0x19: {  	[hbm4b:s0+s23] =	stream.linear.scatter [tilespmem:s1], [sflag:$0x7], $0x400, $0x38;
	[tilespmem:$0x1A800] =	vst v63  }
0x1a: {  	_ =	swait.ge [sflag:s9], $0x400  }
0x1b: {  	s22 =	sadd.s32 $0x1, s22;
	s28 =	rddreg [dreg:$0x8]  }
0x1c: {  	p0 =	sne.s32 s22, s28  }
.Ltmp1:
0x1d: {  	_ = 	snop;
	(pc) =	sbr.rel @!p0 .LBB2_14-.Ltmp1, $3  }
0x1e: {  	_ =	sdelay $0x1  }
0x1f: {  	[sflag:s9] =	ssyncset.done $0x0  }
0x20: {  	[sflag:s9] =	ssyncadd.s32 $0xFFFFFC00  }
.LBB2_1:
0x21: {  	s0 =	rddreg [dreg:$0x5]  }
0x22: {  	[tilespmem:s23], [sflag:$0x7] =	stream.linear.gather [hbm4b:s0+s23], $0x400, $0x38;
	[tilespmem:$0x1A800] =	vst v63  }
0x23: {  	_ =	swait.ge [sflag:s9], $0x400  }
0x24: {  	[sflag:s9] =	ssyncset.done $0x0  }
0x25: {  	s28 =	rddreg [dreg:$0x6];
	[sflag:s9] =	ssyncadd.s32 $0xFFFFFC00  }
0x26: {  	[tilespmem:s10], [sflag:$0x7] =	stream.linear.gather [hbm4b:s28+s23], $0x400, $0x38;
	[tilespmem:$0x1A800] =	vst v63  }
0x27: {  	_ =	swait.ge [sflag:s9], $0x400  }
0x28: {  	[sflag:s9] =	ssyncset.done $0x0  }
0x29: {  	s23 =	simm.s32 $0x0;
	[sflag:s9] =	ssyncadd.s32 $0xFFFFFC00  }
0x2a: {  	s24 =	simm.s32 $0x40;
	v60 =	vld [tilespmem:s23+$0x400]  }
.LBB2_2:
0x2b: {  	p0 =	sne.s32 s24, $0xFC0  }
.Ltmp2:
0x2c: {  	_ = 	snop;
	(pc) =	sbr.rel @p0 .LBB2_2-.Ltmp2, $3  }
0x2d: {  	_ =	sdelay $0x1  }
0x2e: {  	s0 =	sshra.s32 s24, $0x2;
	s24 =	sadd.s32 $0x40, s24;
	v61 =	vshrl.u32 v60, $0x2  }
0x2f: {  	v60 =	vld [tilespmem:s0+$0x400];
	[tilespmem:s23+$0x800] =	vst v61;
	s23 =	smov.u32 s0  }
0x30: {  	_ =	sdelay $0x3  }
0x31: {  	v60 =	vshrl.u32 v60, $0x2  }
0x32: {  	[tilespmem:s23+$0x800] =	vst v60  }
0x33: {  	v60 =	vld [tilespmem:$0x0];
	_ =	sdelay $0x4  }
0x34: {  	v60 =	vand.u32 $0xFFFFFF80, v60  }
0x35: {  	v60 =	vadd.s32 s6, v60  }
0x36: {  	(v2sf) =	vpush v60, $0x0;
	_ =	sdelay $0x1  }
0x37: {  	(v2sf) =	vpush v60, $0x1;
	_ =	sdelay $0x1  }
0x38: {  	(v2sf) =	vpush v60, $0x2;
	_ =	sdelay $0x1  }
0x39: {  	(v2sf) =	vpush v60, $0x3;
	_ =	sdelay $0x1  }
0x3a: {  	(v2sf) =	vpush v60, $0x4;
	_ =	sdelay $0x1  }
0x3b: {  	(v2sf) =	vpush v60, $0x5;
	_ =	sdelay $0x1  }
0x3c: {  	(v2sf) =	vpush v60, $0x6;
	_ =	sdelay $0x1  }
0x3d: {  	(v2sf) =	vpush v60, $0x7  }
0x3e: {  	s23 =	simm.s32 $0x400;
	s0 =	spop (v2sf)  }
0x3f: {  	(v2sf) =	vpush v60, $0x8;
	[tilespmem:s12], [sflag:$0x1] =	stream.strided.gather [hbm4b:s0+s23], $0x800, s11, s23, $0x38;
	[tilespmem:$0x1A800] =	vst v63  }
0x40: {  	s24 =	simm.s32 $0x1400;
	s25 =	spop (v2sf)  }
0x41: {  	(v2sf) =	vpush v60, $0x9;
	[tilespmem:s24], [sflag:$0x1] =	stream.strided.gather [hbm4b:s25+s23], $0x800, s11, s23, $0x38;
	[tilespmem:$0x1A800] =	vst v63  }
0x42: {  	s1 =	simm.s32 $0x1C00;
	s26 =	spop (v2sf)  }
0x43: {  	(v2sf) =	vpush v60, $0xA;
	[tilespmem:s1], [sflag:$0x1] =	stream.strided.gather [hbm4b:s26+s23], $0x800, s11, s23, $0x38;
	[tilespmem:$0x1A800] =	vst v63  }
0x44: {  	s24 =	simm.s32 $0x2400;
	s1 =	spop (v2sf)  }
0x45: {  	(v2sf) =	vpush v60, $0xB;
	[tilespmem:s24], [sflag:$0x1] =	stream.strided.gather [hbm4b:s1+s23], $0x800, s11, s23, $0x38;
	[tilespmem:$0x1A800] =	vst v63  }
0x46: {  	s26 =	simm.s32 $0x2C00;
	s25 =	spop (v2sf)  }
0x47: {  	(v2sf) =	vpush v60, $0xC;
	[tilespmem:s26], [sflag:$0x1] =	stream.strided.gather [hbm4b:s25+s23], $0x800, s11, s23, $0x38;
	[tilespmem:$0x1A800] =	vst v63  }
0x48: {  	s1 =	spop (v2sf);
	s24 =	simm.s32 $0x3400  }
0x49: {  	(v2sf) =	vpush v60, $0xD;
	[tilespmem:s24], [sflag:$0x1] =	stream.strided.gather [hbm4b:s1+s23], $0x800, s11, s23, $0x38;
	[tilespmem:$0x1A800] =	vst v63  }
0x4a: {  	s25 =	spop (v2sf);
	s26 =	simm.s32 $0x3C00  }
0x4b: {  	(v2sf) =	vpush v60, $0xE;
	[tilespmem:s26], [sflag:$0x1] =	stream.strided.gather [hbm4b:s25+s23], $0x800, s11, s23, $0x38;
	[tilespmem:$0x1A800] =	vst v63  }
0x4c: {  	s1 =	spop (v2sf);
	s24 =	simm.s32 $0x4400  }
0x4d: {  	(v2sf) =	vpush v60, $0xF;
	[tilespmem:s24], [sflag:$0x1] =	stream.strided.gather [hbm4b:s1+s23], $0x800, s11, s23, $0x38;
	[tilespmem:$0x1A800] =	vst v63  }
0x4e: {  	s26 =	simm.s32 $0x4C00;
	s25 =	spop (v2sf)  }
0x4f: {  	[tilespmem:s26], [sflag:$0x1] =	stream.strided.gather [hbm4b:s25+s23], $0x800, s11, s23, $0x38;
	[tilespmem:$0x1A800] =	vst v63  }
0x50: {  	s24 =	simm.s32 $0x5400;
	s1 =	spop (v2sf)  }
0x51: {  	[tilespmem:s24], [sflag:$0x1] =	stream.strided.gather [hbm4b:s1+s23], $0x800, s11, s23, $0x38;
	[tilespmem:$0x1A800] =	vst v63  }
0x52: {  	s25 =	spop (v2sf);
	s26 =	simm.s32 $0x5C00  }
0x53: {  	[tilespmem:s26], [sflag:$0x1] =	stream.strided.gather [hbm4b:s25+s23], $0x800, s11, s23, $0x38;
	[tilespmem:$0x1A800] =	vst v63  }
0x54: {  	s24 =	simm.s32 $0x6400;
	s1 =	spop (v2sf)  }
0x55: {  	[tilespmem:s24], [sflag:$0x1] =	stream.strided.gather [hbm4b:s1+s23], $0x800, s11, s23, $0x38;
	[tilespmem:$0x1A800] =	vst v63  }
0x56: {  	s25 =	spop (v2sf);
	s26 =	simm.s32 $0x6C00  }
0x57: {  	[tilespmem:s26], [sflag:$0x1] =	stream.strided.gather [hbm4b:s25+s23], $0x800, s11, s23, $0x38;
	[tilespmem:$0x1A800] =	vst v63  }
0x58: {  	s1 =	spop (v2sf);
	s24 =	simm.s32 $0x7400  }
0x59: {  	[tilespmem:s24], [sflag:$0x1] =	stream.strided.gather [hbm4b:s1+s23], $0x800, s11, s23, $0x38;
	[tilespmem:$0x1A800] =	vst v63  }
0x5a: {  	s25 =	spop (v2sf);
	s26 =	simm.s32 $0x7C00  }
0x5b: {  	[tilespmem:s26], [sflag:$0x1] =	stream.strided.gather [hbm4b:s25+s23], $0x800, s11, s23, $0x38;
	[tilespmem:$0x1A800] =	vst v63  }
0x5c: {  	s24 =	spop (v2sf);
	s25 =	simm.s32 $0x8400  }
0x5d: {  	[tilespmem:s25], [sflag:$0x1] =	stream.strided.gather [hbm4b:s24+s23], $0x800, s11, s23, $0x38;
	[tilespmem:$0x1A800] =	vst v63  }
0x5e: {  	s26 =	simm.s32 $0x800  }
0x5f: {  	[tilespmem:s31], [sflag:$0x4] =	stream.indirect.gather [hbm4b:s3+s29], $0x80, s26, s29, $0xb8;
	[tilespmem:$0x1A800] =	vst v63  }
0x60: {  	v10 =	vld [tilespmem:$0x10];
	_ =	sdelay $0x4  }
0x61: {  	v60 =	vand.u32 $0xFFFFFF80, v10  }
0x62: {  	v60 =	vadd.s32 s6, v60  }
0x63: {  	(v2sf) =	vpush v60, $0x0;
	_ =	sdelay $0x1  }
0x64: {  	(v2sf) =	vpush v60, $0x1;
	_ =	sdelay $0x1  }
0x65: {  	(v2sf) =	vpush v60, $0x2;
	_ =	sdelay $0x1  }
0x66: {  	(v2sf) =	vpush v60, $0x3;
	_ =	sdelay $0x1  }
0x67: {  	(v2sf) =	vpush v60, $0x4;
	_ =	sdelay $0x1  }
0x68: {  	(v2sf) =	vpush v60, $0x5;
	_ =	sdelay $0x1  }
0x69: {  	(v2sf) =	vpush v60, $0x6;
	_ =	sdelay $0x1  }
0x6a: {  	(v2sf) =	vpush v60, $0x7  }
0x6b: {  	s24 =	simm.s32 $0x8C00;
	s1 =	spop (v2sf)  }
0x6c: {  	(v2sf) =	vpush v60, $0x8;
	[tilespmem:s24], [sflag:$0x2] =	stream.strided.gather [hbm4b:s1+s23], $0x800, s11, s23, $0x38;
	[tilespmem:$0x1A800] =	vst v63  }
0x6d: {  	s26 =	simm.s32 $0x9400;
	s25 =	spop (v2sf)  }
0x6e: {  	(v2sf) =	vpush v60, $0x9;
	[tilespmem:s26], [sflag:$0x2] =	stream.strided.gather [hbm4b:s25+s23], $0x800, s11, s23, $0x38;
	[tilespmem:$0x1A800] =	vst v63  }
0x6f: {  	s24 =	simm.s32 $0x9C00;
	s1 =	spop (v2sf)  }
0x70: {  	(v2sf) =	vpush v60, $0xA;
	[tilespmem:s24], [sflag:$0x2] =	stream.strided.gather [hbm4b:s1+s23], $0x800, s11, s23, $0x38;
	[tilespmem:$0x1A800] =	vst v63  }
0x71: {  	s25 =	spop (v2sf);
	s26 =	simm.s32 $0xA400  }
0x72: {  	(v2sf) =	vpush v60, $0xB;
	[tilespmem:s26], [sflag:$0x2] =	stream.strided.gather [hbm4b:s25+s23], $0x800, s11, s23, $0x38;
	[tilespmem:$0x1A800] =	vst v63  }
0x73: {  	s1 =	spop (v2sf);
	s24 =	simm.s32 $0xAC00  }
0x74: {  	(v2sf) =	vpush v60, $0xC;
	[tilespmem:s24], [sflag:$0x2] =	stream.strided.gather [hbm4b:s1+s23], $0x800, s11, s23, $0x38;
	[tilespmem:$0x1A800] =	vst v63  }
0x75: {  	s25 =	spop (v2sf);
	s26 =	simm.s32 $0xB400  }
0x76: {  	(v2sf) =	vpush v60, $0xD;
	[tilespmem:s26], [sflag:$0x2] =	stream.strided.gather [hbm4b:s25+s23], $0x800, s11, s23, $0x38;
	[tilespmem:$0x1A800] =	vst v63  }
0x77: {  	s1 =	spop (v2sf);
	s24 =	simm.s32 $0xBC00  }
0x78: {  	(v2sf) =	vpush v60, $0xE;
	[tilespmem:s24], [sflag:$0x2] =	stream.strided.gather [hbm4b:s1+s23], $0x800, s11, s23, $0x38;
	[tilespmem:$0x1A800] =	vst v63  }
0x79: {  	s25 =	spop (v2sf);
	s26 =	simm.s32 $0xC400  }
0x7a: {  	(v2sf) =	vpush v60, $0xF;
	[tilespmem:s26], [sflag:$0x2] =	stream.strided.gather [hbm4b:s25+s23], $0x800, s11, s23, $0x38;
	[tilespmem:$0x1A800] =	vst v63  }
0x7b: {  	s24 =	simm.s32 $0xCC00;
	s1 =	spop (v2sf)  }
0x7c: {  	[tilespmem:s24], [sflag:$0x2] =	stream.strided.gather [hbm4b:s1+s23], $0x800, s11, s23, $0x38;
	[tilespmem:$0x1A800] =	vst v63  }
0x7d: {  	s26 =	simm.s32 $0xD400;
	s25 =	spop (v2sf)  }
0x7e: {  	[tilespmem:s26], [sflag:$0x2] =	stream.strided.gather [hbm4b:s25+s23], $0x800, s11, s23, $0x38;
	[tilespmem:$0x1A800] =	vst v63  }
0x7f: {  	s1 =	spop (v2sf);
	s24 =	simm.s32 $0xDC00  }
0x80: {  	[tilespmem:s24], [sflag:$0x2] =	stream.strided.gather [hbm4b:s1+s23], $0x800, s11, s23, $0x38;
	[tilespmem:$0x1A800] =	vst v63  }
0x81: {  	s25 =	spop (v2sf);
	s26 =	simm.s32 $0xE400  }
0x82: {  	[tilespmem:s26], [sflag:$0x2] =	stream.strided.gather [hbm4b:s25+s23], $0x800, s11, s23, $0x38;
	[tilespmem:$0x1A800] =	vst v63  }
0x83: {  	s1 =	spop (v2sf);
	s24 =	simm.s32 $0xEC00  }
0x84: {  	[tilespmem:s24], [sflag:$0x2] =	stream.strided.gather [hbm4b:s1+s23], $0x800, s11, s23, $0x38;
	[tilespmem:$0x1A800] =	vst v63  }
0x85: {  	s25 =	spop (v2sf);
	s26 =	simm.s32 $0xF400  }
0x86: {  	[tilespmem:s26], [sflag:$0x2] =	stream.strided.gather [hbm4b:s25+s23], $0x800, s11, s23, $0x38;
	[tilespmem:$0x1A800] =	vst v63  }
0x87: {  	s1 =	spop (v2sf);
	s24 =	simm.s32 $0xFC00  }
0x88: {  	[tilespmem:s24], [sflag:$0x2] =	stream.strided.gather [hbm4b:s1+s23], $0x800, s11, s23, $0x38;
	[tilespmem:$0x1A800] =	vst v63  }
0x89: {  	s25 =	spop (v2sf);
	s26 =	simm.s32 $0x10400  }
0x8a: {  	[tilespmem:s26], [sflag:$0x2] =	stream.strided.gather [hbm4b:s25+s23], $0x800, s11, s23, $0x38;
	[tilespmem:$0x1A800] =	vst v63  }
0x8b: {  	s1 =	simm.s32 $0x810;
	s24 =	simm.s32 $0x19400  }
0x8c: {  	[tilespmem:s24], [sflag:$0x5] =	stream.indirect.gather [hbm4b:s3+s29], $0x80, s1, s29, $0xb8;
	[tilespmem:$0x1A800] =	vst v63  }
0x8d: {  	v11 =	vld [tilespmem:$0x20];
	_ =	sdelay $0x4  }
0x8e: {  	v60 =	vand.u32 $0xFFFFFF80, v11  }
0x8f: {  	v60 =	vadd.s32 s6, v60  }
0x90: {  	(v2sf) =	vpush v60, $0x0;
	_ =	sdelay $0x1  }
0x91: {  	(v2sf) =	vpush v60, $0x1;
	_ =	sdelay $0x1  }
0x92: {  	(v2sf) =	vpush v60, $0x2;
	_ =	sdelay $0x1  }
0x93: {  	(v2sf) =	vpush v60, $0x3;
	_ =	sdelay $0x1  }
0x94: {  	(v2sf) =	vpush v60, $0x4;
	_ =	sdelay $0x1  }
0x95: {  	(v2sf) =	vpush v60, $0x5;
	_ =	sdelay $0x1  }
0x96: {  	(v2sf) =	vpush v60, $0x6;
	_ =	sdelay $0x1  }
0x97: {  	(v2sf) =	vpush v60, $0x7  }
0x98: {  	s26 =	simm.s32 $0x10C00;
	s25 =	spop (v2sf)  }
0x99: {  	(v2sf) =	vpush v60, $0x8;
	[tilespmem:s26], [sflag:$0x3] =	stream.strided.gather [hbm4b:s25+s23], $0x800, s11, s23, $0x38;
	[tilespmem:$0x1A800] =	vst v63  }
0x9a: {  	s24 =	simm.s32 $0x11400;
	s1 =	spop (v2sf)  }
0x9b: {  	(v2sf) =	vpush v60, $0x9;
	[tilespmem:s24], [sflag:$0x3] =	stream.strided.gather [hbm4b:s1+s23], $0x800, s11, s23, $0x38;
	[tilespmem:$0x1A800] =	vst v63  }
0x9c: {  	s26 =	simm.s32 $0x11C00;
	s25 =	spop (v2sf)  }
0x9d: {  	(v2sf) =	vpush v60, $0xA;
	[tilespmem:s26], [sflag:$0x3] =	stream.strided.gather [hbm4b:s25+s23], $0x800, s11, s23, $0x38;
	[tilespmem:$0x1A800] =	vst v63  }
0x9e: {  	s1 =	spop (v2sf);
	s24 =	simm.s32 $0x12400  }
0x9f: {  	(v2sf) =	vpush v60, $0xB;
	[tilespmem:s24], [sflag:$0x3] =	stream.strided.gather [hbm4b:s1+s23], $0x800, s11, s23, $0x38;
	[tilespmem:$0x1A800] =	vst v63  }
0xa0: {  	s25 =	spop (v2sf);
	s26 =	simm.s32 $0x12C00  }
0xa1: {  	(v2sf) =	vpush v60, $0xC;
	[tilespmem:s26], [sflag:$0x3] =	stream.strided.gather [hbm4b:s25+s23], $0x800, s11, s23, $0x38;
	[tilespmem:$0x1A800] =	vst v63  }
0xa2: {  	s1 =	spop (v2sf);
	s24 =	simm.s32 $0x13400  }
0xa3: {  	(v2sf) =	vpush v60, $0xD;
	[tilespmem:s24], [sflag:$0x3] =	stream.strided.gather [hbm4b:s1+s23], $0x800, s11, s23, $0x38;
	[tilespmem:$0x1A800] =	vst v63  }
0xa4: {  	s25 =	spop (v2sf);
	s26 =	simm.s32 $0x13C00  }
0xa5: {  	(v2sf) =	vpush v60, $0xE;
	[tilespmem:s26], [sflag:$0x3] =	stream.strided.gather [hbm4b:s25+s23], $0x800, s11, s23, $0x38;
	[tilespmem:$0x1A800] =	vst v63  }
0xa6: {  	s24 =	spop (v2sf);
	s25 =	simm.s32 $0x14400  }
0xa7: {  	(v2sf) =	vpush v60, $0xF;
	[tilespmem:s25], [sflag:$0x3] =	stream.strided.gather [hbm4b:s24+s23], $0x800, s11, s23, $0x38;
	[tilespmem:$0x1A800] =	vst v63  }
0xa8: {  	s26 =	spop (v2sf)  }
0xa9: {  	[tilespmem:s30], [sflag:$0x3] =	stream.strided.gather [hbm4b:s26+s23], $0x800, s11, s23, $0x38;
	[tilespmem:$0x1A800] =	vst v63  }
0xaa: {  	s1 =	spop (v2sf)  }
0xab: {  	[tilespmem:s4], [sflag:$0x3] =	stream.strided.gather [hbm4b:s1+s23], $0x800, s11, s23, $0x38;
	[tilespmem:$0x1A800] =	vst v63  }
0xac: {  	s24 =	spop (v2sf)  }
0xad: {  	[tilespmem:s5], [sflag:$0x3] =	stream.strided.gather [hbm4b:s24+s23], $0x800, s11, s23, $0x38;
	[tilespmem:$0x1A800] =	vst v63  }
0xae: {  	s25 =	spop (v2sf)  }
0xaf: {  	[tilespmem:s7], [sflag:$0x3] =	stream.strided.gather [hbm4b:s25+s23], $0x800, s11, s23, $0x38;
	[tilespmem:$0x1A800] =	vst v63  }
0xb0: {  	s26 =	spop (v2sf)  }
0xb1: {  	[tilespmem:s8], [sflag:$0x3] =	stream.strided.gather [hbm4b:s26+s23], $0x800, s11, s23, $0x38;
	[tilespmem:$0x1A800] =	vst v63  }
0xb2: {  	s1 =	spop (v2sf)  }
0xb3: {  	[tilespmem:s2], [sflag:$0x3] =	stream.strided.gather [hbm4b:s1+s23], $0x800, s11, s23, $0x38;
	[tilespmem:$0x1A800] =	vst v63  }
0xb4: {  	s24 =	spop (v2sf)  }
0xb5: {  	[tilespmem:s13], [sflag:$0x3] =	stream.strided.gather [hbm4b:s24+s23], $0x800, s11, s23, $0x38;
	[tilespmem:$0x1A800] =	vst v63  }
.Ltmp3:
0xb6: {  	s25 =	spop (v2sf);
	(pc) =	sbr.rel .LBB2_4-.Ltmp3, $4  }
0xb7: {  	[tilespmem:s14], [sflag:$0x3] =	stream.strided.gather [hbm4b:s25+s23], $0x800, s11, s23, $0x38;
	[tilespmem:$0x1A800] =	vst v63  }
0xb8: {  	s28 =	simm.s32 $0x1A400;
	s26 =	simm.s32 $0x820  }
0xb9: {  	[tilespmem:s15], [sflag:$0x6] =	stream.indirect.gather [hbm4b:s3+s29], $0x80, s26, s29, $0xb8;
	[tilespmem:$0x1A800] =	vst v63  }
0xba: {  	s24 =	simm.s32 $0x0;
	s25 =	simm.s32 $0x830;
	s26 =	simm.s32 $0x30  }
.LBB2_12:
0xbb: {  	s24 =	sadd.s32 $0x1, s24  }
0xbc: {  	p0 =	sne.s32 s24, $0x40  }
.Ltmp4:
0xbd: {  	_ = 	snop;
	(pc) =	sbr.rel @!p0 .LBB2_13-.Ltmp4, $3  }
0xbe: {  	_ =	sdelay $0x1  }
0xbf: {  	s25 =	sadd.s32 $0x10, s25  }
0xc0: {  	s26 =	sadd.s32 $0x10, s26;
	s23 =	sadd.s32 $0x10, s23;
	s28 =	sadd.s32 $0x10, s28  }
.LBB2_4:
0xc1: {  	s0 =	smul.u32 $0xAB, s24;
	_ =	sdelay $0x1  }
0xc2: {  	s0 =	sshrl.u32 s0, $0x9  }
0xc3: {  	s0 =	sand.u32 $0x7F, s0  }
0xc4: {  	s0 =	smul.u32 $0x3, s0;
	_ =	sdelay $0x1  }
0xc5: {  	s0 =	ssub.s32 s24, s0  }
0xc6: {  	s0 =	sand.u32 $0xFF, s0  }
0xc7: {  	p0 =	seq.s32 s0, $0x2  }
.Ltmp5:
0xc8: {  	_ = 	snop;
	(pc) =	sbr.rel @p0 .LBB2_10-.Ltmp5, $1  }
0xc9: {  	_ =	sdelay $0x3  }
0xca: {  	p0 =	seq.s32 s0, $0x1  }
.Ltmp6:
0xcb: {  	_ = 	snop;
	(pc) =	sbr.rel @!p0 .LBB2_6-.Ltmp6, $1  }
0xcc: {  	_ =	sdelay $0x3  }
0xcd: {  	_ =	swait.ge [sflag:s18], $0x800  }
0xce: {  	[sflag:s18] =	ssyncset.done $0x0  }
0xcf: {  	[sflag:s18] =	ssyncadd.s32 $0xFFFFF800  }
0xd0: {  	_ =	swait.ge [sflag:s18], $0x800  }
0xd1: {  	[sflag:s18] =	ssyncset.done $0x0  }
0xd2: {  	[sflag:s18] =	ssyncadd.s32 $0xFFFFF800  }
0xd3: {  	_ =	swait.ge [sflag:s18], $0x800  }
0xd4: {  	[sflag:s18] =	ssyncset.done $0x0  }
0xd5: {  	[sflag:s18] =	ssyncadd.s32 $0xFFFFF800  }
0xd6: {  	_ =	swait.ge [sflag:s18], $0x800  }
0xd7: {  	[sflag:s18] =	ssyncset.done $0x0  }
0xd8: {  	[sflag:s18] =	ssyncadd.s32 $0xFFFFF800  }
0xd9: {  	_ =	swait.ge [sflag:s18], $0x800  }
0xda: {  	[sflag:s18] =	ssyncset.done $0x0  }
0xdb: {  	[sflag:s18] =	ssyncadd.s32 $0xFFFFF800  }
0xdc: {  	_ =	swait.ge [sflag:s18], $0x800  }
0xdd: {  	[sflag:s18] =	ssyncset.done $0x0  }
0xde: {  	[sflag:s18] =	ssyncadd.s32 $0xFFFFF800  }
0xdf: {  	_ =	swait.ge [sflag:s18], $0x800  }
0xe0: {  	[sflag:s18] =	ssyncset.done $0x0  }
0xe1: {  	[sflag:s18] =	ssyncadd.s32 $0xFFFFF800  }
0xe2: {  	_ =	swait.ge [sflag:s18], $0x800  }
0xe3: {  	[sflag:s18] =	ssyncset.done $0x0  }
0xe4: {  	[sflag:s18] =	ssyncadd.s32 $0xFFFFF800  }
0xe5: {  	_ =	swait.ge [sflag:s18], $0x800  }
0xe6: {  	[sflag:s18] =	ssyncset.done $0x0  }
0xe7: {  	[sflag:s18] =	ssyncadd.s32 $0xFFFFF800  }
0xe8: {  	_ =	swait.ge [sflag:s18], $0x800  }
0xe9: {  	[sflag:s18] =	ssyncset.done $0x0  }
0xea: {  	[sflag:s18] =	ssyncadd.s32 $0xFFFFF800  }
0xeb: {  	_ =	swait.ge [sflag:s18], $0x800  }
0xec: {  	[sflag:s18] =	ssyncset.done $0x0  }
0xed: {  	[sflag:s18] =	ssyncadd.s32 $0xFFFFF800  }
0xee: {  	_ =	swait.ge [sflag:s18], $0x800  }
0xef: {  	[sflag:s18] =	ssyncset.done $0x0  }
0xf0: {  	[sflag:s18] =	ssyncadd.s32 $0xFFFFF800  }
0xf1: {  	_ =	swait.ge [sflag:s18], $0x800  }
0xf2: {  	[sflag:s18] =	ssyncset.done $0x0  }
0xf3: {  	[sflag:s18] =	ssyncadd.s32 $0xFFFFF800  }
0xf4: {  	_ =	swait.ge [sflag:s18], $0x800  }
0xf5: {  	[sflag:s18] =	ssyncset.done $0x0  }
0xf6: {  	[sflag:s18] =	ssyncadd.s32 $0xFFFFF800  }
0xf7: {  	_ =	swait.ge [sflag:s18], $0x800  }
0xf8: {  	[sflag:s18] =	ssyncset.done $0x0  }
0xf9: {  	[sflag:s18] =	ssyncadd.s32 $0xFFFFF800  }
0xfa: {  	_ =	swait.ge [sflag:s18], $0x800  }
0xfb: {  	[sflag:s18] =	ssyncset.done $0x0  }
0xfc: {  	[sflag:s18] =	ssyncadd.s32 $0xFFFFF800  }
0xfd: {  	_ =	swait.ge [sflag:s19], $0x800  }
0xfe: {  	[sflag:s19] =	ssyncset.done $0x0  }
0xff: {  	[sflag:s19] =	ssyncadd.s32 $0xFFFFF800  }
0x100: {  	v3 =	vld [tilespmem:s23+$0x0]  }
0x101: {  	v4 =	vld [tilespmem:s26+$0xFFFFFFD0];
	_ =	sdelay $0x4  }
0x102: {  	v3 =	vshll.u32 v3, $0x5;
	v4 =	vand.u32 $0x7F, v4  }
0x103: {  	v3 =	vand.u32 $0x60, v3;
	v5 =	vor.u32 v35, v4  }
0x104: {  	v7 =	vor.u32 v37, v4;
	v3 =	vor.u32 v2, v3  }
0x105: {  	v6 =	vor.u32 v36, v3  }
0x106: {  	v8 =	vor.u32 v38, v3  }
0x107: {  	v9 =	vor.u32 v39, v4  }
0x108: {  	v10 =	vor.u32 v40, v3;
	v5 =	vld.idx.msk [tilespmem:v5+s12+$0x0], $0xffff  }
0x109: {  	v12 =	vor.u32 v42, v3;
	v7 =	vld.idx.msk [tilespmem:v7+s12+$0x0], $0xffff  }
0x10a: {  	v11 =	vor.u32 v41, v4;
	v6 =	vld.idx.msk [tilespmem:v6+s31+$0x0], $0xffff  }
0x10b: {  	v13 =	vor.u32 v43, v4;
	v8 =	vld.idx.msk [tilespmem:v8+s31+$0x0], $0xffff  }
0x10c: {  	v9 =	vld.idx.msk [tilespmem:v9+s12+$0x0], $0xffff  }
0x10d: {  	v60 =	vor.u32 v44, v3;
	v10 =	vld.idx.msk [tilespmem:v10+s31+$0x0], $0xffff  }
0x10e: {  	v61 =	vor.u32 v45, v4;
	v12 =	vld.idx.msk [tilespmem:v12+s31+$0x0], $0xffff  }
0x10f: {  	v5 =	vmul.f32 v6, v5;
	v6 =	vld.idx.msk [tilespmem:v11+s12+$0x0], $0xffff;
	v11 =	vor.u32 v46, v3  }
0x110: {  	v7 =	vmul.f32 v8, v7;
	v8 =	vld.idx.msk [tilespmem:v13+s12+$0x0], $0xffff;
	v13 =	vor.u32 v48, v3  }
0x111: {  	v62 =	vor.u32 v47, v4;
	v5 =	vadd.f32 $0.0e+00, v5  }
0x112: {  	v63 =	vor.u32 v49, v4;
	v60 =	vld.idx.msk [tilespmem:v60+s31+$0x0], $0xffff  }
0x113: {  	v5 =	vadd.f32 v7, v5;
	v7 =	vmul.f32 v10, v9;
	v9 =	vld.idx.msk [tilespmem:v61+s12+$0x0], $0xffff;
	v10 =	vor.u32 v50, v3  }
0x114: {  	v11 =	vld.idx.msk [tilespmem:v11+s31+$0x0], $0xffff  }
0x115: {  	v6 =	vmul.f32 v12, v6;
	v12 =	vor.u32 v51, v4;
	v13 =	vld.idx.msk [tilespmem:v13+s31+$0x0], $0xffff;
	v5 =	vadd.f32 v7, v5  }
0x116: {  	v61 =	vor.u32 v52, v3;
	v7 =	vld.idx.msk [tilespmem:v62+s12+$0x0], $0xffff  }
0x117: {  	v5 =	vadd.f32 v6, v5;
	v6 =	vmul.f32 v60, v8;
	v8 =	vld.idx.msk [tilespmem:v63+s12+$0x0], $0xffff  }
0x118: {  	v60 =	vor.u32 v53, v4;
	v10 =	vld.idx.msk [tilespmem:v10+s31+$0x0], $0xffff  }
0x119: {  	v5 =	vadd.f32 v6, v5;
	v63 =	vmul.f32 v11, v9;
	v9 =	vor.u32 v54, v3  }
0x11a: {  	v11 =	vld.idx.msk [tilespmem:v12+s12+$0x0], $0xffff;
	v12 =	vor.u32 v55, v4  }
0x11b: {  	v6 =	vmul.f32 v13, v7;
	v7 =	vld.idx.msk [tilespmem:v61+s31+$0x0], $0xffff;
	v13 =	vor.u32 v56, v3;
	v5 =	vadd.f32 v63, v5  }
0x11c: {  	v61 =	vor.u32 v57, v4  }
0x11d: {  	v5 =	vadd.f32 v6, v5;
	v6 =	vmul.f32 v10, v8;
	v8 =	vld.idx.msk [tilespmem:v60+s12+$0x0], $0xffff;
	v10 =	vor.u32 v58, v3  }
0x11e: {  	v62 =	vor.u32 $0x80C, v1;
	v60 =	vor.u32 v59, v4;
	v9 =	vld.idx.msk [tilespmem:v9+s31+$0x0], $0xffff  }
0x11f: {  	v5 =	vadd.f32 v6, v5;
	v6 =	vld.idx.msk [tilespmem:v12+s12+$0x0], $0xffff;
	v12 =	vor.u32 v62, v3;
	v62 =	vor.u32 $0x8680, v0  }
0x120: {  	v7 =	vmul.f32 v7, v11;
	v11 =	vld.idx.msk [tilespmem:v13+s31+$0x0], $0xffff;
	v13 =	vor.u32 v62, v4;
	v62 =	vor.u32 $0x80D, v1  }
0x121: {  	v63 =	vor.u32 $0x8700, v0;
	v61 =	vld.idx.msk [tilespmem:v61+s12+$0x0], $0xffff;
	v62 =	vor.u32 v62, v3  }
0x122: {  	v5 =	vadd.f32 v7, v5;
	v7 =	vld.idx.msk [tilespmem:v10+s31+$0x0], $0xffff;
	v10 =	vor.u32 v63, v4;
	v63 =	vor.u32 $0x80E, v1  }
0x123: {  	v8 =	vmul.f32 v9, v8;
	v9 =	vld.idx.msk [tilespmem:v60+s12+$0x0], $0xffff;
	v60 =	vor.u32 v63, v3;
	v63 =	vor.u32 $0x8780, v0  }
0x124: {  	v12 =	vld.idx.msk [tilespmem:v12+s31+$0x0], $0xffff;
	v4 =	vor.u32 v63, v4;
	v63 =	vor.u32 $0x80F, v1  }
0x125: {  	v6 =	vmul.f32 v11, v6;
	v5 =	vadd.f32 v8, v5;
	v3 =	vor.u32 v63, v3;
	v8 =	vld.idx.msk [tilespmem:v13+s12+$0x0], $0xffff  }
0x126: {  	v11 =	vld.idx.msk [tilespmem:v62+s31+$0x0], $0xffff  }
0x127: {  	v5 =	vadd.f32 v6, v5;
	v62 =	vmul.f32 v7, v61;
	v63 =	vld.idx.msk [tilespmem:v10+s12+$0x0], $0xffff  }
0x128: {  	v60 =	vld.idx.msk [tilespmem:v60+s31+$0x0], $0xffff  }
0x129: {  	v5 =	vadd.f32 v62, v5;
	v61 =	vmul.f32 v12, v9;
	v4 =	vld.idx.msk [tilespmem:v4+s12+$0x0], $0xffff  }
0x12a: {  	v3 =	vld.idx.msk [tilespmem:v3+s31+$0x0], $0xffff  }
0x12b: {  	v5 =	vadd.f32 v61, v5;
	v62 =	vmul.f32 v11, v8;
	_ =	sdelay $0x1  }
0x12c: {  	v5 =	vadd.f32 v62, v5;
	v63 =	vmul.f32 v60, v63  }
0x12d: {  	p0 =	sgt.u32 s24, $0x3C  }
.Ltmp7:
0x12e: {  	v5 =	vadd.f32 v63, v5;
	v3 =	vmul.f32 v3, v4;
	(pc) =	sbr.rel @p0 .LBB2_12-.Ltmp7, $3  }
0x12f: {  	_ = 	snop  }
0x130: {  	v3 =	vadd.f32 v3, v5;
	_ =	sdelay $0x1  }
0x131: {  	[tilespmem:s28+$0x0] =	vst v3  }
0x132: {  	v3 =	vld [tilespmem:s26+$0x0];
	_ =	sdelay $0x4  }
0x133: {  	v3 =	vand.u32 $0xFFFFFF80, v3  }
0x134: {  	v3 =	vadd.s32 s6, v3  }
0x135: {  	(v2sf) =	vpush v3, $0x0;
	_ =	sdelay $0x1  }
0x136: {  	(v2sf) =	vpush v3, $0x1;
	_ =	sdelay $0x1  }
0x137: {  	(v2sf) =	vpush v3, $0x2;
	_ =	sdelay $0x1  }
0x138: {  	(v2sf) =	vpush v3, $0x3;
	_ =	sdelay $0x1  }
0x139: {  	(v2sf) =	vpush v3, $0x4;
	_ =	sdelay $0x1  }
0x13a: {  	(v2sf) =	vpush v3, $0x5;
	_ =	sdelay $0x1  }
0x13b: {  	(v2sf) =	vpush v3, $0x6;
	_ =	sdelay $0x1  }
0x13c: {  	(v2sf) =	vpush v3, $0x7  }
0x13d: {  	s1 =	simm.s32 $0x8C00;
	s0 =	spop (v2sf)  }
0x13e: {  	(v2sf) =	vpush v3, $0x8;
	[tilespmem:s1], [sflag:$0x2] =	stream.strided.gather [hbm4b:s0+s10], $0x800, s11, s10, $0x38;
	[tilespmem:$0x1A800] =	vst v63  }
0x13f: {  	s0 =	spop (v2sf);
	s1 =	simm.s32 $0x9400  }
0x140: {  	(v2sf) =	vpush v3, $0x9;
	[tilespmem:s1], [sflag:$0x2] =	stream.strided.gather [hbm4b:s0+s10], $0x800, s11, s10, $0x38;
	[tilespmem:$0x1A800] =	vst v63  }
0x141: {  	s0 =	spop (v2sf);
	s1 =	simm.s32 $0x9C00  }
0x142: {  	(v2sf) =	vpush v3, $0xA;
	[tilespmem:s1], [sflag:$0x2] =	stream.strided.gather [hbm4b:s0+s10], $0x800, s11, s10, $0x38;
	[tilespmem:$0x1A800] =	vst v63  }
0x143: {  	s0 =	spop (v2sf);
	s1 =	simm.s32 $0xA400  }
0x144: {  	(v2sf) =	vpush v3, $0xB;
	[tilespmem:s1], [sflag:$0x2] =	stream.strided.gather [hbm4b:s0+s10], $0x800, s11, s10, $0x38;
	[tilespmem:$0x1A800] =	vst v63  }
0x145: {  	s0 =	spop (v2sf);
	s1 =	simm.s32 $0xAC00  }
0x146: {  	(v2sf) =	vpush v3, $0xC;
	[tilespmem:s1], [sflag:$0x2] =	stream.strided.gather [hbm4b:s0+s10], $0x800, s11, s10, $0x38;
	[tilespmem:$0x1A800] =	vst v63  }
0x147: {  	s0 =	spop (v2sf);
	s1 =	simm.s32 $0xB400  }
0x148: {  	(v2sf) =	vpush v3, $0xD;
	[tilespmem:s1], [sflag:$0x2] =	stream.strided.gather [hbm4b:s0+s10], $0x800, s11, s10, $0x38;
	[tilespmem:$0x1A800] =	vst v63  }
0x149: {  	s0 =	spop (v2sf);
	s1 =	simm.s32 $0xBC00  }
0x14a: {  	(v2sf) =	vpush v3, $0xE;
	[tilespmem:s1], [sflag:$0x2] =	stream.strided.gather [hbm4b:s0+s10], $0x800, s11, s10, $0x38;
	[tilespmem:$0x1A800] =	vst v63  }
0x14b: {  	s0 =	spop (v2sf);
	s1 =	simm.s32 $0xC400  }
0x14c: {  	[tilespmem:s1], [sflag:$0x2] =	stream.strided.gather [hbm4b:s0+s10], $0x800, s11, s10, $0x38;
	[tilespmem:$0x1A800] =	vst v63  }
0x14d: {  	(v2sf) =	vpush v3, $0xF;
	s0 =	spop (v2sf);
	s1 =	simm.s32 $0xCC00  }
0x14e: {  	[tilespmem:s1], [sflag:$0x2] =	stream.strided.gather [hbm4b:s0+s10], $0x800, s11, s10, $0x38;
	[tilespmem:$0x1A800] =	vst v63  }
0x14f: {  	s0 =	spop (v2sf);
	s1 =	simm.s32 $0xD400  }
0x150: {  	[tilespmem:s1], [sflag:$0x2] =	stream.strided.gather [hbm4b:s0+s10], $0x800, s11, s10, $0x38;
	[tilespmem:$0x1A800] =	vst v63  }
0x151: {  	s0 =	spop (v2sf);
	s1 =	simm.s32 $0xDC00  }
0x152: {  	[tilespmem:s1], [sflag:$0x2] =	stream.strided.gather [hbm4b:s0+s10], $0x800, s11, s10, $0x38;
	[tilespmem:$0x1A800] =	vst v63  }
0x153: {  	s0 =	spop (v2sf);
	s1 =	simm.s32 $0xE400  }
0x154: {  	[tilespmem:s1], [sflag:$0x2] =	stream.strided.gather [hbm4b:s0+s10], $0x800, s11, s10, $0x38;
	[tilespmem:$0x1A800] =	vst v63  }
0x155: {  	s0 =	spop (v2sf);
	s1 =	simm.s32 $0xEC00  }
0x156: {  	[tilespmem:s1], [sflag:$0x2] =	stream.strided.gather [hbm4b:s0+s10], $0x800, s11, s10, $0x38;
	[tilespmem:$0x1A800] =	vst v63  }
0x157: {  	s0 =	spop (v2sf);
	s1 =	simm.s32 $0xF400  }
0x158: {  	[tilespmem:s1], [sflag:$0x2] =	stream.strided.gather [hbm4b:s0+s10], $0x800, s11, s10, $0x38;
	[tilespmem:$0x1A800] =	vst v63  }
0x159: {  	s0 =	spop (v2sf);
	s1 =	simm.s32 $0xFC00  }
0x15a: {  	[tilespmem:s1], [sflag:$0x2] =	stream.strided.gather [hbm4b:s0+s10], $0x800, s11, s10, $0x38;
	[tilespmem:$0x1A800] =	vst v63  }
.Ltmp8:
0x15b: {  	_ = 	snop;
	(pc) =	sbr.rel .LBB2_12-.Ltmp8, $4  }
0x15c: {  	s0 =	spop (v2sf);
	s1 =	simm.s32 $0x10400  }
0x15d: {  	[tilespmem:s1], [sflag:$0x2] =	stream.strided.gather [hbm4b:s0+s10], $0x800, s11, s10, $0x38;
	[tilespmem:$0x1A800] =	vst v63  }
0x15e: {  	s1 =	simm.s32 $0x19400  }
0x15f: {  	[tilespmem:s1], [sflag:$0x5] =	stream.indirect.gather [hbm4b:s3+s29], $0x80, s25, s29, $0xb8;
	[tilespmem:$0x1A800] =	vst v63  }
.LBB2_10:
0x160: {  	_ =	swait.ge [sflag:s16], $0x800  }
0x161: {  	[sflag:s16] =	ssyncset.done $0x0  }
0x162: {  	[sflag:s16] =	ssyncadd.s32 $0xFFFFF800  }
0x163: {  	_ =	swait.ge [sflag:s16], $0x800  }
0x164: {  	[sflag:s16] =	ssyncset.done $0x0  }
0x165: {  	[sflag:s16] =	ssyncadd.s32 $0xFFFFF800  }
0x166: {  	_ =	swait.ge [sflag:s16], $0x800  }
0x167: {  	[sflag:s16] =	ssyncset.done $0x0  }
0x168: {  	[sflag:s16] =	ssyncadd.s32 $0xFFFFF800  }
0x169: {  	_ =	swait.ge [sflag:s16], $0x800  }
0x16a: {  	[sflag:s16] =	ssyncset.done $0x0  }
0x16b: {  	[sflag:s16] =	ssyncadd.s32 $0xFFFFF800  }
0x16c: {  	_ =	swait.ge [sflag:s16], $0x800  }
0x16d: {  	[sflag:s16] =	ssyncset.done $0x0  }
0x16e: {  	[sflag:s16] =	ssyncadd.s32 $0xFFFFF800  }
0x16f: {  	_ =	swait.ge [sflag:s16], $0x800  }
0x170: {  	[sflag:s16] =	ssyncset.done $0x0  }
0x171: {  	[sflag:s16] =	ssyncadd.s32 $0xFFFFF800  }
0x172: {  	_ =	swait.ge [sflag:s16], $0x800  }
0x173: {  	[sflag:s16] =	ssyncset.done $0x0  }
0x174: {  	[sflag:s16] =	ssyncadd.s32 $0xFFFFF800  }
0x175: {  	_ =	swait.ge [sflag:s16], $0x800  }
0x176: {  	[sflag:s16] =	ssyncset.done $0x0  }
0x177: {  	[sflag:s16] =	ssyncadd.s32 $0xFFFFF800  }
0x178: {  	_ =	swait.ge [sflag:s16], $0x800  }
0x179: {  	[sflag:s16] =	ssyncset.done $0x0  }
0x17a: {  	[sflag:s16] =	ssyncadd.s32 $0xFFFFF800  }
0x17b: {  	_ =	swait.ge [sflag:s16], $0x800  }
0x17c: {  	[sflag:s16] =	ssyncset.done $0x0  }
0x17d: {  	[sflag:s16] =	ssyncadd.s32 $0xFFFFF800  }
0x17e: {  	_ =	swait.ge [sflag:s16], $0x800  }
0x17f: {  	[sflag:s16] =	ssyncset.done $0x0  }
0x180: {  	[sflag:s16] =	ssyncadd.s32 $0xFFFFF800  }
0x181: {  	_ =	swait.ge [sflag:s16], $0x800  }
0x182: {  	[sflag:s16] =	ssyncset.done $0x0  }
0x183: {  	[sflag:s16] =	ssyncadd.s32 $0xFFFFF800  }
0x184: {  	_ =	swait.ge [sflag:s16], $0x800  }
0x185: {  	[sflag:s16] =	ssyncset.done $0x0  }
0x186: {  	[sflag:s16] =	ssyncadd.s32 $0xFFFFF800  }
0x187: {  	_ =	swait.ge [sflag:s16], $0x800  }
0x188: {  	[sflag:s16] =	ssyncset.done $0x0  }
0x189: {  	[sflag:s16] =	ssyncadd.s32 $0xFFFFF800  }
0x18a: {  	_ =	swait.ge [sflag:s16], $0x800  }
0x18b: {  	[sflag:s16] =	ssyncset.done $0x0  }
0x18c: {  	[sflag:s16] =	ssyncadd.s32 $0xFFFFF800  }
0x18d: {  	_ =	swait.ge [sflag:s16], $0x800  }
0x18e: {  	[sflag:s16] =	ssyncset.done $0x0  }
0x18f: {  	[sflag:s16] =	ssyncadd.s32 $0xFFFFF800  }
0x190: {  	_ =	swait.ge [sflag:s17], $0x800  }
0x191: {  	[sflag:s17] =	ssyncset.done $0x0  }
0x192: {  	v5 =	vld [tilespmem:$0x1FF50];
	[sflag:s17] =	ssyncadd.s32 $0xFFFFF800  }
0x193: {  	v3 =	vld [tilespmem:s23+$0x0]  }
0x194: {  	v4 =	vld [tilespmem:s26+$0xFFFFFFD0]  }
0x195: {  	v6 =	vld [tilespmem:$0x1FF60]  }
0x196: {  	v7 =	vld [tilespmem:$0x1FF70]  }
0x197: {  	v8 =	vld [tilespmem:$0x1FF80]  }
0x198: {  	v9 =	vld [tilespmem:$0x1FF90]  }
0x199: {  	v10 =	vld [tilespmem:$0x1FFA0];
	v3 =	vshll.u32 v3, $0x5;
	v4 =	vand.u32 $0x7F, v4  }
0x19a: {  	v11 =	vld [tilespmem:$0x1FFB0];
	v3 =	vand.u32 $0x60, v3;
	v5 =	vor.u32 v5, v4  }
0x19b: {  	v12 =	vld [tilespmem:$0x1FFC0];
	v7 =	vor.u32 v7, v4;
	v3 =	vor.u32 v2, v3  }
0x19c: {  	v13 =	vld [tilespmem:$0x1FFD0];
	v6 =	vor.u32 v6, v3  }
0x19d: {  	v60 =	vld [tilespmem:$0x1FFE0];
	v8 =	vor.u32 v8, v3  }
0x19e: {  	v61 =	vld [tilespmem:$0x1FFF0];
	v9 =	vor.u32 v9, v4  }
0x19f: {  	v10 =	vor.u32 v10, v3;
	v5 =	vld.idx.msk [tilespmem:v5+s12+$0x0], $0xffff  }
0x1a0: {  	v12 =	vor.u32 v12, v3;
	v7 =	vld.idx.msk [tilespmem:v7+s12+$0x0], $0xffff  }
0x1a1: {  	v11 =	vor.u32 v11, v4;
	v6 =	vld.idx.msk [tilespmem:v6+s31+$0x0], $0xffff  }
0x1a2: {  	v13 =	vor.u32 v13, v4;
	v8 =	vld.idx.msk [tilespmem:v8+s31+$0x0], $0xffff  }
0x1a3: {  	v9 =	vld.idx.msk [tilespmem:v9+s12+$0x0], $0xffff  }
0x1a4: {  	v60 =	vor.u32 v60, v3;
	v10 =	vld.idx.msk [tilespmem:v10+s31+$0x0], $0xffff  }
0x1a5: {  	v61 =	vor.u32 v61, v4;
	v12 =	vld.idx.msk [tilespmem:v12+s31+$0x0], $0xffff  }
0x1a6: {  	v5 =	vmul.f32 v6, v5;
	v6 =	vld.idx.msk [tilespmem:v11+s12+$0x0], $0xffff;
	v11 =	vor.u32 v14, v3  }
0x1a7: {  	v7 =	vmul.f32 v8, v7;
	v8 =	vld.idx.msk [tilespmem:v13+s12+$0x0], $0xffff;
	v13 =	vor.u32 v16, v3  }
0x1a8: {  	v62 =	vor.u32 v15, v4;
	v5 =	vadd.f32 $0.0e+00, v5  }
0x1a9: {  	v63 =	vor.u32 v17, v4;
	v60 =	vld.idx.msk [tilespmem:v60+s31+$0x0], $0xffff  }
0x1aa: {  	v5 =	vadd.f32 v7, v5;
	v7 =	vmul.f32 v10, v9;
	v9 =	vld.idx.msk [tilespmem:v61+s12+$0x0], $0xffff;
	v10 =	vor.u32 v18, v3  }
0x1ab: {  	v61 =	vor.u32 v19, v4;
	v11 =	vld.idx.msk [tilespmem:v11+s31+$0x0], $0xffff  }
0x1ac: {  	v6 =	vmul.f32 v12, v6;
	v12 =	vor.u32 v20, v3;
	v13 =	vld.idx.msk [tilespmem:v13+s31+$0x0], $0xffff;
	v5 =	vadd.f32 v7, v5  }
0x1ad: {  	v7 =	vld.idx.msk [tilespmem:v62+s12+$0x0], $0xffff;
	v62 =	vor.u32 v21, v4  }
0x1ae: {  	v5 =	vadd.f32 v6, v5;
	v6 =	vmul.f32 v60, v8;
	v8 =	vld.idx.msk [tilespmem:v63+s12+$0x0], $0xffff;
	v60 =	vor.u32 v22, v3  }
0x1af: {  	v63 =	vor.u32 v23, v4;
	v10 =	vld.idx.msk [tilespmem:v10+s31+$0x0], $0xffff  }
0x1b0: {  	v5 =	vadd.f32 v6, v5;
	v6 =	vmul.f32 v11, v9;
	v9 =	vld.idx.msk [tilespmem:v61+s12+$0x0], $0xffff;
	v11 =	vor.u32 v24, v3  }
0x1b1: {  	v12 =	vld.idx.msk [tilespmem:v12+s31+$0x0], $0xffff;
	v61 =	vor.u32 v25, v4  }
0x1b2: {  	v5 =	vadd.f32 v6, v5;
	v6 =	vmul.f32 v13, v7;
	v7 =	vld.idx.msk [tilespmem:v62+s12+$0x0], $0xffff;
	v13 =	vor.u32 v26, v3  }
0x1b3: {  	v62 =	vor.u32 v27, v4;
	v60 =	vld.idx.msk [tilespmem:v60+s31+$0x0], $0xffff  }
0x1b4: {  	v5 =	vadd.f32 v6, v5;
	v6 =	vmul.f32 v10, v8;
	v8 =	vld.idx.msk [tilespmem:v63+s12+$0x0], $0xffff;
	v10 =	vor.u32 v28, v3  }
0x1b5: {  	v63 =	vor.u32 v29, v4;
	v11 =	vld.idx.msk [tilespmem:v11+s31+$0x0], $0xffff  }
0x1b6: {  	v5 =	vadd.f32 v6, v5;
	v6 =	vmul.f32 v12, v9;
	v9 =	vld.idx.msk [tilespmem:v61+s12+$0x0], $0xffff;
	v12 =	vor.u32 v30, v3  }
0x1b7: {  	v61 =	vor.u32 v31, v4;
	v13 =	vld.idx.msk [tilespmem:v13+s31+$0x0], $0xffff  }
0x1b8: {  	v5 =	vadd.f32 v6, v5;
	v6 =	vmul.f32 v60, v7;
	v7 =	vld.idx.msk [tilespmem:v62+s12+$0x0], $0xffff;
	v60 =	vor.u32 v32, v3  }
0x1b9: {  	v4 =	vor.u32 v33, v4;
	v10 =	vld.idx.msk [tilespmem:v10+s31+$0x0], $0xffff  }
0x1ba: {  	v3 =	vor.u32 v34, v3;
	v5 =	vadd.f32 v6, v5;
	v62 =	vmul.f32 v11, v8;
	v8 =	vld.idx.msk [tilespmem:v63+s12+$0x0], $0xffff  }
0x1bb: {  	v11 =	vld.idx.msk [tilespmem:v12+s31+$0x0], $0xffff  }
0x1bc: {  	v63 =	vld.idx.msk [tilespmem:v61+s12+$0x0], $0xffff;
	v5 =	vadd.f32 v62, v5;
	v62 =	vmul.f32 v13, v9  }
0x1bd: {  	v12 =	vld.idx.msk [tilespmem:v60+s31+$0x0], $0xffff  }
0x1be: {  	v4 =	vld.idx.msk [tilespmem:v4+s12+$0x0], $0xffff;
	v5 =	vadd.f32 v62, v5;
	v61 =	vmul.f32 v10, v7  }
0x1bf: {  	v3 =	vld.idx.msk [tilespmem:v3+s31+$0x0], $0xffff  }
0x1c0: {  	v5 =	vadd.f32 v61, v5;
	v62 =	vmul.f32 v11, v8;
	_ =	sdelay $0x1  }
0x1c1: {  	v5 =	vadd.f32 v62, v5;
	v63 =	vmul.f32 v12, v63  }
0x1c2: {  	p0 =	sgt.u32 s24, $0x3C  }
.Ltmp9:
0x1c3: {  	v3 =	vmul.f32 v3, v4;
	v5 =	vadd.f32 v63, v5;
	(pc) =	sbr.rel @p0 .LBB2_12-.Ltmp9, $3  }
0x1c4: {  	_ = 	snop  }
0x1c5: {  	v3 =	vadd.f32 v3, v5;
	_ =	sdelay $0x1  }
0x1c6: {  	[tilespmem:s28+$0x0] =	vst v3  }
0x1c7: {  	v3 =	vld [tilespmem:s26+$0x0];
	_ =	sdelay $0x4  }
0x1c8: {  	v3 =	vand.u32 $0xFFFFFF80, v3  }
0x1c9: {  	v3 =	vadd.s32 s6, v3  }
0x1ca: {  	(v2sf) =	vpush v3, $0x0;
	_ =	sdelay $0x1  }
0x1cb: {  	(v2sf) =	vpush v3, $0x1;
	_ =	sdelay $0x1  }
0x1cc: {  	(v2sf) =	vpush v3, $0x2;
	_ =	sdelay $0x1  }
0x1cd: {  	(v2sf) =	vpush v3, $0x3;
	_ =	sdelay $0x1  }
0x1ce: {  	(v2sf) =	vpush v3, $0x4;
	_ =	sdelay $0x1  }
0x1cf: {  	(v2sf) =	vpush v3, $0x5;
	_ =	sdelay $0x1  }
0x1d0: {  	(v2sf) =	vpush v3, $0x6;
	_ =	sdelay $0x1  }
0x1d1: {  	(v2sf) =	vpush v3, $0x7  }
0x1d2: {  	s1 =	simm.s32 $0x10C00;
	s0 =	spop (v2sf)  }
0x1d3: {  	(v2sf) =	vpush v3, $0x8;
	[tilespmem:s1], [sflag:$0x3] =	stream.strided.gather [hbm4b:s0+s10], $0x800, s11, s10, $0x38;
	[tilespmem:$0x1A800] =	vst v63  }
0x1d4: {  	s0 =	spop (v2sf);
	s1 =	simm.s32 $0x11400  }
0x1d5: {  	(v2sf) =	vpush v3, $0x9;
	[tilespmem:s1], [sflag:$0x3] =	stream.strided.gather [hbm4b:s0+s10], $0x800, s11, s10, $0x38;
	[tilespmem:$0x1A800] =	vst v63  }
0x1d6: {  	s0 =	spop (v2sf);
	s1 =	simm.s32 $0x11C00  }
0x1d7: {  	(v2sf) =	vpush v3, $0xA;
	[tilespmem:s1], [sflag:$0x3] =	stream.strided.gather [hbm4b:s0+s10], $0x800, s11, s10, $0x38;
	[tilespmem:$0x1A800] =	vst v63  }
0x1d8: {  	s0 =	spop (v2sf);
	s1 =	simm.s32 $0x12400  }
0x1d9: {  	(v2sf) =	vpush v3, $0xB;
	[tilespmem:s1], [sflag:$0x3] =	stream.strided.gather [hbm4b:s0+s10], $0x800, s11, s10, $0x38;
	[tilespmem:$0x1A800] =	vst v63  }
0x1da: {  	s0 =	spop (v2sf);
	s1 =	simm.s32 $0x12C00  }
0x1db: {  	(v2sf) =	vpush v3, $0xC;
	[tilespmem:s1], [sflag:$0x3] =	stream.strided.gather [hbm4b:s0+s10], $0x800, s11, s10, $0x38;
	[tilespmem:$0x1A800] =	vst v63  }
0x1dc: {  	s0 =	spop (v2sf);
	s1 =	simm.s32 $0x13400  }
0x1dd: {  	(v2sf) =	vpush v3, $0xD;
	[tilespmem:s1], [sflag:$0x3] =	stream.strided.gather [hbm4b:s0+s10], $0x800, s11, s10, $0x38;
	[tilespmem:$0x1A800] =	vst v63  }
0x1de: {  	s0 =	spop (v2sf);
	s1 =	simm.s32 $0x13C00  }
0x1df: {  	(v2sf) =	vpush v3, $0xE;
	[tilespmem:s1], [sflag:$0x3] =	stream.strided.gather [hbm4b:s0+s10], $0x800, s11, s10, $0x38;
	[tilespmem:$0x1A800] =	vst v63  }
0x1e0: {  	s0 =	spop (v2sf);
	s1 =	simm.s32 $0x14400  }
0x1e1: {  	[tilespmem:s1], [sflag:$0x3] =	stream.strided.gather [hbm4b:s0+s10], $0x800, s11, s10, $0x38;
	[tilespmem:$0x1A800] =	vst v63  }
0x1e2: {  	(v2sf) =	vpush v3, $0xF;
	s1 =	spop (v2sf)  }
0x1e3: {  	[tilespmem:s30], [sflag:$0x3] =	stream.strided.gather [hbm4b:s1+s10], $0x800, s11, s10, $0x38;
	[tilespmem:$0x1A800] =	vst v63  }
0x1e4: {  	s1 =	spop (v2sf)  }
0x1e5: {  	[tilespmem:s4], [sflag:$0x3] =	stream.strided.gather [hbm4b:s1+s10], $0x800, s11, s10, $0x38;
	[tilespmem:$0x1A800] =	vst v63  }
0x1e6: {  	s1 =	spop (v2sf)  }
0x1e7: {  	[tilespmem:s5], [sflag:$0x3] =	stream.strided.gather [hbm4b:s1+s10], $0x800, s11, s10, $0x38;
	[tilespmem:$0x1A800] =	vst v63  }
0x1e8: {  	s1 =	spop (v2sf)  }
0x1e9: {  	[tilespmem:s7], [sflag:$0x3] =	stream.strided.gather [hbm4b:s1+s10], $0x800, s11, s10, $0x38;
	[tilespmem:$0x1A800] =	vst v63  }
0x1ea: {  	s1 =	spop (v2sf)  }
0x1eb: {  	[tilespmem:s8], [sflag:$0x3] =	stream.strided.gather [hbm4b:s1+s10], $0x800, s11, s10, $0x38;
	[tilespmem:$0x1A800] =	vst v63  }
0x1ec: {  	s1 =	spop (v2sf)  }
0x1ed: {  	[tilespmem:s2], [sflag:$0x3] =	stream.strided.gather [hbm4b:s1+s10], $0x800, s11, s10, $0x38;
	[tilespmem:$0x1A800] =	vst v63  }
0x1ee: {  	s1 =	spop (v2sf)  }
0x1ef: {  	[tilespmem:s13], [sflag:$0x3] =	stream.strided.gather [hbm4b:s1+s10], $0x800, s11, s10, $0x38;
	[tilespmem:$0x1A800] =	vst v63  }
.Ltmp10:
0x1f0: {  	_ = 	snop;
	(pc) =	sbr.rel .LBB2_12-.Ltmp10, $4  }
0x1f1: {  	s1 =	spop (v2sf)  }
0x1f2: {  	[tilespmem:s14], [sflag:$0x3] =	stream.strided.gather [hbm4b:s1+s10], $0x800, s11, s10, $0x38;
	[tilespmem:$0x1A800] =	vst v63  }
0x1f3: {  	_ = 	snop  }
0x1f4: {  	[tilespmem:s15], [sflag:$0x6] =	stream.indirect.gather [hbm4b:s3+s29], $0x80, s25, s29, $0xb8;
	[tilespmem:$0x1A800] =	vst v63  }
.LBB2_6:
0x1f5: {  	_ =	swait.ge [sflag:s20], $0x800  }
0x1f6: {  	[sflag:s20] =	ssyncset.done $0x0  }
0x1f7: {  	[sflag:s20] =	ssyncadd.s32 $0xFFFFF800  }
0x1f8: {  	_ =	swait.ge [sflag:s20], $0x800  }
0x1f9: {  	[sflag:s20] =	ssyncset.done $0x0  }
0x1fa: {  	[sflag:s20] =	ssyncadd.s32 $0xFFFFF800  }
0x1fb: {  	_ =	swait.ge [sflag:s20], $0x800  }
0x1fc: {  	[sflag:s20] =	ssyncset.done $0x0  }
0x1fd: {  	[sflag:s20] =	ssyncadd.s32 $0xFFFFF800  }
0x1fe: {  	_ =	swait.ge [sflag:s20], $0x800  }
0x1ff: {  	[sflag:s20] =	ssyncset.done $0x0  }
0x200: {  	[sflag:s20] =	ssyncadd.s32 $0xFFFFF800  }
0x201: {  	_ =	swait.ge [sflag:s20], $0x800  }
0x202: {  	[sflag:s20] =	ssyncset.done $0x0  }
0x203: {  	[sflag:s20] =	ssyncadd.s32 $0xFFFFF800  }
0x204: {  	_ =	swait.ge [sflag:s20], $0x800  }
0x205: {  	[sflag:s20] =	ssyncset.done $0x0  }
0x206: {  	[sflag:s20] =	ssyncadd.s32 $0xFFFFF800  }
0x207: {  	_ =	swait.ge [sflag:s20], $0x800  }
0x208: {  	[sflag:s20] =	ssyncset.done $0x0  }
0x209: {  	[sflag:s20] =	ssyncadd.s32 $0xFFFFF800  }
0x20a: {  	_ =	swait.ge [sflag:s20], $0x800  }
0x20b: {  	[sflag:s20] =	ssyncset.done $0x0  }
0x20c: {  	[sflag:s20] =	ssyncadd.s32 $0xFFFFF800  }
0x20d: {  	_ =	swait.ge [sflag:s20], $0x800  }
0x20e: {  	[sflag:s20] =	ssyncset.done $0x0  }
0x20f: {  	[sflag:s20] =	ssyncadd.s32 $0xFFFFF800  }
0x210: {  	_ =	swait.ge [sflag:s20], $0x800  }
0x211: {  	[sflag:s20] =	ssyncset.done $0x0  }
0x212: {  	[sflag:s20] =	ssyncadd.s32 $0xFFFFF800  }
0x213: {  	_ =	swait.ge [sflag:s20], $0x800  }
0x214: {  	[sflag:s20] =	ssyncset.done $0x0  }
0x215: {  	[sflag:s20] =	ssyncadd.s32 $0xFFFFF800  }
0x216: {  	_ =	swait.ge [sflag:s20], $0x800  }
0x217: {  	[sflag:s20] =	ssyncset.done $0x0  }
0x218: {  	[sflag:s20] =	ssyncadd.s32 $0xFFFFF800  }
0x219: {  	_ =	swait.ge [sflag:s20], $0x800  }
0x21a: {  	[sflag:s20] =	ssyncset.done $0x0  }
0x21b: {  	[sflag:s20] =	ssyncadd.s32 $0xFFFFF800  }
0x21c: {  	_ =	swait.ge [sflag:s20], $0x800  }
0x21d: {  	[sflag:s20] =	ssyncset.done $0x0  }
0x21e: {  	[sflag:s20] =	ssyncadd.s32 $0xFFFFF800  }
0x21f: {  	_ =	swait.ge [sflag:s20], $0x800  }
0x220: {  	[sflag:s20] =	ssyncset.done $0x0  }
0x221: {  	[sflag:s20] =	ssyncadd.s32 $0xFFFFF800  }
0x222: {  	_ =	swait.ge [sflag:s20], $0x800  }
0x223: {  	[sflag:s20] =	ssyncset.done $0x0  }
0x224: {  	[sflag:s20] =	ssyncadd.s32 $0xFFFFF800  }
0x225: {  	_ =	swait.ge [sflag:s21], $0x800  }
0x226: {  	[sflag:s21] =	ssyncset.done $0x0  }
0x227: {  	[sflag:s21] =	ssyncadd.s32 $0xFFFFF800  }
0x228: {  	v60 =	vld [tilespmem:s23+$0x0]  }
0x229: {  	v61 =	vld [tilespmem:s26+$0xFFFFFFD0];
	_ =	sdelay $0x3  }
0x22a: {  	v60 =	vshll.u32 v60, $0x5  }
0x22b: {  	v61 =	vand.u32 $0x7F, v61;
	v60 =	vand.u32 $0x60, v60  }
0x22c: {  	v62 =	vor.u32 v0, v61;
	v60 =	vor.u32 v2, v60  }
0x22d: {  	v3 =	vor.u32 $0x80, v0;
	v63 =	vor.u32 v1, v60  }
0x22e: {  	v4 =	vor.u32 $0x1, v1;
	v3 =	vor.u32 v3, v61  }
0x22f: {  	v5 =	vor.u32 $0x100, v0;
	v4 =	vor.u32 v4, v60  }
0x230: {  	v6 =	vor.u32 $0x2, v1;
	v5 =	vor.u32 v5, v61  }
0x231: {  	v6 =	vor.u32 v6, v60;
	v62 =	vld.idx.msk [tilespmem:v62+s12+$0x0], $0xffff  }
0x232: {  	v63 =	vld.idx.msk [tilespmem:v63+s31+$0x0], $0xffff  }
0x233: {  	v7 =	vor.u32 $0x180, v0;
	v3 =	vld.idx.msk [tilespmem:v3+s12+$0x0], $0xffff  }
0x234: {  	v8 =	vor.u32 $0x3, v1;
	v7 =	vor.u32 v7, v61;
	v4 =	vld.idx.msk [tilespmem:v4+s31+$0x0], $0xffff  }
0x235: {  	v8 =	vor.u32 v8, v60;
	v5 =	vld.idx.msk [tilespmem:v5+s12+$0x0], $0xffff  }
0x236: {  	v10 =	vor.u32 $0x200, v0;
	v6 =	vld.idx.msk [tilespmem:v6+s31+$0x0], $0xffff  }
0x237: {  	v9 =	vor.u32 $0x4, v1;
	v62 =	vmul.f32 v63, v62;
	v63 =	vor.u32 v10, v61  }
0x238: {  	v9 =	vor.u32 v9, v60;
	v10 =	vor.u32 $0x280, v0  }
0x239: {  	v3 =	vmul.f32 v4, v3;
	v4 =	vld.idx.msk [tilespmem:v7+s12+$0x0], $0xffff;
	v7 =	vor.u32 v10, v61;
	v10 =	vor.u32 $0x5, v1  }
0x23a: {  	v8 =	vld.idx.msk [tilespmem:v8+s31+$0x0], $0xffff;
	v62 =	vadd.f32 $0.0e+00, v62;
	v10 =	vor.u32 v10, v60  }
0x23b: {  	v11 =	vor.u32 $0x300, v0;
	v5 =	vmul.f32 v6, v5  }
0x23c: {  	v3 =	vadd.f32 v3, v62;
	v62 =	vor.u32 v11, v61;
	v6 =	vld.idx.msk [tilespmem:v63+s12+$0x0], $0xffff;
	v63 =	vor.u32 $0x6, v1  }
0x23d: {  	v9 =	vld.idx.msk [tilespmem:v9+s31+$0x0], $0xffff;
	v63 =	vor.u32 v63, v60  }
0x23e: {  	v3 =	vadd.f32 v5, v3;
	v5 =	vld.idx.msk [tilespmem:v7+s12+$0x0], $0xffff;
	v7 =	vor.u32 $0x380, v0  }
0x23f: {  	v4 =	vmul.f32 v8, v4;
	v8 =	vld.idx.msk [tilespmem:v10+s31+$0x0], $0xffff;
	v7 =	vor.u32 v7, v61;
	v10 =	vor.u32 $0x7, v1  }
0x240: {  	v10 =	vor.u32 v10, v60  }
0x241: {  	v3 =	vadd.f32 v4, v3;
	v4 =	vld.idx.msk [tilespmem:v62+s12+$0x0], $0xffff;
	v62 =	vor.u32 $0x400, v0  }
0x242: {  	v11 =	vor.u32 $0x8, v1;
	v6 =	vmul.f32 v9, v6;
	v62 =	vor.u32 v62, v61;
	v9 =	vld.idx.msk [tilespmem:v63+s31+$0x0], $0xffff  }
0x243: {  	v63 =	vor.u32 v11, v60  }
0x244: {  	v3 =	vadd.f32 v6, v3;
	v5 =	vmul.f32 v8, v5;
	v6 =	vld.idx.msk [tilespmem:v7+s12+$0x0], $0xffff;
	v7 =	vor.u32 $0x480, v0  }
0x245: {  	v8 =	vld.idx.msk [tilespmem:v10+s31+$0x0], $0xffff;
	v7 =	vor.u32 v7, v61;
	v10 =	vor.u32 $0x9, v1  }
0x246: {  	v3 =	vadd.f32 v5, v3;
	v5 =	vor.u32 v10, v60;
	v10 =	vor.u32 $0x500, v0  }
0x247: {  	v11 =	vor.u32 $0xA, v1;
	v10 =	vor.u32 v10, v61;
	v4 =	vmul.f32 v9, v4;
	v9 =	vld.idx.msk [tilespmem:v62+s12+$0x0], $0xffff  }
0x248: {  	v63 =	vld.idx.msk [tilespmem:v63+s31+$0x0], $0xffff;
	v62 =	vor.u32 v11, v60;
	v11 =	vor.u32 $0x580, v0  }
0x249: {  	v3 =	vadd.f32 v4, v3;
	v4 =	vor.u32 v11, v61;
	v11 =	vor.u32 $0xB, v1  }
0x24a: {  	v6 =	vmul.f32 v8, v6;
	v7 =	vld.idx.msk [tilespmem:v7+s12+$0x0], $0xffff;
	v8 =	vor.u32 v11, v60;
	v11 =	vor.u32 $0x600, v0  }
0x24b: {  	v12 =	vor.u32 $0xC, v1;
	v5 =	vld.idx.msk [tilespmem:v5+s31+$0x0], $0xffff;
	v11 =	vor.u32 v11, v61  }
0x24c: {  	v3 =	vadd.f32 v6, v3;
	v6 =	vld.idx.msk [tilespmem:v10+s12+$0x0], $0xffff;
	v10 =	vor.u32 v12, v60;
	v12 =	vor.u32 $0x680, v0  }
0x24d: {  	v9 =	vmul.f32 v63, v9;
	v62 =	vld.idx.msk [tilespmem:v62+s31+$0x0], $0xffff;
	v12 =	vor.u32 v12, v61;
	v63 =	vor.u32 $0xD, v1  }
0x24e: {  	v13 =	vor.u32 $0x700, v0;
	v63 =	vor.u32 v63, v60;
	v4 =	vld.idx.msk [tilespmem:v4+s12+$0x0], $0xffff  }
0x24f: {  	v3 =	vadd.f32 v9, v3;
	v9 =	vor.u32 v13, v61;
	v13 =	vor.u32 $0xE, v1;
	v8 =	vld.idx.msk [tilespmem:v8+s31+$0x0], $0xffff  }
0x250: {  	v5 =	vmul.f32 v5, v7;
	v7 =	vld.idx.msk [tilespmem:v11+s12+$0x0], $0xffff;
	v11 =	vor.u32 v13, v60;
	v13 =	vor.u32 $0x780, v0  }
0x251: {  	v10 =	vld.idx.msk [tilespmem:v10+s31+$0x0], $0xffff;
	v13 =	vor.u32 v13, v61;
	v61 =	vor.u32 $0xF, v1  }
0x252: {  	v3 =	vadd.f32 v5, v3;
	v5 =	vmul.f32 v62, v6;
	v12 =	vld.idx.msk [tilespmem:v12+s12+$0x0], $0xffff;
	v6 =	vor.u32 v61, v60  }
0x253: {  	v60 =	vld.idx.msk [tilespmem:v63+s31+$0x0], $0xffff  }
0x254: {  	v3 =	vadd.f32 v5, v3;
	v62 =	vld.idx.msk [tilespmem:v9+s12+$0x0], $0xffff;
	v4 =	vmul.f32 v8, v4  }
0x255: {  	v63 =	vld.idx.msk [tilespmem:v11+s31+$0x0], $0xffff  }
0x256: {  	v10 =	vmul.f32 v10, v7;
	v3 =	vadd.f32 v4, v3;
	v11 =	vld.idx.msk [tilespmem:v13+s12+$0x0], $0xffff  }
0x257: {  	v6 =	vld.idx.msk [tilespmem:v6+s31+$0x0], $0xffff  }
0x258: {  	v61 =	vmul.f32 v60, v12;
	v3 =	vadd.f32 v10, v3;
	_ =	sdelay $0x1  }
0x259: {  	v3 =	vadd.f32 v61, v3;
	v62 =	vmul.f32 v63, v62  }
0x25a: {  	p0 =	sgt.u32 s24, $0x3C  }
.Ltmp11:
0x25b: {  	v3 =	vadd.f32 v62, v3;
	v63 =	vmul.f32 v6, v11;
	(pc) =	sbr.rel @p0 .LBB2_12-.Ltmp11, $3  }
0x25c: {  	_ = 	snop  }
0x25d: {  	v3 =	vadd.f32 v63, v3;
	_ =	sdelay $0x1  }
0x25e: {  	[tilespmem:s28+$0x0] =	vst v3  }
0x25f: {  	v3 =	vld [tilespmem:s26+$0x0];
	_ =	sdelay $0x4  }
0x260: {  	v3 =	vand.u32 $0xFFFFFF80, v3  }
0x261: {  	v3 =	vadd.s32 s6, v3  }
0x262: {  	(v2sf) =	vpush v3, $0x0;
	_ =	sdelay $0x1  }
0x263: {  	(v2sf) =	vpush v3, $0x1;
	_ =	sdelay $0x1  }
0x264: {  	(v2sf) =	vpush v3, $0x2;
	_ =	sdelay $0x1  }
0x265: {  	(v2sf) =	vpush v3, $0x3;
	_ =	sdelay $0x1  }
0x266: {  	(v2sf) =	vpush v3, $0x4;
	_ =	sdelay $0x1  }
0x267: {  	(v2sf) =	vpush v3, $0x5;
	_ =	sdelay $0x1  }
0x268: {  	(v2sf) =	vpush v3, $0x6;
	_ =	sdelay $0x1  }
0x269: {  	(v2sf) =	vpush v3, $0x7  }
0x26a: {  	s0 =	spop (v2sf)  }
0x26b: {  	(v2sf) =	vpush v3, $0x8;
	[tilespmem:s12], [sflag:$0x1] =	stream.strided.gather [hbm4b:s0+s10], $0x800, s11, s10, $0x38;
	[tilespmem:$0x1A800] =	vst v63  }
0x26c: {  	s1 =	simm.s32 $0x1400;
	s0 =	spop (v2sf)  }
0x26d: {  	(v2sf) =	vpush v3, $0x9;
	[tilespmem:s1], [sflag:$0x1] =	stream.strided.gather [hbm4b:s0+s10], $0x800, s11, s10, $0x38;
	[tilespmem:$0x1A800] =	vst v63  }
0x26e: {  	s0 =	spop (v2sf);
	s1 =	simm.s32 $0x1C00  }
0x26f: {  	(v2sf) =	vpush v3, $0xA;
	[tilespmem:s1], [sflag:$0x1] =	stream.strided.gather [hbm4b:s0+s10], $0x800, s11, s10, $0x38;
	[tilespmem:$0x1A800] =	vst v63  }
0x270: {  	s0 =	spop (v2sf);
	s1 =	simm.s32 $0x2400  }
0x271: {  	(v2sf) =	vpush v3, $0xB;
	[tilespmem:s1], [sflag:$0x1] =	stream.strided.gather [hbm4b:s0+s10], $0x800, s11, s10, $0x38;
	[tilespmem:$0x1A800] =	vst v63  }
0x272: {  	s0 =	spop (v2sf);
	s1 =	simm.s32 $0x2C00  }
0x273: {  	(v2sf) =	vpush v3, $0xC;
	[tilespmem:s1], [sflag:$0x1] =	stream.strided.gather [hbm4b:s0+s10], $0x800, s11, s10, $0x38;
	[tilespmem:$0x1A800] =	vst v63  }
0x274: {  	s0 =	spop (v2sf);
	s1 =	simm.s32 $0x3400  }
0x275: {  	(v2sf) =	vpush v3, $0xD;
	[tilespmem:s1], [sflag:$0x1] =	stream.strided.gather [hbm4b:s0+s10], $0x800, s11, s10, $0x38;
	[tilespmem:$0x1A800] =	vst v63  }
0x276: {  	s0 =	spop (v2sf);
	s1 =	simm.s32 $0x3C00  }
0x277: {  	(v2sf) =	vpush v3, $0xE;
	[tilespmem:s1], [sflag:$0x1] =	stream.strided.gather [hbm4b:s0+s10], $0x800, s11, s10, $0x38;
	[tilespmem:$0x1A800] =	vst v63  }
0x278: {  	s0 =	spop (v2sf);
	s1 =	simm.s32 $0x4400  }
0x279: {  	[tilespmem:s1], [sflag:$0x1] =	stream.strided.gather [hbm4b:s0+s10], $0x800, s11, s10, $0x38;
	[tilespmem:$0x1A800] =	vst v63  }
0x27a: {  	(v2sf) =	vpush v3, $0xF;
	s0 =	spop (v2sf);
	s1 =	simm.s32 $0x4C00  }
0x27b: {  	[tilespmem:s1], [sflag:$0x1] =	stream.strided.gather [hbm4b:s0+s10], $0x800, s11, s10, $0x38;
	[tilespmem:$0x1A800] =	vst v63  }
0x27c: {  	s0 =	spop (v2sf);
	s1 =	simm.s32 $0x5400  }
0x27d: {  	[tilespmem:s1], [sflag:$0x1] =	stream.strided.gather [hbm4b:s0+s10], $0x800, s11, s10, $0x38;
	[tilespmem:$0x1A800] =	vst v63  }
0x27e: {  	s0 =	spop (v2sf);
	s1 =	simm.s32 $0x5C00  }
0x27f: {  	[tilespmem:s1], [sflag:$0x1] =	stream.strided.gather [hbm4b:s0+s10], $0x800, s11, s10, $0x38;
	[tilespmem:$0x1A800] =	vst v63  }
0x280: {  	s0 =	spop (v2sf);
	s1 =	simm.s32 $0x6400  }
0x281: {  	[tilespmem:s1], [sflag:$0x1] =	stream.strided.gather [hbm4b:s0+s10], $0x800, s11, s10, $0x38;
	[tilespmem:$0x1A800] =	vst v63  }
0x282: {  	s0 =	spop (v2sf);
	s1 =	simm.s32 $0x6C00  }
0x283: {  	[tilespmem:s1], [sflag:$0x1] =	stream.strided.gather [hbm4b:s0+s10], $0x800, s11, s10, $0x38;
	[tilespmem:$0x1A800] =	vst v63  }
0x284: {  	s0 =	spop (v2sf);
	s1 =	simm.s32 $0x7400  }
0x285: {  	[tilespmem:s1], [sflag:$0x1] =	stream.strided.gather [hbm4b:s0+s10], $0x800, s11, s10, $0x38;
	[tilespmem:$0x1A800] =	vst v63  }
0x286: {  	s0 =	spop (v2sf);
	s1 =	simm.s32 $0x7C00  }
0x287: {  	[tilespmem:s1], [sflag:$0x1] =	stream.strided.gather [hbm4b:s0+s10], $0x800, s11, s10, $0x38;
	[tilespmem:$0x1A800] =	vst v63  }
.Ltmp12:
0x288: {  	_ = 	snop;
	(pc) =	sbr.rel .LBB2_12-.Ltmp12, $4  }
0x289: {  	s0 =	spop (v2sf);
	s1 =	simm.s32 $0x8400  }
0x28a: {  	[tilespmem:s1], [sflag:$0x1] =	stream.strided.gather [hbm4b:s0+s10], $0x800, s11, s10, $0x38;
	[tilespmem:$0x1A800] =	vst v63  }
0x28b: {  	_ = 	snop  }
0x28c: {  	[tilespmem:s31], [sflag:$0x4] =	stream.indirect.gather [hbm4b:s3+s29], $0x80, s25, s29, $0xb8;
	[tilespmem:$0x1A800] =	vst v63  }
.LBB2_14:
0x28d: {  	_ =	sfence.sel $0x180000  }
0x28e: {  	[bflag:$0x0] =	sbarrier.arrive $0xFFFF  }
0x28f: {  	_ =	strace $0x90000047  }
0x290: {  	s0 =	stileid.u32;
	[bflag:$0x2] =	sbarrier.arrive $0xFFFF  }
0x291: {  	p0 =	sne.s32 s0, $0x0;
	s0 =	rddreg [dreg:$0x4]  }
0x292: {  	s0 =	sadd.s32 @!p0 $0x100000, s0  }
0x293: {  	[sflag:s0] =	ssyncadd.tile.s32 @!p0 $0x1;
	_ =	shalt  }
.Lfunc_end2:
_tile_overlayer_lowered:
.L_overlay_start_2:
0x294: {  	(tag) =	ssettag $0x2  }
0x295: {  	s0 =	rddreg [dreg:$0x0];
	s2 =	stileid.u32  }
0x296: {  	s1 =	rddreg [dreg:$0x1];
	p0 =	sne.s32 s2, $0x0  }
0x297: {  	s3 =	rddreg [dreg:$0x2];
	[bflag:$0x3] =	sbarrier.arrive $0xFFFF;
	s2 =	simm.s32 @!p0 $0x1C07  }
0x298: {  	[timem:s3], [sflag:s2] =	dma.local @!p0 [hbm:s0], s1  }
0x299: {  	s0 =	simm.s32 @!p0 $0x7  }
0x29a: {  	_ =	swait.ge @!p0 [sflag:s0], s1  }
0x29b: {  	s1 =	ssub.s32 @!p0 $0x0, s1;
	[sflag:s0] =	ssyncset.done @!p0 $0x0  }
0x29c: {  	[sflag:s0] =	ssyncadd.s32 @!p0 s1  }
0x29d: {  	[bflag:$0x3] =	sbarrier.arrive $0xFFFF  }
0x29e: {  	_ =	shalt  }

</sc_bundles>
